<compile_context>
chip_gen: v7x
topology: tpu7x:2x2x1
jax: 0.10.2.dev20260603
libtpu: 0.0.44.dev20260713+nightly
codegen_flags: <defaults>
</compile_context>

<pallas_src>
import functools

import jax
import jax.numpy as jnp
from jax import lax
from jax.experimental import pallas as pl
from jax.experimental.pallas import tpu as pltpu, tpu_sc as plsc

N = 50000
D = 128
E = 200000
NREL = 3

NC = 2
NS = 16
L = 16

WSZ = 1024
NWIN = 196
E_PAD = NWIN * WSZ
PADV = N

NPD = 50048
SD = NPD // NS

CS = 4736
NCHUNK = 12
NPA = CS * NCHUNK
SA = CS // NS
NCC = NCHUNK // NC
ER = E_PAD // 128

@functools.cache
def _get_mesh():
    return plsc.VectorSubcoreMesh(core_axis_name="c", subcore_axis_name="s",
                                  num_cores=NC, num_subcores=NS)


WROWS = WSZ // 128


DH = 8
ZB = 4096


def _deg_body(s0, d0, s1, d1, s2, d2, deg_out, win, win8, ones_b, zeros_b,
              colbuf, table):
    c = lax.axis_index("c")
    s = lax.axis_index("s")
    w = s * NC + c

    one16 = jnp.full((L,), 1.0, jnp.float32)
    zero16 = jnp.zeros((L,), jnp.float32)

    def init_ones(i, _):
        ones_b[pl.ds(i * L, L)] = one16
        return _
    lax.fori_loop(0, 128 // L, init_ones, None)

    def init_zeros(i, _):
        zeros_b[pl.ds(i * L, L)] = zero16
        return _
    lax.fori_loop(0, ZB // L, init_zeros, None)

    base = s * SD * DH
    swords = SD * DH

    def zero_stripe():
        for t in range(swords // ZB):
            pltpu.sync_copy(zeros_b, table.at[pl.ds(base + t * ZB, ZB)])
        rem = swords - (swords // ZB) * ZB
        pltpu.sync_copy(zeros_b.at[pl.ds(0, rem)],
                        table.at[pl.ds(base + (swords // ZB) * ZB, rem)])

    zero_stripe()
    plsc.subcore_barrier()

    for h in range(6):
        e = (s0, d0, s1, d1, s2, d2)[h]

        def wbody(i, _):
            wi = w + NC * NS * i

            @pl.when(wi < NWIN)
            def _():
                pltpu.sync_copy(e.at[pl.ds(wi * WROWS, WROWS)], win)
                for g in range(WROWS):
                    def jbody(jj, _):
                        col = jj * L
                        win8[g, pl.ds(col, L)] = win[g, pl.ds(col, L)] * DH
                        return _
                    lax.fori_loop(0, 128 // L, jbody, None)
                    pltpu.sync_copy(ones_b, table.at[win8.at[g]], add=True)
            return _

        lax.fori_loop(0, (NWIN + NC * NS - 1) // (NC * NS), wbody, None)
        plsc.subcore_barrier()

        pltpu.sync_copy(table.at[pl.ds(base, swords)], colbuf)
        pltpu.sync_copy(
            colbuf, deg_out.at[pl.ds((c * 6 + h) * NPD * DH + base, swords)])

        if h < 5:
            zero_stripe()
        plsc.subcore_barrier()


@functools.cache
def _deg_call():
    return pl.kernel(
        _deg_body,
        out_type=jax.ShapeDtypeStruct((NC * 6 * NPD * DH,), jnp.float32),
        mesh=_get_mesh(),
        scratch_types=[
            pltpu.VMEM((WROWS, 128), jnp.int32),
            pltpu.VMEM((WROWS, 128), jnp.int32),
            pltpu.VMEM((128,), jnp.float32),
            pltpu.VMEM((ZB,), jnp.float32),
            pltpu.VMEM((SD * DH,), jnp.float32),
            pltpu.VMEM_SHARED((NPD * DH,), jnp.float32),
        ],
    )


def _scatter_body(y, esall, edall, acc, winS, winD,
                  gidx3, lidx3, rows, rows2, zrows, wb, sem, sem2, table):
    c = lax.axis_index("c")
    s = lax.axis_index("s")

    zero16 = jnp.zeros((L,), jnp.float32)

    def zinit(i, _):
        r0 = i // (D // L)
        col = (i % (D // L)) * L
        zrows[r0, pl.ds(col, L)] = zero16
        return _
    lax.fori_loop(0, 128 * (D // L), zinit, None)

    iota16 = lax.iota(jnp.int32, L)
    base = s * SA

    def pbody(p, _):
        r = p // NCC
        cc = p % NCC
        lo = (c + NC * cc) * CS
        erow = r * ER

        for t in range(SA // 128):
            pltpu.sync_copy(zrows, table.at[pl.ds(base + t * 128, 128)])
        pltpu.sync_copy(zrows.at[pl.ds(0, SA - (SA // 128) * 128)],
                        table.at[pl.ds(base + (SA // 128) * 128,
                                       SA - (SA // 128) * 128)])
        plsc.subcore_barrier()

        dump16 = CS + iota16
        roff = r * N

        def wbody(i, _):
            wi = s + NS * i

            @pl.when(wi < NWIN)
            def _():
                pltpu.sync_copy(
                    esall.at[pl.ds(erow + wi * WROWS, WROWS)], winS)
                pltpu.sync_copy(
                    edall.at[pl.ds(erow + wi * WROWS, WROWS)], winD)

                for g in range(WROWS):
                    def jbody(jj, _):
                        col = jj * L
                        src16 = winS[g, pl.ds(col, L)]
                        dst16 = winD[g, pl.ds(col, L)]
                        m = (dst16 >= lo) & (dst16 < lo + CS)
                        lidx3[g, pl.ds(col, L)] = jnp.where(
                            m, dst16 - lo, dump16)
                        gidx3[g, pl.ds(col, L)] = (
                            jnp.minimum(src16, N - 1) + roff)
                        return _
                    lax.fori_loop(0, 128 // L, jbody, None)

                bufs = (rows, rows2)
                sems = (sem, sem2)
                dprev = pltpu.async_copy(y.at[gidx3.at[0]], rows, sem)
                for g in range(WROWS):
                    dprev.wait()
                    if g + 1 < WROWS:
                        dprev = pltpu.async_copy(
                            y.at[gidx3.at[g + 1]], bufs[(g + 1) % 2],
                            sems[(g + 1) % 2])
                    pltpu.sync_copy(bufs[g % 2], table.at[lidx3.at[g]],
                                    add=True)
            return _

        lax.fori_loop(0, (NWIN + NS - 1) // NS, wbody, None)
        plsc.subcore_barrier()

        pltpu.sync_copy(table.at[pl.ds(base, SA)], wb)
        pltpu.sync_copy(wb, acc.at[r, pl.ds(lo + base, SA)])
        plsc.subcore_barrier()
        return _

    lax.fori_loop(0, NREL * NCC, pbody, None)


@functools.cache
def _scatter_call():
    return pl.kernel(
        _scatter_body,
        out_type=jax.ShapeDtypeStruct((NREL, NPA, D), jnp.float32),
        mesh=_get_mesh(),
        scratch_types=[
            pltpu.VMEM((WROWS, 128), jnp.int32),
            pltpu.VMEM((WROWS, 128), jnp.int32),
            pltpu.VMEM((WROWS, 128), jnp.int32),
            pltpu.VMEM((WROWS, 128), jnp.int32),
            pltpu.VMEM((128, D), jnp.float32),
            pltpu.VMEM((128, D), jnp.float32),
            pltpu.VMEM((128, D), jnp.float32),
            pltpu.VMEM((SA, D), jnp.float32),
            pltpu.SemaphoreType.DMA,
            pltpu.SemaphoreType.DMA,
            pltpu.VMEM_SHARED((CS + L, D), jnp.float32),
        ],
    )

MMBLK = 1000


def _make_mm():
    nb = N // MMBLK

    def gen_body(degT_ref, x_ref, w_ref, y_ref):
        r = pl.program_id(0)
        dp = degT_ref[...]
        c0 = dp[:, 0:1] + dp[:, 6:7]
        c1 = dp[:, 2:3] + dp[:, 8:9]
        c2 = dp[:, 4:5] + dp[:, 10:11]
        dsum = jnp.where(r == 0, c0, jnp.where(r == 1, c1, c2))
        norm = jnp.where(dsum > 0, lax.rsqrt(jnp.where(dsum > 0, dsum, 1.0)),
                         0.0)
        y_ref[...] = jnp.dot(x_ref[...] * norm, w_ref[0],
                             preferred_element_type=jnp.float32)

    return pl.pallas_call(
        gen_body,
        grid=(NREL, nb),
        in_specs=[
            pl.BlockSpec((MMBLK, 12), lambda r, b: (b, 0)),
            pl.BlockSpec((MMBLK, D), lambda r, b: (b, 0)),
            pl.BlockSpec((1, D, D), lambda r, b: (r, 0, 0)),
        ],
        out_specs=pl.BlockSpec((MMBLK, D), lambda r, b: (r * nb + b, 0)),
        out_shape=jax.ShapeDtypeStruct((NREL * N, D), jnp.float32),
    )


_mm_call = _make_mm()


def _comb_body(acc_ref, degT_ref, out_ref):
    dp = degT_ref[...]
    out = jnp.zeros((MMBLK, D), jnp.float32)
    for r in range(NREL):
        dsum = dp[:, 2 * r + 1:2 * r + 2] + dp[:, 6 + 2 * r + 1:6 + 2 * r + 2]
        norm = jnp.where(dsum > 0, lax.rsqrt(jnp.where(dsum > 0, dsum, 1.0)),
                         0.0)
        out = out + acc_ref[r] * norm
    out_ref[...] = out


_comb_call = pl.pallas_call(
    _comb_body,
    grid=(N // MMBLK,),
    in_specs=[
        pl.BlockSpec((NREL, MMBLK, D), lambda b: (0, b, 0)),
        pl.BlockSpec((MMBLK, 12), lambda b: (b, 0)),
    ],
    out_specs=pl.BlockSpec((MMBLK, D), lambda b: (b, 0)),
    out_shape=jax.ShapeDtypeStruct((N, D), jnp.float32),
)


def kernel(x, W0, W1, W2, edge_index_0, edge_index_1, edge_index_2):
    pad = ((0, 0), (0, E_PAD - E))
    e0 = jnp.pad(edge_index_0, pad, constant_values=PADV)
    e1 = jnp.pad(edge_index_1, pad, constant_values=PADV)
    e2 = jnp.pad(edge_index_2, pad, constant_values=PADV)
    s0, d0 = e0[0].reshape(ER, 128), e0[1].reshape(ER, 128)
    s1, d1 = e1[0].reshape(ER, 128), e1[1].reshape(ER, 128)
    s2, d2 = e2[0].reshape(ER, 128), e2[1].reshape(ER, 128)
    sall = jnp.concatenate([s0, s1, s2], axis=0)
    dall = jnp.concatenate([d0, d1, d2], axis=0)
    Ws = jnp.stack([W0, W1, W2], axis=0)

    degf = _deg_call()(s0, d0, s1, d1, s2, d2)
    deg3 = jnp.reshape(degf, (NC * 6, NPD, DH))[:, :, 0]
    degT = jnp.transpose(deg3, (1, 0))
    y = _mm_call(degT[:N], x, Ws)
    acc = _scatter_call()(y, sall, dall)
    out = _comb_call(acc, degT[:N])
    return out

# --- scband reference (transcript-rebuilt; emitter-appended) ---
"""Pipeline reference for scband-relation-conv-32667521253700 (READ-ONLY COPY).

The authoritative reference and input builder live on the scoring server;
editing this copy changes nothing except your own understanding.
"""

import jax, jax.numpy as jnp
import numpy as np

N = 50000
D_IN = 128
D_OUT = 128
E = 200000


def setup_inputs(seed: int = 0) -> dict:
    key = jax.random.key(seed)
    k1, k2, k3, k4, k5, k6, k7 = jax.random.split(key, 7)
    x = jax.random.normal(k1, (N, D_IN), dtype=jnp.float32)
    edge_index_0 = jax.random.randint(k2, (2, E), 0, N, dtype=jnp.int32)
    edge_index_1 = jax.random.randint(k3, (2, E), 0, N, dtype=jnp.int32)
    edge_index_2 = jax.random.randint(k4, (2, E), 0, N, dtype=jnp.int32)
    scale = 1.0 / np.sqrt(D_IN)
    W0 = jax.random.normal(k5, (D_IN, D_OUT), dtype=jnp.float32) * scale
    W1 = jax.random.normal(k6, (D_IN, D_OUT), dtype=jnp.float32) * scale
    W2 = jax.random.normal(k7, (D_IN, D_OUT), dtype=jnp.float32) * scale
    return {
        'x': x,
        'W0': W0,
        'W1': W1,
        'W2': W2,
        'edge_index_0': edge_index_0,
        'edge_index_1': edge_index_1,
        'edge_index_2': edge_index_2,
    }


def _graph_conv(x, edge_index, W):
    # DGL GraphConv with norm='both', bias=False:
    #   h = D_dst^{-1/2} A (D_src^{-1/2} x) W
    n = x.shape[0]
    src = edge_index[0]
    dst = edge_index[1]
    ones = jnp.ones((edge_index.shape[1],), dtype=x.dtype)
    deg_src = jnp.zeros((n,), dtype=x.dtype).at[src].add(ones)
    deg_dst = jnp.zeros((n,), dtype=x.dtype).at[dst].add(ones)
    norm_src = jnp.where(deg_src > 0, 1.0 / jnp.sqrt(jnp.where(deg_src > 0, deg_src, 1.0)), 0.0)
    norm_dst = jnp.where(deg_dst > 0, 1.0 / jnp.sqrt(jnp.where(deg_dst > 0, deg_dst, 1.0)), 0.0)
    h = x * norm_src[:, None]
    msg = jnp.take(h, src, axis=0)
    agg = jnp.zeros((n, x.shape[1]), dtype=x.dtype).at[dst].add(msg)
    agg = agg * norm_dst[:, None]
    return agg @ W


def reference(x, W0, W1, W2, edge_index_0, edge_index_1, edge_index_2):
    # HeteroGraphConv over 3 relations on a single node type,
    # macro aggregate = 'sum' across per-relation outputs.
    out0 = _graph_conv(x, edge_index_0, W0)
    out1 = _graph_conv(x, edge_index_1, W1)
    out2 = _graph_conv(x, edge_index_2, W2)
    return out0 + out1 + out2

if __name__ == "__main__":
    import jax
    _d = setup_inputs()
    print(jax.jit(kernel)(*tuple(_d.values())))

</pallas_src>

<mosaic_0001>
#map = affine_map<(d0, d1) -> (0, 0)>
#map1 = affine_map<(d0, d1) -> (0, 0, 0)>
module attributes {stable_mosaic.version = 14 : i64} {
  func.func @_scatter_body(%arg0: i32, %arg1: i32, %arg2: memref<150000x128xf32, #tpu.memory_space<hbm>>, %arg3: memref<4704x128xi32, #tpu.memory_space<hbm>>, %arg4: memref<4704x128xi32, #tpu.memory_space<hbm>>, %arg5: memref<3x56832x128xf32, #tpu.memory_space<hbm>>, %arg6: memref<8x128xi32, #tpu.memory_space<vmem>>, %arg7: memref<8x128xi32, #tpu.memory_space<vmem>>, %arg8: memref<8x128xi32, #tpu.memory_space<vmem>>, %arg9: memref<8x128xi32, #tpu.memory_space<vmem>>, %arg10: memref<128x128xf32, #tpu.memory_space<vmem>>, %arg11: memref<128x128xf32, #tpu.memory_space<vmem>>, %arg12: memref<128x128xf32, #tpu.memory_space<vmem>>, %arg13: memref<296x128xf32, #tpu.memory_space<vmem>>, %arg14: memref<!tpu.dma_semaphore, #tpu.memory_space<semaphore_mem>>, %arg15: memref<!tpu.dma_semaphore, #tpu.memory_space<semaphore_mem>>, %arg16: memref<4752x128xf32, #tpu.memory_space<vmem_shared>>) attributes {dimension_semantics = [#tpu.dimension_semantics<core_parallel>, #tpu.dimension_semantics<subcore_parallel>], iteration_bounds = array<i64: 2, 16>, scalar_prefetch = 0 : i64, scratch_operands = 11 : i64, tpu.core_type = #tpu.core_type<sc_vector_subcore>, window_params = [{transform_indices = #map}, {transform_indices = #map}, {transform_indices = #map}, {transform_indices = #map1}]} {
    %broadcast_in_dim3A = arith.constant 0.000000e+00 : f32
    %broadcast_in_dim3A_0 = vector.broadcast %broadcast_in_dim3A : f32 to vector<16xf32>
    %scan3A = arith.constant 0 : i32
    %scan3A_1 = arith.constant 1024 : i32
    %scan3A_2 = arith.addi %scan3A, %scan3A_1 : i32
    %scan3A_3 = arith.constant 1 : i32
    scf.for %scan3A_11 = %scan3A to %scan3A_2 step %scan3A_3  : i32 {
      %jit3A = arith.constant 8 : i32
      %div3A = arith.divsi %scan3A_11, %jit3A : i32
      %sign3A = arith.constant 0 : i32
      %sign3A_12 = arith.cmpi sgt, %scan3A_11, %sign3A : i32
      %sign3A_13 = arith.extui %sign3A_12 : i1 to i32
      %sign3A_14 = arith.constant 0 : i32
      %sign3A_15 = arith.cmpi slt, %scan3A_11, %sign3A_14 : i32
      %sign3A_16 = arith.extui %sign3A_15 : i1 to i32
      %sign3A_17 = arith.subi %sign3A_13, %sign3A_16 : i32
      %sign3A_18 = arith.constant 0 : i32
      %sign3A_19 = arith.cmpi sgt, %jit3A, %sign3A_18 : i32
      %sign3A_20 = arith.extui %sign3A_19 : i1 to i32
      %sign3A_21 = arith.constant 0 : i32
      %sign3A_22 = arith.cmpi slt, %jit3A, %sign3A_21 : i32
      %sign3A_23 = arith.extui %sign3A_22 : i1 to i32
      %sign3A_24 = arith.subi %sign3A_20, %sign3A_23 : i32
      %ne3A = arith.cmpi ne, %sign3A_17, %sign3A_24 : i32
      %rem3A = arith.remsi %scan3A_11, %jit3A : i32
      %ne3A_25 = arith.constant 0 : i32
      %ne3A_26 = arith.cmpi ne, %rem3A, %ne3A_25 : i32
      %and3A = arith.andi %ne3A, %ne3A_26 : i1
      %sub3A = arith.constant 1 : i32
      %sub3A_27 = arith.subi %div3A, %sub3A : i32
      %select_n3A = arith.select %and3A, %sub3A_27, %div3A : i32
      %jit3A_28 = arith.constant 8 : i32
      %eq3A = arith.constant 0 : i32
      %eq3A_29 = arith.cmpi eq, %jit3A_28, %eq3A : i32
      %jit3A_30 = arith.constant 1 : i32
      %select_n3A_31 = arith.select %eq3A_29, %jit3A_30, %jit3A_28 : i32
      %rem3A_32 = arith.remsi %scan3A_11, %select_n3A_31 : i32
      %ne3A_33 = arith.constant 0 : i32
      %ne3A_34 = arith.cmpi ne, %rem3A_32, %ne3A_33 : i32
      %lt3A = arith.constant 0 : i32
      %lt3A_35 = arith.cmpi slt, %rem3A_32, %lt3A : i32
      %lt3A_36 = arith.constant 0 : i32
      %lt3A_37 = arith.cmpi slt, %select_n3A_31, %lt3A_36 : i32
      %ne3A_38 = arith.xori %lt3A_35, %lt3A_37 : i1
      %and3A_39 = arith.andi %ne3A_38, %ne3A_34 : i1
      %add3A = arith.addi %rem3A_32, %select_n3A_31 : i32
      %select_n3A_40 = arith.select %and3A_39, %add3A, %rem3A_32 : i32
      %mul3A_41 = arith.constant 16 : i32
      %mul3A_42 = arith.muli %select_n3A_40, %mul3A_41 : i32
      %swap3A = arith.index_cast %select_n3A : i32 to index
      %swap3A_43 = arith.index_cast %mul3A_42 : i32 to index
      %swap3A_44 = tpu.vector_load %arg12[%swap3A, %swap3A_43] {strides = array<i32>} : memref<128x128xf32, #tpu.memory_space<vmem>>, vector<1x16xf32>,
      %swap3A_45 = vector.shape_cast %swap3A_44 : vector<1x16xf32> to vector<16xf32>
      %swap3A_46 = vector.shape_cast %broadcast_in_dim3A_0 : vector<16xf32> to vector<1x16xf32>
      tpu.vector_store %arg12[%swap3A, %swap3A_43], %swap3A_46 {strides = array<i32>} : memref<128x128xf32, #tpu.memory_space<vmem>>, vector<1x16xf32>,
    }
    %scan3A_4 = arith.constant 1024 : i32
    %iota3A = tpu.iota {dimensions = array<i32: 0>} : vector<16xi32>
    %mul3A = arith.constant 296 : i32
    %mul3A_5 = arith.muli %arg1, %mul3A : i32
    %scan3A_6 = arith.constant 0 : i32
    %scan3A_7 = arith.constant 18 : i32
    %scan3A_8 = arith.addi %scan3A_6, %scan3A_7 : i32
    %scan3A_9 = arith.constant 1 : i32
    scf.for %scan3A_11 = %scan3A_6 to %scan3A_8 step %scan3A_9  : i32 {
      %jit3A = arith.constant 6 : i32
      %div3A = arith.divsi %scan3A_11, %jit3A : i32
      %sign3A = arith.constant 0 : i32
      %sign3A_12 = arith.cmpi sgt, %scan3A_11, %sign3A : i32
      %sign3A_13 = arith.extui %sign3A_12 : i1 to i32
      %sign3A_14 = arith.constant 0 : i32
      %sign3A_15 = arith.cmpi slt, %scan3A_11, %sign3A_14 : i32
      %sign3A_16 = arith.extui %sign3A_15 : i1 to i32
      %sign3A_17 = arith.subi %sign3A_13, %sign3A_16 : i32
      %sign3A_18 = arith.constant 0 : i32
      %sign3A_19 = arith.cmpi sgt, %jit3A, %sign3A_18 : i32
      %sign3A_20 = arith.extui %sign3A_19 : i1 to i32
      %sign3A_21 = arith.constant 0 : i32
      %sign3A_22 = arith.cmpi slt, %jit3A, %sign3A_21 : i32
      %sign3A_23 = arith.extui %sign3A_22 : i1 to i32
      %sign3A_24 = arith.subi %sign3A_20, %sign3A_23 : i32
      %ne3A = arith.cmpi ne, %sign3A_17, %sign3A_24 : i32
      %rem3A = arith.remsi %scan3A_11, %jit3A : i32
      %ne3A_25 = arith.constant 0 : i32
      %ne3A_26 = arith.cmpi ne, %rem3A, %ne3A_25 : i32
      %and3A = arith.andi %ne3A, %ne3A_26 : i1
      %sub3A = arith.constant 1 : i32
      %sub3A_27 = arith.subi %div3A, %sub3A : i32
      %select_n3A = arith.select %and3A, %sub3A_27, %div3A : i32
      %jit3A_28 = arith.constant 6 : i32
      %eq3A = arith.constant 0 : i32
      %eq3A_29 = arith.cmpi eq, %jit3A_28, %eq3A : i32
      %jit3A_30 = arith.constant 1 : i32
      %select_n3A_31 = arith.select %eq3A_29, %jit3A_30, %jit3A_28 : i32
      %rem3A_32 = arith.remsi %scan3A_11, %select_n3A_31 : i32
      %ne3A_33 = arith.constant 0 : i32
      %ne3A_34 = arith.cmpi ne, %rem3A_32, %ne3A_33 : i32
      %lt3A = arith.constant 0 : i32
      %lt3A_35 = arith.cmpi slt, %rem3A_32, %lt3A : i32
      %lt3A_36 = arith.constant 0 : i32
      %lt3A_37 = arith.cmpi slt, %select_n3A_31, %lt3A_36 : i32
      %ne3A_38 = arith.xori %lt3A_35, %lt3A_37 : i1
      %and3A_39 = arith.andi %ne3A_38, %ne3A_34 : i1
      %add3A = arith.addi %rem3A_32, %select_n3A_31 : i32
      %select_n3A_40 = arith.select %and3A_39, %add3A, %rem3A_32 : i32
      %mul3A_41 = arith.constant 2 : i32
      %mul3A_42 = arith.muli %mul3A_41, %select_n3A_40 : i32
      %add3A_43 = arith.addi %arg0, %mul3A_42 : i32
      %mul3A_44 = arith.constant 4736 : i32
      %mul3A_45 = arith.muli %add3A_43, %mul3A_44 : i32
      %mul3A_46 = arith.constant 1568 : i32
      %mul3A_47 = arith.muli %select_n3A, %mul3A_46 : i32
      %add3A_48 = arith.constant 0 : i32
      %add3A_49 = arith.addi %mul3A_5, %add3A_48 : i32
      "tpu.region"() ({
        %run_scoped3A = tpu.sem_alloc : memref<!tpu.dma_semaphore, #tpu.memory_space<semaphore_mem>>
        %dma_start3A = arith.constant 0 : i32
        %dma_start3A_67 = tpu.memref_slice %arg16[%add3A_49, %dma_start3A] : memref<4752x128xf32, #tpu.memory_space<vmem_shared>> -> memref<128x128xf32, #tpu.memory_space<vmem_shared>>
        %dma_start3A_68 = arith.constant 0 : i32
        %dma_start3A_69 = tpu.memref_slice %arg16[%add3A_49, %dma_start3A_68] : memref<4752x128xf32, #tpu.memory_space<vmem_shared>> -> memref<128x128xf32, #tpu.memory_space<vmem_shared>>
        tpu.enqueue_dma source(%arg12 : memref<128x128xf32, #tpu.memory_space<vmem>>) target(%dma_start3A_69 : memref<128x128xf32, #tpu.memory_space<vmem_shared>>) target_semaphore(%run_scoped3A : memref<!tpu.dma_semaphore, #tpu.memory_space<semaphore_mem>>)
        %dma_wait3A = arith.constant 0 : i32
        %dma_wait3A_70 = tpu.memref_slice %arg16[%add3A_49, %dma_wait3A] : memref<4752x128xf32, #tpu.memory_space<vmem_shared>> -> memref<128x128xf32, #tpu.memory_space<vmem_shared>>
        %dma_wait3A_71 = arith.constant 0 : i32
        %dma_wait3A_72 = tpu.memref_slice %arg16[%add3A_49, %dma_wait3A_71] : memref<4752x128xf32, #tpu.memory_space<vmem_shared>> -> memref<128x128xf32, #tpu.memory_space<vmem_shared>>
        tpu.wait_dma2 semaphore(%run_scoped3A : memref<!tpu.dma_semaphore, #tpu.memory_space<semaphore_mem>>) src(%arg12 : memref<128x128xf32, #tpu.memory_space<vmem>>) dst(%dma_wait3A_72 : memref<128x128xf32, #tpu.memory_space<vmem_shared>>)
        tpu.yield
      }) : () -> ()
      %add3A_50 = arith.constant 128 : i32
      %add3A_51 = arith.addi %mul3A_5, %add3A_50 : i32
      "tpu.region"() ({
        %run_scoped3A = tpu.sem_alloc : memref<!tpu.dma_semaphore, #tpu.memory_space<semaphore_mem>>
        %dma_start3A = arith.constant 0 : i32
        %dma_start3A_67 = tpu.memref_slice %arg16[%add3A_51, %dma_start3A] : memref<4752x128xf32, #tpu.memory_space<vmem_shared>> -> memref<128x128xf32, #tpu.memory_space<vmem_shared>>
        %dma_start3A_68 = arith.constant 0 : i32
        %dma_start3A_69 = tpu.memref_slice %arg16[%add3A_51, %dma_start3A_68] : memref<4752x128xf32, #tpu.memory_space<vmem_shared>> -> memref<128x128xf32, #tpu.memory_space<vmem_shared>>
        tpu.enqueue_dma source(%arg12 : memref<128x128xf32, #tpu.memory_space<vmem>>) target(%dma_start3A_69 : memref<128x128xf32, #tpu.memory_space<vmem_shared>>) target_semaphore(%run_scoped3A : memref<!tpu.dma_semaphore, #tpu.memory_space<semaphore_mem>>)
        %dma_wait3A = arith.constant 0 : i32
        %dma_wait3A_70 = tpu.memref_slice %arg16[%add3A_51, %dma_wait3A] : memref<4752x128xf32, #tpu.memory_space<vmem_shared>> -> memref<128x128xf32, #tpu.memory_space<vmem_shared>>
        %dma_wait3A_71 = arith.constant 0 : i32
        %dma_wait3A_72 = tpu.memref_slice %arg16[%add3A_51, %dma_wait3A_71] : memref<4752x128xf32, #tpu.memory_space<vmem_shared>> -> memref<128x128xf32, #tpu.memory_space<vmem_shared>>
        tpu.wait_dma2 semaphore(%run_scoped3A : memref<!tpu.dma_semaphore, #tpu.memory_space<semaphore_mem>>) src(%arg12 : memref<128x128xf32, #tpu.memory_space<vmem>>) dst(%dma_wait3A_72 : memref<128x128xf32, #tpu.memory_space<vmem_shared>>)
        tpu.yield
      }) : () -> ()
      %add3A_52 = arith.constant 256 : i32
      %add3A_53 = arith.addi %mul3A_5, %add3A_52 : i32
      "tpu.region"() ({
        %run_scoped3A = tpu.sem_alloc : memref<!tpu.dma_semaphore, #tpu.memory_space<semaphore_mem>>
        %dma_start3A = arith.constant 0 : i32
        %dma_start3A_67 = arith.constant 0 : i32
        %dma_start3A_68 = tpu.memref_slice %arg12[%dma_start3A, %dma_start3A_67] : memref<128x128xf32, #tpu.memory_space<vmem>> -> memref<40x128xf32, #tpu.memory_space<vmem>>
        %dma_start3A_69 = arith.constant 0 : i32
        %dma_start3A_70 = tpu.memref_slice %arg16[%add3A_53, %dma_start3A_69] : memref<4752x128xf32, #tpu.memory_space<vmem_shared>> -> memref<40x128xf32, #tpu.memory_space<vmem_shared>>
        %dma_start3A_71 = arith.constant 0 : i32
        %dma_start3A_72 = tpu.memref_slice %arg16[%add3A_53, %dma_start3A_71] : memref<4752x128xf32, #tpu.memory_space<vmem_shared>> -> memref<40x128xf32, #tpu.memory_space<vmem_shared>>
        %dma_start3A_73 = arith.constant 0 : i32
        %dma_start3A_74 = arith.constant 0 : i32
        %dma_start3A_75 = tpu.memref_slice %arg12[%dma_start3A_73, %dma_start3A_74] : memref<128x128xf32, #tpu.memory_space<vmem>> -> memref<40x128xf32, #tpu.memory_space<vmem>>
        tpu.enqueue_dma source(%dma_start3A_75 : memref<40x128xf32, #tpu.memory_space<vmem>>) target(%dma_start3A_72 : memref<40x128xf32, #tpu.memory_space<vmem_shared>>) target_semaphore(%run_scoped3A : memref<!tpu.dma_semaphore, #tpu.memory_space<semaphore_mem>>)
        %dma_wait3A = arith.constant 0 : i32
        %dma_wait3A_76 = arith.constant 0 : i32
        %dma_wait3A_77 = tpu.memref_slice %arg12[%dma_wait3A, %dma_wait3A_76] : memref<128x128xf32, #tpu.memory_space<vmem>> -> memref<40x128xf32, #tpu.memory_space<vmem>>
        %dma_wait3A_78 = arith.constant 0 : i32
        %dma_wait3A_79 = tpu.memref_slice %arg16[%add3A_53, %dma_wait3A_78] : memref<4752x128xf32, #tpu.memory_space<vmem_shared>> -> memref<40x128xf32, #tpu.memory_space<vmem_shared>>
        %dma_wait3A_80 = arith.constant 0 : i32
        %dma_wait3A_81 = tpu.memref_slice %arg16[%add3A_53, %dma_wait3A_80] : memref<4752x128xf32, #tpu.memory_space<vmem_shared>> -> memref<40x128xf32, #tpu.memory_space<vmem_shared>>
        %dma_wait3A_82 = arith.constant 0 : i32
        %dma_wait3A_83 = arith.constant 0 : i32
        %dma_wait3A_84 = tpu.memref_slice %arg12[%dma_wait3A_82, %dma_wait3A_83] : memref<128x128xf32, #tpu.memory_space<vmem>> -> memref<40x128xf32, #tpu.memory_space<vmem>>
        tpu.wait_dma2 semaphore(%run_scoped3A : memref<!tpu.dma_semaphore, #tpu.memory_space<semaphore_mem>>) src(%dma_wait3A_84 : memref<40x128xf32, #tpu.memory_space<vmem>>) dst(%dma_wait3A_81 : memref<40x128xf32, #tpu.memory_space<vmem_shared>>)
        tpu.yield
      }) : () -> ()
      %barrier3A = arith.constant 0 : index
      tpu.barrier barrier_id(%barrier3A)
      %add3A_54 = arith.constant 4736 : i32
      %add3A_55 = vector.broadcast %add3A_54 : i32 to vector<16xi32>
      %add3A_56 = arith.addi %add3A_55, %iota3A : vector<16xi32>
      %mul3A_57 = arith.constant 50000 : i32
      %mul3A_58 = arith.muli %select_n3A, %mul3A_57 : i32
      %scan3A_59 = arith.constant 0 : i32
      %scan3A_60 = arith.constant 13 : i32
      %scan3A_61 = arith.addi %scan3A_59, %scan3A_60 : i32
      %scan3A_62 = arith.constant 1 : i32
      scf.for %scan3A_67 = %scan3A_59 to %scan3A_61 step %scan3A_62  : i32 {
        %mul3A_68 = arith.constant 16 : i32
        %mul3A_69 = arith.muli %mul3A_68, %scan3A_67 : i32
        %add3A_70 = arith.addi %arg1, %mul3A_69 : i32
        %lt3A_71 = arith.constant 196 : i32
        %lt3A_72 = arith.cmpi slt, %add3A_70, %lt3A_71 : i32
        %convert_element_type3A = arith.extui %lt3A_72 : i1 to i32
        %cond3A = arith.constant 0 : i32
        %cond3A_73 = arith.cmpi ne, %convert_element_type3A, %cond3A : i32
        scf.if %cond3A_73 {
          %mul3A_74 = arith.constant 8 : i32
          %mul3A_75 = arith.muli %add3A_70, %mul3A_74 : i32
          %add3A_76 = arith.addi %mul3A_47, %mul3A_75 : i32
          "tpu.region"() ({
            %run_scoped3A_237 = tpu.sem_alloc : memref<!tpu.dma_semaphore, #tpu.memory_space<semaphore_mem>>
            %dma_start3A_238 = arith.constant 0 : i32
            %dma_start3A_239 = tpu.memref_slice %arg3[%add3A_76, %dma_start3A_238] : memref<4704x128xi32, #tpu.memory_space<hbm>> -> memref<8x128xi32, #tpu.memory_space<hbm>>
            %dma_start3A_240 = arith.constant 0 : i32
            %dma_start3A_241 = tpu.memref_slice %arg3[%add3A_76, %dma_start3A_240] : memref<4704x128xi32, #tpu.memory_space<hbm>> -> memref<8x128xi32, #tpu.memory_space<hbm>>
            tpu.enqueue_dma source(%dma_start3A_241 : memref<8x128xi32, #tpu.memory_space<hbm>>) target(%arg6 : memref<8x128xi32, #tpu.memory_space<vmem>>) target_semaphore(%run_scoped3A_237 : memref<!tpu.dma_semaphore, #tpu.memory_space<semaphore_mem>>)
            %dma_wait3A_242 = arith.constant 0 : i32
            %dma_wait3A_243 = tpu.memref_slice %arg3[%add3A_76, %dma_wait3A_242] : memref<4704x128xi32, #tpu.memory_space<hbm>> -> memref<8x128xi32, #tpu.memory_space<hbm>>
            %dma_wait3A_244 = arith.constant 0 : i32
            %dma_wait3A_245 = tpu.memref_slice %arg3[%add3A_76, %dma_wait3A_244] : memref<4704x128xi32, #tpu.memory_space<hbm>> -> memref<8x128xi32, #tpu.memory_space<hbm>>
            tpu.wait_dma2 semaphore(%run_scoped3A_237 : memref<!tpu.dma_semaphore, #tpu.memory_space<semaphore_mem>>) src(%dma_wait3A_245 : memref<8x128xi32, #tpu.memory_space<hbm>>) dst(%arg6 : memref<8x128xi32, #tpu.memory_space<vmem>>)
            tpu.yield
          }) : () -> ()
          %mul3A_77 = arith.constant 8 : i32
          %mul3A_78 = arith.muli %add3A_70, %mul3A_77 : i32
          %add3A_79 = arith.addi %mul3A_47, %mul3A_78 : i32
          "tpu.region"() ({
            %run_scoped3A_237 = tpu.sem_alloc : memref<!tpu.dma_semaphore, #tpu.memory_space<semaphore_mem>>
            %dma_start3A_238 = arith.constant 0 : i32
            %dma_start3A_239 = tpu.memref_slice %arg4[%add3A_79, %dma_start3A_238] : memref<4704x128xi32, #tpu.memory_space<hbm>> -> memref<8x128xi32, #tpu.memory_space<hbm>>
            %dma_start3A_240 = arith.constant 0 : i32
            %dma_start3A_241 = tpu.memref_slice %arg4[%add3A_79, %dma_start3A_240] : memref<4704x128xi32, #tpu.memory_space<hbm>> -> memref<8x128xi32, #tpu.memory_space<hbm>>
            tpu.enqueue_dma source(%dma_start3A_241 : memref<8x128xi32, #tpu.memory_space<hbm>>) target(%arg7 : memref<8x128xi32, #tpu.memory_space<vmem>>) target_semaphore(%run_scoped3A_237 : memref<!tpu.dma_semaphore, #tpu.memory_space<semaphore_mem>>)
            %dma_wait3A_242 = arith.constant 0 : i32
            %dma_wait3A_243 = tpu.memref_slice %arg4[%add3A_79, %dma_wait3A_242] : memref<4704x128xi32, #tpu.memory_space<hbm>> -> memref<8x128xi32, #tpu.memory_space<hbm>>
            %dma_wait3A_244 = arith.constant 0 : i32
            %dma_wait3A_245 = tpu.memref_slice %arg4[%add3A_79, %dma_wait3A_244] : memref<4704x128xi32, #tpu.memory_space<hbm>> -> memref<8x128xi32, #tpu.memory_space<hbm>>
            tpu.wait_dma2 semaphore(%run_scoped3A_237 : memref<!tpu.dma_semaphore, #tpu.memory_space<semaphore_mem>>) src(%dma_wait3A_245 : memref<8x128xi32, #tpu.memory_space<hbm>>) dst(%arg7 : memref<8x128xi32, #tpu.memory_space<vmem>>)
            tpu.yield
          }) : () -> ()
          %scan3A_80 = arith.constant 0 : i32
          %scan3A_81 = arith.constant 8 : i32
          %scan3A_82 = arith.addi %scan3A_80, %scan3A_81 : i32
          %scan3A_83 = arith.constant 1 : i32
          scf.for %scan3A_237 = %scan3A_80 to %scan3A_82 step %scan3A_83  : i32 {
            %mul3A_238 = arith.constant 16 : i32
            %mul3A_239 = arith.muli %scan3A_237, %mul3A_238 : i32
            %get3A = arith.constant 0 : i32
            %get3A_240 = arith.index_cast %get3A : i32 to index
            %get3A_241 = arith.index_cast %mul3A_239 : i32 to index
            %get3A_242 = tpu.vector_load %arg6[%get3A_240, %get3A_241] {strides = array<i32>} : memref<8x128xi32, #tpu.memory_space<vmem>>, vector<1x16xi32>,
            %get3A_243 = vector.shape_cast %get3A_242 : vector<1x16xi32> to vector<16xi32>
            %get3A_244 = arith.constant 0 : i32
            %get3A_245 = arith.index_cast %get3A_244 : i32 to index
            %get3A_246 = arith.index_cast %mul3A_239 : i32 to index
            %get3A_247 = tpu.vector_load %arg7[%get3A_245, %get3A_246] {strides = array<i32>} : memref<8x128xi32, #tpu.memory_space<vmem>>, vector<1x16xi32>,
            %get3A_248 = vector.shape_cast %get3A_247 : vector<1x16xi32> to vector<16xi32>
            %ge3A = vector.broadcast %mul3A_45 : i32 to vector<16xi32>
            %ge3A_249 = arith.cmpi sge, %get3A_248, %ge3A : vector<16xi32>
            %add3A_250 = arith.constant 4736 : i32
            %add3A_251 = arith.addi %mul3A_45, %add3A_250 : i32
            %lt3A_252 = vector.broadcast %add3A_251 : i32 to vector<16xi32>
            %lt3A_253 = arith.cmpi slt, %get3A_248, %lt3A_252 : vector<16xi32>
            %and3A_254 = arith.andi %ge3A_249, %lt3A_253 : vector<16xi1>
            %sub3A_255 = vector.broadcast %mul3A_45 : i32 to vector<16xi32>
            %sub3A_256 = arith.subi %get3A_248, %sub3A_255 : vector<16xi32>
            %select_n3A_257 = arith.select %and3A_254, %sub3A_256, %add3A_56 : vector<16xi1>, vector<16xi32>
            %swap3A = arith.constant 0 : i32
            %swap3A_258 = arith.index_cast %swap3A : i32 to index
            %swap3A_259 = arith.index_cast %mul3A_239 : i32 to index
            %swap3A_260 = tpu.vector_load %arg9[%swap3A_258, %swap3A_259] {strides = array<i32>} : memref<8x128xi32, #tpu.memory_space<vmem>>, vector<1x16xi32>,
            %swap3A_261 = vector.shape_cast %swap3A_260 : vector<1x16xi32> to vector<16xi32>
            %swap3A_262 = vector.shape_cast %select_n3A_257 : vector<16xi32> to vector<1x16xi32>
            tpu.vector_store %arg9[%swap3A_258, %swap3A_259], %swap3A_262 {strides = array<i32>} : memref<8x128xi32, #tpu.memory_space<vmem>>, vector<1x16xi32>,
            %min3A = arith.constant 49999 : i32
            %min3A_263 = vector.broadcast %min3A : i32 to vector<16xi32>
            %min3A_264 = arith.minsi %get3A_243, %min3A_263 : vector<16xi32>
            %add3A_265 = vector.broadcast %mul3A_58 : i32 to vector<16xi32>
            %add3A_266 = arith.addi %min3A_264, %add3A_265 : vector<16xi32>
            %swap3A_267 = arith.constant 0 : i32
            %swap3A_268 = arith.index_cast %swap3A_267 : i32 to index
            %swap3A_269 = arith.index_cast %mul3A_239 : i32 to index
            %swap3A_270 = tpu.vector_load %arg8[%swap3A_268, %swap3A_269] {strides = array<i32>} : memref<8x128xi32, #tpu.memory_space<vmem>>, vector<1x16xi32>,
            %swap3A_271 = vector.shape_cast %swap3A_270 : vector<1x16xi32> to vector<16xi32>
            %swap3A_272 = vector.shape_cast %add3A_266 : vector<16xi32> to vector<1x16xi32>
            tpu.vector_store %arg8[%swap3A_268, %swap3A_269], %swap3A_272 {strides = array<i32>} : memref<8x128xi32, #tpu.memory_space<vmem>>, vector<1x16xi32>,
          }
          %scan3A_84 = arith.constant 8 : i32
          %scan3A_85 = arith.constant 0 : i32
          %scan3A_86 = arith.constant 8 : i32
          %scan3A_87 = arith.addi %scan3A_85, %scan3A_86 : i32
          %scan3A_88 = arith.constant 1 : i32
          scf.for %scan3A_237 = %scan3A_85 to %scan3A_87 step %scan3A_88  : i32 {
            %mul3A_238 = arith.constant 16 : i32
            %mul3A_239 = arith.muli %scan3A_237, %mul3A_238 : i32
            %get3A = arith.constant 1 : i32
            %get3A_240 = arith.index_cast %get3A : i32 to index
            %get3A_241 = arith.index_cast %mul3A_239 : i32 to index
            %get3A_242 = tpu.vector_load %arg6[%get3A_240, %get3A_241] {strides = array<i32>} : memref<8x128xi32, #tpu.memory_space<vmem>>, vector<1x16xi32>,
            %get3A_243 = vector.shape_cast %get3A_242 : vector<1x16xi32> to vector<16xi32>
            %get3A_244 = arith.constant 1 : i32
            %get3A_245 = arith.index_cast %get3A_244 : i32 to index
            %get3A_246 = arith.index_cast %mul3A_239 : i32 to index
            %get3A_247 = tpu.vector_load %arg7[%get3A_245, %get3A_246] {strides = array<i32>} : memref<8x128xi32, #tpu.memory_space<vmem>>, vector<1x16xi32>,
            %get3A_248 = vector.shape_cast %get3A_247 : vector<1x16xi32> to vector<16xi32>
            %ge3A = vector.broadcast %mul3A_45 : i32 to vector<16xi32>
            %ge3A_249 = arith.cmpi sge, %get3A_248, %ge3A : vector<16xi32>
            %add3A_250 = arith.constant 4736 : i32
            %add3A_251 = arith.addi %mul3A_45, %add3A_250 : i32
            %lt3A_252 = vector.broadcast %add3A_251 : i32 to vector<16xi32>
            %lt3A_253 = arith.cmpi slt, %get3A_248, %lt3A_252 : vector<16xi32>
            %and3A_254 = arith.andi %ge3A_249, %lt3A_253 : vector<16xi1>
            %sub3A_255 = vector.broadcast %mul3A_45 : i32 to vector<16xi32>
            %sub3A_256 = arith.subi %get3A_248, %sub3A_255 : vector<16xi32>
            %select_n3A_257 = arith.select %and3A_254, %sub3A_256, %add3A_56 : vector<16xi1>, vector<16xi32>
            %swap3A = arith.constant 1 : i32
            %swap3A_258 = arith.index_cast %swap3A : i32 to index
            %swap3A_259 = arith.index_cast %mul3A_239 : i32 to index
            %swap3A_260 = tpu.vector_load %arg9[%swap3A_258, %swap3A_259] {strides = array<i32>} : memref<8x128xi32, #tpu.memory_space<vmem>>, vector<1x16xi32>,
            %swap3A_261 = vector.shape_cast %swap3A_260 : vector<1x16xi32> to vector<16xi32>
            %swap3A_262 = vector.shape_cast %select_n3A_257 : vector<16xi32> to vector<1x16xi32>
            tpu.vector_store %arg9[%swap3A_258, %swap3A_259], %swap3A_262 {strides = array<i32>} : memref<8x128xi32, #tpu.memory_space<vmem>>, vector<1x16xi32>,
            %min3A = arith.constant 49999 : i32
            %min3A_263 = vector.broadcast %min3A : i32 to vector<16xi32>
            %min3A_264 = arith.minsi %get3A_243, %min3A_263 : vector<16xi32>
            %add3A_265 = vector.broadcast %mul3A_58 : i32 to vector<16xi32>
            %add3A_266 = arith.addi %min3A_264, %add3A_265 : vector<16xi32>
            %swap3A_267 = arith.constant 1 : i32
            %swap3A_268 = arith.index_cast %swap3A_267 : i32 to index
            %swap3A_269 = arith.index_cast %mul3A_239 : i32 to index
            %swap3A_270 = tpu.vector_load %arg8[%swap3A_268, %swap3A_269] {strides = array<i32>} : memref<8x128xi32, #tpu.memory_space<vmem>>, vector<1x16xi32>,
            %swap3A_271 = vector.shape_cast %swap3A_270 : vector<1x16xi32> to vector<16xi32>
            %swap3A_272 = vector.shape_cast %add3A_266 : vector<16xi32> to vector<1x16xi32>
            tpu.vector_store %arg8[%swap3A_268, %swap3A_269], %swap3A_272 {strides = array<i32>} : memref<8x128xi32, #tpu.memory_space<vmem>>, vector<1x16xi32>,
          }
          %scan3A_89 = arith.constant 8 : i32
          %scan3A_90 = arith.constant 0 : i32
          %scan3A_91 = arith.constant 8 : i32
          %scan3A_92 = arith.addi %scan3A_90, %scan3A_91 : i32
          %scan3A_93 = arith.constant 1 : i32
          scf.for %scan3A_237 = %scan3A_90 to %scan3A_92 step %scan3A_93  : i32 {
            %mul3A_238 = arith.constant 16 : i32
            %mul3A_239 = arith.muli %scan3A_237, %mul3A_238 : i32
            %get3A = arith.constant 2 : i32
            %get3A_240 = arith.index_cast %get3A : i32 to index
            %get3A_241 = arith.index_cast %mul3A_239 : i32 to index
            %get3A_242 = tpu.vector_load %arg6[%get3A_240, %get3A_241] {strides = array<i32>} : memref<8x128xi32, #tpu.memory_space<vmem>>, vector<1x16xi32>,
            %get3A_243 = vector.shape_cast %get3A_242 : vector<1x16xi32> to vector<16xi32>
            %get3A_244 = arith.constant 2 : i32
            %get3A_245 = arith.index_cast %get3A_244 : i32 to index
            %get3A_246 = arith.index_cast %mul3A_239 : i32 to index
            %get3A_247 = tpu.vector_load %arg7[%get3A_245, %get3A_246] {strides = array<i32>} : memref<8x128xi32, #tpu.memory_space<vmem>>, vector<1x16xi32>,
            %get3A_248 = vector.shape_cast %get3A_247 : vector<1x16xi32> to vector<16xi32>
            %ge3A = vector.broadcast %mul3A_45 : i32 to vector<16xi32>
            %ge3A_249 = arith.cmpi sge, %get3A_248, %ge3A : vector<16xi32>
            %add3A_250 = arith.constant 4736 : i32
            %add3A_251 = arith.addi %mul3A_45, %add3A_250 : i32
            %lt3A_252 = vector.broadcast %add3A_251 : i32 to vector<16xi32>
            %lt3A_253 = arith.cmpi slt, %get3A_248, %lt3A_252 : vector<16xi32>
            %and3A_254 = arith.andi %ge3A_249, %lt3A_253 : vector<16xi1>
            %sub3A_255 = vector.broadcast %mul3A_45 : i32 to vector<16xi32>
            %sub3A_256 = arith.subi %get3A_248, %sub3A_255 : vector<16xi32>
            %select_n3A_257 = arith.select %and3A_254, %sub3A_256, %add3A_56 : vector<16xi1>, vector<16xi32>
            %swap3A = arith.constant 2 : i32
            %swap3A_258 = arith.index_cast %swap3A : i32 to index
            %swap3A_259 = arith.index_cast %mul3A_239 : i32 to index
            %swap3A_260 = tpu.vector_load %arg9[%swap3A_258, %swap3A_259] {strides = array<i32>} : memref<8x128xi32, #tpu.memory_space<vmem>>, vector<1x16xi32>,
            %swap3A_261 = vector.shape_cast %swap3A_260 : vector<1x16xi32> to vector<16xi32>
            %swap3A_262 = vector.shape_cast %select_n3A_257 : vector<16xi32> to vector<1x16xi32>
            tpu.vector_store %arg9[%swap3A_258, %swap3A_259], %swap3A_262 {strides = array<i32>} : memref<8x128xi32, #tpu.memory_space<vmem>>, vector<1x16xi32>,
            %min3A = arith.constant 49999 : i32
            %min3A_263 = vector.broadcast %min3A : i32 to vector<16xi32>
            %min3A_264 = arith.minsi %get3A_243, %min3A_263 : vector<16xi32>
            %add3A_265 = vector.broadcast %mul3A_58 : i32 to vector<16xi32>
            %add3A_266 = arith.addi %min3A_264, %add3A_265 : vector<16xi32>
            %swap3A_267 = arith.constant 2 : i32
            %swap3A_268 = arith.index_cast %swap3A_267 : i32 to index
            %swap3A_269 = arith.index_cast %mul3A_239 : i32 to index
            %swap3A_270 = tpu.vector_load %arg8[%swap3A_268, %swap3A_269] {strides = array<i32>} : memref<8x128xi32, #tpu.memory_space<vmem>>, vector<1x16xi32>,
            %swap3A_271 = vector.shape_cast %swap3A_270 : vector<1x16xi32> to vector<16xi32>
            %swap3A_272 = vector.shape_cast %add3A_266 : vector<16xi32> to vector<1x16xi32>
            tpu.vector_store %arg8[%swap3A_268, %swap3A_269], %swap3A_272 {strides = array<i32>} : memref<8x128xi32, #tpu.memory_space<vmem>>, vector<1x16xi32>,
          }
          %scan3A_94 = arith.constant 8 : i32
          %scan3A_95 = arith.constant 0 : i32
          %scan3A_96 = arith.constant 8 : i32
          %scan3A_97 = arith.addi %scan3A_95, %scan3A_96 : i32
          %scan3A_98 = arith.constant 1 : i32
          scf.for %scan3A_237 = %scan3A_95 to %scan3A_97 step %scan3A_98  : i32 {
            %mul3A_238 = arith.constant 16 : i32
            %mul3A_239 = arith.muli %scan3A_237, %mul3A_238 : i32
            %get3A = arith.constant 3 : i32
            %get3A_240 = arith.index_cast %get3A : i32 to index
            %get3A_241 = arith.index_cast %mul3A_239 : i32 to index
            %get3A_242 = tpu.vector_load %arg6[%get3A_240, %get3A_241] {strides = array<i32>} : memref<8x128xi32, #tpu.memory_space<vmem>>, vector<1x16xi32>,
            %get3A_243 = vector.shape_cast %get3A_242 : vector<1x16xi32> to vector<16xi32>
            %get3A_244 = arith.constant 3 : i32
            %get3A_245 = arith.index_cast %get3A_244 : i32 to index
            %get3A_246 = arith.index_cast %mul3A_239 : i32 to index
            %get3A_247 = tpu.vector_load %arg7[%get3A_245, %get3A_246] {strides = array<i32>} : memref<8x128xi32, #tpu.memory_space<vmem>>, vector<1x16xi32>,
            %get3A_248 = vector.shape_cast %get3A_247 : vector<1x16xi32> to vector<16xi32>
            %ge3A = vector.broadcast %mul3A_45 : i32 to vector<16xi32>
            %ge3A_249 = arith.cmpi sge, %get3A_248, %ge3A : vector<16xi32>
            %add3A_250 = arith.constant 4736 : i32
            %add3A_251 = arith.addi %mul3A_45, %add3A_250 : i32
            %lt3A_252 = vector.broadcast %add3A_251 : i32 to vector<16xi32>
            %lt3A_253 = arith.cmpi slt, %get3A_248, %lt3A_252 : vector<16xi32>
            %and3A_254 = arith.andi %ge3A_249, %lt3A_253 : vector<16xi1>
            %sub3A_255 = vector.broadcast %mul3A_45 : i32 to vector<16xi32>
            %sub3A_256 = arith.subi %get3A_248, %sub3A_255 : vector<16xi32>
            %select_n3A_257 = arith.select %and3A_254, %sub3A_256, %add3A_56 : vector<16xi1>, vector<16xi32>
            %swap3A = arith.constant 3 : i32
            %swap3A_258 = arith.index_cast %swap3A : i32 to index
            %swap3A_259 = arith.index_cast %mul3A_239 : i32 to index
            %swap3A_260 = tpu.vector_load %arg9[%swap3A_258, %swap3A_259] {strides = array<i32>} : memref<8x128xi32, #tpu.memory_space<vmem>>, vector<1x16xi32>,
            %swap3A_261 = vector.shape_cast %swap3A_260 : vector<1x16xi32> to vector<16xi32>
            %swap3A_262 = vector.shape_cast %select_n3A_257 : vector<16xi32> to vector<1x16xi32>
            tpu.vector_store %arg9[%swap3A_258, %swap3A_259], %swap3A_262 {strides = array<i32>} : memref<8x128xi32, #tpu.memory_space<vmem>>, vector<1x16xi32>,
            %min3A = arith.constant 49999 : i32
            %min3A_263 = vector.broadcast %min3A : i32 to vector<16xi32>
            %min3A_264 = arith.minsi %get3A_243, %min3A_263 : vector<16xi32>
            %add3A_265 = vector.broadcast %mul3A_58 : i32 to vector<16xi32>
            %add3A_266 = arith.addi %min3A_264, %add3A_265 : vector<16xi32>
            %swap3A_267 = arith.constant 3 : i32
            %swap3A_268 = arith.index_cast %swap3A_267 : i32 to index
            %swap3A_269 = arith.index_cast %mul3A_239 : i32 to index
            %swap3A_270 = tpu.vector_load %arg8[%swap3A_268, %swap3A_269] {strides = array<i32>} : memref<8x128xi32, #tpu.memory_space<vmem>>, vector<1x16xi32>,
            %swap3A_271 = vector.shape_cast %swap3A_270 : vector<1x16xi32> to vector<16xi32>
            %swap3A_272 = vector.shape_cast %add3A_266 : vector<16xi32> to vector<1x16xi32>
            tpu.vector_store %arg8[%swap3A_268, %swap3A_269], %swap3A_272 {strides = array<i32>} : memref<8x128xi32, #tpu.memory_space<vmem>>, vector<1x16xi32>,
          }
          %scan3A_99 = arith.constant 8 : i32
          %scan3A_100 = arith.constant 0 : i32
          %scan3A_101 = arith.constant 8 : i32
          %scan3A_102 = arith.addi %scan3A_100, %scan3A_101 : i32
          %scan3A_103 = arith.constant 1 : i32
          scf.for %scan3A_237 = %scan3A_100 to %scan3A_102 step %scan3A_103  : i32 {
            %mul3A_238 = arith.constant 16 : i32
            %mul3A_239 = arith.muli %scan3A_237, %mul3A_238 : i32
            %get3A = arith.constant 4 : i32
            %get3A_240 = arith.index_cast %get3A : i32 to index
            %get3A_241 = arith.index_cast %mul3A_239 : i32 to index
            %get3A_242 = tpu.vector_load %arg6[%get3A_240, %get3A_241] {strides = array<i32>} : memref<8x128xi32, #tpu.memory_space<vmem>>, vector<1x16xi32>,
            %get3A_243 = vector.shape_cast %get3A_242 : vector<1x16xi32> to vector<16xi32>
            %get3A_244 = arith.constant 4 : i32
            %get3A_245 = arith.index_cast %get3A_244 : i32 to index
            %get3A_246 = arith.index_cast %mul3A_239 : i32 to index
            %get3A_247 = tpu.vector_load %arg7[%get3A_245, %get3A_246] {strides = array<i32>} : memref<8x128xi32, #tpu.memory_space<vmem>>, vector<1x16xi32>,
            %get3A_248 = vector.shape_cast %get3A_247 : vector<1x16xi32> to vector<16xi32>
            %ge3A = vector.broadcast %mul3A_45 : i32 to vector<16xi32>
            %ge3A_249 = arith.cmpi sge, %get3A_248, %ge3A : vector<16xi32>
            %add3A_250 = arith.constant 4736 : i32
            %add3A_251 = arith.addi %mul3A_45, %add3A_250 : i32
            %lt3A_252 = vector.broadcast %add3A_251 : i32 to vector<16xi32>
            %lt3A_253 = arith.cmpi slt, %get3A_248, %lt3A_252 : vector<16xi32>
            %and3A_254 = arith.andi %ge3A_249, %lt3A_253 : vector<16xi1>
            %sub3A_255 = vector.broadcast %mul3A_45 : i32 to vector<16xi32>
            %sub3A_256 = arith.subi %get3A_248, %sub3A_255 : vector<16xi32>
            %select_n3A_257 = arith.select %and3A_254, %sub3A_256, %add3A_56 : vector<16xi1>, vector<16xi32>
            %swap3A = arith.constant 4 : i32
            %swap3A_258 = arith.index_cast %swap3A : i32 to index
            %swap3A_259 = arith.index_cast %mul3A_239 : i32 to index
            %swap3A_260 = tpu.vector_load %arg9[%swap3A_258, %swap3A_259] {strides = array<i32>} : memref<8x128xi32, #tpu.memory_space<vmem>>, vector<1x16xi32>,
            %swap3A_261 = vector.shape_cast %swap3A_260 : vector<1x16xi32> to vector<16xi32>
            %swap3A_262 = vector.shape_cast %select_n3A_257 : vector<16xi32> to vector<1x16xi32>
            tpu.vector_store %arg9[%swap3A_258, %swap3A_259], %swap3A_262 {strides = array<i32>} : memref<8x128xi32, #tpu.memory_space<vmem>>, vector<1x16xi32>,
            %min3A = arith.constant 49999 : i32
            %min3A_263 = vector.broadcast %min3A : i32 to vector<16xi32>
            %min3A_264 = arith.minsi %get3A_243, %min3A_263 : vector<16xi32>
            %add3A_265 = vector.broadcast %mul3A_58 : i32 to vector<16xi32>
            %add3A_266 = arith.addi %min3A_264, %add3A_265 : vector<16xi32>
            %swap3A_267 = arith.constant 4 : i32
            %swap3A_268 = arith.index_cast %swap3A_267 : i32 to index
            %swap3A_269 = arith.index_cast %mul3A_239 : i32 to index
            %swap3A_270 = tpu.vector_load %arg8[%swap3A_268, %swap3A_269] {strides = array<i32>} : memref<8x128xi32, #tpu.memory_space<vmem>>, vector<1x16xi32>,
            %swap3A_271 = vector.shape_cast %swap3A_270 : vector<1x16xi32> to vector<16xi32>
            %swap3A_272 = vector.shape_cast %add3A_266 : vector<16xi32> to vector<1x16xi32>
            tpu.vector_store %arg8[%swap3A_268, %swap3A_269], %swap3A_272 {strides = array<i32>} : memref<8x128xi32, #tpu.memory_space<vmem>>, vector<1x16xi32>,
          }
          %scan3A_104 = arith.constant 8 : i32
          %scan3A_105 = arith.constant 0 : i32
          %scan3A_106 = arith.constant 8 : i32
          %scan3A_107 = arith.addi %scan3A_105, %scan3A_106 : i32
          %scan3A_108 = arith.constant 1 : i32
          scf.for %scan3A_237 = %scan3A_105 to %scan3A_107 step %scan3A_108  : i32 {
            %mul3A_238 = arith.constant 16 : i32
            %mul3A_239 = arith.muli %scan3A_237, %mul3A_238 : i32
            %get3A = arith.constant 5 : i32
            %get3A_240 = arith.index_cast %get3A : i32 to index
            %get3A_241 = arith.index_cast %mul3A_239 : i32 to index
            %get3A_242 = tpu.vector_load %arg6[%get3A_240, %get3A_241] {strides = array<i32>} : memref<8x128xi32, #tpu.memory_space<vmem>>, vector<1x16xi32>,
            %get3A_243 = vector.shape_cast %get3A_242 : vector<1x16xi32> to vector<16xi32>
            %get3A_244 = arith.constant 5 : i32
            %get3A_245 = arith.index_cast %get3A_244 : i32 to index
            %get3A_246 = arith.index_cast %mul3A_239 : i32 to index
            %get3A_247 = tpu.vector_load %arg7[%get3A_245, %get3A_246] {strides = array<i32>} : memref<8x128xi32, #tpu.memory_space<vmem>>, vector<1x16xi32>,
            %get3A_248 = vector.shape_cast %get3A_247 : vector<1x16xi32> to vector<16xi32>
            %ge3A = vector.broadcast %mul3A_45 : i32 to vector<16xi32>
            %ge3A_249 = arith.cmpi sge, %get3A_248, %ge3A : vector<16xi32>
            %add3A_250 = arith.constant 4736 : i32
            %add3A_251 = arith.addi %mul3A_45, %add3A_250 : i32
            %lt3A_252 = vector.broadcast %add3A_251 : i32 to vector<16xi32>
            %lt3A_253 = arith.cmpi slt, %get3A_248, %lt3A_252 : vector<16xi32>
            %and3A_254 = arith.andi %ge3A_249, %lt3A_253 : vector<16xi1>
            %sub3A_255 = vector.broadcast %mul3A_45 : i32 to vector<16xi32>
            %sub3A_256 = arith.subi %get3A_248, %sub3A_255 : vector<16xi32>
            %select_n3A_257 = arith.select %and3A_254, %sub3A_256, %add3A_56 : vector<16xi1>, vector<16xi32>
            %swap3A = arith.constant 5 : i32
            %swap3A_258 = arith.index_cast %swap3A : i32 to index
            %swap3A_259 = arith.index_cast %mul3A_239 : i32 to index
            %swap3A_260 = tpu.vector_load %arg9[%swap3A_258, %swap3A_259] {strides = array<i32>} : memref<8x128xi32, #tpu.memory_space<vmem>>, vector<1x16xi32>,
            %swap3A_261 = vector.shape_cast %swap3A_260 : vector<1x16xi32> to vector<16xi32>
            %swap3A_262 = vector.shape_cast %select_n3A_257 : vector<16xi32> to vector<1x16xi32>
            tpu.vector_store %arg9[%swap3A_258, %swap3A_259], %swap3A_262 {strides = array<i32>} : memref<8x128xi32, #tpu.memory_space<vmem>>, vector<1x16xi32>,
            %min3A = arith.constant 49999 : i32
            %min3A_263 = vector.broadcast %min3A : i32 to vector<16xi32>
            %min3A_264 = arith.minsi %get3A_243, %min3A_263 : vector<16xi32>
            %add3A_265 = vector.broadcast %mul3A_58 : i32 to vector<16xi32>
            %add3A_266 = arith.addi %min3A_264, %add3A_265 : vector<16xi32>
            %swap3A_267 = arith.constant 5 : i32
            %swap3A_268 = arith.index_cast %swap3A_267 : i32 to index
            %swap3A_269 = arith.index_cast %mul3A_239 : i32 to index
            %swap3A_270 = tpu.vector_load %arg8[%swap3A_268, %swap3A_269] {strides = array<i32>} : memref<8x128xi32, #tpu.memory_space<vmem>>, vector<1x16xi32>,
            %swap3A_271 = vector.shape_cast %swap3A_270 : vector<1x16xi32> to vector<16xi32>
            %swap3A_272 = vector.shape_cast %add3A_266 : vector<16xi32> to vector<1x16xi32>
            tpu.vector_store %arg8[%swap3A_268, %swap3A_269], %swap3A_272 {strides = array<i32>} : memref<8x128xi32, #tpu.memory_space<vmem>>, vector<1x16xi32>,
          }
          %scan3A_109 = arith.constant 8 : i32
          %scan3A_110 = arith.constant 0 : i32
          %scan3A_111 = arith.constant 8 : i32
          %scan3A_112 = arith.addi %scan3A_110, %scan3A_111 : i32
          %scan3A_113 = arith.constant 1 : i32
          scf.for %scan3A_237 = %scan3A_110 to %scan3A_112 step %scan3A_113  : i32 {
            %mul3A_238 = arith.constant 16 : i32
            %mul3A_239 = arith.muli %scan3A_237, %mul3A_238 : i32
            %get3A = arith.constant 6 : i32
            %get3A_240 = arith.index_cast %get3A : i32 to index
            %get3A_241 = arith.index_cast %mul3A_239 : i32 to index
            %get3A_242 = tpu.vector_load %arg6[%get3A_240, %get3A_241] {strides = array<i32>} : memref<8x128xi32, #tpu.memory_space<vmem>>, vector<1x16xi32>,
            %get3A_243 = vector.shape_cast %get3A_242 : vector<1x16xi32> to vector<16xi32>
            %get3A_244 = arith.constant 6 : i32
            %get3A_245 = arith.index_cast %get3A_244 : i32 to index
            %get3A_246 = arith.index_cast %mul3A_239 : i32 to index
            %get3A_247 = tpu.vector_load %arg7[%get3A_245, %get3A_246] {strides = array<i32>} : memref<8x128xi32, #tpu.memory_space<vmem>>, vector<1x16xi32>,
            %get3A_248 = vector.shape_cast %get3A_247 : vector<1x16xi32> to vector<16xi32>
            %ge3A = vector.broadcast %mul3A_45 : i32 to vector<16xi32>
            %ge3A_249 = arith.cmpi sge, %get3A_248, %ge3A : vector<16xi32>
            %add3A_250 = arith.constant 4736 : i32
            %add3A_251 = arith.addi %mul3A_45, %add3A_250 : i32
            %lt3A_252 = vector.broadcast %add3A_251 : i32 to vector<16xi32>
            %lt3A_253 = arith.cmpi slt, %get3A_248, %lt3A_252 : vector<16xi32>
            %and3A_254 = arith.andi %ge3A_249, %lt3A_253 : vector<16xi1>
            %sub3A_255 = vector.broadcast %mul3A_45 : i32 to vector<16xi32>
            %sub3A_256 = arith.subi %get3A_248, %sub3A_255 : vector<16xi32>
            %select_n3A_257 = arith.select %and3A_254, %sub3A_256, %add3A_56 : vector<16xi1>, vector<16xi32>
            %swap3A = arith.constant 6 : i32
            %swap3A_258 = arith.index_cast %swap3A : i32 to index
            %swap3A_259 = arith.index_cast %mul3A_239 : i32 to index
            %swap3A_260 = tpu.vector_load %arg9[%swap3A_258, %swap3A_259] {strides = array<i32>} : memref<8x128xi32, #tpu.memory_space<vmem>>, vector<1x16xi32>,
            %swap3A_261 = vector.shape_cast %swap3A_260 : vector<1x16xi32> to vector<16xi32>
            %swap3A_262 = vector.shape_cast %select_n3A_257 : vector<16xi32> to vector<1x16xi32>
            tpu.vector_store %arg9[%swap3A_258, %swap3A_259], %swap3A_262 {strides = array<i32>} : memref<8x128xi32, #tpu.memory_space<vmem>>, vector<1x16xi32>,
            %min3A = arith.constant 49999 : i32
            %min3A_263 = vector.broadcast %min3A : i32 to vector<16xi32>
            %min3A_264 = arith.minsi %get3A_243, %min3A_263 : vector<16xi32>
            %add3A_265 = vector.broadcast %mul3A_58 : i32 to vector<16xi32>
            %add3A_266 = arith.addi %min3A_264, %add3A_265 : vector<16xi32>
            %swap3A_267 = arith.constant 6 : i32
            %swap3A_268 = arith.index_cast %swap3A_267 : i32 to index
            %swap3A_269 = arith.index_cast %mul3A_239 : i32 to index
            %swap3A_270 = tpu.vector_load %arg8[%swap3A_268, %swap3A_269] {strides = array<i32>} : memref<8x128xi32, #tpu.memory_space<vmem>>, vector<1x16xi32>,
            %swap3A_271 = vector.shape_cast %swap3A_270 : vector<1x16xi32> to vector<16xi32>
            %swap3A_272 = vector.shape_cast %add3A_266 : vector<16xi32> to vector<1x16xi32>
            tpu.vector_store %arg8[%swap3A_268, %swap3A_269], %swap3A_272 {strides = array<i32>} : memref<8x128xi32, #tpu.memory_space<vmem>>, vector<1x16xi32>,
          }
          %scan3A_114 = arith.constant 8 : i32
          %scan3A_115 = arith.constant 0 : i32
          %scan3A_116 = arith.constant 8 : i32
          %scan3A_117 = arith.addi %scan3A_115, %scan3A_116 : i32
          %scan3A_118 = arith.constant 1 : i32
          scf.for %scan3A_237 = %scan3A_115 to %scan3A_117 step %scan3A_118  : i32 {
            %mul3A_238 = arith.constant 16 : i32
            %mul3A_239 = arith.muli %scan3A_237, %mul3A_238 : i32
            %get3A = arith.constant 7 : i32
            %get3A_240 = arith.index_cast %get3A : i32 to index
            %get3A_241 = arith.index_cast %mul3A_239 : i32 to index
            %get3A_242 = tpu.vector_load %arg6[%get3A_240, %get3A_241] {strides = array<i32>} : memref<8x128xi32, #tpu.memory_space<vmem>>, vector<1x16xi32>,
            %get3A_243 = vector.shape_cast %get3A_242 : vector<1x16xi32> to vector<16xi32>
            %get3A_244 = arith.constant 7 : i32
            %get3A_245 = arith.index_cast %get3A_244 : i32 to index
            %get3A_246 = arith.index_cast %mul3A_239 : i32 to index
            %get3A_247 = tpu.vector_load %arg7[%get3A_245, %get3A_246] {strides = array<i32>} : memref<8x128xi32, #tpu.memory_space<vmem>>, vector<1x16xi32>,
            %get3A_248 = vector.shape_cast %get3A_247 : vector<1x16xi32> to vector<16xi32>
            %ge3A = vector.broadcast %mul3A_45 : i32 to vector<16xi32>
            %ge3A_249 = arith.cmpi sge, %get3A_248, %ge3A : vector<16xi32>
            %add3A_250 = arith.constant 4736 : i32
            %add3A_251 = arith.addi %mul3A_45, %add3A_250 : i32
            %lt3A_252 = vector.broadcast %add3A_251 : i32 to vector<16xi32>
            %lt3A_253 = arith.cmpi slt, %get3A_248, %lt3A_252 : vector<16xi32>
            %and3A_254 = arith.andi %ge3A_249, %lt3A_253 : vector<16xi1>
            %sub3A_255 = vector.broadcast %mul3A_45 : i32 to vector<16xi32>
            %sub3A_256 = arith.subi %get3A_248, %sub3A_255 : vector<16xi32>
            %select_n3A_257 = arith.select %and3A_254, %sub3A_256, %add3A_56 : vector<16xi1>, vector<16xi32>
            %swap3A = arith.constant 7 : i32
            %swap3A_258 = arith.index_cast %swap3A : i32 to index
            %swap3A_259 = arith.index_cast %mul3A_239 : i32 to index
            %swap3A_260 = tpu.vector_load %arg9[%swap3A_258, %swap3A_259] {strides = array<i32>} : memref<8x128xi32, #tpu.memory_space<vmem>>, vector<1x16xi32>,
            %swap3A_261 = vector.shape_cast %swap3A_260 : vector<1x16xi32> to vector<16xi32>
            %swap3A_262 = vector.shape_cast %select_n3A_257 : vector<16xi32> to vector<1x16xi32>
            tpu.vector_store %arg9[%swap3A_258, %swap3A_259], %swap3A_262 {strides = array<i32>} : memref<8x128xi32, #tpu.memory_space<vmem>>, vector<1x16xi32>,
            %min3A = arith.constant 49999 : i32
            %min3A_263 = vector.broadcast %min3A : i32 to vector<16xi32>
            %min3A_264 = arith.minsi %get3A_243, %min3A_263 : vector<16xi32>
            %add3A_265 = vector.broadcast %mul3A_58 : i32 to vector<16xi32>
            %add3A_266 = arith.addi %min3A_264, %add3A_265 : vector<16xi32>
            %swap3A_267 = arith.constant 7 : i32
            %swap3A_268 = arith.index_cast %swap3A_267 : i32 to index
            %swap3A_269 = arith.index_cast %mul3A_239 : i32 to index
            %swap3A_270 = tpu.vector_load %arg8[%swap3A_268, %swap3A_269] {strides = array<i32>} : memref<8x128xi32, #tpu.memory_space<vmem>>, vector<1x16xi32>,
            %swap3A_271 = vector.shape_cast %swap3A_270 : vector<1x16xi32> to vector<16xi32>
            %swap3A_272 = vector.shape_cast %add3A_266 : vector<16xi32> to vector<1x16xi32>
            tpu.vector_store %arg8[%swap3A_268, %swap3A_269], %swap3A_272 {strides = array<i32>} : memref<8x128xi32, #tpu.memory_space<vmem>>, vector<1x16xi32>,
          }
          %scan3A_119 = arith.constant 8 : i32
          %dma_start3A = arith.constant 0 : i32
          %dma_start3A_120 = arith.constant 0 : i32
          %dma_start3A_121 = tpu.memref_slice %arg8[%dma_start3A, %dma_start3A_120] : memref<8x128xi32, #tpu.memory_space<vmem>> -> memref<1x128xi32, #tpu.memory_space<vmem>>
          %dma_start3A_122 = tpu.memref_squeeze %dma_start3A_121 : memref<1x128xi32, #tpu.memory_space<vmem>> -> memref<128xi32, #tpu.memory_space<vmem>>
          %dma_start3A_123 = arith.constant 0 : i32
          %dma_start3A_124 = arith.constant 0 : i32
          %dma_start3A_125 = tpu.memref_slice %arg2[%dma_start3A_123, %dma_start3A_124] : memref<150000x128xf32, #tpu.memory_space<hbm>> -> memref<150000x128xf32, #tpu.memory_space<hbm>>
          tpu.enqueue_indirect_dma source(%dma_start3A_125 : memref<150000x128xf32, #tpu.memory_space<hbm>>) target(%arg10 : memref<128x128xf32, #tpu.memory_space<vmem>>) offsets(%dma_start3A_122 : memref<128xi32, #tpu.memory_space<vmem>>) semaphore(%arg14 : memref<!tpu.dma_semaphore, #tpu.memory_space<semaphore_mem>>)
          %dma_wait3A = arith.constant 0 : i32
          %dma_wait3A_126 = arith.constant 0 : i32
          %dma_wait3A_127 = tpu.memref_slice %arg8[%dma_wait3A, %dma_wait3A_126] : memref<8x128xi32, #tpu.memory_space<vmem>> -> memref<1x128xi32, #tpu.memory_space<vmem>>
          %dma_wait3A_128 = tpu.memref_squeeze %dma_wait3A_127 : memref<1x128xi32, #tpu.memory_space<vmem>> -> memref<128xi32, #tpu.memory_space<vmem>>
          %dma_wait3A_129 = arith.constant 0 : i32
          %dma_wait3A_130 = arith.constant 0 : i32
          %dma_wait3A_131 = tpu.memref_slice %arg2[%dma_wait3A_129, %dma_wait3A_130] : memref<150000x128xf32, #tpu.memory_space<hbm>> -> memref<150000x128xf32, #tpu.memory_space<hbm>>
          tpu.wait_indirect_dma semaphore(%arg14 : memref<!tpu.dma_semaphore, #tpu.memory_space<semaphore_mem>>) src(%dma_wait3A_131 : memref<150000x128xf32, #tpu.memory_space<hbm>>) dst(%arg10 : memref<128x128xf32, #tpu.memory_space<vmem>>)
          %dma_start3A_132 = arith.constant 1 : i32
          %dma_start3A_133 = arith.constant 0 : i32
          %dma_start3A_134 = tpu.memref_slice %arg8[%dma_start3A_132, %dma_start3A_133] : memref<8x128xi32, #tpu.memory_space<vmem>> -> memref<1x128xi32, #tpu.memory_space<vmem>>
          %dma_start3A_135 = tpu.memref_squeeze %dma_start3A_134 : memref<1x128xi32, #tpu.memory_space<vmem>> -> memref<128xi32, #tpu.memory_space<vmem>>
          %dma_start3A_136 = arith.constant 0 : i32
          %dma_start3A_137 = arith.constant 0 : i32
          %dma_start3A_138 = tpu.memref_slice %arg2[%dma_start3A_136, %dma_start3A_137] : memref<150000x128xf32, #tpu.memory_space<hbm>> -> memref<150000x128xf32, #tpu.memory_space<hbm>>
          tpu.enqueue_indirect_dma source(%dma_start3A_138 : memref<150000x128xf32, #tpu.memory_space<hbm>>) target(%arg11 : memref<128x128xf32, #tpu.memory_space<vmem>>) offsets(%dma_start3A_135 : memref<128xi32, #tpu.memory_space<vmem>>) semaphore(%arg15 : memref<!tpu.dma_semaphore, #tpu.memory_space<semaphore_mem>>)
          %run_scoped3A = arith.constant 0 : i32
          "tpu.region"() ({
            %run_scoped3A_237 = tpu.sem_alloc : memref<!tpu.dma_semaphore, #tpu.memory_space<semaphore_mem>>
            %dma_start3A_238 = arith.constant 0 : i32
            %dma_start3A_239 = tpu.memref_slice %arg9[%run_scoped3A, %dma_start3A_238] : memref<8x128xi32, #tpu.memory_space<vmem>> -> memref<1x128xi32, #tpu.memory_space<vmem>>
            %dma_start3A_240 = tpu.memref_squeeze %dma_start3A_239 : memref<1x128xi32, #tpu.memory_space<vmem>> -> memref<128xi32, #tpu.memory_space<vmem>>
            %dma_start3A_241 = arith.constant 0 : i32
            %dma_start3A_242 = arith.constant 0 : i32
            %dma_start3A_243 = tpu.memref_slice %arg16[%dma_start3A_241, %dma_start3A_242] : memref<4752x128xf32, #tpu.memory_space<vmem_shared>> -> memref<4752x128xf32, #tpu.memory_space<vmem_shared>>
            tpu.enqueue_indirect_dma source(%arg10 : memref<128x128xf32, #tpu.memory_space<vmem>>) target(%dma_start3A_243 : memref<4752x128xf32, #tpu.memory_space<vmem_shared>>) offsets(%dma_start3A_240 : memref<128xi32, #tpu.memory_space<vmem>>) semaphore(%run_scoped3A_237 : memref<!tpu.dma_semaphore, #tpu.memory_space<semaphore_mem>>) {add = true}
            %dma_wait3A_244 = arith.constant 0 : i32
            %dma_wait3A_245 = tpu.memref_slice %arg9[%run_scoped3A, %dma_wait3A_244] : memref<8x128xi32, #tpu.memory_space<vmem>> -> memref<1x128xi32, #tpu.memory_space<vmem>>
            %dma_wait3A_246 = tpu.memref_squeeze %dma_wait3A_245 : memref<1x128xi32, #tpu.memory_space<vmem>> -> memref<128xi32, #tpu.memory_space<vmem>>
            %dma_wait3A_247 = arith.constant 0 : i32
            %dma_wait3A_248 = arith.constant 0 : i32
            %dma_wait3A_249 = tpu.memref_slice %arg16[%dma_wait3A_247, %dma_wait3A_248] : memref<4752x128xf32, #tpu.memory_space<vmem_shared>> -> memref<4752x128xf32, #tpu.memory_space<vmem_shared>>
            tpu.wait_indirect_dma semaphore(%run_scoped3A_237 : memref<!tpu.dma_semaphore, #tpu.memory_space<semaphore_mem>>) src(%arg10 : memref<128x128xf32, #tpu.memory_space<vmem>>) dst(%dma_wait3A_249 : memref<4752x128xf32, #tpu.memory_space<vmem_shared>>)
            tpu.yield
          }) : () -> ()
          %dma_wait3A_139 = arith.constant 1 : i32
          %dma_wait3A_140 = arith.constant 0 : i32
          %dma_wait3A_141 = tpu.memref_slice %arg8[%dma_wait3A_139, %dma_wait3A_140] : memref<8x128xi32, #tpu.memory_space<vmem>> -> memref<1x128xi32, #tpu.memory_space<vmem>>
          %dma_wait3A_142 = tpu.memref_squeeze %dma_wait3A_141 : memref<1x128xi32, #tpu.memory_space<vmem>> -> memref<128xi32, #tpu.memory_space<vmem>>
          %dma_wait3A_143 = arith.constant 0 : i32
          %dma_wait3A_144 = arith.constant 0 : i32
          %dma_wait3A_145 = tpu.memref_slice %arg2[%dma_wait3A_143, %dma_wait3A_144] : memref<150000x128xf32, #tpu.memory_space<hbm>> -> memref<150000x128xf32, #tpu.memory_space<hbm>>
          tpu.wait_indirect_dma semaphore(%arg15 : memref<!tpu.dma_semaphore, #tpu.memory_space<semaphore_mem>>) src(%dma_wait3A_145 : memref<150000x128xf32, #tpu.memory_space<hbm>>) dst(%arg11 : memref<128x128xf32, #tpu.memory_space<vmem>>)
          %dma_start3A_146 = arith.constant 2 : i32
          %dma_start3A_147 = arith.constant 0 : i32
          %dma_start3A_148 = tpu.memref_slice %arg8[%dma_start3A_146, %dma_start3A_147] : memref<8x128xi32, #tpu.memory_space<vmem>> -> memref<1x128xi32, #tpu.memory_space<vmem>>
          %dma_start3A_149 = tpu.memref_squeeze %dma_start3A_148 : memref<1x128xi32, #tpu.memory_space<vmem>> -> memref<128xi32, #tpu.memory_space<vmem>>
          %dma_start3A_150 = arith.constant 0 : i32
          %dma_start3A_151 = arith.constant 0 : i32
          %dma_start3A_152 = tpu.memref_slice %arg2[%dma_start3A_150, %dma_start3A_151] : memref<150000x128xf32, #tpu.memory_space<hbm>> -> memref<150000x128xf32, #tpu.memory_space<hbm>>
          tpu.enqueue_indirect_dma source(%dma_start3A_152 : memref<150000x128xf32, #tpu.memory_space<hbm>>) target(%arg10 : memref<128x128xf32, #tpu.memory_space<vmem>>) offsets(%dma_start3A_149 : memref<128xi32, #tpu.memory_space<vmem>>) semaphore(%arg14 : memref<!tpu.dma_semaphore, #tpu.memory_space<semaphore_mem>>)
          %run_scoped3A_153 = arith.constant 1 : i32
          "tpu.region"() ({
            %run_scoped3A_237 = tpu.sem_alloc : memref<!tpu.dma_semaphore, #tpu.memory_space<semaphore_mem>>
            %dma_start3A_238 = arith.constant 0 : i32
            %dma_start3A_239 = tpu.memref_slice %arg9[%run_scoped3A_153, %dma_start3A_238] : memref<8x128xi32, #tpu.memory_space<vmem>> -> memref<1x128xi32, #tpu.memory_space<vmem>>
            %dma_start3A_240 = tpu.memref_squeeze %dma_start3A_239 : memref<1x128xi32, #tpu.memory_space<vmem>> -> memref<128xi32, #tpu.memory_space<vmem>>
            %dma_start3A_241 = arith.constant 0 : i32
            %dma_start3A_242 = arith.constant 0 : i32
            %dma_start3A_243 = tpu.memref_slice %arg16[%dma_start3A_241, %dma_start3A_242] : memref<4752x128xf32, #tpu.memory_space<vmem_shared>> -> memref<4752x128xf32, #tpu.memory_space<vmem_shared>>
            tpu.enqueue_indirect_dma source(%arg11 : memref<128x128xf32, #tpu.memory_space<vmem>>) target(%dma_start3A_243 : memref<4752x128xf32, #tpu.memory_space<vmem_shared>>) offsets(%dma_start3A_240 : memref<128xi32, #tpu.memory_space<vmem>>) semaphore(%run_scoped3A_237 : memref<!tpu.dma_semaphore, #tpu.memory_space<semaphore_mem>>) {add = true}
            %dma_wait3A_244 = arith.constant 0 : i32
            %dma_wait3A_245 = tpu.memref_slice %arg9[%run_scoped3A_153, %dma_wait3A_244] : memref<8x128xi32, #tpu.memory_space<vmem>> -> memref<1x128xi32, #tpu.memory_space<vmem>>
            %dma_wait3A_246 = tpu.memref_squeeze %dma_wait3A_245 : memref<1x128xi32, #tpu.memory_space<vmem>> -> memref<128xi32, #tpu.memory_space<vmem>>
            %dma_wait3A_247 = arith.constant 0 : i32
            %dma_wait3A_248 = arith.constant 0 : i32
            %dma_wait3A_249 = tpu.memref_slice %arg16[%dma_wait3A_247, %dma_wait3A_248] : memref<4752x128xf32, #tpu.memory_space<vmem_shared>> -> memref<4752x128xf32, #tpu.memory_space<vmem_shared>>
            tpu.wait_indirect_dma semaphore(%run_scoped3A_237 : memref<!tpu.dma_semaphore, #tpu.memory_space<semaphore_mem>>) src(%arg11 : memref<128x128xf32, #tpu.memory_space<vmem>>) dst(%dma_wait3A_249 : memref<4752x128xf32, #tpu.memory_space<vmem_shared>>)
            tpu.yield
          }) : () -> ()
          %dma_wait3A_154 = arith.constant 2 : i32
          %dma_wait3A_155 = arith.constant 0 : i32
          %dma_wait3A_156 = tpu.memref_slice %arg8[%dma_wait3A_154, %dma_wait3A_155] : memref<8x128xi32, #tpu.memory_space<vmem>> -> memref<1x128xi32, #tpu.memory_space<vmem>>
          %dma_wait3A_157 = tpu.memref_squeeze %dma_wait3A_156 : memref<1x128xi32, #tpu.memory_space<vmem>> -> memref<128xi32, #tpu.memory_space<vmem>>
          %dma_wait3A_158 = arith.constant 0 : i32
          %dma_wait3A_159 = arith.constant 0 : i32
          %dma_wait3A_160 = tpu.memref_slice %arg2[%dma_wait3A_158, %dma_wait3A_159] : memref<150000x128xf32, #tpu.memory_space<hbm>> -> memref<150000x128xf32, #tpu.memory_space<hbm>>
          tpu.wait_indirect_dma semaphore(%arg14 : memref<!tpu.dma_semaphore, #tpu.memory_space<semaphore_mem>>) src(%dma_wait3A_160 : memref<150000x128xf32, #tpu.memory_space<hbm>>) dst(%arg10 : memref<128x128xf32, #tpu.memory_space<vmem>>)
          %dma_start3A_161 = arith.constant 3 : i32
          %dma_start3A_162 = arith.constant 0 : i32
          %dma_start3A_163 = tpu.memref_slice %arg8[%dma_start3A_161, %dma_start3A_162] : memref<8x128xi32, #tpu.memory_space<vmem>> -> memref<1x128xi32, #tpu.memory_space<vmem>>
          %dma_start3A_164 = tpu.memref_squeeze %dma_start3A_163 : memref<1x128xi32, #tpu.memory_space<vmem>> -> memref<128xi32, #tpu.memory_space<vmem>>
          %dma_start3A_165 = arith.constant 0 : i32
          %dma_start3A_166 = arith.constant 0 : i32
          %dma_start3A_167 = tpu.memref_slice %arg2[%dma_start3A_165, %dma_start3A_166] : memref<150000x128xf32, #tpu.memory_space<hbm>> -> memref<150000x128xf32, #tpu.memory_space<hbm>>
          tpu.enqueue_indirect_dma source(%dma_start3A_167 : memref<150000x128xf32, #tpu.memory_space<hbm>>) target(%arg11 : memref<128x128xf32, #tpu.memory_space<vmem>>) offsets(%dma_start3A_164 : memref<128xi32, #tpu.memory_space<vmem>>) semaphore(%arg15 : memref<!tpu.dma_semaphore, #tpu.memory_space<semaphore_mem>>)
          %run_scoped3A_168 = arith.constant 2 : i32
          "tpu.region"() ({
            %run_scoped3A_237 = tpu.sem_alloc : memref<!tpu.dma_semaphore, #tpu.memory_space<semaphore_mem>>
            %dma_start3A_238 = arith.constant 0 : i32
            %dma_start3A_239 = tpu.memref_slice %arg9[%run_scoped3A_168, %dma_start3A_238] : memref<8x128xi32, #tpu.memory_space<vmem>> -> memref<1x128xi32, #tpu.memory_space<vmem>>
            %dma_start3A_240 = tpu.memref_squeeze %dma_start3A_239 : memref<1x128xi32, #tpu.memory_space<vmem>> -> memref<128xi32, #tpu.memory_space<vmem>>
            %dma_start3A_241 = arith.constant 0 : i32
            %dma_start3A_242 = arith.constant 0 : i32
            %dma_start3A_243 = tpu.memref_slice %arg16[%dma_start3A_241, %dma_start3A_242] : memref<4752x128xf32, #tpu.memory_space<vmem_shared>> -> memref<4752x128xf32, #tpu.memory_space<vmem_shared>>
            tpu.enqueue_indirect_dma source(%arg10 : memref<128x128xf32, #tpu.memory_space<vmem>>) target(%dma_start3A_243 : memref<4752x128xf32, #tpu.memory_space<vmem_shared>>) offsets(%dma_start3A_240 : memref<128xi32, #tpu.memory_space<vmem>>) semaphore(%run_scoped3A_237 : memref<!tpu.dma_semaphore, #tpu.memory_space<semaphore_mem>>) {add = true}
            %dma_wait3A_244 = arith.constant 0 : i32
            %dma_wait3A_245 = tpu.memref_slice %arg9[%run_scoped3A_168, %dma_wait3A_244] : memref<8x128xi32, #tpu.memory_space<vmem>> -> memref<1x128xi32, #tpu.memory_space<vmem>>
            %dma_wait3A_246 = tpu.memref_squeeze %dma_wait3A_245 : memref<1x128xi32, #tpu.memory_space<vmem>> -> memref<128xi32, #tpu.memory_space<vmem>>
            %dma_wait3A_247 = arith.constant 0 : i32
            %dma_wait3A_248 = arith.constant 0 : i32
            %dma_wait3A_249 = tpu.memref_slice %arg16[%dma_wait3A_247, %dma_wait3A_248] : memref<4752x128xf32, #tpu.memory_space<vmem_shared>> -> memref<4752x128xf32, #tpu.memory_space<vmem_shared>>
            tpu.wait_indirect_dma semaphore(%run_scoped3A_237 : memref<!tpu.dma_semaphore, #tpu.memory_space<semaphore_mem>>) src(%arg10 : memref<128x128xf32, #tpu.memory_space<vmem>>) dst(%dma_wait3A_249 : memref<4752x128xf32, #tpu.memory_space<vmem_shared>>)
            tpu.yield
          }) : () -> ()
          %dma_wait3A_169 = arith.constant 3 : i32
          %dma_wait3A_170 = arith.constant 0 : i32
          %dma_wait3A_171 = tpu.memref_slice %arg8[%dma_wait3A_169, %dma_wait3A_170] : memref<8x128xi32, #tpu.memory_space<vmem>> -> memref<1x128xi32, #tpu.memory_space<vmem>>
          %dma_wait3A_172 = tpu.memref_squeeze %dma_wait3A_171 : memref<1x128xi32, #tpu.memory_space<vmem>> -> memref<128xi32, #tpu.memory_space<vmem>>
          %dma_wait3A_173 = arith.constant 0 : i32
          %dma_wait3A_174 = arith.constant 0 : i32
          %dma_wait3A_175 = tpu.memref_slice %arg2[%dma_wait3A_173, %dma_wait3A_174] : memref<150000x128xf32, #tpu.memory_space<hbm>> -> memref<150000x128xf32, #tpu.memory_space<hbm>>
          tpu.wait_indirect_dma semaphore(%arg15 : memref<!tpu.dma_semaphore, #tpu.memory_space<semaphore_mem>>) src(%dma_wait3A_175 : memref<150000x128xf32, #tpu.memory_space<hbm>>) dst(%arg11 : memref<128x128xf32, #tpu.memory_space<vmem>>)
          %dma_start3A_176 = arith.constant 4 : i32
          %dma_start3A_177 = arith.constant 0 : i32
          %dma_start3A_178 = tpu.memref_slice %arg8[%dma_start3A_176, %dma_start3A_177] : memref<8x128xi32, #tpu.memory_space<vmem>> -> memref<1x128xi32, #tpu.memory_space<vmem>>
          %dma_start3A_179 = tpu.memref_squeeze %dma_start3A_178 : memref<1x128xi32, #tpu.memory_space<vmem>> -> memref<128xi32, #tpu.memory_space<vmem>>
          %dma_start3A_180 = arith.constant 0 : i32
          %dma_start3A_181 = arith.constant 0 : i32
          %dma_start3A_182 = tpu.memref_slice %arg2[%dma_start3A_180, %dma_start3A_181] : memref<150000x128xf32, #tpu.memory_space<hbm>> -> memref<150000x128xf32, #tpu.memory_space<hbm>>
          tpu.enqueue_indirect_dma source(%dma_start3A_182 : memref<150000x128xf32, #tpu.memory_space<hbm>>) target(%arg10 : memref<128x128xf32, #tpu.memory_space<vmem>>) offsets(%dma_start3A_179 : memref<128xi32, #tpu.memory_space<vmem>>) semaphore(%arg14 : memref<!tpu.dma_semaphore, #tpu.memory_space<semaphore_mem>>)
          %run_scoped3A_183 = arith.constant 3 : i32
          "tpu.region"() ({
            %run_scoped3A_237 = tpu.sem_alloc : memref<!tpu.dma_semaphore, #tpu.memory_space<semaphore_mem>>
            %dma_start3A_238 = arith.constant 0 : i32
            %dma_start3A_239 = tpu.memref_slice %arg9[%run_scoped3A_183, %dma_start3A_238] : memref<8x128xi32, #tpu.memory_space<vmem>> -> memref<1x128xi32, #tpu.memory_space<vmem>>
            %dma_start3A_240 = tpu.memref_squeeze %dma_start3A_239 : memref<1x128xi32, #tpu.memory_space<vmem>> -> memref<128xi32, #tpu.memory_space<vmem>>
            %dma_start3A_241 = arith.constant 0 : i32
            %dma_start3A_242 = arith.constant 0 : i32
            %dma_start3A_243 = tpu.memref_slice %arg16[%dma_start3A_241, %dma_start3A_242] : memref<4752x128xf32, #tpu.memory_space<vmem_shared>> -> memref<4752x128xf32, #tpu.memory_space<vmem_shared>>
            tpu.enqueue_indirect_dma source(%arg11 : memref<128x128xf32, #tpu.memory_space<vmem>>) target(%dma_start3A_243 : memref<4752x128xf32, #tpu.memory_space<vmem_shared>>) offsets(%dma_start3A_240 : memref<128xi32, #tpu.memory_space<vmem>>) semaphore(%run_scoped3A_237 : memref<!tpu.dma_semaphore, #tpu.memory_space<semaphore_mem>>) {add = true}
            %dma_wait3A_244 = arith.constant 0 : i32
            %dma_wait3A_245 = tpu.memref_slice %arg9[%run_scoped3A_183, %dma_wait3A_244] : memref<8x128xi32, #tpu.memory_space<vmem>> -> memref<1x128xi32, #tpu.memory_space<vmem>>
            %dma_wait3A_246 = tpu.memref_squeeze %dma_wait3A_245 : memref<1x128xi32, #tpu.memory_space<vmem>> -> memref<128xi32, #tpu.memory_space<vmem>>
            %dma_wait3A_247 = arith.constant 0 : i32
            %dma_wait3A_248 = arith.constant 0 : i32
            %dma_wait3A_249 = tpu.memref_slice %arg16[%dma_wait3A_247, %dma_wait3A_248] : memref<4752x128xf32, #tpu.memory_space<vmem_shared>> -> memref<4752x128xf32, #tpu.memory_space<vmem_shared>>
            tpu.wait_indirect_dma semaphore(%run_scoped3A_237 : memref<!tpu.dma_semaphore, #tpu.memory_space<semaphore_mem>>) src(%arg11 : memref<128x128xf32, #tpu.memory_space<vmem>>) dst(%dma_wait3A_249 : memref<4752x128xf32, #tpu.memory_space<vmem_shared>>)
            tpu.yield
          }) : () -> ()
          %dma_wait3A_184 = arith.constant 4 : i32
          %dma_wait3A_185 = arith.constant 0 : i32
          %dma_wait3A_186 = tpu.memref_slice %arg8[%dma_wait3A_184, %dma_wait3A_185] : memref<8x128xi32, #tpu.memory_space<vmem>> -> memref<1x128xi32, #tpu.memory_space<vmem>>
          %dma_wait3A_187 = tpu.memref_squeeze %dma_wait3A_186 : memref<1x128xi32, #tpu.memory_space<vmem>> -> memref<128xi32, #tpu.memory_space<vmem>>
          %dma_wait3A_188 = arith.constant 0 : i32
          %dma_wait3A_189 = arith.constant 0 : i32
          %dma_wait3A_190 = tpu.memref_slice %arg2[%dma_wait3A_188, %dma_wait3A_189] : memref<150000x128xf32, #tpu.memory_space<hbm>> -> memref<150000x128xf32, #tpu.memory_space<hbm>>
          tpu.wait_indirect_dma semaphore(%arg14 : memref<!tpu.dma_semaphore, #tpu.memory_space<semaphore_mem>>) src(%dma_wait3A_190 : memref<150000x128xf32, #tpu.memory_space<hbm>>) dst(%arg10 : memref<128x128xf32, #tpu.memory_space<vmem>>)
          %dma_start3A_191 = arith.constant 5 : i32
          %dma_start3A_192 = arith.constant 0 : i32
          %dma_start3A_193 = tpu.memref_slice %arg8[%dma_start3A_191, %dma_start3A_192] : memref<8x128xi32, #tpu.memory_space<vmem>> -> memref<1x128xi32, #tpu.memory_space<vmem>>
          %dma_start3A_194 = tpu.memref_squeeze %dma_start3A_193 : memref<1x128xi32, #tpu.memory_space<vmem>> -> memref<128xi32, #tpu.memory_space<vmem>>
          %dma_start3A_195 = arith.constant 0 : i32
          %dma_start3A_196 = arith.constant 0 : i32
          %dma_start3A_197 = tpu.memref_slice %arg2[%dma_start3A_195, %dma_start3A_196] : memref<150000x128xf32, #tpu.memory_space<hbm>> -> memref<150000x128xf32, #tpu.memory_space<hbm>>
          tpu.enqueue_indirect_dma source(%dma_start3A_197 : memref<150000x128xf32, #tpu.memory_space<hbm>>) target(%arg11 : memref<128x128xf32, #tpu.memory_space<vmem>>) offsets(%dma_start3A_194 : memref<128xi32, #tpu.memory_space<vmem>>) semaphore(%arg15 : memref<!tpu.dma_semaphore, #tpu.memory_space<semaphore_mem>>)
          %run_scoped3A_198 = arith.constant 4 : i32
          "tpu.region"() ({
            %run_scoped3A_237 = tpu.sem_alloc : memref<!tpu.dma_semaphore, #tpu.memory_space<semaphore_mem>>
            %dma_start3A_238 = arith.constant 0 : i32
            %dma_start3A_239 = tpu.memref_slice %arg9[%run_scoped3A_198, %dma_start3A_238] : memref<8x128xi32, #tpu.memory_space<vmem>> -> memref<1x128xi32, #tpu.memory_space<vmem>>
            %dma_start3A_240 = tpu.memref_squeeze %dma_start3A_239 : memref<1x128xi32, #tpu.memory_space<vmem>> -> memref<128xi32, #tpu.memory_space<vmem>>
            %dma_start3A_241 = arith.constant 0 : i32
            %dma_start3A_242 = arith.constant 0 : i32
            %dma_start3A_243 = tpu.memref_slice %arg16[%dma_start3A_241, %dma_start3A_242] : memref<4752x128xf32, #tpu.memory_space<vmem_shared>> -> memref<4752x128xf32, #tpu.memory_space<vmem_shared>>
            tpu.enqueue_indirect_dma source(%arg10 : memref<128x128xf32, #tpu.memory_space<vmem>>) target(%dma_start3A_243 : memref<4752x128xf32, #tpu.memory_space<vmem_shared>>) offsets(%dma_start3A_240 : memref<128xi32, #tpu.memory_space<vmem>>) semaphore(%run_scoped3A_237 : memref<!tpu.dma_semaphore, #tpu.memory_space<semaphore_mem>>) {add = true}
            %dma_wait3A_244 = arith.constant 0 : i32
            %dma_wait3A_245 = tpu.memref_slice %arg9[%run_scoped3A_198, %dma_wait3A_244] : memref<8x128xi32, #tpu.memory_space<vmem>> -> memref<1x128xi32, #tpu.memory_space<vmem>>
            %dma_wait3A_246 = tpu.memref_squeeze %dma_wait3A_245 : memref<1x128xi32, #tpu.memory_space<vmem>> -> memref<128xi32, #tpu.memory_space<vmem>>
            %dma_wait3A_247 = arith.constant 0 : i32
            %dma_wait3A_248 = arith.constant 0 : i32
            %dma_wait3A_249 = tpu.memref_slice %arg16[%dma_wait3A_247, %dma_wait3A_248] : memref<4752x128xf32, #tpu.memory_space<vmem_shared>> -> memref<4752x128xf32, #tpu.memory_space<vmem_shared>>
            tpu.wait_indirect_dma semaphore(%run_scoped3A_237 : memref<!tpu.dma_semaphore, #tpu.memory_space<semaphore_mem>>) src(%arg10 : memref<128x128xf32, #tpu.memory_space<vmem>>) dst(%dma_wait3A_249 : memref<4752x128xf32, #tpu.memory_space<vmem_shared>>)
            tpu.yield
          }) : () -> ()
          %dma_wait3A_199 = arith.constant 5 : i32
          %dma_wait3A_200 = arith.constant 0 : i32
          %dma_wait3A_201 = tpu.memref_slice %arg8[%dma_wait3A_199, %dma_wait3A_200] : memref<8x128xi32, #tpu.memory_space<vmem>> -> memref<1x128xi32, #tpu.memory_space<vmem>>
          %dma_wait3A_202 = tpu.memref_squeeze %dma_wait3A_201 : memref<1x128xi32, #tpu.memory_space<vmem>> -> memref<128xi32, #tpu.memory_space<vmem>>
          %dma_wait3A_203 = arith.constant 0 : i32
          %dma_wait3A_204 = arith.constant 0 : i32
          %dma_wait3A_205 = tpu.memref_slice %arg2[%dma_wait3A_203, %dma_wait3A_204] : memref<150000x128xf32, #tpu.memory_space<hbm>> -> memref<150000x128xf32, #tpu.memory_space<hbm>>
          tpu.wait_indirect_dma semaphore(%arg15 : memref<!tpu.dma_semaphore, #tpu.memory_space<semaphore_mem>>) src(%dma_wait3A_205 : memref<150000x128xf32, #tpu.memory_space<hbm>>) dst(%arg11 : memref<128x128xf32, #tpu.memory_space<vmem>>)
          %dma_start3A_206 = arith.constant 6 : i32
          %dma_start3A_207 = arith.constant 0 : i32
          %dma_start3A_208 = tpu.memref_slice %arg8[%dma_start3A_206, %dma_start3A_207] : memref<8x128xi32, #tpu.memory_space<vmem>> -> memref<1x128xi32, #tpu.memory_space<vmem>>
          %dma_start3A_209 = tpu.memref_squeeze %dma_start3A_208 : memref<1x128xi32, #tpu.memory_space<vmem>> -> memref<128xi32, #tpu.memory_space<vmem>>
          %dma_start3A_210 = arith.constant 0 : i32
          %dma_start3A_211 = arith.constant 0 : i32
          %dma_start3A_212 = tpu.memref_slice %arg2[%dma_start3A_210, %dma_start3A_211] : memref<150000x128xf32, #tpu.memory_space<hbm>> -> memref<150000x128xf32, #tpu.memory_space<hbm>>
          tpu.enqueue_indirect_dma source(%dma_start3A_212 : memref<150000x128xf32, #tpu.memory_space<hbm>>) target(%arg10 : memref<128x128xf32, #tpu.memory_space<vmem>>) offsets(%dma_start3A_209 : memref<128xi32, #tpu.memory_space<vmem>>) semaphore(%arg14 : memref<!tpu.dma_semaphore, #tpu.memory_space<semaphore_mem>>)
          %run_scoped3A_213 = arith.constant 5 : i32
          "tpu.region"() ({
            %run_scoped3A_237 = tpu.sem_alloc : memref<!tpu.dma_semaphore, #tpu.memory_space<semaphore_mem>>
            %dma_start3A_238 = arith.constant 0 : i32
            %dma_start3A_239 = tpu.memref_slice %arg9[%run_scoped3A_213, %dma_start3A_238] : memref<8x128xi32, #tpu.memory_space<vmem>> -> memref<1x128xi32, #tpu.memory_space<vmem>>
            %dma_start3A_240 = tpu.memref_squeeze %dma_start3A_239 : memref<1x128xi32, #tpu.memory_space<vmem>> -> memref<128xi32, #tpu.memory_space<vmem>>
            %dma_start3A_241 = arith.constant 0 : i32
            %dma_start3A_242 = arith.constant 0 : i32
            %dma_start3A_243 = tpu.memref_slice %arg16[%dma_start3A_241, %dma_start3A_242] : memref<4752x128xf32, #tpu.memory_space<vmem_shared>> -> memref<4752x128xf32, #tpu.memory_space<vmem_shared>>
            tpu.enqueue_indirect_dma source(%arg11 : memref<128x128xf32, #tpu.memory_space<vmem>>) target(%dma_start3A_243 : memref<4752x128xf32, #tpu.memory_space<vmem_shared>>) offsets(%dma_start3A_240 : memref<128xi32, #tpu.memory_space<vmem>>) semaphore(%run_scoped3A_237 : memref<!tpu.dma_semaphore, #tpu.memory_space<semaphore_mem>>) {add = true}
            %dma_wait3A_244 = arith.constant 0 : i32
            %dma_wait3A_245 = tpu.memref_slice %arg9[%run_scoped3A_213, %dma_wait3A_244] : memref<8x128xi32, #tpu.memory_space<vmem>> -> memref<1x128xi32, #tpu.memory_space<vmem>>
            %dma_wait3A_246 = tpu.memref_squeeze %dma_wait3A_245 : memref<1x128xi32, #tpu.memory_space<vmem>> -> memref<128xi32, #tpu.memory_space<vmem>>
            %dma_wait3A_247 = arith.constant 0 : i32
            %dma_wait3A_248 = arith.constant 0 : i32
            %dma_wait3A_249 = tpu.memref_slice %arg16[%dma_wait3A_247, %dma_wait3A_248] : memref<4752x128xf32, #tpu.memory_space<vmem_shared>> -> memref<4752x128xf32, #tpu.memory_space<vmem_shared>>
            tpu.wait_indirect_dma semaphore(%run_scoped3A_237 : memref<!tpu.dma_semaphore, #tpu.memory_space<semaphore_mem>>) src(%arg11 : memref<128x128xf32, #tpu.memory_space<vmem>>) dst(%dma_wait3A_249 : memref<4752x128xf32, #tpu.memory_space<vmem_shared>>)
            tpu.yield
          }) : () -> ()
          %dma_wait3A_214 = arith.constant 6 : i32
          %dma_wait3A_215 = arith.constant 0 : i32
          %dma_wait3A_216 = tpu.memref_slice %arg8[%dma_wait3A_214, %dma_wait3A_215] : memref<8x128xi32, #tpu.memory_space<vmem>> -> memref<1x128xi32, #tpu.memory_space<vmem>>
          %dma_wait3A_217 = tpu.memref_squeeze %dma_wait3A_216 : memref<1x128xi32, #tpu.memory_space<vmem>> -> memref<128xi32, #tpu.memory_space<vmem>>
          %dma_wait3A_218 = arith.constant 0 : i32
          %dma_wait3A_219 = arith.constant 0 : i32
          %dma_wait3A_220 = tpu.memref_slice %arg2[%dma_wait3A_218, %dma_wait3A_219] : memref<150000x128xf32, #tpu.memory_space<hbm>> -> memref<150000x128xf32, #tpu.memory_space<hbm>>
          tpu.wait_indirect_dma semaphore(%arg14 : memref<!tpu.dma_semaphore, #tpu.memory_space<semaphore_mem>>) src(%dma_wait3A_220 : memref<150000x128xf32, #tpu.memory_space<hbm>>) dst(%arg10 : memref<128x128xf32, #tpu.memory_space<vmem>>)
          %dma_start3A_221 = arith.constant 7 : i32
          %dma_start3A_222 = arith.constant 0 : i32
          %dma_start3A_223 = tpu.memref_slice %arg8[%dma_start3A_221, %dma_start3A_222] : memref<8x128xi32, #tpu.memory_space<vmem>> -> memref<1x128xi32, #tpu.memory_space<vmem>>
          %dma_start3A_224 = tpu.memref_squeeze %dma_start3A_223 : memref<1x128xi32, #tpu.memory_space<vmem>> -> memref<128xi32, #tpu.memory_space<vmem>>
          %dma_start3A_225 = arith.constant 0 : i32
          %dma_start3A_226 = arith.constant 0 : i32
          %dma_start3A_227 = tpu.memref_slice %arg2[%dma_start3A_225, %dma_start3A_226] : memref<150000x128xf32, #tpu.memory_space<hbm>> -> memref<150000x128xf32, #tpu.memory_space<hbm>>
          tpu.enqueue_indirect_dma source(%dma_start3A_227 : memref<150000x128xf32, #tpu.memory_space<hbm>>) target(%arg11 : memref<128x128xf32, #tpu.memory_space<vmem>>) offsets(%dma_start3A_224 : memref<128xi32, #tpu.memory_space<vmem>>) semaphore(%arg15 : memref<!tpu.dma_semaphore, #tpu.memory_space<semaphore_mem>>)
          %run_scoped3A_228 = arith.constant 6 : i32
          "tpu.region"() ({
            %run_scoped3A_237 = tpu.sem_alloc : memref<!tpu.dma_semaphore, #tpu.memory_space<semaphore_mem>>
            %dma_start3A_238 = arith.constant 0 : i32
            %dma_start3A_239 = tpu.memref_slice %arg9[%run_scoped3A_228, %dma_start3A_238] : memref<8x128xi32, #tpu.memory_space<vmem>> -> memref<1x128xi32, #tpu.memory_space<vmem>>
            %dma_start3A_240 = tpu.memref_squeeze %dma_start3A_239 : memref<1x128xi32, #tpu.memory_space<vmem>> -> memref<128xi32, #tpu.memory_space<vmem>>
            %dma_start3A_241 = arith.constant 0 : i32
            %dma_start3A_242 = arith.constant 0 : i32
            %dma_start3A_243 = tpu.memref_slice %arg16[%dma_start3A_241, %dma_start3A_242] : memref<4752x128xf32, #tpu.memory_space<vmem_shared>> -> memref<4752x128xf32, #tpu.memory_space<vmem_shared>>
            tpu.enqueue_indirect_dma source(%arg10 : memref<128x128xf32, #tpu.memory_space<vmem>>) target(%dma_start3A_243 : memref<4752x128xf32, #tpu.memory_space<vmem_shared>>) offsets(%dma_start3A_240 : memref<128xi32, #tpu.memory_space<vmem>>) semaphore(%run_scoped3A_237 : memref<!tpu.dma_semaphore, #tpu.memory_space<semaphore_mem>>) {add = true}
            %dma_wait3A_244 = arith.constant 0 : i32
            %dma_wait3A_245 = tpu.memref_slice %arg9[%run_scoped3A_228, %dma_wait3A_244] : memref<8x128xi32, #tpu.memory_space<vmem>> -> memref<1x128xi32, #tpu.memory_space<vmem>>
            %dma_wait3A_246 = tpu.memref_squeeze %dma_wait3A_245 : memref<1x128xi32, #tpu.memory_space<vmem>> -> memref<128xi32, #tpu.memory_space<vmem>>
            %dma_wait3A_247 = arith.constant 0 : i32
            %dma_wait3A_248 = arith.constant 0 : i32
            %dma_wait3A_249 = tpu.memref_slice %arg16[%dma_wait3A_247, %dma_wait3A_248] : memref<4752x128xf32, #tpu.memory_space<vmem_shared>> -> memref<4752x128xf32, #tpu.memory_space<vmem_shared>>
            tpu.wait_indirect_dma semaphore(%run_scoped3A_237 : memref<!tpu.dma_semaphore, #tpu.memory_space<semaphore_mem>>) src(%arg10 : memref<128x128xf32, #tpu.memory_space<vmem>>) dst(%dma_wait3A_249 : memref<4752x128xf32, #tpu.memory_space<vmem_shared>>)
            tpu.yield
          }) : () -> ()
          %dma_wait3A_229 = arith.constant 7 : i32
          %dma_wait3A_230 = arith.constant 0 : i32
          %dma_wait3A_231 = tpu.memref_slice %arg8[%dma_wait3A_229, %dma_wait3A_230] : memref<8x128xi32, #tpu.memory_space<vmem>> -> memref<1x128xi32, #tpu.memory_space<vmem>>
          %dma_wait3A_232 = tpu.memref_squeeze %dma_wait3A_231 : memref<1x128xi32, #tpu.memory_space<vmem>> -> memref<128xi32, #tpu.memory_space<vmem>>
          %dma_wait3A_233 = arith.constant 0 : i32
          %dma_wait3A_234 = arith.constant 0 : i32
          %dma_wait3A_235 = tpu.memref_slice %arg2[%dma_wait3A_233, %dma_wait3A_234] : memref<150000x128xf32, #tpu.memory_space<hbm>> -> memref<150000x128xf32, #tpu.memory_space<hbm>>
          tpu.wait_indirect_dma semaphore(%arg15 : memref<!tpu.dma_semaphore, #tpu.memory_space<semaphore_mem>>) src(%dma_wait3A_235 : memref<150000x128xf32, #tpu.memory_space<hbm>>) dst(%arg11 : memref<128x128xf32, #tpu.memory_space<vmem>>)
          %run_scoped3A_236 = arith.constant 7 : i32
          "tpu.region"() ({
            %run_scoped3A_237 = tpu.sem_alloc : memref<!tpu.dma_semaphore, #tpu.memory_space<semaphore_mem>>
            %dma_start3A_238 = arith.constant 0 : i32
            %dma_start3A_239 = tpu.memref_slice %arg9[%run_scoped3A_236, %dma_start3A_238] : memref<8x128xi32, #tpu.memory_space<vmem>> -> memref<1x128xi32, #tpu.memory_space<vmem>>
            %dma_start3A_240 = tpu.memref_squeeze %dma_start3A_239 : memref<1x128xi32, #tpu.memory_space<vmem>> -> memref<128xi32, #tpu.memory_space<vmem>>
            %dma_start3A_241 = arith.constant 0 : i32
            %dma_start3A_242 = arith.constant 0 : i32
            %dma_start3A_243 = tpu.memref_slice %arg16[%dma_start3A_241, %dma_start3A_242] : memref<4752x128xf32, #tpu.memory_space<vmem_shared>> -> memref<4752x128xf32, #tpu.memory_space<vmem_shared>>
            tpu.enqueue_indirect_dma source(%arg11 : memref<128x128xf32, #tpu.memory_space<vmem>>) target(%dma_start3A_243 : memref<4752x128xf32, #tpu.memory_space<vmem_shared>>) offsets(%dma_start3A_240 : memref<128xi32, #tpu.memory_space<vmem>>) semaphore(%run_scoped3A_237 : memref<!tpu.dma_semaphore, #tpu.memory_space<semaphore_mem>>) {add = true}
            %dma_wait3A_244 = arith.constant 0 : i32
            %dma_wait3A_245 = tpu.memref_slice %arg9[%run_scoped3A_236, %dma_wait3A_244] : memref<8x128xi32, #tpu.memory_space<vmem>> -> memref<1x128xi32, #tpu.memory_space<vmem>>
            %dma_wait3A_246 = tpu.memref_squeeze %dma_wait3A_245 : memref<1x128xi32, #tpu.memory_space<vmem>> -> memref<128xi32, #tpu.memory_space<vmem>>
            %dma_wait3A_247 = arith.constant 0 : i32
            %dma_wait3A_248 = arith.constant 0 : i32
            %dma_wait3A_249 = tpu.memref_slice %arg16[%dma_wait3A_247, %dma_wait3A_248] : memref<4752x128xf32, #tpu.memory_space<vmem_shared>> -> memref<4752x128xf32, #tpu.memory_space<vmem_shared>>
            tpu.wait_indirect_dma semaphore(%run_scoped3A_237 : memref<!tpu.dma_semaphore, #tpu.memory_space<semaphore_mem>>) src(%arg11 : memref<128x128xf32, #tpu.memory_space<vmem>>) dst(%dma_wait3A_249 : memref<4752x128xf32, #tpu.memory_space<vmem_shared>>)
            tpu.yield
          }) : () -> ()
        } else {
        }
      }
      %scan3A_63 = arith.constant 13 : i32
      %barrier3A_64 = arith.constant 0 : index
      tpu.barrier barrier_id(%barrier3A_64)
      "tpu.region"() ({
        %run_scoped3A = tpu.sem_alloc : memref<!tpu.dma_semaphore, #tpu.memory_space<semaphore_mem>>
        %dma_start3A = arith.constant 0 : i32
        %dma_start3A_67 = tpu.memref_slice %arg16[%mul3A_5, %dma_start3A] : memref<4752x128xf32, #tpu.memory_space<vmem_shared>> -> memref<296x128xf32, #tpu.memory_space<vmem_shared>>
        %dma_start3A_68 = arith.constant 0 : i32
        %dma_start3A_69 = tpu.memref_slice %arg16[%mul3A_5, %dma_start3A_68] : memref<4752x128xf32, #tpu.memory_space<vmem_shared>> -> memref<296x128xf32, #tpu.memory_space<vmem_shared>>
        tpu.enqueue_dma source(%dma_start3A_69 : memref<296x128xf32, #tpu.memory_space<vmem_shared>>) target(%arg13 : memref<296x128xf32, #tpu.memory_space<vmem>>) target_semaphore(%run_scoped3A : memref<!tpu.dma_semaphore, #tpu.memory_space<semaphore_mem>>)
        %dma_wait3A = arith.constant 0 : i32
        %dma_wait3A_70 = tpu.memref_slice %arg16[%mul3A_5, %dma_wait3A] : memref<4752x128xf32, #tpu.memory_space<vmem_shared>> -> memref<296x128xf32, #tpu.memory_space<vmem_shared>>
        %dma_wait3A_71 = arith.constant 0 : i32
        %dma_wait3A_72 = tpu.memref_slice %arg16[%mul3A_5, %dma_wait3A_71] : memref<4752x128xf32, #tpu.memory_space<vmem_shared>> -> memref<296x128xf32, #tpu.memory_space<vmem_shared>>
        tpu.wait_dma2 semaphore(%run_scoped3A : memref<!tpu.dma_semaphore, #tpu.memory_space<semaphore_mem>>) src(%dma_wait3A_72 : memref<296x128xf32, #tpu.memory_space<vmem_shared>>) dst(%arg13 : memref<296x128xf32, #tpu.memory_space<vmem>>)
        tpu.yield
      }) : () -> ()
      %add3A_65 = arith.addi %mul3A_45, %mul3A_5 : i32
      "tpu.region"() ({
        %run_scoped3A = tpu.sem_alloc : memref<!tpu.dma_semaphore, #tpu.memory_space<semaphore_mem>>
        %dma_start3A = arith.constant 0 : i32
        %dma_start3A_67 = tpu.memref_slice %arg5[%select_n3A, %add3A_65, %dma_start3A] : memref<3x56832x128xf32, #tpu.memory_space<hbm>> -> memref<1x296x128xf32, #tpu.memory_space<hbm>>
        %dma_start3A_68 = tpu.memref_squeeze %dma_start3A_67 : memref<1x296x128xf32, #tpu.memory_space<hbm>> -> memref<296x128xf32, #tpu.memory_space<hbm>>
        %dma_start3A_69 = arith.constant 0 : i32
        %dma_start3A_70 = tpu.memref_slice %arg5[%select_n3A, %add3A_65, %dma_start3A_69] : memref<3x56832x128xf32, #tpu.memory_space<hbm>> -> memref<1x296x128xf32, #tpu.memory_space<hbm>>
        %dma_start3A_71 = tpu.memref_squeeze %dma_start3A_70 : memref<1x296x128xf32, #tpu.memory_space<hbm>> -> memref<296x128xf32, #tpu.memory_space<hbm>>
        tpu.enqueue_dma source(%arg13 : memref<296x128xf32, #tpu.memory_space<vmem>>) target(%dma_start3A_71 : memref<296x128xf32, #tpu.memory_space<hbm>>) target_semaphore(%run_scoped3A : memref<!tpu.dma_semaphore, #tpu.memory_space<semaphore_mem>>)
        %dma_wait3A = arith.constant 0 : i32
        %dma_wait3A_72 = tpu.memref_slice %arg5[%select_n3A, %add3A_65, %dma_wait3A] : memref<3x56832x128xf32, #tpu.memory_space<hbm>> -> memref<1x296x128xf32, #tpu.memory_space<hbm>>
        %dma_wait3A_73 = tpu.memref_squeeze %dma_wait3A_72 : memref<1x296x128xf32, #tpu.memory_space<hbm>> -> memref<296x128xf32, #tpu.memory_space<hbm>>
        %dma_wait3A_74 = arith.constant 0 : i32
        %dma_wait3A_75 = tpu.memref_slice %arg5[%select_n3A, %add3A_65, %dma_wait3A_74] : memref<3x56832x128xf32, #tpu.memory_space<hbm>> -> memref<1x296x128xf32, #tpu.memory_space<hbm>>
        %dma_wait3A_76 = tpu.memref_squeeze %dma_wait3A_75 : memref<1x296x128xf32, #tpu.memory_space<hbm>> -> memref<296x128xf32, #tpu.memory_space<hbm>>
        tpu.wait_dma2 semaphore(%run_scoped3A : memref<!tpu.dma_semaphore, #tpu.memory_space<semaphore_mem>>) src(%arg13 : memref<296x128xf32, #tpu.memory_space<vmem>>) dst(%dma_wait3A_76 : memref<296x128xf32, #tpu.memory_space<hbm>>)
        tpu.yield
      }) : () -> ()
      %barrier3A_66 = arith.constant 0 : index
      tpu.barrier barrier_id(%barrier3A_66)
    }
    %scan3A_10 = arith.constant 18 : i32
    return
  }
}

#map = affine_map<(d0, d1) -> (0, 0)>
#map1 = affine_map<(d0, d1) -> (0)>
module attributes {stable_mosaic.version = 14 : i64} {
  func.func @_deg_body(%arg0: i32, %arg1: i32, %arg2: memref<1568x128xi32, #tpu.memory_space<hbm>>, %arg3: memref<1568x128xi32, #tpu.memory_space<hbm>>, %arg4: memref<1568x128xi32, #tpu.memory_space<hbm>>, %arg5: memref<1568x128xi32, #tpu.memory_space<hbm>>, %arg6: memref<1568x128xi32, #tpu.memory_space<hbm>>, %arg7: memref<1568x128xi32, #tpu.memory_space<hbm>>, %arg8: memref<4804608xf32, #tpu.memory_space<hbm>>, %arg9: memref<8x128xi32, #tpu.memory_space<vmem>>, %arg10: memref<8x128xi32, #tpu.memory_space<vmem>>, %arg11: memref<128xf32, #tpu.memory_space<vmem>>, %arg12: memref<4096xf32, #tpu.memory_space<vmem>>, %arg13: memref<25024xf32, #tpu.memory_space<vmem>>, %arg14: memref<400384xf32, #tpu.memory_space<vmem_shared>>) attributes {dimension_semantics = [#tpu.dimension_semantics<core_parallel>, #tpu.dimension_semantics<subcore_parallel>], iteration_bounds = array<i64: 2, 16>, scalar_prefetch = 0 : i64, scratch_operands = 6 : i64, tpu.core_type = #tpu.core_type<sc_vector_subcore>, window_params = [{transform_indices = #map}, {transform_indices = #map}, {transform_indices = #map}, {transform_indices = #map}, {transform_indices = #map}, {transform_indices = #map}, {transform_indices = #map1}]} {
    %mul3A = arith.constant 2 : i32
    %mul3A_0 = arith.muli %arg1, %mul3A : i32
    %add3A = arith.addi %mul3A_0, %arg0 : i32
    %broadcast_in_dim3A = arith.constant 1.000000e+00 : f32
    %broadcast_in_dim3A_1 = vector.broadcast %broadcast_in_dim3A : f32 to vector<16xf32>
    %broadcast_in_dim3A_2 = arith.constant 0.000000e+00 : f32
    %broadcast_in_dim3A_3 = vector.broadcast %broadcast_in_dim3A_2 : f32 to vector<16xf32>
    %scan3A = arith.constant 0 : i32
    %scan3A_4 = arith.constant 8 : i32
    %scan3A_5 = arith.addi %scan3A, %scan3A_4 : i32
    %scan3A_6 = arith.constant 1 : i32
    scf.for %scan3A_197 = %scan3A to %scan3A_5 step %scan3A_6  : i32 {
      %mul3A_198 = arith.constant 16 : i32
      %mul3A_199 = arith.muli %scan3A_197, %mul3A_198 : i32
      %swap3A = arith.index_cast %mul3A_199 : i32 to index
      %swap3A_200 = tpu.vector_load %arg11[%swap3A] {strides = array<i32>} : memref<128xf32, #tpu.memory_space<vmem>>, vector<16xf32>,
      %swap3A_201 = vector.shape_cast %swap3A_200 : vector<16xf32> to vector<16xf32>
      %swap3A_202 = vector.shape_cast %broadcast_in_dim3A_1 : vector<16xf32> to vector<16xf32>
      tpu.vector_store %arg11[%swap3A], %swap3A_202 {strides = array<i32>} : memref<128xf32, #tpu.memory_space<vmem>>, vector<16xf32>,
    }
    %scan3A_7 = arith.constant 8 : i32
    %scan3A_8 = arith.constant 0 : i32
    %scan3A_9 = arith.constant 256 : i32
    %scan3A_10 = arith.addi %scan3A_8, %scan3A_9 : i32
    %scan3A_11 = arith.constant 1 : i32
    scf.for %scan3A_197 = %scan3A_8 to %scan3A_10 step %scan3A_11  : i32 {
      %mul3A_198 = arith.constant 16 : i32
      %mul3A_199 = arith.muli %scan3A_197, %mul3A_198 : i32
      %swap3A = arith.index_cast %mul3A_199 : i32 to index
      %swap3A_200 = tpu.vector_load %arg12[%swap3A] {strides = array<i32>} : memref<4096xf32, #tpu.memory_space<vmem>>, vector<16xf32>,
      %swap3A_201 = vector.shape_cast %swap3A_200 : vector<16xf32> to vector<16xf32>
      %swap3A_202 = vector.shape_cast %broadcast_in_dim3A_3 : vector<16xf32> to vector<16xf32>
      tpu.vector_store %arg12[%swap3A], %swap3A_202 {strides = array<i32>} : memref<4096xf32, #tpu.memory_space<vmem>>, vector<16xf32>,
    }
    %scan3A_12 = arith.constant 256 : i32
    %mul3A_13 = arith.constant 3128 : i32
    %mul3A_14 = arith.muli %arg1, %mul3A_13 : i32
    %mul3A_15 = arith.constant 8 : i32
    %mul3A_16 = arith.muli %mul3A_14, %mul3A_15 : i32
    %add3A_17 = arith.constant 0 : i32
    %add3A_18 = arith.addi %mul3A_16, %add3A_17 : i32
    "tpu.region"() ({
      %run_scoped3A = tpu.sem_alloc : memref<!tpu.dma_semaphore, #tpu.memory_space<semaphore_mem>>
      %dma_start3A = tpu.memref_slice %arg14[%add3A_18] : memref<400384xf32, #tpu.memory_space<vmem_shared>> -> memref<4096xf32, #tpu.memory_space<vmem_shared>>
      %dma_start3A_197 = tpu.memref_slice %arg14[%add3A_18] : memref<400384xf32, #tpu.memory_space<vmem_shared>> -> memref<4096xf32, #tpu.memory_space<vmem_shared>>
      tpu.enqueue_dma source(%arg12 : memref<4096xf32, #tpu.memory_space<vmem>>) target(%dma_start3A_197 : memref<4096xf32, #tpu.memory_space<vmem_shared>>) target_semaphore(%run_scoped3A : memref<!tpu.dma_semaphore, #tpu.memory_space<semaphore_mem>>)
      %dma_wait3A = tpu.memref_slice %arg14[%add3A_18] : memref<400384xf32, #tpu.memory_space<vmem_shared>> -> memref<4096xf32, #tpu.memory_space<vmem_shared>>
      %dma_wait3A_198 = tpu.memref_slice %arg14[%add3A_18] : memref<400384xf32, #tpu.memory_space<vmem_shared>> -> memref<4096xf32, #tpu.memory_space<vmem_shared>>
      tpu.wait_dma2 semaphore(%run_scoped3A : memref<!tpu.dma_semaphore, #tpu.memory_space<semaphore_mem>>) src(%arg12 : memref<4096xf32, #tpu.memory_space<vmem>>) dst(%dma_wait3A_198 : memref<4096xf32, #tpu.memory_space<vmem_shared>>)
      tpu.yield
    }) : () -> ()
    %add3A_19 = arith.constant 4096 : i32
    %add3A_20 = arith.addi %mul3A_16, %add3A_19 : i32
    "tpu.region"() ({
      %run_scoped3A = tpu.sem_alloc : memref<!tpu.dma_semaphore, #tpu.memory_space<semaphore_mem>>
      %dma_start3A = tpu.memref_slice %arg14[%add3A_20] : memref<400384xf32, #tpu.memory_space<vmem_shared>> -> memref<4096xf32, #tpu.memory_space<vmem_shared>>
      %dma_start3A_197 = tpu.memref_slice %arg14[%add3A_20] : memref<400384xf32, #tpu.memory_space<vmem_shared>> -> memref<4096xf32, #tpu.memory_space<vmem_shared>>
      tpu.enqueue_dma source(%arg12 : memref<4096xf32, #tpu.memory_space<vmem>>) target(%dma_start3A_197 : memref<4096xf32, #tpu.memory_space<vmem_shared>>) target_semaphore(%run_scoped3A : memref<!tpu.dma_semaphore, #tpu.memory_space<semaphore_mem>>)
      %dma_wait3A = tpu.memref_slice %arg14[%add3A_20] : memref<400384xf32, #tpu.memory_space<vmem_shared>> -> memref<4096xf32, #tpu.memory_space<vmem_shared>>
      %dma_wait3A_198 = tpu.memref_slice %arg14[%add3A_20] : memref<400384xf32, #tpu.memory_space<vmem_shared>> -> memref<4096xf32, #tpu.memory_space<vmem_shared>>
      tpu.wait_dma2 semaphore(%run_scoped3A : memref<!tpu.dma_semaphore, #tpu.memory_space<semaphore_mem>>) src(%arg12 : memref<4096xf32, #tpu.memory_space<vmem>>) dst(%dma_wait3A_198 : memref<4096xf32, #tpu.memory_space<vmem_shared>>)
      tpu.yield
    }) : () -> ()
    %add3A_21 = arith.constant 8192 : i32
    %add3A_22 = arith.addi %mul3A_16, %add3A_21 : i32
    "tpu.region"() ({
      %run_scoped3A = tpu.sem_alloc : memref<!tpu.dma_semaphore, #tpu.memory_space<semaphore_mem>>
      %dma_start3A = tpu.memref_slice %arg14[%add3A_22] : memref<400384xf32, #tpu.memory_space<vmem_shared>> -> memref<4096xf32, #tpu.memory_space<vmem_shared>>
      %dma_start3A_197 = tpu.memref_slice %arg14[%add3A_22] : memref<400384xf32, #tpu.memory_space<vmem_shared>> -> memref<4096xf32, #tpu.memory_space<vmem_shared>>
      tpu.enqueue_dma source(%arg12 : memref<4096xf32, #tpu.memory_space<vmem>>) target(%dma_start3A_197 : memref<4096xf32, #tpu.memory_space<vmem_shared>>) target_semaphore(%run_scoped3A : memref<!tpu.dma_semaphore, #tpu.memory_space<semaphore_mem>>)
      %dma_wait3A = tpu.memref_slice %arg14[%add3A_22] : memref<400384xf32, #tpu.memory_space<vmem_shared>> -> memref<4096xf32, #tpu.memory_space<vmem_shared>>
      %dma_wait3A_198 = tpu.memref_slice %arg14[%add3A_22] : memref<400384xf32, #tpu.memory_space<vmem_shared>> -> memref<4096xf32, #tpu.memory_space<vmem_shared>>
      tpu.wait_dma2 semaphore(%run_scoped3A : memref<!tpu.dma_semaphore, #tpu.memory_space<semaphore_mem>>) src(%arg12 : memref<4096xf32, #tpu.memory_space<vmem>>) dst(%dma_wait3A_198 : memref<4096xf32, #tpu.memory_space<vmem_shared>>)
      tpu.yield
    }) : () -> ()
    %add3A_23 = arith.constant 12288 : i32
    %add3A_24 = arith.addi %mul3A_16, %add3A_23 : i32
    "tpu.region"() ({
      %run_scoped3A = tpu.sem_alloc : memref<!tpu.dma_semaphore, #tpu.memory_space<semaphore_mem>>
      %dma_start3A = tpu.memref_slice %arg14[%add3A_24] : memref<400384xf32, #tpu.memory_space<vmem_shared>> -> memref<4096xf32, #tpu.memory_space<vmem_shared>>
      %dma_start3A_197 = tpu.memref_slice %arg14[%add3A_24] : memref<400384xf32, #tpu.memory_space<vmem_shared>> -> memref<4096xf32, #tpu.memory_space<vmem_shared>>
      tpu.enqueue_dma source(%arg12 : memref<4096xf32, #tpu.memory_space<vmem>>) target(%dma_start3A_197 : memref<4096xf32, #tpu.memory_space<vmem_shared>>) target_semaphore(%run_scoped3A : memref<!tpu.dma_semaphore, #tpu.memory_space<semaphore_mem>>)
      %dma_wait3A = tpu.memref_slice %arg14[%add3A_24] : memref<400384xf32, #tpu.memory_space<vmem_shared>> -> memref<4096xf32, #tpu.memory_space<vmem_shared>>
      %dma_wait3A_198 = tpu.memref_slice %arg14[%add3A_24] : memref<400384xf32, #tpu.memory_space<vmem_shared>> -> memref<4096xf32, #tpu.memory_space<vmem_shared>>
      tpu.wait_dma2 semaphore(%run_scoped3A : memref<!tpu.dma_semaphore, #tpu.memory_space<semaphore_mem>>) src(%arg12 : memref<4096xf32, #tpu.memory_space<vmem>>) dst(%dma_wait3A_198 : memref<4096xf32, #tpu.memory_space<vmem_shared>>)
      tpu.yield
    }) : () -> ()
    %add3A_25 = arith.constant 16384 : i32
    %add3A_26 = arith.addi %mul3A_16, %add3A_25 : i32
    "tpu.region"() ({
      %run_scoped3A = tpu.sem_alloc : memref<!tpu.dma_semaphore, #tpu.memory_space<semaphore_mem>>
      %dma_start3A = tpu.memref_slice %arg14[%add3A_26] : memref<400384xf32, #tpu.memory_space<vmem_shared>> -> memref<4096xf32, #tpu.memory_space<vmem_shared>>
      %dma_start3A_197 = tpu.memref_slice %arg14[%add3A_26] : memref<400384xf32, #tpu.memory_space<vmem_shared>> -> memref<4096xf32, #tpu.memory_space<vmem_shared>>
      tpu.enqueue_dma source(%arg12 : memref<4096xf32, #tpu.memory_space<vmem>>) target(%dma_start3A_197 : memref<4096xf32, #tpu.memory_space<vmem_shared>>) target_semaphore(%run_scoped3A : memref<!tpu.dma_semaphore, #tpu.memory_space<semaphore_mem>>)
      %dma_wait3A = tpu.memref_slice %arg14[%add3A_26] : memref<400384xf32, #tpu.memory_space<vmem_shared>> -> memref<4096xf32, #tpu.memory_space<vmem_shared>>
      %dma_wait3A_198 = tpu.memref_slice %arg14[%add3A_26] : memref<400384xf32, #tpu.memory_space<vmem_shared>> -> memref<4096xf32, #tpu.memory_space<vmem_shared>>
      tpu.wait_dma2 semaphore(%run_scoped3A : memref<!tpu.dma_semaphore, #tpu.memory_space<semaphore_mem>>) src(%arg12 : memref<4096xf32, #tpu.memory_space<vmem>>) dst(%dma_wait3A_198 : memref<4096xf32, #tpu.memory_space<vmem_shared>>)
      tpu.yield
    }) : () -> ()
    %add3A_27 = arith.constant 20480 : i32
    %add3A_28 = arith.addi %mul3A_16, %add3A_27 : i32
    "tpu.region"() ({
      %run_scoped3A = tpu.sem_alloc : memref<!tpu.dma_semaphore, #tpu.memory_space<semaphore_mem>>
      %dma_start3A = tpu.memref_slice %arg14[%add3A_28] : memref<400384xf32, #tpu.memory_space<vmem_shared>> -> memref<4096xf32, #tpu.memory_space<vmem_shared>>
      %dma_start3A_197 = tpu.memref_slice %arg14[%add3A_28] : memref<400384xf32, #tpu.memory_space<vmem_shared>> -> memref<4096xf32, #tpu.memory_space<vmem_shared>>
      tpu.enqueue_dma source(%arg12 : memref<4096xf32, #tpu.memory_space<vmem>>) target(%dma_start3A_197 : memref<4096xf32, #tpu.memory_space<vmem_shared>>) target_semaphore(%run_scoped3A : memref<!tpu.dma_semaphore, #tpu.memory_space<semaphore_mem>>)
      %dma_wait3A = tpu.memref_slice %arg14[%add3A_28] : memref<400384xf32, #tpu.memory_space<vmem_shared>> -> memref<4096xf32, #tpu.memory_space<vmem_shared>>
      %dma_wait3A_198 = tpu.memref_slice %arg14[%add3A_28] : memref<400384xf32, #tpu.memory_space<vmem_shared>> -> memref<4096xf32, #tpu.memory_space<vmem_shared>>
      tpu.wait_dma2 semaphore(%run_scoped3A : memref<!tpu.dma_semaphore, #tpu.memory_space<semaphore_mem>>) src(%arg12 : memref<4096xf32, #tpu.memory_space<vmem>>) dst(%dma_wait3A_198 : memref<4096xf32, #tpu.memory_space<vmem_shared>>)
      tpu.yield
    }) : () -> ()
    %add3A_29 = arith.constant 24576 : i32
    %add3A_30 = arith.addi %mul3A_16, %add3A_29 : i32
    "tpu.region"() ({
      %run_scoped3A = tpu.sem_alloc : memref<!tpu.dma_semaphore, #tpu.memory_space<semaphore_mem>>
      %dma_start3A = arith.constant 0 : i32
      %dma_start3A_197 = tpu.memref_slice %arg12[%dma_start3A] : memref<4096xf32, #tpu.memory_space<vmem>> -> memref<448xf32, #tpu.memory_space<vmem>>
      %dma_start3A_198 = tpu.memref_slice %arg14[%add3A_30] : memref<400384xf32, #tpu.memory_space<vmem_shared>> -> memref<448xf32, #tpu.memory_space<vmem_shared>>
      %dma_start3A_199 = tpu.memref_slice %arg14[%add3A_30] : memref<400384xf32, #tpu.memory_space<vmem_shared>> -> memref<448xf32, #tpu.memory_space<vmem_shared>>
      %dma_start3A_200 = arith.constant 0 : i32
      %dma_start3A_201 = tpu.memref_slice %arg12[%dma_start3A_200] : memref<4096xf32, #tpu.memory_space<vmem>> -> memref<448xf32, #tpu.memory_space<vmem>>
      tpu.enqueue_dma source(%dma_start3A_201 : memref<448xf32, #tpu.memory_space<vmem>>) target(%dma_start3A_199 : memref<448xf32, #tpu.memory_space<vmem_shared>>) target_semaphore(%run_scoped3A : memref<!tpu.dma_semaphore, #tpu.memory_space<semaphore_mem>>)
      %dma_wait3A = arith.constant 0 : i32
      %dma_wait3A_202 = tpu.memref_slice %arg12[%dma_wait3A] : memref<4096xf32, #tpu.memory_space<vmem>> -> memref<448xf32, #tpu.memory_space<vmem>>
      %dma_wait3A_203 = tpu.memref_slice %arg14[%add3A_30] : memref<400384xf32, #tpu.memory_space<vmem_shared>> -> memref<448xf32, #tpu.memory_space<vmem_shared>>
      %dma_wait3A_204 = tpu.memref_slice %arg14[%add3A_30] : memref<400384xf32, #tpu.memory_space<vmem_shared>> -> memref<448xf32, #tpu.memory_space<vmem_shared>>
      %dma_wait3A_205 = arith.constant 0 : i32
      %dma_wait3A_206 = tpu.memref_slice %arg12[%dma_wait3A_205] : memref<4096xf32, #tpu.memory_space<vmem>> -> memref<448xf32, #tpu.memory_space<vmem>>
      tpu.wait_dma2 semaphore(%run_scoped3A : memref<!tpu.dma_semaphore, #tpu.memory_space<semaphore_mem>>) src(%dma_wait3A_206 : memref<448xf32, #tpu.memory_space<vmem>>) dst(%dma_wait3A_204 : memref<448xf32, #tpu.memory_space<vmem_shared>>)
      tpu.yield
    }) : () -> ()
    %barrier3A = arith.constant 0 : index
    tpu.barrier barrier_id(%barrier3A)
    %scan3A_31 = arith.constant 0 : i32
    %scan3A_32 = arith.constant 7 : i32
    %scan3A_33 = arith.addi %scan3A_31, %scan3A_32 : i32
    %scan3A_34 = arith.constant 1 : i32
    scf.for %scan3A_197 = %scan3A_31 to %scan3A_33 step %scan3A_34  : i32 {
      %mul3A_198 = arith.constant 32 : i32
      %mul3A_199 = arith.muli %mul3A_198, %scan3A_197 : i32
      %add3A_200 = arith.addi %add3A, %mul3A_199 : i32
      %lt3A = arith.constant 196 : i32
      %lt3A_201 = arith.cmpi slt, %add3A_200, %lt3A : i32
      %convert_element_type3A = arith.extui %lt3A_201 : i1 to i32
      %cond3A = arith.constant 0 : i32
      %cond3A_202 = arith.cmpi ne, %convert_element_type3A, %cond3A : i32
      scf.if %cond3A_202 {
        %mul3A_203 = arith.constant 8 : i32
        %mul3A_204 = arith.muli %add3A_200, %mul3A_203 : i32
        "tpu.region"() ({
          %run_scoped3A_252 = tpu.sem_alloc : memref<!tpu.dma_semaphore, #tpu.memory_space<semaphore_mem>>
          %dma_start3A = arith.constant 0 : i32
          %dma_start3A_253 = tpu.memref_slice %arg2[%mul3A_204, %dma_start3A] : memref<1568x128xi32, #tpu.memory_space<hbm>> -> memref<8x128xi32, #tpu.memory_space<hbm>>
          %dma_start3A_254 = arith.constant 0 : i32
          %dma_start3A_255 = tpu.memref_slice %arg2[%mul3A_204, %dma_start3A_254] : memref<1568x128xi32, #tpu.memory_space<hbm>> -> memref<8x128xi32, #tpu.memory_space<hbm>>
          tpu.enqueue_dma source(%dma_start3A_255 : memref<8x128xi32, #tpu.memory_space<hbm>>) target(%arg9 : memref<8x128xi32, #tpu.memory_space<vmem>>) target_semaphore(%run_scoped3A_252 : memref<!tpu.dma_semaphore, #tpu.memory_space<semaphore_mem>>)
          %dma_wait3A = arith.constant 0 : i32
          %dma_wait3A_256 = tpu.memref_slice %arg2[%mul3A_204, %dma_wait3A] : memref<1568x128xi32, #tpu.memory_space<hbm>> -> memref<8x128xi32, #tpu.memory_space<hbm>>
          %dma_wait3A_257 = arith.constant 0 : i32
          %dma_wait3A_258 = tpu.memref_slice %arg2[%mul3A_204, %dma_wait3A_257] : memref<1568x128xi32, #tpu.memory_space<hbm>> -> memref<8x128xi32, #tpu.memory_space<hbm>>
          tpu.wait_dma2 semaphore(%run_scoped3A_252 : memref<!tpu.dma_semaphore, #tpu.memory_space<semaphore_mem>>) src(%dma_wait3A_258 : memref<8x128xi32, #tpu.memory_space<hbm>>) dst(%arg9 : memref<8x128xi32, #tpu.memory_space<vmem>>)
          tpu.yield
        }) : () -> ()
        %scan3A_205 = arith.constant 0 : i32
        %scan3A_206 = arith.constant 8 : i32
        %scan3A_207 = arith.addi %scan3A_205, %scan3A_206 : i32
        %scan3A_208 = arith.constant 1 : i32
        scf.for %scan3A_252 = %scan3A_205 to %scan3A_207 step %scan3A_208  : i32 {
          %mul3A_253 = arith.constant 16 : i32
          %mul3A_254 = arith.muli %scan3A_252, %mul3A_253 : i32
          %get3A = arith.constant 0 : i32
          %get3A_255 = arith.index_cast %get3A : i32 to index
          %get3A_256 = arith.index_cast %mul3A_254 : i32 to index
          %get3A_257 = tpu.vector_load %arg9[%get3A_255, %get3A_256] {strides = array<i32>} : memref<8x128xi32, #tpu.memory_space<vmem>>, vector<1x16xi32>,
          %get3A_258 = vector.shape_cast %get3A_257 : vector<1x16xi32> to vector<16xi32>
          %mul3A_259 = arith.constant 8 : i32
          %mul3A_260 = vector.broadcast %mul3A_259 : i32 to vector<16xi32>
          %mul3A_261 = arith.muli %get3A_258, %mul3A_260 : vector<16xi32>
          %swap3A = arith.constant 0 : i32
          %swap3A_262 = arith.index_cast %swap3A : i32 to index
          %swap3A_263 = arith.index_cast %mul3A_254 : i32 to index
          %swap3A_264 = tpu.vector_load %arg10[%swap3A_262, %swap3A_263] {strides = array<i32>} : memref<8x128xi32, #tpu.memory_space<vmem>>, vector<1x16xi32>,
          %swap3A_265 = vector.shape_cast %swap3A_264 : vector<1x16xi32> to vector<16xi32>
          %swap3A_266 = vector.shape_cast %mul3A_261 : vector<16xi32> to vector<1x16xi32>
          tpu.vector_store %arg10[%swap3A_262, %swap3A_263], %swap3A_266 {strides = array<i32>} : memref<8x128xi32, #tpu.memory_space<vmem>>, vector<1x16xi32>,
        }
        %scan3A_209 = arith.constant 8 : i32
        %run_scoped3A = arith.constant 0 : i32
        "tpu.region"() ({
          %run_scoped3A_252 = tpu.sem_alloc : memref<!tpu.dma_semaphore, #tpu.memory_space<semaphore_mem>>
          %dma_start3A = arith.constant 0 : i32
          %dma_start3A_253 = tpu.memref_slice %arg10[%run_scoped3A, %dma_start3A] : memref<8x128xi32, #tpu.memory_space<vmem>> -> memref<1x128xi32, #tpu.memory_space<vmem>>
          %dma_start3A_254 = tpu.memref_squeeze %dma_start3A_253 : memref<1x128xi32, #tpu.memory_space<vmem>> -> memref<128xi32, #tpu.memory_space<vmem>>
          %dma_start3A_255 = arith.constant 0 : i32
          %dma_start3A_256 = tpu.memref_slice %arg14[%dma_start3A_255] : memref<400384xf32, #tpu.memory_space<vmem_shared>> -> memref<400384xf32, #tpu.memory_space<vmem_shared>>
          tpu.enqueue_indirect_dma source(%arg11 : memref<128xf32, #tpu.memory_space<vmem>>) target(%dma_start3A_256 : memref<400384xf32, #tpu.memory_space<vmem_shared>>) offsets(%dma_start3A_254 : memref<128xi32, #tpu.memory_space<vmem>>) semaphore(%run_scoped3A_252 : memref<!tpu.dma_semaphore, #tpu.memory_space<semaphore_mem>>) {add = true}
          %dma_wait3A = arith.constant 0 : i32
          %dma_wait3A_257 = tpu.memref_slice %arg10[%run_scoped3A, %dma_wait3A] : memref<8x128xi32, #tpu.memory_space<vmem>> -> memref<1x128xi32, #tpu.memory_space<vmem>>
          %dma_wait3A_258 = tpu.memref_squeeze %dma_wait3A_257 : memref<1x128xi32, #tpu.memory_space<vmem>> -> memref<128xi32, #tpu.memory_space<vmem>>
          %dma_wait3A_259 = arith.constant 0 : i32
          %dma_wait3A_260 = tpu.memref_slice %arg14[%dma_wait3A_259] : memref<400384xf32, #tpu.memory_space<vmem_shared>> -> memref<400384xf32, #tpu.memory_space<vmem_shared>>
          tpu.wait_indirect_dma semaphore(%run_scoped3A_252 : memref<!tpu.dma_semaphore, #tpu.memory_space<semaphore_mem>>) src(%arg11 : memref<128xf32, #tpu.memory_space<vmem>>) dst(%dma_wait3A_260 : memref<400384xf32, #tpu.memory_space<vmem_shared>>)
          tpu.yield
        }) : () -> ()
        %scan3A_210 = arith.constant 0 : i32
        %scan3A_211 = arith.constant 8 : i32
        %scan3A_212 = arith.addi %scan3A_210, %scan3A_211 : i32
        %scan3A_213 = arith.constant 1 : i32
        scf.for %scan3A_252 = %scan3A_210 to %scan3A_212 step %scan3A_213  : i32 {
          %mul3A_253 = arith.constant 16 : i32
          %mul3A_254 = arith.muli %scan3A_252, %mul3A_253 : i32
          %get3A = arith.constant 1 : i32
          %get3A_255 = arith.index_cast %get3A : i32 to index
          %get3A_256 = arith.index_cast %mul3A_254 : i32 to index
          %get3A_257 = tpu.vector_load %arg9[%get3A_255, %get3A_256] {strides = array<i32>} : memref<8x128xi32, #tpu.memory_space<vmem>>, vector<1x16xi32>,
          %get3A_258 = vector.shape_cast %get3A_257 : vector<1x16xi32> to vector<16xi32>
          %mul3A_259 = arith.constant 8 : i32
          %mul3A_260 = vector.broadcast %mul3A_259 : i32 to vector<16xi32>
          %mul3A_261 = arith.muli %get3A_258, %mul3A_260 : vector<16xi32>
          %swap3A = arith.constant 1 : i32
          %swap3A_262 = arith.index_cast %swap3A : i32 to index
          %swap3A_263 = arith.index_cast %mul3A_254 : i32 to index
          %swap3A_264 = tpu.vector_load %arg10[%swap3A_262, %swap3A_263] {strides = array<i32>} : memref<8x128xi32, #tpu.memory_space<vmem>>, vector<1x16xi32>,
          %swap3A_265 = vector.shape_cast %swap3A_264 : vector<1x16xi32> to vector<16xi32>
          %swap3A_266 = vector.shape_cast %mul3A_261 : vector<16xi32> to vector<1x16xi32>
          tpu.vector_store %arg10[%swap3A_262, %swap3A_263], %swap3A_266 {strides = array<i32>} : memref<8x128xi32, #tpu.memory_space<vmem>>, vector<1x16xi32>,
        }
        %scan3A_214 = arith.constant 8 : i32
        %run_scoped3A_215 = arith.constant 1 : i32
        "tpu.region"() ({
          %run_scoped3A_252 = tpu.sem_alloc : memref<!tpu.dma_semaphore, #tpu.memory_space<semaphore_mem>>
          %dma_start3A = arith.constant 0 : i32
          %dma_start3A_253 = tpu.memref_slice %arg10[%run_scoped3A_215, %dma_start3A] : memref<8x128xi32, #tpu.memory_space<vmem>> -> memref<1x128xi32, #tpu.memory_space<vmem>>
          %dma_start3A_254 = tpu.memref_squeeze %dma_start3A_253 : memref<1x128xi32, #tpu.memory_space<vmem>> -> memref<128xi32, #tpu.memory_space<vmem>>
          %dma_start3A_255 = arith.constant 0 : i32
          %dma_start3A_256 = tpu.memref_slice %arg14[%dma_start3A_255] : memref<400384xf32, #tpu.memory_space<vmem_shared>> -> memref<400384xf32, #tpu.memory_space<vmem_shared>>
          tpu.enqueue_indirect_dma source(%arg11 : memref<128xf32, #tpu.memory_space<vmem>>) target(%dma_start3A_256 : memref<400384xf32, #tpu.memory_space<vmem_shared>>) offsets(%dma_start3A_254 : memref<128xi32, #tpu.memory_space<vmem>>) semaphore(%run_scoped3A_252 : memref<!tpu.dma_semaphore, #tpu.memory_space<semaphore_mem>>) {add = true}
          %dma_wait3A = arith.constant 0 : i32
          %dma_wait3A_257 = tpu.memref_slice %arg10[%run_scoped3A_215, %dma_wait3A] : memref<8x128xi32, #tpu.memory_space<vmem>> -> memref<1x128xi32, #tpu.memory_space<vmem>>
          %dma_wait3A_258 = tpu.memref_squeeze %dma_wait3A_257 : memref<1x128xi32, #tpu.memory_space<vmem>> -> memref<128xi32, #tpu.memory_space<vmem>>
          %dma_wait3A_259 = arith.constant 0 : i32
          %dma_wait3A_260 = tpu.memref_slice %arg14[%dma_wait3A_259] : memref<400384xf32, #tpu.memory_space<vmem_shared>> -> memref<400384xf32, #tpu.memory_space<vmem_shared>>
          tpu.wait_indirect_dma semaphore(%run_scoped3A_252 : memref<!tpu.dma_semaphore, #tpu.memory_space<semaphore_mem>>) src(%arg11 : memref<128xf32, #tpu.memory_space<vmem>>) dst(%dma_wait3A_260 : memref<400384xf32, #tpu.memory_space<vmem_shared>>)
          tpu.yield
        }) : () -> ()
        %scan3A_216 = arith.constant 0 : i32
        %scan3A_217 = arith.constant 8 : i32
        %scan3A_218 = arith.addi %scan3A_216, %scan3A_217 : i32
        %scan3A_219 = arith.constant 1 : i32
        scf.for %scan3A_252 = %scan3A_216 to %scan3A_218 step %scan3A_219  : i32 {
          %mul3A_253 = arith.constant 16 : i32
          %mul3A_254 = arith.muli %scan3A_252, %mul3A_253 : i32
          %get3A = arith.constant 2 : i32
          %get3A_255 = arith.index_cast %get3A : i32 to index
          %get3A_256 = arith.index_cast %mul3A_254 : i32 to index
          %get3A_257 = tpu.vector_load %arg9[%get3A_255, %get3A_256] {strides = array<i32>} : memref<8x128xi32, #tpu.memory_space<vmem>>, vector<1x16xi32>,
          %get3A_258 = vector.shape_cast %get3A_257 : vector<1x16xi32> to vector<16xi32>
          %mul3A_259 = arith.constant 8 : i32
          %mul3A_260 = vector.broadcast %mul3A_259 : i32 to vector<16xi32>
          %mul3A_261 = arith.muli %get3A_258, %mul3A_260 : vector<16xi32>
          %swap3A = arith.constant 2 : i32
          %swap3A_262 = arith.index_cast %swap3A : i32 to index
          %swap3A_263 = arith.index_cast %mul3A_254 : i32 to index
          %swap3A_264 = tpu.vector_load %arg10[%swap3A_262, %swap3A_263] {strides = array<i32>} : memref<8x128xi32, #tpu.memory_space<vmem>>, vector<1x16xi32>,
          %swap3A_265 = vector.shape_cast %swap3A_264 : vector<1x16xi32> to vector<16xi32>
          %swap3A_266 = vector.shape_cast %mul3A_261 : vector<16xi32> to vector<1x16xi32>
          tpu.vector_store %arg10[%swap3A_262, %swap3A_263], %swap3A_266 {strides = array<i32>} : memref<8x128xi32, #tpu.memory_space<vmem>>, vector<1x16xi32>,
        }
        %scan3A_220 = arith.constant 8 : i32
        %run_scoped3A_221 = arith.constant 2 : i32
        "tpu.region"() ({
          %run_scoped3A_252 = tpu.sem_alloc : memref<!tpu.dma_semaphore, #tpu.memory_space<semaphore_mem>>
          %dma_start3A = arith.constant 0 : i32
          %dma_start3A_253 = tpu.memref_slice %arg10[%run_scoped3A_221, %dma_start3A] : memref<8x128xi32, #tpu.memory_space<vmem>> -> memref<1x128xi32, #tpu.memory_space<vmem>>
          %dma_start3A_254 = tpu.memref_squeeze %dma_start3A_253 : memref<1x128xi32, #tpu.memory_space<vmem>> -> memref<128xi32, #tpu.memory_space<vmem>>
          %dma_start3A_255 = arith.constant 0 : i32
          %dma_start3A_256 = tpu.memref_slice %arg14[%dma_start3A_255] : memref<400384xf32, #tpu.memory_space<vmem_shared>> -> memref<400384xf32, #tpu.memory_space<vmem_shared>>
          tpu.enqueue_indirect_dma source(%arg11 : memref<128xf32, #tpu.memory_space<vmem>>) target(%dma_start3A_256 : memref<400384xf32, #tpu.memory_space<vmem_shared>>) offsets(%dma_start3A_254 : memref<128xi32, #tpu.memory_space<vmem>>) semaphore(%run_scoped3A_252 : memref<!tpu.dma_semaphore, #tpu.memory_space<semaphore_mem>>) {add = true}
          %dma_wait3A = arith.constant 0 : i32
          %dma_wait3A_257 = tpu.memref_slice %arg10[%run_scoped3A_221, %dma_wait3A] : memref<8x128xi32, #tpu.memory_space<vmem>> -> memref<1x128xi32, #tpu.memory_space<vmem>>
          %dma_wait3A_258 = tpu.memref_squeeze %dma_wait3A_257 : memref<1x128xi32, #tpu.memory_space<vmem>> -> memref<128xi32, #tpu.memory_space<vmem>>
          %dma_wait3A_259 = arith.constant 0 : i32
          %dma_wait3A_260 = tpu.memref_slice %arg14[%dma_wait3A_259] : memref<400384xf32, #tpu.memory_space<vmem_shared>> -> memref<400384xf32, #tpu.memory_space<vmem_shared>>
          tpu.wait_indirect_dma semaphore(%run_scoped3A_252 : memref<!tpu.dma_semaphore, #tpu.memory_space<semaphore_mem>>) src(%arg11 : memref<128xf32, #tpu.memory_space<vmem>>) dst(%dma_wait3A_260 : memref<400384xf32, #tpu.memory_space<vmem_shared>>)
          tpu.yield
        }) : () -> ()
        %scan3A_222 = arith.constant 0 : i32
        %scan3A_223 = arith.constant 8 : i32
        %scan3A_224 = arith.addi %scan3A_222, %scan3A_223 : i32
        %scan3A_225 = arith.constant 1 : i32
        scf.for %scan3A_252 = %scan3A_222 to %scan3A_224 step %scan3A_225  : i32 {
          %mul3A_253 = arith.constant 16 : i32
          %mul3A_254 = arith.muli %scan3A_252, %mul3A_253 : i32
          %get3A = arith.constant 3 : i32
          %get3A_255 = arith.index_cast %get3A : i32 to index
          %get3A_256 = arith.index_cast %mul3A_254 : i32 to index
          %get3A_257 = tpu.vector_load %arg9[%get3A_255, %get3A_256] {strides = array<i32>} : memref<8x128xi32, #tpu.memory_space<vmem>>, vector<1x16xi32>,
          %get3A_258 = vector.shape_cast %get3A_257 : vector<1x16xi32> to vector<16xi32>
          %mul3A_259 = arith.constant 8 : i32
          %mul3A_260 = vector.broadcast %mul3A_259 : i32 to vector<16xi32>
          %mul3A_261 = arith.muli %get3A_258, %mul3A_260 : vector<16xi32>
          %swap3A = arith.constant 3 : i32
          %swap3A_262 = arith.index_cast %swap3A : i32 to index
          %swap3A_263 = arith.index_cast %mul3A_254 : i32 to index
          %swap3A_264 = tpu.vector_load %arg10[%swap3A_262, %swap3A_263] {strides = array<i32>} : memref<8x128xi32, #tpu.memory_space<vmem>>, vector<1x16xi32>,
          %swap3A_265 = vector.shape_cast %swap3A_264 : vector<1x16xi32> to vector<16xi32>
          %swap3A_266 = vector.shape_cast %mul3A_261 : vector<16xi32> to vector<1x16xi32>
          tpu.vector_store %arg10[%swap3A_262, %swap3A_263], %swap3A_266 {strides = array<i32>} : memref<8x128xi32, #tpu.memory_space<vmem>>, vector<1x16xi32>,
        }
        %scan3A_226 = arith.constant 8 : i32
        %run_scoped3A_227 = arith.constant 3 : i32
        "tpu.region"() ({
          %run_scoped3A_252 = tpu.sem_alloc : memref<!tpu.dma_semaphore, #tpu.memory_space<semaphore_mem>>
          %dma_start3A = arith.constant 0 : i32
          %dma_start3A_253 = tpu.memref_slice %arg10[%run_scoped3A_227, %dma_start3A] : memref<8x128xi32, #tpu.memory_space<vmem>> -> memref<1x128xi32, #tpu.memory_space<vmem>>
          %dma_start3A_254 = tpu.memref_squeeze %dma_start3A_253 : memref<1x128xi32, #tpu.memory_space<vmem>> -> memref<128xi32, #tpu.memory_space<vmem>>
          %dma_start3A_255 = arith.constant 0 : i32
          %dma_start3A_256 = tpu.memref_slice %arg14[%dma_start3A_255] : memref<400384xf32, #tpu.memory_space<vmem_shared>> -> memref<400384xf32, #tpu.memory_space<vmem_shared>>
          tpu.enqueue_indirect_dma source(%arg11 : memref<128xf32, #tpu.memory_space<vmem>>) target(%dma_start3A_256 : memref<400384xf32, #tpu.memory_space<vmem_shared>>) offsets(%dma_start3A_254 : memref<128xi32, #tpu.memory_space<vmem>>) semaphore(%run_scoped3A_252 : memref<!tpu.dma_semaphore, #tpu.memory_space<semaphore_mem>>) {add = true}
          %dma_wait3A = arith.constant 0 : i32
          %dma_wait3A_257 = tpu.memref_slice %arg10[%run_scoped3A_227, %dma_wait3A] : memref<8x128xi32, #tpu.memory_space<vmem>> -> memref<1x128xi32, #tpu.memory_space<vmem>>
          %dma_wait3A_258 = tpu.memref_squeeze %dma_wait3A_257 : memref<1x128xi32, #tpu.memory_space<vmem>> -> memref<128xi32, #tpu.memory_space<vmem>>
          %dma_wait3A_259 = arith.constant 0 : i32
          %dma_wait3A_260 = tpu.memref_slice %arg14[%dma_wait3A_259] : memref<400384xf32, #tpu.memory_space<vmem_shared>> -> memref<400384xf32, #tpu.memory_space<vmem_shared>>
          tpu.wait_indirect_dma semaphore(%run_scoped3A_252 : memref<!tpu.dma_semaphore, #tpu.memory_space<semaphore_mem>>) src(%arg11 : memref<128xf32, #tpu.memory_space<vmem>>) dst(%dma_wait3A_260 : memref<400384xf32, #tpu.memory_space<vmem_shared>>)
          tpu.yield
        }) : () -> ()
        %scan3A_228 = arith.constant 0 : i32
        %scan3A_229 = arith.constant 8 : i32
        %scan3A_230 = arith.addi %scan3A_228, %scan3A_229 : i32
        %scan3A_231 = arith.constant 1 : i32
        scf.for %scan3A_252 = %scan3A_228 to %scan3A_230 step %scan3A_231  : i32 {
          %mul3A_253 = arith.constant 16 : i32
          %mul3A_254 = arith.muli %scan3A_252, %mul3A_253 : i32
          %get3A = arith.constant 4 : i32
          %get3A_255 = arith.index_cast %get3A : i32 to index
          %get3A_256 = arith.index_cast %mul3A_254 : i32 to index
          %get3A_257 = tpu.vector_load %arg9[%get3A_255, %get3A_256] {strides = array<i32>} : memref<8x128xi32, #tpu.memory_space<vmem>>, vector<1x16xi32>,
          %get3A_258 = vector.shape_cast %get3A_257 : vector<1x16xi32> to vector<16xi32>
          %mul3A_259 = arith.constant 8 : i32
          %mul3A_260 = vector.broadcast %mul3A_259 : i32 to vector<16xi32>
          %mul3A_261 = arith.muli %get3A_258, %mul3A_260 : vector<16xi32>
          %swap3A = arith.constant 4 : i32
          %swap3A_262 = arith.index_cast %swap3A : i32 to index
          %swap3A_263 = arith.index_cast %mul3A_254 : i32 to index
          %swap3A_264 = tpu.vector_load %arg10[%swap3A_262, %swap3A_263] {strides = array<i32>} : memref<8x128xi32, #tpu.memory_space<vmem>>, vector<1x16xi32>,
          %swap3A_265 = vector.shape_cast %swap3A_264 : vector<1x16xi32> to vector<16xi32>
          %swap3A_266 = vector.shape_cast %mul3A_261 : vector<16xi32> to vector<1x16xi32>
          tpu.vector_store %arg10[%swap3A_262, %swap3A_263], %swap3A_266 {strides = array<i32>} : memref<8x128xi32, #tpu.memory_space<vmem>>, vector<1x16xi32>,
        }
        %scan3A_232 = arith.constant 8 : i32
        %run_scoped3A_233 = arith.constant 4 : i32
        "tpu.region"() ({
          %run_scoped3A_252 = tpu.sem_alloc : memref<!tpu.dma_semaphore, #tpu.memory_space<semaphore_mem>>
          %dma_start3A = arith.constant 0 : i32
          %dma_start3A_253 = tpu.memref_slice %arg10[%run_scoped3A_233, %dma_start3A] : memref<8x128xi32, #tpu.memory_space<vmem>> -> memref<1x128xi32, #tpu.memory_space<vmem>>
          %dma_start3A_254 = tpu.memref_squeeze %dma_start3A_253 : memref<1x128xi32, #tpu.memory_space<vmem>> -> memref<128xi32, #tpu.memory_space<vmem>>
          %dma_start3A_255 = arith.constant 0 : i32
          %dma_start3A_256 = tpu.memref_slice %arg14[%dma_start3A_255] : memref<400384xf32, #tpu.memory_space<vmem_shared>> -> memref<400384xf32, #tpu.memory_space<vmem_shared>>
          tpu.enqueue_indirect_dma source(%arg11 : memref<128xf32, #tpu.memory_space<vmem>>) target(%dma_start3A_256 : memref<400384xf32, #tpu.memory_space<vmem_shared>>) offsets(%dma_start3A_254 : memref<128xi32, #tpu.memory_space<vmem>>) semaphore(%run_scoped3A_252 : memref<!tpu.dma_semaphore, #tpu.memory_space<semaphore_mem>>) {add = true}
          %dma_wait3A = arith.constant 0 : i32
          %dma_wait3A_257 = tpu.memref_slice %arg10[%run_scoped3A_233, %dma_wait3A] : memref<8x128xi32, #tpu.memory_space<vmem>> -> memref<1x128xi32, #tpu.memory_space<vmem>>
          %dma_wait3A_258 = tpu.memref_squeeze %dma_wait3A_257 : memref<1x128xi32, #tpu.memory_space<vmem>> -> memref<128xi32, #tpu.memory_space<vmem>>
          %dma_wait3A_259 = arith.constant 0 : i32
          %dma_wait3A_260 = tpu.memref_slice %arg14[%dma_wait3A_259] : memref<400384xf32, #tpu.memory_space<vmem_shared>> -> memref<400384xf32, #tpu.memory_space<vmem_shared>>
          tpu.wait_indirect_dma semaphore(%run_scoped3A_252 : memref<!tpu.dma_semaphore, #tpu.memory_space<semaphore_mem>>) src(%arg11 : memref<128xf32, #tpu.memory_space<vmem>>) dst(%dma_wait3A_260 : memref<400384xf32, #tpu.memory_space<vmem_shared>>)
          tpu.yield
        }) : () -> ()
        %scan3A_234 = arith.constant 0 : i32
        %scan3A_235 = arith.constant 8 : i32
        %scan3A_236 = arith.addi %scan3A_234, %scan3A_235 : i32
        %scan3A_237 = arith.constant 1 : i32
        scf.for %scan3A_252 = %scan3A_234 to %scan3A_236 step %scan3A_237  : i32 {
          %mul3A_253 = arith.constant 16 : i32
          %mul3A_254 = arith.muli %scan3A_252, %mul3A_253 : i32
          %get3A = arith.constant 5 : i32
          %get3A_255 = arith.index_cast %get3A : i32 to index
          %get3A_256 = arith.index_cast %mul3A_254 : i32 to index
          %get3A_257 = tpu.vector_load %arg9[%get3A_255, %get3A_256] {strides = array<i32>} : memref<8x128xi32, #tpu.memory_space<vmem>>, vector<1x16xi32>,
          %get3A_258 = vector.shape_cast %get3A_257 : vector<1x16xi32> to vector<16xi32>
          %mul3A_259 = arith.constant 8 : i32
          %mul3A_260 = vector.broadcast %mul3A_259 : i32 to vector<16xi32>
          %mul3A_261 = arith.muli %get3A_258, %mul3A_260 : vector<16xi32>
          %swap3A = arith.constant 5 : i32
          %swap3A_262 = arith.index_cast %swap3A : i32 to index
          %swap3A_263 = arith.index_cast %mul3A_254 : i32 to index
          %swap3A_264 = tpu.vector_load %arg10[%swap3A_262, %swap3A_263] {strides = array<i32>} : memref<8x128xi32, #tpu.memory_space<vmem>>, vector<1x16xi32>,
          %swap3A_265 = vector.shape_cast %swap3A_264 : vector<1x16xi32> to vector<16xi32>
          %swap3A_266 = vector.shape_cast %mul3A_261 : vector<16xi32> to vector<1x16xi32>
          tpu.vector_store %arg10[%swap3A_262, %swap3A_263], %swap3A_266 {strides = array<i32>} : memref<8x128xi32, #tpu.memory_space<vmem>>, vector<1x16xi32>,
        }
        %scan3A_238 = arith.constant 8 : i32
        %run_scoped3A_239 = arith.constant 5 : i32
        "tpu.region"() ({
          %run_scoped3A_252 = tpu.sem_alloc : memref<!tpu.dma_semaphore, #tpu.memory_space<semaphore_mem>>
          %dma_start3A = arith.constant 0 : i32
          %dma_start3A_253 = tpu.memref_slice %arg10[%run_scoped3A_239, %dma_start3A] : memref<8x128xi32, #tpu.memory_space<vmem>> -> memref<1x128xi32, #tpu.memory_space<vmem>>
          %dma_start3A_254 = tpu.memref_squeeze %dma_start3A_253 : memref<1x128xi32, #tpu.memory_space<vmem>> -> memref<128xi32, #tpu.memory_space<vmem>>
          %dma_start3A_255 = arith.constant 0 : i32
          %dma_start3A_256 = tpu.memref_slice %arg14[%dma_start3A_255] : memref<400384xf32, #tpu.memory_space<vmem_shared>> -> memref<400384xf32, #tpu.memory_space<vmem_shared>>
          tpu.enqueue_indirect_dma source(%arg11 : memref<128xf32, #tpu.memory_space<vmem>>) target(%dma_start3A_256 : memref<400384xf32, #tpu.memory_space<vmem_shared>>) offsets(%dma_start3A_254 : memref<128xi32, #tpu.memory_space<vmem>>) semaphore(%run_scoped3A_252 : memref<!tpu.dma_semaphore, #tpu.memory_space<semaphore_mem>>) {add = true}
          %dma_wait3A = arith.constant 0 : i32
          %dma_wait3A_257 = tpu.memref_slice %arg10[%run_scoped3A_239, %dma_wait3A] : memref<8x128xi32, #tpu.memory_space<vmem>> -> memref<1x128xi32, #tpu.memory_space<vmem>>
          %dma_wait3A_258 = tpu.memref_squeeze %dma_wait3A_257 : memref<1x128xi32, #tpu.memory_space<vmem>> -> memref<128xi32, #tpu.memory_space<vmem>>
          %dma_wait3A_259 = arith.constant 0 : i32
          %dma_wait3A_260 = tpu.memref_slice %arg14[%dma_wait3A_259] : memref<400384xf32, #tpu.memory_space<vmem_shared>> -> memref<400384xf32, #tpu.memory_space<vmem_shared>>
          tpu.wait_indirect_dma semaphore(%run_scoped3A_252 : memref<!tpu.dma_semaphore, #tpu.memory_space<semaphore_mem>>) src(%arg11 : memref<128xf32, #tpu.memory_space<vmem>>) dst(%dma_wait3A_260 : memref<400384xf32, #tpu.memory_space<vmem_shared>>)
          tpu.yield
        }) : () -> ()
        %scan3A_240 = arith.constant 0 : i32
        %scan3A_241 = arith.constant 8 : i32
        %scan3A_242 = arith.addi %scan3A_240, %scan3A_241 : i32
        %scan3A_243 = arith.constant 1 : i32
        scf.for %scan3A_252 = %scan3A_240 to %scan3A_242 step %scan3A_243  : i32 {
          %mul3A_253 = arith.constant 16 : i32
          %mul3A_254 = arith.muli %scan3A_252, %mul3A_253 : i32
          %get3A = arith.constant 6 : i32
          %get3A_255 = arith.index_cast %get3A : i32 to index
          %get3A_256 = arith.index_cast %mul3A_254 : i32 to index
          %get3A_257 = tpu.vector_load %arg9[%get3A_255, %get3A_256] {strides = array<i32>} : memref<8x128xi32, #tpu.memory_space<vmem>>, vector<1x16xi32>,
          %get3A_258 = vector.shape_cast %get3A_257 : vector<1x16xi32> to vector<16xi32>
          %mul3A_259 = arith.constant 8 : i32
          %mul3A_260 = vector.broadcast %mul3A_259 : i32 to vector<16xi32>
          %mul3A_261 = arith.muli %get3A_258, %mul3A_260 : vector<16xi32>
          %swap3A = arith.constant 6 : i32
          %swap3A_262 = arith.index_cast %swap3A : i32 to index
          %swap3A_263 = arith.index_cast %mul3A_254 : i32 to index
          %swap3A_264 = tpu.vector_load %arg10[%swap3A_262, %swap3A_263] {strides = array<i32>} : memref<8x128xi32, #tpu.memory_space<vmem>>, vector<1x16xi32>,
          %swap3A_265 = vector.shape_cast %swap3A_264 : vector<1x16xi32> to vector<16xi32>
          %swap3A_266 = vector.shape_cast %mul3A_261 : vector<16xi32> to vector<1x16xi32>
          tpu.vector_store %arg10[%swap3A_262, %swap3A_263], %swap3A_266 {strides = array<i32>} : memref<8x128xi32, #tpu.memory_space<vmem>>, vector<1x16xi32>,
        }
        %scan3A_244 = arith.constant 8 : i32
        %run_scoped3A_245 = arith.constant 6 : i32
        "tpu.region"() ({
          %run_scoped3A_252 = tpu.sem_alloc : memref<!tpu.dma_semaphore, #tpu.memory_space<semaphore_mem>>
          %dma_start3A = arith.constant 0 : i32
          %dma_start3A_253 = tpu.memref_slice %arg10[%run_scoped3A_245, %dma_start3A] : memref<8x128xi32, #tpu.memory_space<vmem>> -> memref<1x128xi32, #tpu.memory_space<vmem>>
          %dma_start3A_254 = tpu.memref_squeeze %dma_start3A_253 : memref<1x128xi32, #tpu.memory_space<vmem>> -> memref<128xi32, #tpu.memory_space<vmem>>
          %dma_start3A_255 = arith.constant 0 : i32
          %dma_start3A_256 = tpu.memref_slice %arg14[%dma_start3A_255] : memref<400384xf32, #tpu.memory_space<vmem_shared>> -> memref<400384xf32, #tpu.memory_space<vmem_shared>>
          tpu.enqueue_indirect_dma source(%arg11 : memref<128xf32, #tpu.memory_space<vmem>>) target(%dma_start3A_256 : memref<400384xf32, #tpu.memory_space<vmem_shared>>) offsets(%dma_start3A_254 : memref<128xi32, #tpu.memory_space<vmem>>) semaphore(%run_scoped3A_252 : memref<!tpu.dma_semaphore, #tpu.memory_space<semaphore_mem>>) {add = true}
          %dma_wait3A = arith.constant 0 : i32
          %dma_wait3A_257 = tpu.memref_slice %arg10[%run_scoped3A_245, %dma_wait3A] : memref<8x128xi32, #tpu.memory_space<vmem>> -> memref<1x128xi32, #tpu.memory_space<vmem>>
          %dma_wait3A_258 = tpu.memref_squeeze %dma_wait3A_257 : memref<1x128xi32, #tpu.memory_space<vmem>> -> memref<128xi32, #tpu.memory_space<vmem>>
          %dma_wait3A_259 = arith.constant 0 : i32
          %dma_wait3A_260 = tpu.memref_slice %arg14[%dma_wait3A_259] : memref<400384xf32, #tpu.memory_space<vmem_shared>> -> memref<400384xf32, #tpu.memory_space<vmem_shared>>
          tpu.wait_indirect_dma semaphore(%run_scoped3A_252 : memref<!tpu.dma_semaphore, #tpu.memory_space<semaphore_mem>>) src(%arg11 : memref<128xf32, #tpu.memory_space<vmem>>) dst(%dma_wait3A_260 : memref<400384xf32, #tpu.memory_space<vmem_shared>>)
          tpu.yield
        }) : () -> ()
        %scan3A_246 = arith.constant 0 : i32
        %scan3A_247 = arith.constant 8 : i32
        %scan3A_248 = arith.addi %scan3A_246, %scan3A_247 : i32
        %scan3A_249 = arith.constant 1 : i32
        scf.for %scan3A_252 = %scan3A_246 to %scan3A_248 step %scan3A_249  : i32 {
          %mul3A_253 = arith.constant 16 : i32
          %mul3A_254 = arith.muli %scan3A_252, %mul3A_253 : i32
          %get3A = arith.constant 7 : i32
          %get3A_255 = arith.index_cast %get3A : i32 to index
          %get3A_256 = arith.index_cast %mul3A_254 : i32 to index
          %get3A_257 = tpu.vector_load %arg9[%get3A_255, %get3A_256] {strides = array<i32>} : memref<8x128xi32, #tpu.memory_space<vmem>>, vector<1x16xi32>,
          %get3A_258 = vector.shape_cast %get3A_257 : vector<1x16xi32> to vector<16xi32>
          %mul3A_259 = arith.constant 8 : i32
          %mul3A_260 = vector.broadcast %mul3A_259 : i32 to vector<16xi32>
          %mul3A_261 = arith.muli %get3A_258, %mul3A_260 : vector<16xi32>
          %swap3A = arith.constant 7 : i32
          %swap3A_262 = arith.index_cast %swap3A : i32 to index
          %swap3A_263 = arith.index_cast %mul3A_254 : i32 to index
          %swap3A_264 = tpu.vector_load %arg10[%swap3A_262, %swap3A_263] {strides = array<i32>} : memref<8x128xi32, #tpu.memory_space<vmem>>, vector<1x16xi32>,
          %swap3A_265 = vector.shape_cast %swap3A_264 : vector<1x16xi32> to vector<16xi32>
          %swap3A_266 = vector.shape_cast %mul3A_261 : vector<16xi32> to vector<1x16xi32>
          tpu.vector_store %arg10[%swap3A_262, %swap3A_263], %swap3A_266 {strides = array<i32>} : memref<8x128xi32, #tpu.memory_space<vmem>>, vector<1x16xi32>,
        }
        %scan3A_250 = arith.constant 8 : i32
        %run_scoped3A_251 = arith.constant 7 : i32
        "tpu.region"() ({
          %run_scoped3A_252 = tpu.sem_alloc : memref<!tpu.dma_semaphore, #tpu.memory_space<semaphore_mem>>
          %dma_start3A = arith.constant 0 : i32
          %dma_start3A_253 = tpu.memref_slice %arg10[%run_scoped3A_251, %dma_start3A] : memref<8x128xi32, #tpu.memory_space<vmem>> -> memref<1x128xi32, #tpu.memory_space<vmem>>
          %dma_start3A_254 = tpu.memref_squeeze %dma_start3A_253 : memref<1x128xi32, #tpu.memory_space<vmem>> -> memref<128xi32, #tpu.memory_space<vmem>>
          %dma_start3A_255 = arith.constant 0 : i32
          %dma_start3A_256 = tpu.memref_slice %arg14[%dma_start3A_255] : memref<400384xf32, #tpu.memory_space<vmem_shared>> -> memref<400384xf32, #tpu.memory_space<vmem_shared>>
          tpu.enqueue_indirect_dma source(%arg11 : memref<128xf32, #tpu.memory_space<vmem>>) target(%dma_start3A_256 : memref<400384xf32, #tpu.memory_space<vmem_shared>>) offsets(%dma_start3A_254 : memref<128xi32, #tpu.memory_space<vmem>>) semaphore(%run_scoped3A_252 : memref<!tpu.dma_semaphore, #tpu.memory_space<semaphore_mem>>) {add = true}
          %dma_wait3A = arith.constant 0 : i32
          %dma_wait3A_257 = tpu.memref_slice %arg10[%run_scoped3A_251, %dma_wait3A] : memref<8x128xi32, #tpu.memory_space<vmem>> -> memref<1x128xi32, #tpu.memory_space<vmem>>
          %dma_wait3A_258 = tpu.memref_squeeze %dma_wait3A_257 : memref<1x128xi32, #tpu.memory_space<vmem>> -> memref<128xi32, #tpu.memory_space<vmem>>
          %dma_wait3A_259 = arith.constant 0 : i32
          %dma_wait3A_260 = tpu.memref_slice %arg14[%dma_wait3A_259] : memref<400384xf32, #tpu.memory_space<vmem_shared>> -> memref<400384xf32, #tpu.memory_space<vmem_shared>>
          tpu.wait_indirect_dma semaphore(%run_scoped3A_252 : memref<!tpu.dma_semaphore, #tpu.memory_space<semaphore_mem>>) src(%arg11 : memref<128xf32, #tpu.memory_space<vmem>>) dst(%dma_wait3A_260 : memref<400384xf32, #tpu.memory_space<vmem_shared>>)
          tpu.yield
        }) : () -> ()
      } else {
      }
    }
    %scan3A_35 = arith.constant 7 : i32
    %barrier3A_36 = arith.constant 0 : index
    tpu.barrier barrier_id(%barrier3A_36)
    "tpu.region"() ({
      %run_scoped3A = tpu.sem_alloc : memref<!tpu.dma_semaphore, #tpu.memory_space<semaphore_mem>>
      %dma_start3A = tpu.memref_slice %arg14[%mul3A_16] : memref<400384xf32, #tpu.memory_space<vmem_shared>> -> memref<25024xf32, #tpu.memory_space<vmem_shared>>
      %dma_start3A_197 = tpu.memref_slice %arg14[%mul3A_16] : memref<400384xf32, #tpu.memory_space<vmem_shared>> -> memref<25024xf32, #tpu.memory_space<vmem_shared>>
      tpu.enqueue_dma source(%dma_start3A_197 : memref<25024xf32, #tpu.memory_space<vmem_shared>>) target(%arg13 : memref<25024xf32, #tpu.memory_space<vmem>>) target_semaphore(%run_scoped3A : memref<!tpu.dma_semaphore, #tpu.memory_space<semaphore_mem>>)
      %dma_wait3A = tpu.memref_slice %arg14[%mul3A_16] : memref<400384xf32, #tpu.memory_space<vmem_shared>> -> memref<25024xf32, #tpu.memory_space<vmem_shared>>
      %dma_wait3A_198 = tpu.memref_slice %arg14[%mul3A_16] : memref<400384xf32, #tpu.memory_space<vmem_shared>> -> memref<25024xf32, #tpu.memory_space<vmem_shared>>
      tpu.wait_dma2 semaphore(%run_scoped3A : memref<!tpu.dma_semaphore, #tpu.memory_space<semaphore_mem>>) src(%dma_wait3A_198 : memref<25024xf32, #tpu.memory_space<vmem_shared>>) dst(%arg13 : memref<25024xf32, #tpu.memory_space<vmem>>)
      tpu.yield
    }) : () -> ()
    %mul3A_37 = arith.constant 6 : i32
    %mul3A_38 = arith.muli %arg0, %mul3A_37 : i32
    %add3A_39 = arith.constant 0 : i32
    %add3A_40 = arith.addi %mul3A_38, %add3A_39 : i32
    %mul3A_41 = arith.constant 50048 : i32
    %mul3A_42 = arith.muli %add3A_40, %mul3A_41 : i32
    %mul3A_43 = arith.constant 8 : i32
    %mul3A_44 = arith.muli %mul3A_42, %mul3A_43 : i32
    %add3A_45 = arith.addi %mul3A_44, %mul3A_16 : i32
    "tpu.region"() ({
      %run_scoped3A = tpu.sem_alloc : memref<!tpu.dma_semaphore, #tpu.memory_space<semaphore_mem>>
      %dma_start3A = tpu.memref_slice %arg8[%add3A_45] : memref<4804608xf32, #tpu.memory_space<hbm>> -> memref<25024xf32, #tpu.memory_space<hbm>>
      %dma_start3A_197 = tpu.memref_slice %arg8[%add3A_45] : memref<4804608xf32, #tpu.memory_space<hbm>> -> memref<25024xf32, #tpu.memory_space<hbm>>
      tpu.enqueue_dma source(%arg13 : memref<25024xf32, #tpu.memory_space<vmem>>) target(%dma_start3A_197 : memref<25024xf32, #tpu.memory_space<hbm>>) target_semaphore(%run_scoped3A : memref<!tpu.dma_semaphore, #tpu.memory_space<semaphore_mem>>)
      %dma_wait3A = tpu.memref_slice %arg8[%add3A_45] : memref<4804608xf32, #tpu.memory_space<hbm>> -> memref<25024xf32, #tpu.memory_space<hbm>>
      %dma_wait3A_198 = tpu.memref_slice %arg8[%add3A_45] : memref<4804608xf32, #tpu.memory_space<hbm>> -> memref<25024xf32, #tpu.memory_space<hbm>>
      tpu.wait_dma2 semaphore(%run_scoped3A : memref<!tpu.dma_semaphore, #tpu.memory_space<semaphore_mem>>) src(%arg13 : memref<25024xf32, #tpu.memory_space<vmem>>) dst(%dma_wait3A_198 : memref<25024xf32, #tpu.memory_space<hbm>>)
      tpu.yield
    }) : () -> ()
    %add3A_46 = arith.constant 0 : i32
    %add3A_47 = arith.addi %mul3A_16, %add3A_46 : i32
    "tpu.region"() ({
      %run_scoped3A = tpu.sem_alloc : memref<!tpu.dma_semaphore, #tpu.memory_space<semaphore_mem>>
      %dma_start3A = tpu.memref_slice %arg14[%add3A_47] : memref<400384xf32, #tpu.memory_space<vmem_shared>> -> memref<4096xf32, #tpu.memory_space<vmem_shared>>
      %dma_start3A_197 = tpu.memref_slice %arg14[%add3A_47] : memref<400384xf32, #tpu.memory_space<vmem_shared>> -> memref<4096xf32, #tpu.memory_space<vmem_shared>>
      tpu.enqueue_dma source(%arg12 : memref<4096xf32, #tpu.memory_space<vmem>>) target(%dma_start3A_197 : memref<4096xf32, #tpu.memory_space<vmem_shared>>) target_semaphore(%run_scoped3A : memref<!tpu.dma_semaphore, #tpu.memory_space<semaphore_mem>>)
      %dma_wait3A = tpu.memref_slice %arg14[%add3A_47] : memref<400384xf32, #tpu.memory_space<vmem_shared>> -> memref<4096xf32, #tpu.memory_space<vmem_shared>>
      %dma_wait3A_198 = tpu.memref_slice %arg14[%add3A_47] : memref<400384xf32, #tpu.memory_space<vmem_shared>> -> memref<4096xf32, #tpu.memory_space<vmem_shared>>
      tpu.wait_dma2 semaphore(%run_scoped3A : memref<!tpu.dma_semaphore, #tpu.memory_space<semaphore_mem>>) src(%arg12 : memref<4096xf32, #tpu.memory_space<vmem>>) dst(%dma_wait3A_198 : memref<4096xf32, #tpu.memory_space<vmem_shared>>)
      tpu.yield
    }) : () -> ()
    %add3A_48 = arith.constant 4096 : i32
    %add3A_49 = arith.addi %mul3A_16, %add3A_48 : i32
    "tpu.region"() ({
      %run_scoped3A = tpu.sem_alloc : memref<!tpu.dma_semaphore, #tpu.memory_space<semaphore_mem>>
      %dma_start3A = tpu.memref_slice %arg14[%add3A_49] : memref<400384xf32, #tpu.memory_space<vmem_shared>> -> memref<4096xf32, #tpu.memory_space<vmem_shared>>
      %dma_start3A_197 = tpu.memref_slice %arg14[%add3A_49] : memref<400384xf32, #tpu.memory_space<vmem_shared>> -> memref<4096xf32, #tpu.memory_space<vmem_shared>>
      tpu.enqueue_dma source(%arg12 : memref<4096xf32, #tpu.memory_space<vmem>>) target(%dma_start3A_197 : memref<4096xf32, #tpu.memory_space<vmem_shared>>) target_semaphore(%run_scoped3A : memref<!tpu.dma_semaphore, #tpu.memory_space<semaphore_mem>>)
      %dma_wait3A = tpu.memref_slice %arg14[%add3A_49] : memref<400384xf32, #tpu.memory_space<vmem_shared>> -> memref<4096xf32, #tpu.memory_space<vmem_shared>>
      %dma_wait3A_198 = tpu.memref_slice %arg14[%add3A_49] : memref<400384xf32, #tpu.memory_space<vmem_shared>> -> memref<4096xf32, #tpu.memory_space<vmem_shared>>
      tpu.wait_dma2 semaphore(%run_scoped3A : memref<!tpu.dma_semaphore, #tpu.memory_space<semaphore_mem>>) src(%arg12 : memref<4096xf32, #tpu.memory_space<vmem>>) dst(%dma_wait3A_198 : memref<4096xf32, #tpu.memory_space<vmem_shared>>)
      tpu.yield
    }) : () -> ()
    %add3A_50 = arith.constant 8192 : i32
    %add3A_51 = arith.addi %mul3A_16, %add3A_50 : i32
    "tpu.region"() ({
      %run_scoped3A = tpu.sem_alloc : memref<!tpu.dma_semaphore, #tpu.memory_space<semaphore_mem>>
      %dma_start3A = tpu.memref_slice %arg14[%add3A_51] : memref<400384xf32, #tpu.memory_space<vmem_shared>> -> memref<4096xf32, #tpu.memory_space<vmem_shared>>
      %dma_start3A_197 = tpu.memref_slice %arg14[%add3A_51] : memref<400384xf32, #tpu.memory_space<vmem_shared>> -> memref<4096xf32, #tpu.memory_space<vmem_shared>>
      tpu.enqueue_dma source(%arg12 : memref<4096xf32, #tpu.memory_space<vmem>>) target(%dma_start3A_197 : memref<4096xf32, #tpu.memory_space<vmem_shared>>) target_semaphore(%run_scoped3A : memref<!tpu.dma_semaphore, #tpu.memory_space<semaphore_mem>>)
      %dma_wait3A = tpu.memref_slice %arg14[%add3A_51] : memref<400384xf32, #tpu.memory_space<vmem_shared>> -> memref<4096xf32, #tpu.memory_space<vmem_shared>>
      %dma_wait3A_198 = tpu.memref_slice %arg14[%add3A_51] : memref<400384xf32, #tpu.memory_space<vmem_shared>> -> memref<4096xf32, #tpu.memory_space<vmem_shared>>
      tpu.wait_dma2 semaphore(%run_scoped3A : memref<!tpu.dma_semaphore, #tpu.memory_space<semaphore_mem>>) src(%arg12 : memref<4096xf32, #tpu.memory_space<vmem>>) dst(%dma_wait3A_198 : memref<4096xf32, #tpu.memory_space<vmem_shared>>)
      tpu.yield
    }) : () -> ()
    %add3A_52 = arith.constant 12288 : i32
    %add3A_53 = arith.addi %mul3A_16, %add3A_52 : i32
    "tpu.region"() ({
      %run_scoped3A = tpu.sem_alloc : memref<!tpu.dma_semaphore, #tpu.memory_space<semaphore_mem>>
      %dma_start3A = tpu.memref_slice %arg14[%add3A_53] : memref<400384xf32, #tpu.memory_space<vmem_shared>> -> memref<4096xf32, #tpu.memory_space<vmem_shared>>
      %dma_start3A_197 = tpu.memref_slice %arg14[%add3A_53] : memref<400384xf32, #tpu.memory_space<vmem_shared>> -> memref<4096xf32, #tpu.memory_space<vmem_shared>>
      tpu.enqueue_dma source(%arg12 : memref<4096xf32, #tpu.memory_space<vmem>>) target(%dma_start3A_197 : memref<4096xf32, #tpu.memory_space<vmem_shared>>) target_semaphore(%run_scoped3A : memref<!tpu.dma_semaphore, #tpu.memory_space<semaphore_mem>>)
      %dma_wait3A = tpu.memref_slice %arg14[%add3A_53] : memref<400384xf32, #tpu.memory_space<vmem_shared>> -> memref<4096xf32, #tpu.memory_space<vmem_shared>>
      %dma_wait3A_198 = tpu.memref_slice %arg14[%add3A_53] : memref<400384xf32, #tpu.memory_space<vmem_shared>> -> memref<4096xf32, #tpu.memory_space<vmem_shared>>
      tpu.wait_dma2 semaphore(%run_scoped3A : memref<!tpu.dma_semaphore, #tpu.memory_space<semaphore_mem>>) src(%arg12 : memref<4096xf32, #tpu.memory_space<vmem>>) dst(%dma_wait3A_198 : memref<4096xf32, #tpu.memory_space<vmem_shared>>)
      tpu.yield
    }) : () -> ()
    %add3A_54 = arith.constant 16384 : i32
    %add3A_55 = arith.addi %mul3A_16, %add3A_54 : i32
    "tpu.region"() ({
      %run_scoped3A = tpu.sem_alloc : memref<!tpu.dma_semaphore, #tpu.memory_space<semaphore_mem>>
      %dma_start3A = tpu.memref_slice %arg14[%add3A_55] : memref<400384xf32, #tpu.memory_space<vmem_shared>> -> memref<4096xf32, #tpu.memory_space<vmem_shared>>
      %dma_start3A_197 = tpu.memref_slice %arg14[%add3A_55] : memref<400384xf32, #tpu.memory_space<vmem_shared>> -> memref<4096xf32, #tpu.memory_space<vmem_shared>>
      tpu.enqueue_dma source(%arg12 : memref<4096xf32, #tpu.memory_space<vmem>>) target(%dma_start3A_197 : memref<4096xf32, #tpu.memory_space<vmem_shared>>) target_semaphore(%run_scoped3A : memref<!tpu.dma_semaphore, #tpu.memory_space<semaphore_mem>>)
      %dma_wait3A = tpu.memref_slice %arg14[%add3A_55] : memref<400384xf32, #tpu.memory_space<vmem_shared>> -> memref<4096xf32, #tpu.memory_space<vmem_shared>>
      %dma_wait3A_198 = tpu.memref_slice %arg14[%add3A_55] : memref<400384xf32, #tpu.memory_space<vmem_shared>> -> memref<4096xf32, #tpu.memory_space<vmem_shared>>
      tpu.wait_dma2 semaphore(%run_scoped3A : memref<!tpu.dma_semaphore, #tpu.memory_space<semaphore_mem>>) src(%arg12 : memref<4096xf32, #tpu.memory_space<vmem>>) dst(%dma_wait3A_198 : memref<4096xf32, #tpu.memory_space<vmem_shared>>)
      tpu.yield
    }) : () -> ()
    %add3A_56 = arith.constant 20480 : i32
    %add3A_57 = arith.addi %mul3A_16, %add3A_56 : i32
    "tpu.region"() ({
      %run_scoped3A = tpu.sem_alloc : memref<!tpu.dma_semaphore, #tpu.memory_space<semaphore_mem>>
      %dma_start3A = tpu.memref_slice %arg14[%add3A_57] : memref<400384xf32, #tpu.memory_space<vmem_shared>> -> memref<4096xf32, #tpu.memory_space<vmem_shared>>
      %dma_start3A_197 = tpu.memref_slice %arg14[%add3A_57] : memref<400384xf32, #tpu.memory_space<vmem_shared>> -> memref<4096xf32, #tpu.memory_space<vmem_shared>>
      tpu.enqueue_dma source(%arg12 : memref<4096xf32, #tpu.memory_space<vmem>>) target(%dma_start3A_197 : memref<4096xf32, #tpu.memory_space<vmem_shared>>) target_semaphore(%run_scoped3A : memref<!tpu.dma_semaphore, #tpu.memory_space<semaphore_mem>>)
      %dma_wait3A = tpu.memref_slice %arg14[%add3A_57] : memref<400384xf32, #tpu.memory_space<vmem_shared>> -> memref<4096xf32, #tpu.memory_space<vmem_shared>>
      %dma_wait3A_198 = tpu.memref_slice %arg14[%add3A_57] : memref<400384xf32, #tpu.memory_space<vmem_shared>> -> memref<4096xf32, #tpu.memory_space<vmem_shared>>
      tpu.wait_dma2 semaphore(%run_scoped3A : memref<!tpu.dma_semaphore, #tpu.memory_space<semaphore_mem>>) src(%arg12 : memref<4096xf32, #tpu.memory_space<vmem>>) dst(%dma_wait3A_198 : memref<4096xf32, #tpu.memory_space<vmem_shared>>)
      tpu.yield
    }) : () -> ()
    %add3A_58 = arith.constant 24576 : i32
    %add3A_59 = arith.addi %mul3A_16, %add3A_58 : i32
    "tpu.region"() ({
      %run_scoped3A = tpu.sem_alloc : memref<!tpu.dma_semaphore, #tpu.memory_space<semaphore_mem>>
      %dma_start3A = arith.constant 0 : i32
      %dma_start3A_197 = tpu.memref_slice %arg12[%dma_start3A] : memref<4096xf32, #tpu.memory_space<vmem>> -> memref<448xf32, #tpu.memory_space<vmem>>
      %dma_start3A_198 = tpu.memref_slice %arg14[%add3A_59] : memref<400384xf32, #tpu.memory_space<vmem_shared>> -> memref<448xf32, #tpu.memory_space<vmem_shared>>
      %dma_start3A_199 = tpu.memref_slice %arg14[%add3A_59] : memref<400384xf32, #tpu.memory_space<vmem_shared>> -> memref<448xf32, #tpu.memory_space<vmem_shared>>
      %dma_start3A_200 = arith.constant 0 : i32
      %dma_start3A_201 = tpu.memref_slice %arg12[%dma_start3A_200] : memref<4096xf32, #tpu.memory_space<vmem>> -> memref<448xf32, #tpu.memory_space<vmem>>
      tpu.enqueue_dma source(%dma_start3A_201 : memref<448xf32, #tpu.memory_space<vmem>>) target(%dma_start3A_199 : memref<448xf32, #tpu.memory_space<vmem_shared>>) target_semaphore(%run_scoped3A : memref<!tpu.dma_semaphore, #tpu.memory_space<semaphore_mem>>)
      %dma_wait3A = arith.constant 0 : i32
      %dma_wait3A_202 = tpu.memref_slice %arg12[%dma_wait3A] : memref<4096xf32, #tpu.memory_space<vmem>> -> memref<448xf32, #tpu.memory_space<vmem>>
      %dma_wait3A_203 = tpu.memref_slice %arg14[%add3A_59] : memref<400384xf32, #tpu.memory_space<vmem_shared>> -> memref<448xf32, #tpu.memory_space<vmem_shared>>
      %dma_wait3A_204 = tpu.memref_slice %arg14[%add3A_59] : memref<400384xf32, #tpu.memory_space<vmem_shared>> -> memref<448xf32, #tpu.memory_space<vmem_shared>>
      %dma_wait3A_205 = arith.constant 0 : i32
      %dma_wait3A_206 = tpu.memref_slice %arg12[%dma_wait3A_205] : memref<4096xf32, #tpu.memory_space<vmem>> -> memref<448xf32, #tpu.memory_space<vmem>>
      tpu.wait_dma2 semaphore(%run_scoped3A : memref<!tpu.dma_semaphore, #tpu.memory_space<semaphore_mem>>) src(%dma_wait3A_206 : memref<448xf32, #tpu.memory_space<vmem>>) dst(%dma_wait3A_204 : memref<448xf32, #tpu.memory_space<vmem_shared>>)
      tpu.yield
    }) : () -> ()
    %barrier3A_60 = arith.constant 0 : index
    tpu.barrier barrier_id(%barrier3A_60)
    %scan3A_61 = arith.constant 0 : i32
    %scan3A_62 = arith.constant 7 : i32
    %scan3A_63 = arith.addi %scan3A_61, %scan3A_62 : i32
    %scan3A_64 = arith.constant 1 : i32
    scf.for %scan3A_197 = %scan3A_61 to %scan3A_63 step %scan3A_64  : i32 {
      %mul3A_198 = arith.constant 32 : i32
      %mul3A_199 = arith.muli %mul3A_198, %scan3A_197 : i32
      %add3A_200 = arith.addi %add3A, %mul3A_199 : i32
      %lt3A = arith.constant 196 : i32
      %lt3A_201 = arith.cmpi slt, %add3A_200, %lt3A : i32
      %convert_element_type3A = arith.extui %lt3A_201 : i1 to i32
      %cond3A = arith.constant 0 : i32
      %cond3A_202 = arith.cmpi ne, %convert_element_type3A, %cond3A : i32
      scf.if %cond3A_202 {
        %mul3A_203 = arith.constant 8 : i32
        %mul3A_204 = arith.muli %add3A_200, %mul3A_203 : i32
        "tpu.region"() ({
          %run_scoped3A_252 = tpu.sem_alloc : memref<!tpu.dma_semaphore, #tpu.memory_space<semaphore_mem>>
          %dma_start3A = arith.constant 0 : i32
          %dma_start3A_253 = tpu.memref_slice %arg3[%mul3A_204, %dma_start3A] : memref<1568x128xi32, #tpu.memory_space<hbm>> -> memref<8x128xi32, #tpu.memory_space<hbm>>
          %dma_start3A_254 = arith.constant 0 : i32
          %dma_start3A_255 = tpu.memref_slice %arg3[%mul3A_204, %dma_start3A_254] : memref<1568x128xi32, #tpu.memory_space<hbm>> -> memref<8x128xi32, #tpu.memory_space<hbm>>
          tpu.enqueue_dma source(%dma_start3A_255 : memref<8x128xi32, #tpu.memory_space<hbm>>) target(%arg9 : memref<8x128xi32, #tpu.memory_space<vmem>>) target_semaphore(%run_scoped3A_252 : memref<!tpu.dma_semaphore, #tpu.memory_space<semaphore_mem>>)
          %dma_wait3A = arith.constant 0 : i32
          %dma_wait3A_256 = tpu.memref_slice %arg3[%mul3A_204, %dma_wait3A] : memref<1568x128xi32, #tpu.memory_space<hbm>> -> memref<8x128xi32, #tpu.memory_space<hbm>>
          %dma_wait3A_257 = arith.constant 0 : i32
          %dma_wait3A_258 = tpu.memref_slice %arg3[%mul3A_204, %dma_wait3A_257] : memref<1568x128xi32, #tpu.memory_space<hbm>> -> memref<8x128xi32, #tpu.memory_space<hbm>>
          tpu.wait_dma2 semaphore(%run_scoped3A_252 : memref<!tpu.dma_semaphore, #tpu.memory_space<semaphore_mem>>) src(%dma_wait3A_258 : memref<8x128xi32, #tpu.memory_space<hbm>>) dst(%arg9 : memref<8x128xi32, #tpu.memory_space<vmem>>)
          tpu.yield
        }) : () -> ()
        %scan3A_205 = arith.constant 0 : i32
        %scan3A_206 = arith.constant 8 : i32
        %scan3A_207 = arith.addi %scan3A_205, %scan3A_206 : i32
        %scan3A_208 = arith.constant 1 : i32
        scf.for %scan3A_252 = %scan3A_205 to %scan3A_207 step %scan3A_208  : i32 {
          %mul3A_253 = arith.constant 16 : i32
          %mul3A_254 = arith.muli %scan3A_252, %mul3A_253 : i32
          %get3A = arith.constant 0 : i32
          %get3A_255 = arith.index_cast %get3A : i32 to index
          %get3A_256 = arith.index_cast %mul3A_254 : i32 to index
          %get3A_257 = tpu.vector_load %arg9[%get3A_255, %get3A_256] {strides = array<i32>} : memref<8x128xi32, #tpu.memory_space<vmem>>, vector<1x16xi32>,
          %get3A_258 = vector.shape_cast %get3A_257 : vector<1x16xi32> to vector<16xi32>
          %mul3A_259 = arith.constant 8 : i32
          %mul3A_260 = vector.broadcast %mul3A_259 : i32 to vector<16xi32>
          %mul3A_261 = arith.muli %get3A_258, %mul3A_260 : vector<16xi32>
          %swap3A = arith.constant 0 : i32
          %swap3A_262 = arith.index_cast %swap3A : i32 to index
          %swap3A_263 = arith.index_cast %mul3A_254 : i32 to index
          %swap3A_264 = tpu.vector_load %arg10[%swap3A_262, %swap3A_263] {strides = array<i32>} : memref<8x128xi32, #tpu.memory_space<vmem>>, vector<1x16xi32>,
          %swap3A_265 = vector.shape_cast %swap3A_264 : vector<1x16xi32> to vector<16xi32>
          %swap3A_266 = vector.shape_cast %mul3A_261 : vector<16xi32> to vector<1x16xi32>
          tpu.vector_store %arg10[%swap3A_262, %swap3A_263], %swap3A_266 {strides = array<i32>} : memref<8x128xi32, #tpu.memory_space<vmem>>, vector<1x16xi32>,
        }
        %scan3A_209 = arith.constant 8 : i32
        %run_scoped3A = arith.constant 0 : i32
        "tpu.region"() ({
          %run_scoped3A_252 = tpu.sem_alloc : memref<!tpu.dma_semaphore, #tpu.memory_space<semaphore_mem>>
          %dma_start3A = arith.constant 0 : i32
          %dma_start3A_253 = tpu.memref_slice %arg10[%run_scoped3A, %dma_start3A] : memref<8x128xi32, #tpu.memory_space<vmem>> -> memref<1x128xi32, #tpu.memory_space<vmem>>
          %dma_start3A_254 = tpu.memref_squeeze %dma_start3A_253 : memref<1x128xi32, #tpu.memory_space<vmem>> -> memref<128xi32, #tpu.memory_space<vmem>>
          %dma_start3A_255 = arith.constant 0 : i32
          %dma_start3A_256 = tpu.memref_slice %arg14[%dma_start3A_255] : memref<400384xf32, #tpu.memory_space<vmem_shared>> -> memref<400384xf32, #tpu.memory_space<vmem_shared>>
          tpu.enqueue_indirect_dma source(%arg11 : memref<128xf32, #tpu.memory_space<vmem>>) target(%dma_start3A_256 : memref<400384xf32, #tpu.memory_space<vmem_shared>>) offsets(%dma_start3A_254 : memref<128xi32, #tpu.memory_space<vmem>>) semaphore(%run_scoped3A_252 : memref<!tpu.dma_semaphore, #tpu.memory_space<semaphore_mem>>) {add = true}
          %dma_wait3A = arith.constant 0 : i32
          %dma_wait3A_257 = tpu.memref_slice %arg10[%run_scoped3A, %dma_wait3A] : memref<8x128xi32, #tpu.memory_space<vmem>> -> memref<1x128xi32, #tpu.memory_space<vmem>>
          %dma_wait3A_258 = tpu.memref_squeeze %dma_wait3A_257 : memref<1x128xi32, #tpu.memory_space<vmem>> -> memref<128xi32, #tpu.memory_space<vmem>>
          %dma_wait3A_259 = arith.constant 0 : i32
          %dma_wait3A_260 = tpu.memref_slice %arg14[%dma_wait3A_259] : memref<400384xf32, #tpu.memory_space<vmem_shared>> -> memref<400384xf32, #tpu.memory_space<vmem_shared>>
          tpu.wait_indirect_dma semaphore(%run_scoped3A_252 : memref<!tpu.dma_semaphore, #tpu.memory_space<semaphore_mem>>) src(%arg11 : memref<128xf32, #tpu.memory_space<vmem>>) dst(%dma_wait3A_260 : memref<400384xf32, #tpu.memory_space<vmem_shared>>)
          tpu.yield
        }) : () -> ()
        %scan3A_210 = arith.constant 0 : i32
        %scan3A_211 = arith.constant 8 : i32
        %scan3A_212 = arith.addi %scan3A_210, %scan3A_211 : i32
        %scan3A_213 = arith.constant 1 : i32
        scf.for %scan3A_252 = %scan3A_210 to %scan3A_212 step %scan3A_213  : i32 {
          %mul3A_253 = arith.constant 16 : i32
          %mul3A_254 = arith.muli %scan3A_252, %mul3A_253 : i32
          %get3A = arith.constant 1 : i32
          %get3A_255 = arith.index_cast %get3A : i32 to index
          %get3A_256 = arith.index_cast %mul3A_254 : i32 to index
          %get3A_257 = tpu.vector_load %arg9[%get3A_255, %get3A_256] {strides = array<i32>} : memref<8x128xi32, #tpu.memory_space<vmem>>, vector<1x16xi32>,
          %get3A_258 = vector.shape_cast %get3A_257 : vector<1x16xi32> to vector<16xi32>
          %mul3A_259 = arith.constant 8 : i32
          %mul3A_260 = vector.broadcast %mul3A_259 : i32 to vector<16xi32>
          %mul3A_261 = arith.muli %get3A_258, %mul3A_260 : vector<16xi32>
          %swap3A = arith.constant 1 : i32
          %swap3A_262 = arith.index_cast %swap3A : i32 to index
          %swap3A_263 = arith.index_cast %mul3A_254 : i32 to index
          %swap3A_264 = tpu.vector_load %arg10[%swap3A_262, %swap3A_263] {strides = array<i32>} : memref<8x128xi32, #tpu.memory_space<vmem>>, vector<1x16xi32>,
          %swap3A_265 = vector.shape_cast %swap3A_264 : vector<1x16xi32> to vector<16xi32>
          %swap3A_266 = vector.shape_cast %mul3A_261 : vector<16xi32> to vector<1x16xi32>
          tpu.vector_store %arg10[%swap3A_262, %swap3A_263], %swap3A_266 {strides = array<i32>} : memref<8x128xi32, #tpu.memory_space<vmem>>, vector<1x16xi32>,
        }
        %scan3A_214 = arith.constant 8 : i32
        %run_scoped3A_215 = arith.constant 1 : i32
        "tpu.region"() ({
          %run_scoped3A_252 = tpu.sem_alloc : memref<!tpu.dma_semaphore, #tpu.memory_space<semaphore_mem>>
          %dma_start3A = arith.constant 0 : i32
          %dma_start3A_253 = tpu.memref_slice %arg10[%run_scoped3A_215, %dma_start3A] : memref<8x128xi32, #tpu.memory_space<vmem>> -> memref<1x128xi32, #tpu.memory_space<vmem>>
          %dma_start3A_254 = tpu.memref_squeeze %dma_start3A_253 : memref<1x128xi32, #tpu.memory_space<vmem>> -> memref<128xi32, #tpu.memory_space<vmem>>
          %dma_start3A_255 = arith.constant 0 : i32
          %dma_start3A_256 = tpu.memref_slice %arg14[%dma_start3A_255] : memref<400384xf32, #tpu.memory_space<vmem_shared>> -> memref<400384xf32, #tpu.memory_space<vmem_shared>>
          tpu.enqueue_indirect_dma source(%arg11 : memref<128xf32, #tpu.memory_space<vmem>>) target(%dma_start3A_256 : memref<400384xf32, #tpu.memory_space<vmem_shared>>) offsets(%dma_start3A_254 : memref<128xi32, #tpu.memory_space<vmem>>) semaphore(%run_scoped3A_252 : memref<!tpu.dma_semaphore, #tpu.memory_space<semaphore_mem>>) {add = true}
          %dma_wait3A = arith.constant 0 : i32
          %dma_wait3A_257 = tpu.memref_slice %arg10[%run_scoped3A_215, %dma_wait3A] : memref<8x128xi32, #tpu.memory_space<vmem>> -> memref<1x128xi32, #tpu.memory_space<vmem>>
          %dma_wait3A_258 = tpu.memref_squeeze %dma_wait3A_257 : memref<1x128xi32, #tpu.memory_space<vmem>> -> memref<128xi32, #tpu.memory_space<vmem>>
          %dma_wait3A_259 = arith.constant 0 : i32
          %dma_wait3A_260 = tpu.memref_slice %arg14[%dma_wait3A_259] : memref<400384xf32, #tpu.memory_space<vmem_shared>> -> memref<400384xf32, #tpu.memory_space<vmem_shared>>
          tpu.wait_indirect_dma semaphore(%run_scoped3A_252 : memref<!tpu.dma_semaphore, #tpu.memory_space<semaphore_mem>>) src(%arg11 : memref<128xf32, #tpu.memory_space<vmem>>) dst(%dma_wait3A_260 : memref<400384xf32, #tpu.memory_space<vmem_shared>>)
          tpu.yield
        }) : () -> ()
        %scan3A_216 = arith.constant 0 : i32
        %scan3A_217 = arith.constant 8 : i32
        %scan3A_218 = arith.addi %scan3A_216, %scan3A_217 : i32
        %scan3A_219 = arith.constant 1 : i32
        scf.for %scan3A_252 = %scan3A_216 to %scan3A_218 step %scan3A_219  : i32 {
          %mul3A_253 = arith.constant 16 : i32
          %mul3A_254 = arith.muli %scan3A_252, %mul3A_253 : i32
          %get3A = arith.constant 2 : i32
          %get3A_255 = arith.index_cast %get3A : i32 to index
          %get3A_256 = arith.index_cast %mul3A_254 : i32 to index
          %get3A_257 = tpu.vector_load %arg9[%get3A_255, %get3A_256] {strides = array<i32>} : memref<8x128xi32, #tpu.memory_space<vmem>>, vector<1x16xi32>,
          %get3A_258 = vector.shape_cast %get3A_257 : vector<1x16xi32> to vector<16xi32>
          %mul3A_259 = arith.constant 8 : i32
          %mul3A_260 = vector.broadcast %mul3A_259 : i32 to vector<16xi32>
          %mul3A_261 = arith.muli %get3A_258, %mul3A_260 : vector<16xi32>
          %swap3A = arith.constant 2 : i32
          %swap3A_262 = arith.index_cast %swap3A : i32 to index
          %swap3A_263 = arith.index_cast %mul3A_254 : i32 to index
          %swap3A_264 = tpu.vector_load %arg10[%swap3A_262, %swap3A_263] {strides = array<i32>} : memref<8x128xi32, #tpu.memory_space<vmem>>, vector<1x16xi32>,
          %swap3A_265 = vector.shape_cast %swap3A_264 : vector<1x16xi32> to vector<16xi32>
          %swap3A_266 = vector.shape_cast %mul3A_261 : vector<16xi32> to vector<1x16xi32>
          tpu.vector_store %arg10[%swap3A_262, %swap3A_263], %swap3A_266 {strides = array<i32>} : memref<8x128xi32, #tpu.memory_space<vmem>>, vector<1x16xi32>,
        }
        %scan3A_220 = arith.constant 8 : i32
        %run_scoped3A_221 = arith.constant 2 : i32
        "tpu.region"() ({
          %run_scoped3A_252 = tpu.sem_alloc : memref<!tpu.dma_semaphore, #tpu.memory_space<semaphore_mem>>
          %dma_start3A = arith.constant 0 : i32
          %dma_start3A_253 = tpu.memref_slice %arg10[%run_scoped3A_221, %dma_start3A] : memref<8x128xi32, #tpu.memory_space<vmem>> -> memref<1x128xi32, #tpu.memory_space<vmem>>
          %dma_start3A_254 = tpu.memref_squeeze %dma_start3A_253 : memref<1x128xi32, #tpu.memory_space<vmem>> -> memref<128xi32, #tpu.memory_space<vmem>>
          %dma_start3A_255 = arith.constant 0 : i32
          %dma_start3A_256 = tpu.memref_slice %arg14[%dma_start3A_255] : memref<400384xf32, #tpu.memory_space<vmem_shared>> -> memref<400384xf32, #tpu.memory_space<vmem_shared>>
          tpu.enqueue_indirect_dma source(%arg11 : memref<128xf32, #tpu.memory_space<vmem>>) target(%dma_start3A_256 : memref<400384xf32, #tpu.memory_space<vmem_shared>>) offsets(%dma_start3A_254 : memref<128xi32, #tpu.memory_space<vmem>>) semaphore(%run_scoped3A_252 : memref<!tpu.dma_semaphore, #tpu.memory_space<semaphore_mem>>) {add = true}
          %dma_wait3A = arith.constant 0 : i32
          %dma_wait3A_257 = tpu.memref_slice %arg10[%run_scoped3A_221, %dma_wait3A] : memref<8x128xi32, #tpu.memory_space<vmem>> -> memref<1x128xi32, #tpu.memory_space<vmem>>
          %dma_wait3A_258 = tpu.memref_squeeze %dma_wait3A_257 : memref<1x128xi32, #tpu.memory_space<vmem>> -> memref<128xi32, #tpu.memory_space<vmem>>
          %dma_wait3A_259 = arith.constant 0 : i32
          %dma_wait3A_260 = tpu.memref_slice %arg14[%dma_wait3A_259] : memref<400384xf32, #tpu.memory_space<vmem_shared>> -> memref<400384xf32, #tpu.memory_space<vmem_shared>>
          tpu.wait_indirect_dma semaphore(%run_scoped3A_252 : memref<!tpu.dma_semaphore, #tpu.memory_space<semaphore_mem>>) src(%arg11 : memref<128xf32, #tpu.memory_space<vmem>>) dst(%dma_wait3A_260 : memref<400384xf32, #tpu.memory_space<vmem_shared>>)
          tpu.yield
        }) : () -> ()
        %scan3A_222 = arith.constant 0 : i32
        %scan3A_223 = arith.constant 8 : i32
        %scan3A_224 = arith.addi %scan3A_222, %scan3A_223 : i32
        %scan3A_225 = arith.constant 1 : i32
        scf.for %scan3A_252 = %scan3A_222 to %scan3A_224 step %scan3A_225  : i32 {
          %mul3A_253 = arith.constant 16 : i32
          %mul3A_254 = arith.muli %scan3A_252, %mul3A_253 : i32
          %get3A = arith.constant 3 : i32
          %get3A_255 = arith.index_cast %get3A : i32 to index
          %get3A_256 = arith.index_cast %mul3A_254 : i32 to index
          %get3A_257 = tpu.vector_load %arg9[%get3A_255, %get3A_256] {strides = array<i32>} : memref<8x128xi32, #tpu.memory_space<vmem>>, vector<1x16xi32>,
          %get3A_258 = vector.shape_cast %get3A_257 : vector<1x16xi32> to vector<16xi32>
          %mul3A_259 = arith.constant 8 : i32
          %mul3A_260 = vector.broadcast %mul3A_259 : i32 to vector<16xi32>
          %mul3A_261 = arith.muli %get3A_258, %mul3A_260 : vector<16xi32>
          %swap3A = arith.constant 3 : i32
          %swap3A_262 = arith.index_cast %swap3A : i32 to index
          %swap3A_263 = arith.index_cast %mul3A_254 : i32 to index
          %swap3A_264 = tpu.vector_load %arg10[%swap3A_262, %swap3A_263] {strides = array<i32>} : memref<8x128xi32, #tpu.memory_space<vmem>>, vector<1x16xi32>,
          %swap3A_265 = vector.shape_cast %swap3A_264 : vector<1x16xi32> to vector<16xi32>
          %swap3A_266 = vector.shape_cast %mul3A_261 : vector<16xi32> to vector<1x16xi32>
          tpu.vector_store %arg10[%swap3A_262, %swap3A_263], %swap3A_266 {strides = array<i32>} : memref<8x128xi32, #tpu.memory_space<vmem>>, vector<1x16xi32>,
        }
        %scan3A_226 = arith.constant 8 : i32
        %run_scoped3A_227 = arith.constant 3 : i32
        "tpu.region"() ({
          %run_scoped3A_252 = tpu.sem_alloc : memref<!tpu.dma_semaphore, #tpu.memory_space<semaphore_mem>>
          %dma_start3A = arith.constant 0 : i32
          %dma_start3A_253 = tpu.memref_slice %arg10[%run_scoped3A_227, %dma_start3A] : memref<8x128xi32, #tpu.memory_space<vmem>> -> memref<1x128xi32, #tpu.memory_space<vmem>>
          %dma_start3A_254 = tpu.memref_squeeze %dma_start3A_253 : memref<1x128xi32, #tpu.memory_space<vmem>> -> memref<128xi32, #tpu.memory_space<vmem>>
          %dma_start3A_255 = arith.constant 0 : i32
          %dma_start3A_256 = tpu.memref_slice %arg14[%dma_start3A_255] : memref<400384xf32, #tpu.memory_space<vmem_shared>> -> memref<400384xf32, #tpu.memory_space<vmem_shared>>
          tpu.enqueue_indirect_dma source(%arg11 : memref<128xf32, #tpu.memory_space<vmem>>) target(%dma_start3A_256 : memref<400384xf32, #tpu.memory_space<vmem_shared>>) offsets(%dma_start3A_254 : memref<128xi32, #tpu.memory_space<vmem>>) semaphore(%run_scoped3A_252 : memref<!tpu.dma_semaphore, #tpu.memory_space<semaphore_mem>>) {add = true}
          %dma_wait3A = arith.constant 0 : i32
          %dma_wait3A_257 = tpu.memref_slice %arg10[%run_scoped3A_227, %dma_wait3A] : memref<8x128xi32, #tpu.memory_space<vmem>> -> memref<1x128xi32, #tpu.memory_space<vmem>>
          %dma_wait3A_258 = tpu.memref_squeeze %dma_wait3A_257 : memref<1x128xi32, #tpu.memory_space<vmem>> -> memref<128xi32, #tpu.memory_space<vmem>>
          %dma_wait3A_259 = arith.constant 0 : i32
          %dma_wait3A_260 = tpu.memref_slice %arg14[%dma_wait3A_259] : memref<400384xf32, #tpu.memory_space<vmem_shared>> -> memref<400384xf32, #tpu.memory_space<vmem_shared>>
          tpu.wait_indirect_dma semaphore(%run_scoped3A_252 : memref<!tpu.dma_semaphore, #tpu.memory_space<semaphore_mem>>) src(%arg11 : memref<128xf32, #tpu.memory_space<vmem>>) dst(%dma_wait3A_260 : memref<400384xf32, #tpu.memory_space<vmem_shared>>)
          tpu.yield
        }) : () -> ()
        %scan3A_228 = arith.constant 0 : i32
        %scan3A_229 = arith.constant 8 : i32
        %scan3A_230 = arith.addi %scan3A_228, %scan3A_229 : i32
        %scan3A_231 = arith.constant 1 : i32
        scf.for %scan3A_252 = %scan3A_228 to %scan3A_230 step %scan3A_231  : i32 {
          %mul3A_253 = arith.constant 16 : i32
          %mul3A_254 = arith.muli %scan3A_252, %mul3A_253 : i32
          %get3A = arith.constant 4 : i32
          %get3A_255 = arith.index_cast %get3A : i32 to index
          %get3A_256 = arith.index_cast %mul3A_254 : i32 to index
          %get3A_257 = tpu.vector_load %arg9[%get3A_255, %get3A_256] {strides = array<i32>} : memref<8x128xi32, #tpu.memory_space<vmem>>, vector<1x16xi32>,
          %get3A_258 = vector.shape_cast %get3A_257 : vector<1x16xi32> to vector<16xi32>
          %mul3A_259 = arith.constant 8 : i32
          %mul3A_260 = vector.broadcast %mul3A_259 : i32 to vector<16xi32>
          %mul3A_261 = arith.muli %get3A_258, %mul3A_260 : vector<16xi32>
          %swap3A = arith.constant 4 : i32
          %swap3A_262 = arith.index_cast %swap3A : i32 to index
          %swap3A_263 = arith.index_cast %mul3A_254 : i32 to index
          %swap3A_264 = tpu.vector_load %arg10[%swap3A_262, %swap3A_263] {strides = array<i32>} : memref<8x128xi32, #tpu.memory_space<vmem>>, vector<1x16xi32>,
          %swap3A_265 = vector.shape_cast %swap3A_264 : vector<1x16xi32> to vector<16xi32>
          %swap3A_266 = vector.shape_cast %mul3A_261 : vector<16xi32> to vector<1x16xi32>
          tpu.vector_store %arg10[%swap3A_262, %swap3A_263], %swap3A_266 {strides = array<i32>} : memref<8x128xi32, #tpu.memory_space<vmem>>, vector<1x16xi32>,
        }
        %scan3A_232 = arith.constant 8 : i32
        %run_scoped3A_233 = arith.constant 4 : i32
        "tpu.region"() ({
          %run_scoped3A_252 = tpu.sem_alloc : memref<!tpu.dma_semaphore, #tpu.memory_space<semaphore_mem>>
          %dma_start3A = arith.constant 0 : i32
          %dma_start3A_253 = tpu.memref_slice %arg10[%run_scoped3A_233, %dma_start3A] : memref<8x128xi32, #tpu.memory_space<vmem>> -> memref<1x128xi32, #tpu.memory_space<vmem>>
          %dma_start3A_254 = tpu.memref_squeeze %dma_start3A_253 : memref<1x128xi32, #tpu.memory_space<vmem>> -> memref<128xi32, #tpu.memory_space<vmem>>
          %dma_start3A_255 = arith.constant 0 : i32
          %dma_start3A_256 = tpu.memref_slice %arg14[%dma_start3A_255] : memref<400384xf32, #tpu.memory_space<vmem_shared>> -> memref<400384xf32, #tpu.memory_space<vmem_shared>>
          tpu.enqueue_indirect_dma source(%arg11 : memref<128xf32, #tpu.memory_space<vmem>>) target(%dma_start3A_256 : memref<400384xf32, #tpu.memory_space<vmem_shared>>) offsets(%dma_start3A_254 : memref<128xi32, #tpu.memory_space<vmem>>) semaphore(%run_scoped3A_252 : memref<!tpu.dma_semaphore, #tpu.memory_space<semaphore_mem>>) {add = true}
          %dma_wait3A = arith.constant 0 : i32
          %dma_wait3A_257 = tpu.memref_slice %arg10[%run_scoped3A_233, %dma_wait3A] : memref<8x128xi32, #tpu.memory_space<vmem>> -> memref<1x128xi32, #tpu.memory_space<vmem>>
          %dma_wait3A_258 = tpu.memref_squeeze %dma_wait3A_257 : memref<1x128xi32, #tpu.memory_space<vmem>> -> memref<128xi32, #tpu.memory_space<vmem>>
          %dma_wait3A_259 = arith.constant 0 : i32
          %dma_wait3A_260 = tpu.memref_slice %arg14[%dma_wait3A_259] : memref<400384xf32, #tpu.memory_space<vmem_shared>> -> memref<400384xf32, #tpu.memory_space<vmem_shared>>
          tpu.wait_indirect_dma semaphore(%run_scoped3A_252 : memref<!tpu.dma_semaphore, #tpu.memory_space<semaphore_mem>>) src(%arg11 : memref<128xf32, #tpu.memory_space<vmem>>) dst(%dma_wait3A_260 : memref<400384xf32, #tpu.memory_space<vmem_shared>>)
          tpu.yield
        }) : () -> ()
        %scan3A_234 = arith.constant 0 : i32
        %scan3A_235 = arith.constant 8 : i32
        %scan3A_236 = arith.addi %scan3A_234, %scan3A_235 : i32
        %scan3A_237 = arith.constant 1 : i32
        scf.for %scan3A_252 = %scan3A_234 to %scan3A_236 step %scan3A_237  : i32 {
          %mul3A_253 = arith.constant 16 : i32
          %mul3A_254 = arith.muli %scan3A_252, %mul3A_253 : i32
          %get3A = arith.constant 5 : i32
          %get3A_255 = arith.index_cast %get3A : i32 to index
          %get3A_256 = arith.index_cast %mul3A_254 : i32 to index
          %get3A_257 = tpu.vector_load %arg9[%get3A_255, %get3A_256] {strides = array<i32>} : memref<8x128xi32, #tpu.memory_space<vmem>>, vector<1x16xi32>,
          %get3A_258 = vector.shape_cast %get3A_257 : vector<1x16xi32> to vector<16xi32>
          %mul3A_259 = arith.constant 8 : i32
          %mul3A_260 = vector.broadcast %mul3A_259 : i32 to vector<16xi32>
          %mul3A_261 = arith.muli %get3A_258, %mul3A_260 : vector<16xi32>
          %swap3A = arith.constant 5 : i32
          %swap3A_262 = arith.index_cast %swap3A : i32 to index
          %swap3A_263 = arith.index_cast %mul3A_254 : i32 to index
          %swap3A_264 = tpu.vector_load %arg10[%swap3A_262, %swap3A_263] {strides = array<i32>} : memref<8x128xi32, #tpu.memory_space<vmem>>, vector<1x16xi32>,
          %swap3A_265 = vector.shape_cast %swap3A_264 : vector<1x16xi32> to vector<16xi32>
          %swap3A_266 = vector.shape_cast %mul3A_261 : vector<16xi32> to vector<1x16xi32>
          tpu.vector_store %arg10[%swap3A_262, %swap3A_263], %swap3A_266 {strides = array<i32>} : memref<8x128xi32, #tpu.memory_space<vmem>>, vector<1x16xi32>,
        }
        %scan3A_238 = arith.constant 8 : i32
        %run_scoped3A_239 = arith.constant 5 : i32
        "tpu.region"() ({
          %run_scoped3A_252 = tpu.sem_alloc : memref<!tpu.dma_semaphore, #tpu.memory_space<semaphore_mem>>
          %dma_start3A = arith.constant 0 : i32
          %dma_start3A_253 = tpu.memref_slice %arg10[%run_scoped3A_239, %dma_start3A] : memref<8x128xi32, #tpu.memory_space<vmem>> -> memref<1x128xi32, #tpu.memory_space<vmem>>
          %dma_start3A_254 = tpu.memref_squeeze %dma_start3A_253 : memref<1x128xi32, #tpu.memory_space<vmem>> -> memref<128xi32, #tpu.memory_space<vmem>>
          %dma_start3A_255 = arith.constant 0 : i32
          %dma_start3A_256 = tpu.memref_slice %arg14[%dma_start3A_255] : memref<400384xf32, #tpu.memory_space<vmem_shared>> -> memref<400384xf32, #tpu.memory_space<vmem_shared>>
          tpu.enqueue_indirect_dma source(%arg11 : memref<128xf32, #tpu.memory_space<vmem>>) target(%dma_start3A_256 : memref<400384xf32, #tpu.memory_space<vmem_shared>>) offsets(%dma_start3A_254 : memref<128xi32, #tpu.memory_space<vmem>>) semaphore(%run_scoped3A_252 : memref<!tpu.dma_semaphore, #tpu.memory_space<semaphore_mem>>) {add = true}
          %dma_wait3A = arith.constant 0 : i32
          %dma_wait3A_257 = tpu.memref_slice %arg10[%run_scoped3A_239, %dma_wait3A] : memref<8x128xi32, #tpu.memory_space<vmem>> -> memref<1x128xi32, #tpu.memory_space<vmem>>
          %dma_wait3A_258 = tpu.memref_squeeze %dma_wait3A_257 : memref<1x128xi32, #tpu.memory_space<vmem>> -> memref<128xi32, #tpu.memory_space<vmem>>
          %dma_wait3A_259 = arith.constant 0 : i32
          %dma_wait3A_260 = tpu.memref_slice %arg14[%dma_wait3A_259] : memref<400384xf32, #tpu.memory_space<vmem_shared>> -> memref<400384xf32, #tpu.memory_space<vmem_shared>>
          tpu.wait_indirect_dma semaphore(%run_scoped3A_252 : memref<!tpu.dma_semaphore, #tpu.memory_space<semaphore_mem>>) src(%arg11 : memref<128xf32, #tpu.memory_space<vmem>>) dst(%dma_wait3A_260 : memref<400384xf32, #tpu.memory_space<vmem_shared>>)
          tpu.yield
        }) : () -> ()
        %scan3A_240 = arith.constant 0 : i32
        %scan3A_241 = arith.constant 8 : i32
        %scan3A_242 = arith.addi %scan3A_240, %scan3A_241 : i32
        %scan3A_243 = arith.constant 1 : i32
        scf.for %scan3A_252 = %scan3A_240 to %scan3A_242 step %scan3A_243  : i32 {
          %mul3A_253 = arith.constant 16 : i32
          %mul3A_254 = arith.muli %scan3A_252, %mul3A_253 : i32
          %get3A = arith.constant 6 : i32
          %get3A_255 = arith.index_cast %get3A : i32 to index
          %get3A_256 = arith.index_cast %mul3A_254 : i32 to index
          %get3A_257 = tpu.vector_load %arg9[%get3A_255, %get3A_256] {strides = array<i32>} : memref<8x128xi32, #tpu.memory_space<vmem>>, vector<1x16xi32>,
          %get3A_258 = vector.shape_cast %get3A_257 : vector<1x16xi32> to vector<16xi32>
          %mul3A_259 = arith.constant 8 : i32
          %mul3A_260 = vector.broadcast %mul3A_259 : i32 to vector<16xi32>
          %mul3A_261 = arith.muli %get3A_258, %mul3A_260 : vector<16xi32>
          %swap3A = arith.constant 6 : i32
          %swap3A_262 = arith.index_cast %swap3A : i32 to index
          %swap3A_263 = arith.index_cast %mul3A_254 : i32 to index
          %swap3A_264 = tpu.vector_load %arg10[%swap3A_262, %swap3A_263] {strides = array<i32>} : memref<8x128xi32, #tpu.memory_space<vmem>>, vector<1x16xi32>,
          %swap3A_265 = vector.shape_cast %swap3A_264 : vector<1x16xi32> to vector<16xi32>
          %swap3A_266 = vector.shape_cast %mul3A_261 : vector<16xi32> to vector<1x16xi32>
          tpu.vector_store %arg10[%swap3A_262, %swap3A_263], %swap3A_266 {strides = array<i32>} : memref<8x128xi32, #tpu.memory_space<vmem>>, vector<1x16xi32>,
        }
        %scan3A_244 = arith.constant 8 : i32
        %run_scoped3A_245 = arith.constant 6 : i32
        "tpu.region"() ({
          %run_scoped3A_252 = tpu.sem_alloc : memref<!tpu.dma_semaphore, #tpu.memory_space<semaphore_mem>>
          %dma_start3A = arith.constant 0 : i32
          %dma_start3A_253 = tpu.memref_slice %arg10[%run_scoped3A_245, %dma_start3A] : memref<8x128xi32, #tpu.memory_space<vmem>> -> memref<1x128xi32, #tpu.memory_space<vmem>>
          %dma_start3A_254 = tpu.memref_squeeze %dma_start3A_253 : memref<1x128xi32, #tpu.memory_space<vmem>> -> memref<128xi32, #tpu.memory_space<vmem>>
          %dma_start3A_255 = arith.constant 0 : i32
          %dma_start3A_256 = tpu.memref_slice %arg14[%dma_start3A_255] : memref<400384xf32, #tpu.memory_space<vmem_shared>> -> memref<400384xf32, #tpu.memory_space<vmem_shared>>
          tpu.enqueue_indirect_dma source(%arg11 : memref<128xf32, #tpu.memory_space<vmem>>) target(%dma_start3A_256 : memref<400384xf32, #tpu.memory_space<vmem_shared>>) offsets(%dma_start3A_254 : memref<128xi32, #tpu.memory_space<vmem>>) semaphore(%run_scoped3A_252 : memref<!tpu.dma_semaphore, #tpu.memory_space<semaphore_mem>>) {add = true}
          %dma_wait3A = arith.constant 0 : i32
          %dma_wait3A_257 = tpu.memref_slice %arg10[%run_scoped3A_245, %dma_wait3A] : memref<8x128xi32, #tpu.memory_space<vmem>> -> memref<1x128xi32, #tpu.memory_space<vmem>>
          %dma_wait3A_258 = tpu.memref_squeeze %dma_wait3A_257 : memref<1x128xi32, #tpu.memory_space<vmem>> -> memref<128xi32, #tpu.memory_space<vmem>>
          %dma_wait3A_259 = arith.constant 0 : i32
          %dma_wait3A_260 = tpu.memref_slice %arg14[%dma_wait3A_259] : memref<400384xf32, #tpu.memory_space<vmem_shared>> -> memref<400384xf32, #tpu.memory_space<vmem_shared>>
          tpu.wait_indirect_dma semaphore(%run_scoped3A_252 : memref<!tpu.dma_semaphore, #tpu.memory_space<semaphore_mem>>) src(%arg11 : memref<128xf32, #tpu.memory_space<vmem>>) dst(%dma_wait3A_260 : memref<400384xf32, #tpu.memory_space<vmem_shared>>)
          tpu.yield
        }) : () -> ()
        %scan3A_246 = arith.constant 0 : i32
        %scan3A_247 = arith.constant 8 : i32
        %scan3A_248 = arith.addi %scan3A_246, %scan3A_247 : i32
        %scan3A_249 = arith.constant 1 : i32
        scf.for %scan3A_252 = %scan3A_246 to %scan3A_248 step %scan3A_249  : i32 {
          %mul3A_253 = arith.constant 16 : i32
          %mul3A_254 = arith.muli %scan3A_252, %mul3A_253 : i32
          %get3A = arith.constant 7 : i32
          %get3A_255 = arith.index_cast %get3A : i32 to index
          %get3A_256 = arith.index_cast %mul3A_254 : i32 to index
          %get3A_257 = tpu.vector_load %arg9[%get3A_255, %get3A_256] {strides = array<i32>} : memref<8x128xi32, #tpu.memory_space<vmem>>, vector<1x16xi32>,
          %get3A_258 = vector.shape_cast %get3A_257 : vector<1x16xi32> to vector<16xi32>
          %mul3A_259 = arith.constant 8 : i32
          %mul3A_260 = vector.broadcast %mul3A_259 : i32 to vector<16xi32>
          %mul3A_261 = arith.muli %get3A_258, %mul3A_260 : vector<16xi32>
          %swap3A = arith.constant 7 : i32
          %swap3A_262 = arith.index_cast %swap3A : i32 to index
          %swap3A_263 = arith.index_cast %mul3A_254 : i32 to index
          %swap3A_264 = tpu.vector_load %arg10[%swap3A_262, %swap3A_263] {strides = array<i32>} : memref<8x128xi32, #tpu.memory_space<vmem>>, vector<1x16xi32>,
          %swap3A_265 = vector.shape_cast %swap3A_264 : vector<1x16xi32> to vector<16xi32>
          %swap3A_266 = vector.shape_cast %mul3A_261 : vector<16xi32> to vector<1x16xi32>
          tpu.vector_store %arg10[%swap3A_262, %swap3A_263], %swap3A_266 {strides = array<i32>} : memref<8x128xi32, #tpu.memory_space<vmem>>, vector<1x16xi32>,
        }
        %scan3A_250 = arith.constant 8 : i32
        %run_scoped3A_251 = arith.constant 7 : i32
        "tpu.region"() ({
          %run_scoped3A_252 = tpu.sem_alloc : memref<!tpu.dma_semaphore, #tpu.memory_space<semaphore_mem>>
          %dma_start3A = arith.constant 0 : i32
          %dma_start3A_253 = tpu.memref_slice %arg10[%run_scoped3A_251, %dma_start3A] : memref<8x128xi32, #tpu.memory_space<vmem>> -> memref<1x128xi32, #tpu.memory_space<vmem>>
          %dma_start3A_254 = tpu.memref_squeeze %dma_start3A_253 : memref<1x128xi32, #tpu.memory_space<vmem>> -> memref<128xi32, #tpu.memory_space<vmem>>
          %dma_start3A_255 = arith.constant 0 : i32
          %dma_start3A_256 = tpu.memref_slice %arg14[%dma_start3A_255] : memref<400384xf32, #tpu.memory_space<vmem_shared>> -> memref<400384xf32, #tpu.memory_space<vmem_shared>>
          tpu.enqueue_indirect_dma source(%arg11 : memref<128xf32, #tpu.memory_space<vmem>>) target(%dma_start3A_256 : memref<400384xf32, #tpu.memory_space<vmem_shared>>) offsets(%dma_start3A_254 : memref<128xi32, #tpu.memory_space<vmem>>) semaphore(%run_scoped3A_252 : memref<!tpu.dma_semaphore, #tpu.memory_space<semaphore_mem>>) {add = true}
          %dma_wait3A = arith.constant 0 : i32
          %dma_wait3A_257 = tpu.memref_slice %arg10[%run_scoped3A_251, %dma_wait3A] : memref<8x128xi32, #tpu.memory_space<vmem>> -> memref<1x128xi32, #tpu.memory_space<vmem>>
          %dma_wait3A_258 = tpu.memref_squeeze %dma_wait3A_257 : memref<1x128xi32, #tpu.memory_space<vmem>> -> memref<128xi32, #tpu.memory_space<vmem>>
          %dma_wait3A_259 = arith.constant 0 : i32
          %dma_wait3A_260 = tpu.memref_slice %arg14[%dma_wait3A_259] : memref<400384xf32, #tpu.memory_space<vmem_shared>> -> memref<400384xf32, #tpu.memory_space<vmem_shared>>
          tpu.wait_indirect_dma semaphore(%run_scoped3A_252 : memref<!tpu.dma_semaphore, #tpu.memory_space<semaphore_mem>>) src(%arg11 : memref<128xf32, #tpu.memory_space<vmem>>) dst(%dma_wait3A_260 : memref<400384xf32, #tpu.memory_space<vmem_shared>>)
          tpu.yield
        }) : () -> ()
      } else {
      }
    }
    %scan3A_65 = arith.constant 7 : i32
    %barrier3A_66 = arith.constant 0 : index
    tpu.barrier barrier_id(%barrier3A_66)
    "tpu.region"() ({
      %run_scoped3A = tpu.sem_alloc : memref<!tpu.dma_semaphore, #tpu.memory_space<semaphore_mem>>
      %dma_start3A = tpu.memref_slice %arg14[%mul3A_16] : memref<400384xf32, #tpu.memory_space<vmem_shared>> -> memref<25024xf32, #tpu.memory_space<vmem_shared>>
      %dma_start3A_197 = tpu.memref_slice %arg14[%mul3A_16] : memref<400384xf32, #tpu.memory_space<vmem_shared>> -> memref<25024xf32, #tpu.memory_space<vmem_shared>>
      tpu.enqueue_dma source(%dma_start3A_197 : memref<25024xf32, #tpu.memory_space<vmem_shared>>) target(%arg13 : memref<25024xf32, #tpu.memory_space<vmem>>) target_semaphore(%run_scoped3A : memref<!tpu.dma_semaphore, #tpu.memory_space<semaphore_mem>>)
      %dma_wait3A = tpu.memref_slice %arg14[%mul3A_16] : memref<400384xf32, #tpu.memory_space<vmem_shared>> -> memref<25024xf32, #tpu.memory_space<vmem_shared>>
      %dma_wait3A_198 = tpu.memref_slice %arg14[%mul3A_16] : memref<400384xf32, #tpu.memory_space<vmem_shared>> -> memref<25024xf32, #tpu.memory_space<vmem_shared>>
      tpu.wait_dma2 semaphore(%run_scoped3A : memref<!tpu.dma_semaphore, #tpu.memory_space<semaphore_mem>>) src(%dma_wait3A_198 : memref<25024xf32, #tpu.memory_space<vmem_shared>>) dst(%arg13 : memref<25024xf32, #tpu.memory_space<vmem>>)
      tpu.yield
    }) : () -> ()
    %mul3A_67 = arith.constant 6 : i32
    %mul3A_68 = arith.muli %arg0, %mul3A_67 : i32
    %add3A_69 = arith.constant 1 : i32
    %add3A_70 = arith.addi %mul3A_68, %add3A_69 : i32
    %mul3A_71 = arith.constant 50048 : i32
    %mul3A_72 = arith.muli %add3A_70, %mul3A_71 : i32
    %mul3A_73 = arith.constant 8 : i32
    %mul3A_74 = arith.muli %mul3A_72, %mul3A_73 : i32
    %add3A_75 = arith.addi %mul3A_74, %mul3A_16 : i32
    "tpu.region"() ({
      %run_scoped3A = tpu.sem_alloc : memref<!tpu.dma_semaphore, #tpu.memory_space<semaphore_mem>>
      %dma_start3A = tpu.memref_slice %arg8[%add3A_75] : memref<4804608xf32, #tpu.memory_space<hbm>> -> memref<25024xf32, #tpu.memory_space<hbm>>
      %dma_start3A_197 = tpu.memref_slice %arg8[%add3A_75] : memref<4804608xf32, #tpu.memory_space<hbm>> -> memref<25024xf32, #tpu.memory_space<hbm>>
      tpu.enqueue_dma source(%arg13 : memref<25024xf32, #tpu.memory_space<vmem>>) target(%dma_start3A_197 : memref<25024xf32, #tpu.memory_space<hbm>>) target_semaphore(%run_scoped3A : memref<!tpu.dma_semaphore, #tpu.memory_space<semaphore_mem>>)
      %dma_wait3A = tpu.memref_slice %arg8[%add3A_75] : memref<4804608xf32, #tpu.memory_space<hbm>> -> memref<25024xf32, #tpu.memory_space<hbm>>
      %dma_wait3A_198 = tpu.memref_slice %arg8[%add3A_75] : memref<4804608xf32, #tpu.memory_space<hbm>> -> memref<25024xf32, #tpu.memory_space<hbm>>
      tpu.wait_dma2 semaphore(%run_scoped3A : memref<!tpu.dma_semaphore, #tpu.memory_space<semaphore_mem>>) src(%arg13 : memref<25024xf32, #tpu.memory_space<vmem>>) dst(%dma_wait3A_198 : memref<25024xf32, #tpu.memory_space<hbm>>)
      tpu.yield
    }) : () -> ()
    %add3A_76 = arith.constant 0 : i32
    %add3A_77 = arith.addi %mul3A_16, %add3A_76 : i32
    "tpu.region"() ({
      %run_scoped3A = tpu.sem_alloc : memref<!tpu.dma_semaphore, #tpu.memory_space<semaphore_mem>>
      %dma_start3A = tpu.memref_slice %arg14[%add3A_77] : memref<400384xf32, #tpu.memory_space<vmem_shared>> -> memref<4096xf32, #tpu.memory_space<vmem_shared>>
      %dma_start3A_197 = tpu.memref_slice %arg14[%add3A_77] : memref<400384xf32, #tpu.memory_space<vmem_shared>> -> memref<4096xf32, #tpu.memory_space<vmem_shared>>
      tpu.enqueue_dma source(%arg12 : memref<4096xf32, #tpu.memory_space<vmem>>) target(%dma_start3A_197 : memref<4096xf32, #tpu.memory_space<vmem_shared>>) target_semaphore(%run_scoped3A : memref<!tpu.dma_semaphore, #tpu.memory_space<semaphore_mem>>)
      %dma_wait3A = tpu.memref_slice %arg14[%add3A_77] : memref<400384xf32, #tpu.memory_space<vmem_shared>> -> memref<4096xf32, #tpu.memory_space<vmem_shared>>
      %dma_wait3A_198 = tpu.memref_slice %arg14[%add3A_77] : memref<400384xf32, #tpu.memory_space<vmem_shared>> -> memref<4096xf32, #tpu.memory_space<vmem_shared>>
      tpu.wait_dma2 semaphore(%run_scoped3A : memref<!tpu.dma_semaphore, #tpu.memory_space<semaphore_mem>>) src(%arg12 : memref<4096xf32, #tpu.memory_space<vmem>>) dst(%dma_wait3A_198 : memref<4096xf32, #tpu.memory_space<vmem_shared>>)
      tpu.yield
    }) : () -> ()
    %add3A_78 = arith.constant 4096 : i32
    %add3A_79 = arith.addi %mul3A_16, %add3A_78 : i32
    "tpu.region"() ({
      %run_scoped3A = tpu.sem_alloc : memref<!tpu.dma_semaphore, #tpu.memory_space<semaphore_mem>>
      %dma_start3A = tpu.memref_slice %arg14[%add3A_79] : memref<400384xf32, #tpu.memory_space<vmem_shared>> -> memref<4096xf32, #tpu.memory_space<vmem_shared>>
      %dma_start3A_197 = tpu.memref_slice %arg14[%add3A_79] : memref<400384xf32, #tpu.memory_space<vmem_shared>> -> memref<4096xf32, #tpu.memory_space<vmem_shared>>
      tpu.enqueue_dma source(%arg12 : memref<4096xf32, #tpu.memory_space<vmem>>) target(%dma_start3A_197 : memref<4096xf32, #tpu.memory_space<vmem_shared>>) target_semaphore(%run_scoped3A : memref<!tpu.dma_semaphore, #tpu.memory_space<semaphore_mem>>)
      %dma_wait3A = tpu.memref_slice %arg14[%add3A_79] : memref<400384xf32, #tpu.memory_space<vmem_shared>> -> memref<4096xf32, #tpu.memory_space<vmem_shared>>
      %dma_wait3A_198 = tpu.memref_slice %arg14[%add3A_79] : memref<400384xf32, #tpu.memory_space<vmem_shared>> -> memref<4096xf32, #tpu.memory_space<vmem_shared>>
      tpu.wait_dma2 semaphore(%run_scoped3A : memref<!tpu.dma_semaphore, #tpu.memory_space<semaphore_mem>>) src(%arg12 : memref<4096xf32, #tpu.memory_space<vmem>>) dst(%dma_wait3A_198 : memref<4096xf32, #tpu.memory_space<vmem_shared>>)
      tpu.yield
    }) : () -> ()
    %add3A_80 = arith.constant 8192 : i32
    %add3A_81 = arith.addi %mul3A_16, %add3A_80 : i32
    "tpu.region"() ({
      %run_scoped3A = tpu.sem_alloc : memref<!tpu.dma_semaphore, #tpu.memory_space<semaphore_mem>>
      %dma_start3A = tpu.memref_slice %arg14[%add3A_81] : memref<400384xf32, #tpu.memory_space<vmem_shared>> -> memref<4096xf32, #tpu.memory_space<vmem_shared>>
      %dma_start3A_197 = tpu.memref_slice %arg14[%add3A_81] : memref<400384xf32, #tpu.memory_space<vmem_shared>> -> memref<4096xf32, #tpu.memory_space<vmem_shared>>
      tpu.enqueue_dma source(%arg12 : memref<4096xf32, #tpu.memory_space<vmem>>) target(%dma_start3A_197 : memref<4096xf32, #tpu.memory_space<vmem_shared>>) target_semaphore(%run_scoped3A : memref<!tpu.dma_semaphore, #tpu.memory_space<semaphore_mem>>)
      %dma_wait3A = tpu.memref_slice %arg14[%add3A_81] : memref<400384xf32, #tpu.memory_space<vmem_shared>> -> memref<4096xf32, #tpu.memory_space<vmem_shared>>
      %dma_wait3A_198 = tpu.memref_slice %arg14[%add3A_81] : memref<400384xf32, #tpu.memory_space<vmem_shared>> -> memref<4096xf32, #tpu.memory_space<vmem_shared>>
      tpu.wait_dma2 semaphore(%run_scoped3A : memref<!tpu.dma_semaphore, #tpu.memory_space<semaphore_mem>>) src(%arg12 : memref<4096xf32, #tpu.memory_space<vmem>>) dst(%dma_wait3A_198 : memref<4096xf32, #tpu.memory_space<vmem_shared>>)
      tpu.yield
    }) : () -> ()
    %add3A_82 = arith.constant 12288 : i32
    %add3A_83 = arith.addi %mul3A_16, %add3A_82 : i32
    "tpu.region"() ({
      %run_scoped3A = tpu.sem_alloc : memref<!tpu.dma_semaphore, #tpu.memory_space<semaphore_mem>>
      %dma_start3A = tpu.memref_slice %arg14[%add3A_83] : memref<400384xf32, #tpu.memory_space<vmem_shared>> -> memref<4096xf32, #tpu.memory_space<vmem_shared>>
      %dma_start3A_197 = tpu.memref_slice %arg14[%add3A_83] : memref<400384xf32, #tpu.memory_space<vmem_shared>> -> memref<4096xf32, #tpu.memory_space<vmem_shared>>
      tpu.enqueue_dma source(%arg12 : memref<4096xf32, #tpu.memory_space<vmem>>) target(%dma_start3A_197 : memref<4096xf32, #tpu.memory_space<vmem_shared>>) target_semaphore(%run_scoped3A : memref<!tpu.dma_semaphore, #tpu.memory_space<semaphore_mem>>)
      %dma_wait3A = tpu.memref_slice %arg14[%add3A_83] : memref<400384xf32, #tpu.memory_space<vmem_shared>> -> memref<4096xf32, #tpu.memory_space<vmem_shared>>
      %dma_wait3A_198 = tpu.memref_slice %arg14[%add3A_83] : memref<400384xf32, #tpu.memory_space<vmem_shared>> -> memref<4096xf32, #tpu.memory_space<vmem_shared>>
      tpu.wait_dma2 semaphore(%run_scoped3A : memref<!tpu.dma_semaphore, #tpu.memory_space<semaphore_mem>>) src(%arg12 : memref<4096xf32, #tpu.memory_space<vmem>>) dst(%dma_wait3A_198 : memref<4096xf32, #tpu.memory_space<vmem_shared>>)
      tpu.yield
    }) : () -> ()
    %add3A_84 = arith.constant 16384 : i32
    %add3A_85 = arith.addi %mul3A_16, %add3A_84 : i32
    "tpu.region"() ({
      %run_scoped3A = tpu.sem_alloc : memref<!tpu.dma_semaphore, #tpu.memory_space<semaphore_mem>>
      %dma_start3A = tpu.memref_slice %arg14[%add3A_85] : memref<400384xf32, #tpu.memory_space<vmem_shared>> -> memref<4096xf32, #tpu.memory_space<vmem_shared>>
      %dma_start3A_197 = tpu.memref_slice %arg14[%add3A_85] : memref<400384xf32, #tpu.memory_space<vmem_shared>> -> memref<4096xf32, #tpu.memory_space<vmem_shared>>
      tpu.enqueue_dma source(%arg12 : memref<4096xf32, #tpu.memory_space<vmem>>) target(%dma_start3A_197 : memref<4096xf32, #tpu.memory_space<vmem_shared>>) target_semaphore(%run_scoped3A : memref<!tpu.dma_semaphore, #tpu.memory_space<semaphore_mem>>)
      %dma_wait3A = tpu.memref_slice %arg14[%add3A_85] : memref<400384xf32, #tpu.memory_space<vmem_shared>> -> memref<4096xf32, #tpu.memory_space<vmem_shared>>
      %dma_wait3A_198 = tpu.memref_slice %arg14[%add3A_85] : memref<400384xf32, #tpu.memory_space<vmem_shared>> -> memref<4096xf32, #tpu.memory_space<vmem_shared>>
      tpu.wait_dma2 semaphore(%run_scoped3A : memref<!tpu.dma_semaphore, #tpu.memory_space<semaphore_mem>>) src(%arg12 : memref<4096xf32, #tpu.memory_space<vmem>>) dst(%dma_wait3A_198 : memref<4096xf32, #tpu.memory_space<vmem_shared>>)
      tpu.yield
    }) : () -> ()
    %add3A_86 = arith.constant 20480 : i32
    %add3A_87 = arith.addi %mul3A_16, %add3A_86 : i32
    "tpu.region"() ({
      %run_scoped3A = tpu.sem_alloc : memref<!tpu.dma_semaphore, #tpu.memory_space<semaphore_mem>>
      %dma_start3A = tpu.memref_slice %arg14[%add3A_87] : memref<400384xf32, #tpu.memory_space<vmem_shared>> -> memref<4096xf32, #tpu.memory_space<vmem_shared>>
      %dma_start3A_197 = tpu.memref_slice %arg14[%add3A_87] : memref<400384xf32, #tpu.memory_space<vmem_shared>> -> memref<4096xf32, #tpu.memory_space<vmem_shared>>
      tpu.enqueue_dma source(%arg12 : memref<4096xf32, #tpu.memory_space<vmem>>) target(%dma_start3A_197 : memref<4096xf32, #tpu.memory_space<vmem_shared>>) target_semaphore(%run_scoped3A : memref<!tpu.dma_semaphore, #tpu.memory_space<semaphore_mem>>)
      %dma_wait3A = tpu.memref_slice %arg14[%add3A_87] : memref<400384xf32, #tpu.memory_space<vmem_shared>> -> memref<4096xf32, #tpu.memory_space<vmem_shared>>
      %dma_wait3A_198 = tpu.memref_slice %arg14[%add3A_87] : memref<400384xf32, #tpu.memory_space<vmem_shared>> -> memref<4096xf32, #tpu.memory_space<vmem_shared>>
      tpu.wait_dma2 semaphore(%run_scoped3A : memref<!tpu.dma_semaphore, #tpu.memory_space<semaphore_mem>>) src(%arg12 : memref<4096xf32, #tpu.memory_space<vmem>>) dst(%dma_wait3A_198 : memref<4096xf32, #tpu.memory_space<vmem_shared>>)
      tpu.yield
    }) : () -> ()
    %add3A_88 = arith.constant 24576 : i32
    %add3A_89 = arith.addi %mul3A_16, %add3A_88 : i32
    "tpu.region"() ({
      %run_scoped3A = tpu.sem_alloc : memref<!tpu.dma_semaphore, #tpu.memory_space<semaphore_mem>>
      %dma_start3A = arith.constant 0 : i32
      %dma_start3A_197 = tpu.memref_slice %arg12[%dma_start3A] : memref<4096xf32, #tpu.memory_space<vmem>> -> memref<448xf32, #tpu.memory_space<vmem>>
      %dma_start3A_198 = tpu.memref_slice %arg14[%add3A_89] : memref<400384xf32, #tpu.memory_space<vmem_shared>> -> memref<448xf32, #tpu.memory_space<vmem_shared>>
      %dma_start3A_199 = tpu.memref_slice %arg14[%add3A_89] : memref<400384xf32, #tpu.memory_space<vmem_shared>> -> memref<448xf32, #tpu.memory_space<vmem_shared>>
      %dma_start3A_200 = arith.constant 0 : i32
      %dma_start3A_201 = tpu.memref_slice %arg12[%dma_start3A_200] : memref<4096xf32, #tpu.memory_space<vmem>> -> memref<448xf32, #tpu.memory_space<vmem>>
      tpu.enqueue_dma source(%dma_start3A_201 : memref<448xf32, #tpu.memory_space<vmem>>) target(%dma_start3A_199 : memref<448xf32, #tpu.memory_space<vmem_shared>>) target_semaphore(%run_scoped3A : memref<!tpu.dma_semaphore, #tpu.memory_space<semaphore_mem>>)
      %dma_wait3A = arith.constant 0 : i32
      %dma_wait3A_202 = tpu.memref_slice %arg12[%dma_wait3A] : memref<4096xf32, #tpu.memory_space<vmem>> -> memref<448xf32, #tpu.memory_space<vmem>>
      %dma_wait3A_203 = tpu.memref_slice %arg14[%add3A_89] : memref<400384xf32, #tpu.memory_space<vmem_shared>> -> memref<448xf32, #tpu.memory_space<vmem_shared>>
      %dma_wait3A_204 = tpu.memref_slice %arg14[%add3A_89] : memref<400384xf32, #tpu.memory_space<vmem_shared>> -> memref<448xf32, #tpu.memory_space<vmem_shared>>
      %dma_wait3A_205 = arith.constant 0 : i32
      %dma_wait3A_206 = tpu.memref_slice %arg12[%dma_wait3A_205] : memref<4096xf32, #tpu.memory_space<vmem>> -> memref<448xf32, #tpu.memory_space<vmem>>
      tpu.wait_dma2 semaphore(%run_scoped3A : memref<!tpu.dma_semaphore, #tpu.memory_space<semaphore_mem>>) src(%dma_wait3A_206 : memref<448xf32, #tpu.memory_space<vmem>>) dst(%dma_wait3A_204 : memref<448xf32, #tpu.memory_space<vmem_shared>>)
      tpu.yield
    }) : () -> ()
    %barrier3A_90 = arith.constant 0 : index
    tpu.barrier barrier_id(%barrier3A_90)
    %scan3A_91 = arith.constant 0 : i32
    %scan3A_92 = arith.constant 7 : i32
    %scan3A_93 = arith.addi %scan3A_91, %scan3A_92 : i32
    %scan3A_94 = arith.constant 1 : i32
    scf.for %scan3A_197 = %scan3A_91 to %scan3A_93 step %scan3A_94  : i32 {
      %mul3A_198 = arith.constant 32 : i32
      %mul3A_199 = arith.muli %mul3A_198, %scan3A_197 : i32
      %add3A_200 = arith.addi %add3A, %mul3A_199 : i32
      %lt3A = arith.constant 196 : i32
      %lt3A_201 = arith.cmpi slt, %add3A_200, %lt3A : i32
      %convert_element_type3A = arith.extui %lt3A_201 : i1 to i32
      %cond3A = arith.constant 0 : i32
      %cond3A_202 = arith.cmpi ne, %convert_element_type3A, %cond3A : i32
      scf.if %cond3A_202 {
        %mul3A_203 = arith.constant 8 : i32
        %mul3A_204 = arith.muli %add3A_200, %mul3A_203 : i32
        "tpu.region"() ({
          %run_scoped3A_252 = tpu.sem_alloc : memref<!tpu.dma_semaphore, #tpu.memory_space<semaphore_mem>>
          %dma_start3A = arith.constant 0 : i32
          %dma_start3A_253 = tpu.memref_slice %arg4[%mul3A_204, %dma_start3A] : memref<1568x128xi32, #tpu.memory_space<hbm>> -> memref<8x128xi32, #tpu.memory_space<hbm>>
          %dma_start3A_254 = arith.constant 0 : i32
          %dma_start3A_255 = tpu.memref_slice %arg4[%mul3A_204, %dma_start3A_254] : memref<1568x128xi32, #tpu.memory_space<hbm>> -> memref<8x128xi32, #tpu.memory_space<hbm>>
          tpu.enqueue_dma source(%dma_start3A_255 : memref<8x128xi32, #tpu.memory_space<hbm>>) target(%arg9 : memref<8x128xi32, #tpu.memory_space<vmem>>) target_semaphore(%run_scoped3A_252 : memref<!tpu.dma_semaphore, #tpu.memory_space<semaphore_mem>>)
          %dma_wait3A = arith.constant 0 : i32
          %dma_wait3A_256 = tpu.memref_slice %arg4[%mul3A_204, %dma_wait3A] : memref<1568x128xi32, #tpu.memory_space<hbm>> -> memref<8x128xi32, #tpu.memory_space<hbm>>
          %dma_wait3A_257 = arith.constant 0 : i32
          %dma_wait3A_258 = tpu.memref_slice %arg4[%mul3A_204, %dma_wait3A_257] : memref<1568x128xi32, #tpu.memory_space<hbm>> -> memref<8x128xi32, #tpu.memory_space<hbm>>
          tpu.wait_dma2 semaphore(%run_scoped3A_252 : memref<!tpu.dma_semaphore, #tpu.memory_space<semaphore_mem>>) src(%dma_wait3A_258 : memref<8x128xi32, #tpu.memory_space<hbm>>) dst(%arg9 : memref<8x128xi32, #tpu.memory_space<vmem>>)
          tpu.yield
        }) : () -> ()
        %scan3A_205 = arith.constant 0 : i32
        %scan3A_206 = arith.constant 8 : i32
        %scan3A_207 = arith.addi %scan3A_205, %scan3A_206 : i32
        %scan3A_208 = arith.constant 1 : i32
        scf.for %scan3A_252 = %scan3A_205 to %scan3A_207 step %scan3A_208  : i32 {
          %mul3A_253 = arith.constant 16 : i32
          %mul3A_254 = arith.muli %scan3A_252, %mul3A_253 : i32
          %get3A = arith.constant 0 : i32
          %get3A_255 = arith.index_cast %get3A : i32 to index
          %get3A_256 = arith.index_cast %mul3A_254 : i32 to index
          %get3A_257 = tpu.vector_load %arg9[%get3A_255, %get3A_256] {strides = array<i32>} : memref<8x128xi32, #tpu.memory_space<vmem>>, vector<1x16xi32>,
          %get3A_258 = vector.shape_cast %get3A_257 : vector<1x16xi32> to vector<16xi32>
          %mul3A_259 = arith.constant 8 : i32
          %mul3A_260 = vector.broadcast %mul3A_259 : i32 to vector<16xi32>
          %mul3A_261 = arith.muli %get3A_258, %mul3A_260 : vector<16xi32>
          %swap3A = arith.constant 0 : i32
          %swap3A_262 = arith.index_cast %swap3A : i32 to index
          %swap3A_263 = arith.index_cast %mul3A_254 : i32 to index
          %swap3A_264 = tpu.vector_load %arg10[%swap3A_262, %swap3A_263] {strides = array<i32>} : memref<8x128xi32, #tpu.memory_space<vmem>>, vector<1x16xi32>,
          %swap3A_265 = vector.shape_cast %swap3A_264 : vector<1x16xi32> to vector<16xi32>
          %swap3A_266 = vector.shape_cast %mul3A_261 : vector<16xi32> to vector<1x16xi32>
          tpu.vector_store %arg10[%swap3A_262, %swap3A_263], %swap3A_266 {strides = array<i32>} : memref<8x128xi32, #tpu.memory_space<vmem>>, vector<1x16xi32>,
        }
        %scan3A_209 = arith.constant 8 : i32
        %run_scoped3A = arith.constant 0 : i32
        "tpu.region"() ({
          %run_scoped3A_252 = tpu.sem_alloc : memref<!tpu.dma_semaphore, #tpu.memory_space<semaphore_mem>>
          %dma_start3A = arith.constant 0 : i32
          %dma_start3A_253 = tpu.memref_slice %arg10[%run_scoped3A, %dma_start3A] : memref<8x128xi32, #tpu.memory_space<vmem>> -> memref<1x128xi32, #tpu.memory_space<vmem>>
          %dma_start3A_254 = tpu.memref_squeeze %dma_start3A_253 : memref<1x128xi32, #tpu.memory_space<vmem>> -> memref<128xi32, #tpu.memory_space<vmem>>
          %dma_start3A_255 = arith.constant 0 : i32
          %dma_start3A_256 = tpu.memref_slice %arg14[%dma_start3A_255] : memref<400384xf32, #tpu.memory_space<vmem_shared>> -> memref<400384xf32, #tpu.memory_space<vmem_shared>>
          tpu.enqueue_indirect_dma source(%arg11 : memref<128xf32, #tpu.memory_space<vmem>>) target(%dma_start3A_256 : memref<400384xf32, #tpu.memory_space<vmem_shared>>) offsets(%dma_start3A_254 : memref<128xi32, #tpu.memory_space<vmem>>) semaphore(%run_scoped3A_252 : memref<!tpu.dma_semaphore, #tpu.memory_space<semaphore_mem>>) {add = true}
          %dma_wait3A = arith.constant 0 : i32
          %dma_wait3A_257 = tpu.memref_slice %arg10[%run_scoped3A, %dma_wait3A] : memref<8x128xi32, #tpu.memory_space<vmem>> -> memref<1x128xi32, #tpu.memory_space<vmem>>
          %dma_wait3A_258 = tpu.memref_squeeze %dma_wait3A_257 : memref<1x128xi32, #tpu.memory_space<vmem>> -> memref<128xi32, #tpu.memory_space<vmem>>
          %dma_wait3A_259 = arith.constant 0 : i32
          %dma_wait3A_260 = tpu.memref_slice %arg14[%dma_wait3A_259] : memref<400384xf32, #tpu.memory_space<vmem_shared>> -> memref<400384xf32, #tpu.memory_space<vmem_shared>>
          tpu.wait_indirect_dma semaphore(%run_scoped3A_252 : memref<!tpu.dma_semaphore, #tpu.memory_space<semaphore_mem>>) src(%arg11 : memref<128xf32, #tpu.memory_space<vmem>>) dst(%dma_wait3A_260 : memref<400384xf32, #tpu.memory_space<vmem_shared>>)
          tpu.yield
        }) : () -> ()
        %scan3A_210 = arith.constant 0 : i32
        %scan3A_211 = arith.constant 8 : i32
        %scan3A_212 = arith.addi %scan3A_210, %scan3A_211 : i32
        %scan3A_213 = arith.constant 1 : i32
        scf.for %scan3A_252 = %scan3A_210 to %scan3A_212 step %scan3A_213  : i32 {
          %mul3A_253 = arith.constant 16 : i32
          %mul3A_254 = arith.muli %scan3A_252, %mul3A_253 : i32
          %get3A = arith.constant 1 : i32
          %get3A_255 = arith.index_cast %get3A : i32 to index
          %get3A_256 = arith.index_cast %mul3A_254 : i32 to index
          %get3A_257 = tpu.vector_load %arg9[%get3A_255, %get3A_256] {strides = array<i32>} : memref<8x128xi32, #tpu.memory_space<vmem>>, vector<1x16xi32>,
          %get3A_258 = vector.shape_cast %get3A_257 : vector<1x16xi32> to vector<16xi32>
          %mul3A_259 = arith.constant 8 : i32
          %mul3A_260 = vector.broadcast %mul3A_259 : i32 to vector<16xi32>
          %mul3A_261 = arith.muli %get3A_258, %mul3A_260 : vector<16xi32>
          %swap3A = arith.constant 1 : i32
          %swap3A_262 = arith.index_cast %swap3A : i32 to index
          %swap3A_263 = arith.index_cast %mul3A_254 : i32 to index
          %swap3A_264 = tpu.vector_load %arg10[%swap3A_262, %swap3A_263] {strides = array<i32>} : memref<8x128xi32, #tpu.memory_space<vmem>>, vector<1x16xi32>,
          %swap3A_265 = vector.shape_cast %swap3A_264 : vector<1x16xi32> to vector<16xi32>
          %swap3A_266 = vector.shape_cast %mul3A_261 : vector<16xi32> to vector<1x16xi32>
          tpu.vector_store %arg10[%swap3A_262, %swap3A_263], %swap3A_266 {strides = array<i32>} : memref<8x128xi32, #tpu.memory_space<vmem>>, vector<1x16xi32>,
        }
        %scan3A_214 = arith.constant 8 : i32
        %run_scoped3A_215 = arith.constant 1 : i32
        "tpu.region"() ({
          %run_scoped3A_252 = tpu.sem_alloc : memref<!tpu.dma_semaphore, #tpu.memory_space<semaphore_mem>>
          %dma_start3A = arith.constant 0 : i32
          %dma_start3A_253 = tpu.memref_slice %arg10[%run_scoped3A_215, %dma_start3A] : memref<8x128xi32, #tpu.memory_space<vmem>> -> memref<1x128xi32, #tpu.memory_space<vmem>>
          %dma_start3A_254 = tpu.memref_squeeze %dma_start3A_253 : memref<1x128xi32, #tpu.memory_space<vmem>> -> memref<128xi32, #tpu.memory_space<vmem>>
          %dma_start3A_255 = arith.constant 0 : i32
          %dma_start3A_256 = tpu.memref_slice %arg14[%dma_start3A_255] : memref<400384xf32, #tpu.memory_space<vmem_shared>> -> memref<400384xf32, #tpu.memory_space<vmem_shared>>
          tpu.enqueue_indirect_dma source(%arg11 : memref<128xf32, #tpu.memory_space<vmem>>) target(%dma_start3A_256 : memref<400384xf32, #tpu.memory_space<vmem_shared>>) offsets(%dma_start3A_254 : memref<128xi32, #tpu.memory_space<vmem>>) semaphore(%run_scoped3A_252 : memref<!tpu.dma_semaphore, #tpu.memory_space<semaphore_mem>>) {add = true}
          %dma_wait3A = arith.constant 0 : i32
          %dma_wait3A_257 = tpu.memref_slice %arg10[%run_scoped3A_215, %dma_wait3A] : memref<8x128xi32, #tpu.memory_space<vmem>> -> memref<1x128xi32, #tpu.memory_space<vmem>>
          %dma_wait3A_258 = tpu.memref_squeeze %dma_wait3A_257 : memref<1x128xi32, #tpu.memory_space<vmem>> -> memref<128xi32, #tpu.memory_space<vmem>>
          %dma_wait3A_259 = arith.constant 0 : i32
          %dma_wait3A_260 = tpu.memref_slice %arg14[%dma_wait3A_259] : memref<400384xf32, #tpu.memory_space<vmem_shared>> -> memref<400384xf32, #tpu.memory_space<vmem_shared>>
          tpu.wait_indirect_dma semaphore(%run_scoped3A_252 : memref<!tpu.dma_semaphore, #tpu.memory_space<semaphore_mem>>) src(%arg11 : memref<128xf32, #tpu.memory_space<vmem>>) dst(%dma_wait3A_260 : memref<400384xf32, #tpu.memory_space<vmem_shared>>)
          tpu.yield
        }) : () -> ()
        %scan3A_216 = arith.constant 0 : i32
        %scan3A_217 = arith.constant 8 : i32
        %scan3A_218 = arith.addi %scan3A_216, %scan3A_217 : i32
        %scan3A_219 = arith.constant 1 : i32
        scf.for %scan3A_252 = %scan3A_216 to %scan3A_218 step %scan3A_219  : i32 {
          %mul3A_253 = arith.constant 16 : i32
          %mul3A_254 = arith.muli %scan3A_252, %mul3A_253 : i32
          %get3A = arith.constant 2 : i32
          %get3A_255 = arith.index_cast %get3A : i32 to index
          %get3A_256 = arith.index_cast %mul3A_254 : i32 to index
          %get3A_257 = tpu.vector_load %arg9[%get3A_255, %get3A_256] {strides = array<i32>} : memref<8x128xi32, #tpu.memory_space<vmem>>, vector<1x16xi32>,
          %get3A_258 = vector.shape_cast %get3A_257 : vector<1x16xi32> to vector<16xi32>
          %mul3A_259 = arith.constant 8 : i32
          %mul3A_260 = vector.broadcast %mul3A_259 : i32 to vector<16xi32>
          %mul3A_261 = arith.muli %get3A_258, %mul3A_260 : vector<16xi32>
          %swap3A = arith.constant 2 : i32
          %swap3A_262 = arith.index_cast %swap3A : i32 to index
          %swap3A_263 = arith.index_cast %mul3A_254 : i32 to index
          %swap3A_264 = tpu.vector_load %arg10[%swap3A_262, %swap3A_263] {strides = array<i32>} : memref<8x128xi32, #tpu.memory_space<vmem>>, vector<1x16xi32>,
          %swap3A_265 = vector.shape_cast %swap3A_264 : vector<1x16xi32> to vector<16xi32>
          %swap3A_266 = vector.shape_cast %mul3A_261 : vector<16xi32> to vector<1x16xi32>
          tpu.vector_store %arg10[%swap3A_262, %swap3A_263], %swap3A_266 {strides = array<i32>} : memref<8x128xi32, #tpu.memory_space<vmem>>, vector<1x16xi32>,
        }
        %scan3A_220 = arith.constant 8 : i32
        %run_scoped3A_221 = arith.constant 2 : i32
        "tpu.region"() ({
          %run_scoped3A_252 = tpu.sem_alloc : memref<!tpu.dma_semaphore, #tpu.memory_space<semaphore_mem>>
          %dma_start3A = arith.constant 0 : i32
          %dma_start3A_253 = tpu.memref_slice %arg10[%run_scoped3A_221, %dma_start3A] : memref<8x128xi32, #tpu.memory_space<vmem>> -> memref<1x128xi32, #tpu.memory_space<vmem>>
          %dma_start3A_254 = tpu.memref_squeeze %dma_start3A_253 : memref<1x128xi32, #tpu.memory_space<vmem>> -> memref<128xi32, #tpu.memory_space<vmem>>
          %dma_start3A_255 = arith.constant 0 : i32
          %dma_start3A_256 = tpu.memref_slice %arg14[%dma_start3A_255] : memref<400384xf32, #tpu.memory_space<vmem_shared>> -> memref<400384xf32, #tpu.memory_space<vmem_shared>>
          tpu.enqueue_indirect_dma source(%arg11 : memref<128xf32, #tpu.memory_space<vmem>>) target(%dma_start3A_256 : memref<400384xf32, #tpu.memory_space<vmem_shared>>) offsets(%dma_start3A_254 : memref<128xi32, #tpu.memory_space<vmem>>) semaphore(%run_scoped3A_252 : memref<!tpu.dma_semaphore, #tpu.memory_space<semaphore_mem>>) {add = true}
          %dma_wait3A = arith.constant 0 : i32
          %dma_wait3A_257 = tpu.memref_slice %arg10[%run_scoped3A_221, %dma_wait3A] : memref<8x128xi32, #tpu.memory_space<vmem>> -> memref<1x128xi32, #tpu.memory_space<vmem>>
          %dma_wait3A_258 = tpu.memref_squeeze %dma_wait3A_257 : memref<1x128xi32, #tpu.memory_space<vmem>> -> memref<128xi32, #tpu.memory_space<vmem>>
          %dma_wait3A_259 = arith.constant 0 : i32
          %dma_wait3A_260 = tpu.memref_slice %arg14[%dma_wait3A_259] : memref<400384xf32, #tpu.memory_space<vmem_shared>> -> memref<400384xf32, #tpu.memory_space<vmem_shared>>
          tpu.wait_indirect_dma semaphore(%run_scoped3A_252 : memref<!tpu.dma_semaphore, #tpu.memory_space<semaphore_mem>>) src(%arg11 : memref<128xf32, #tpu.memory_space<vmem>>) dst(%dma_wait3A_260 : memref<400384xf32, #tpu.memory_space<vmem_shared>>)
          tpu.yield
        }) : () -> ()
        %scan3A_222 = arith.constant 0 : i32
        %scan3A_223 = arith.constant 8 : i32
        %scan3A_224 = arith.addi %scan3A_222, %scan3A_223 : i32
        %scan3A_225 = arith.constant 1 : i32
        scf.for %scan3A_252 = %scan3A_222 to %scan3A_224 step %scan3A_225  : i32 {
          %mul3A_253 = arith.constant 16 : i32
          %mul3A_254 = arith.muli %scan3A_252, %mul3A_253 : i32
          %get3A = arith.constant 3 : i32
          %get3A_255 = arith.index_cast %get3A : i32 to index
          %get3A_256 = arith.index_cast %mul3A_254 : i32 to index
          %get3A_257 = tpu.vector_load %arg9[%get3A_255, %get3A_256] {strides = array<i32>} : memref<8x128xi32, #tpu.memory_space<vmem>>, vector<1x16xi32>,
          %get3A_258 = vector.shape_cast %get3A_257 : vector<1x16xi32> to vector<16xi32>
          %mul3A_259 = arith.constant 8 : i32
          %mul3A_260 = vector.broadcast %mul3A_259 : i32 to vector<16xi32>
          %mul3A_261 = arith.muli %get3A_258, %mul3A_260 : vector<16xi32>
          %swap3A = arith.constant 3 : i32
          %swap3A_262 = arith.index_cast %swap3A : i32 to index
          %swap3A_263 = arith.index_cast %mul3A_254 : i32 to index
          %swap3A_264 = tpu.vector_load %arg10[%swap3A_262, %swap3A_263] {strides = array<i32>} : memref<8x128xi32, #tpu.memory_space<vmem>>, vector<1x16xi32>,
          %swap3A_265 = vector.shape_cast %swap3A_264 : vector<1x16xi32> to vector<16xi32>
          %swap3A_266 = vector.shape_cast %mul3A_261 : vector<16xi32> to vector<1x16xi32>
          tpu.vector_store %arg10[%swap3A_262, %swap3A_263], %swap3A_266 {strides = array<i32>} : memref<8x128xi32, #tpu.memory_space<vmem>>, vector<1x16xi32>,
        }
        %scan3A_226 = arith.constant 8 : i32
        %run_scoped3A_227 = arith.constant 3 : i32
        "tpu.region"() ({
          %run_scoped3A_252 = tpu.sem_alloc : memref<!tpu.dma_semaphore, #tpu.memory_space<semaphore_mem>>
          %dma_start3A = arith.constant 0 : i32
          %dma_start3A_253 = tpu.memref_slice %arg10[%run_scoped3A_227, %dma_start3A] : memref<8x128xi32, #tpu.memory_space<vmem>> -> memref<1x128xi32, #tpu.memory_space<vmem>>
          %dma_start3A_254 = tpu.memref_squeeze %dma_start3A_253 : memref<1x128xi32, #tpu.memory_space<vmem>> -> memref<128xi32, #tpu.memory_space<vmem>>
          %dma_start3A_255 = arith.constant 0 : i32
          %dma_start3A_256 = tpu.memref_slice %arg14[%dma_start3A_255] : memref<400384xf32, #tpu.memory_space<vmem_shared>> -> memref<400384xf32, #tpu.memory_space<vmem_shared>>
          tpu.enqueue_indirect_dma source(%arg11 : memref<128xf32, #tpu.memory_space<vmem>>) target(%dma_start3A_256 : memref<400384xf32, #tpu.memory_space<vmem_shared>>) offsets(%dma_start3A_254 : memref<128xi32, #tpu.memory_space<vmem>>) semaphore(%run_scoped3A_252 : memref<!tpu.dma_semaphore, #tpu.memory_space<semaphore_mem>>) {add = true}
          %dma_wait3A = arith.constant 0 : i32
          %dma_wait3A_257 = tpu.memref_slice %arg10[%run_scoped3A_227, %dma_wait3A] : memref<8x128xi32, #tpu.memory_space<vmem>> -> memref<1x128xi32, #tpu.memory_space<vmem>>
          %dma_wait3A_258 = tpu.memref_squeeze %dma_wait3A_257 : memref<1x128xi32, #tpu.memory_space<vmem>> -> memref<128xi32, #tpu.memory_space<vmem>>
          %dma_wait3A_259 = arith.constant 0 : i32
          %dma_wait3A_260 = tpu.memref_slice %arg14[%dma_wait3A_259] : memref<400384xf32, #tpu.memory_space<vmem_shared>> -> memref<400384xf32, #tpu.memory_space<vmem_shared>>
          tpu.wait_indirect_dma semaphore(%run_scoped3A_252 : memref<!tpu.dma_semaphore, #tpu.memory_space<semaphore_mem>>) src(%arg11 : memref<128xf32, #tpu.memory_space<vmem>>) dst(%dma_wait3A_260 : memref<400384xf32, #tpu.memory_space<vmem_shared>>)
          tpu.yield
        }) : () -> ()
        %scan3A_228 = arith.constant 0 : i32
        %scan3A_229 = arith.constant 8 : i32
        %scan3A_230 = arith.addi %scan3A_228, %scan3A_229 : i32
        %scan3A_231 = arith.constant 1 : i32
        scf.for %scan3A_252 = %scan3A_228 to %scan3A_230 step %scan3A_231  : i32 {
          %mul3A_253 = arith.constant 16 : i32
          %mul3A_254 = arith.muli %scan3A_252, %mul3A_253 : i32
          %get3A = arith.constant 4 : i32
          %get3A_255 = arith.index_cast %get3A : i32 to index
          %get3A_256 = arith.index_cast %mul3A_254 : i32 to index
          %get3A_257 = tpu.vector_load %arg9[%get3A_255, %get3A_256] {strides = array<i32>} : memref<8x128xi32, #tpu.memory_space<vmem>>, vector<1x16xi32>,
          %get3A_258 = vector.shape_cast %get3A_257 : vector<1x16xi32> to vector<16xi32>
          %mul3A_259 = arith.constant 8 : i32
          %mul3A_260 = vector.broadcast %mul3A_259 : i32 to vector<16xi32>
          %mul3A_261 = arith.muli %get3A_258, %mul3A_260 : vector<16xi32>
          %swap3A = arith.constant 4 : i32
          %swap3A_262 = arith.index_cast %swap3A : i32 to index
          %swap3A_263 = arith.index_cast %mul3A_254 : i32 to index
          %swap3A_264 = tpu.vector_load %arg10[%swap3A_262, %swap3A_263] {strides = array<i32>} : memref<8x128xi32, #tpu.memory_space<vmem>>, vector<1x16xi32>,
          %swap3A_265 = vector.shape_cast %swap3A_264 : vector<1x16xi32> to vector<16xi32>
          %swap3A_266 = vector.shape_cast %mul3A_261 : vector<16xi32> to vector<1x16xi32>
          tpu.vector_store %arg10[%swap3A_262, %swap3A_263], %swap3A_266 {strides = array<i32>} : memref<8x128xi32, #tpu.memory_space<vmem>>, vector<1x16xi32>,
        }
        %scan3A_232 = arith.constant 8 : i32
        %run_scoped3A_233 = arith.constant 4 : i32
        "tpu.region"() ({
          %run_scoped3A_252 = tpu.sem_alloc : memref<!tpu.dma_semaphore, #tpu.memory_space<semaphore_mem>>
          %dma_start3A = arith.constant 0 : i32
          %dma_start3A_253 = tpu.memref_slice %arg10[%run_scoped3A_233, %dma_start3A] : memref<8x128xi32, #tpu.memory_space<vmem>> -> memref<1x128xi32, #tpu.memory_space<vmem>>
          %dma_start3A_254 = tpu.memref_squeeze %dma_start3A_253 : memref<1x128xi32, #tpu.memory_space<vmem>> -> memref<128xi32, #tpu.memory_space<vmem>>
          %dma_start3A_255 = arith.constant 0 : i32
          %dma_start3A_256 = tpu.memref_slice %arg14[%dma_start3A_255] : memref<400384xf32, #tpu.memory_space<vmem_shared>> -> memref<400384xf32, #tpu.memory_space<vmem_shared>>
          tpu.enqueue_indirect_dma source(%arg11 : memref<128xf32, #tpu.memory_space<vmem>>) target(%dma_start3A_256 : memref<400384xf32, #tpu.memory_space<vmem_shared>>) offsets(%dma_start3A_254 : memref<128xi32, #tpu.memory_space<vmem>>) semaphore(%run_scoped3A_252 : memref<!tpu.dma_semaphore, #tpu.memory_space<semaphore_mem>>) {add = true}
          %dma_wait3A = arith.constant 0 : i32
          %dma_wait3A_257 = tpu.memref_slice %arg10[%run_scoped3A_233, %dma_wait3A] : memref<8x128xi32, #tpu.memory_space<vmem>> -> memref<1x128xi32, #tpu.memory_space<vmem>>
          %dma_wait3A_258 = tpu.memref_squeeze %dma_wait3A_257 : memref<1x128xi32, #tpu.memory_space<vmem>> -> memref<128xi32, #tpu.memory_space<vmem>>
          %dma_wait3A_259 = arith.constant 0 : i32
          %dma_wait3A_260 = tpu.memref_slice %arg14[%dma_wait3A_259] : memref<400384xf32, #tpu.memory_space<vmem_shared>> -> memref<400384xf32, #tpu.memory_space<vmem_shared>>
          tpu.wait_indirect_dma semaphore(%run_scoped3A_252 : memref<!tpu.dma_semaphore, #tpu.memory_space<semaphore_mem>>) src(%arg11 : memref<128xf32, #tpu.memory_space<vmem>>) dst(%dma_wait3A_260 : memref<400384xf32, #tpu.memory_space<vmem_shared>>)
          tpu.yield
        }) : () -> ()
        %scan3A_234 = arith.constant 0 : i32
        %scan3A_235 = arith.constant 8 : i32
        %scan3A_236 = arith.addi %scan3A_234, %scan3A_235 : i32
        %scan3A_237 = arith.constant 1 : i32
        scf.for %scan3A_252 = %scan3A_234 to %scan3A_236 step %scan3A_237  : i32 {
          %mul3A_253 = arith.constant 16 : i32
          %mul3A_254 = arith.muli %scan3A_252, %mul3A_253 : i32
          %get3A = arith.constant 5 : i32
          %get3A_255 = arith.index_cast %get3A : i32 to index
          %get3A_256 = arith.index_cast %mul3A_254 : i32 to index
          %get3A_257 = tpu.vector_load %arg9[%get3A_255, %get3A_256] {strides = array<i32>} : memref<8x128xi32, #tpu.memory_space<vmem>>, vector<1x16xi32>,
          %get3A_258 = vector.shape_cast %get3A_257 : vector<1x16xi32> to vector<16xi32>
          %mul3A_259 = arith.constant 8 : i32
          %mul3A_260 = vector.broadcast %mul3A_259 : i32 to vector<16xi32>
          %mul3A_261 = arith.muli %get3A_258, %mul3A_260 : vector<16xi32>
          %swap3A = arith.constant 5 : i32
          %swap3A_262 = arith.index_cast %swap3A : i32 to index
          %swap3A_263 = arith.index_cast %mul3A_254 : i32 to index
          %swap3A_264 = tpu.vector_load %arg10[%swap3A_262, %swap3A_263] {strides = array<i32>} : memref<8x128xi32, #tpu.memory_space<vmem>>, vector<1x16xi32>,
          %swap3A_265 = vector.shape_cast %swap3A_264 : vector<1x16xi32> to vector<16xi32>
          %swap3A_266 = vector.shape_cast %mul3A_261 : vector<16xi32> to vector<1x16xi32>
          tpu.vector_store %arg10[%swap3A_262, %swap3A_263], %swap3A_266 {strides = array<i32>} : memref<8x128xi32, #tpu.memory_space<vmem>>, vector<1x16xi32>,
        }
        %scan3A_238 = arith.constant 8 : i32
        %run_scoped3A_239 = arith.constant 5 : i32
        "tpu.region"() ({
          %run_scoped3A_252 = tpu.sem_alloc : memref<!tpu.dma_semaphore, #tpu.memory_space<semaphore_mem>>
          %dma_start3A = arith.constant 0 : i32
          %dma_start3A_253 = tpu.memref_slice %arg10[%run_scoped3A_239, %dma_start3A] : memref<8x128xi32, #tpu.memory_space<vmem>> -> memref<1x128xi32, #tpu.memory_space<vmem>>
          %dma_start3A_254 = tpu.memref_squeeze %dma_start3A_253 : memref<1x128xi32, #tpu.memory_space<vmem>> -> memref<128xi32, #tpu.memory_space<vmem>>
          %dma_start3A_255 = arith.constant 0 : i32
          %dma_start3A_256 = tpu.memref_slice %arg14[%dma_start3A_255] : memref<400384xf32, #tpu.memory_space<vmem_shared>> -> memref<400384xf32, #tpu.memory_space<vmem_shared>>
          tpu.enqueue_indirect_dma source(%arg11 : memref<128xf32, #tpu.memory_space<vmem>>) target(%dma_start3A_256 : memref<400384xf32, #tpu.memory_space<vmem_shared>>) offsets(%dma_start3A_254 : memref<128xi32, #tpu.memory_space<vmem>>) semaphore(%run_scoped3A_252 : memref<!tpu.dma_semaphore, #tpu.memory_space<semaphore_mem>>) {add = true}
          %dma_wait3A = arith.constant 0 : i32
          %dma_wait3A_257 = tpu.memref_slice %arg10[%run_scoped3A_239, %dma_wait3A] : memref<8x128xi32, #tpu.memory_space<vmem>> -> memref<1x128xi32, #tpu.memory_space<vmem>>
          %dma_wait3A_258 = tpu.memref_squeeze %dma_wait3A_257 : memref<1x128xi32, #tpu.memory_space<vmem>> -> memref<128xi32, #tpu.memory_space<vmem>>
          %dma_wait3A_259 = arith.constant 0 : i32
          %dma_wait3A_260 = tpu.memref_slice %arg14[%dma_wait3A_259] : memref<400384xf32, #tpu.memory_space<vmem_shared>> -> memref<400384xf32, #tpu.memory_space<vmem_shared>>
          tpu.wait_indirect_dma semaphore(%run_scoped3A_252 : memref<!tpu.dma_semaphore, #tpu.memory_space<semaphore_mem>>) src(%arg11 : memref<128xf32, #tpu.memory_space<vmem>>) dst(%dma_wait3A_260 : memref<400384xf32, #tpu.memory_space<vmem_shared>>)
          tpu.yield
        }) : () -> ()
        %scan3A_240 = arith.constant 0 : i32
        %scan3A_241 = arith.constant 8 : i32
        %scan3A_242 = arith.addi %scan3A_240, %scan3A_241 : i32
        %scan3A_243 = arith.constant 1 : i32
        scf.for %scan3A_252 = %scan3A_240 to %scan3A_242 step %scan3A_243  : i32 {
          %mul3A_253 = arith.constant 16 : i32
          %mul3A_254 = arith.muli %scan3A_252, %mul3A_253 : i32
          %get3A = arith.constant 6 : i32
          %get3A_255 = arith.index_cast %get3A : i32 to index
          %get3A_256 = arith.index_cast %mul3A_254 : i32 to index
          %get3A_257 = tpu.vector_load %arg9[%get3A_255, %get3A_256] {strides = array<i32>} : memref<8x128xi32, #tpu.memory_space<vmem>>, vector<1x16xi32>,
          %get3A_258 = vector.shape_cast %get3A_257 : vector<1x16xi32> to vector<16xi32>
          %mul3A_259 = arith.constant 8 : i32
          %mul3A_260 = vector.broadcast %mul3A_259 : i32 to vector<16xi32>
          %mul3A_261 = arith.muli %get3A_258, %mul3A_260 : vector<16xi32>
          %swap3A = arith.constant 6 : i32
          %swap3A_262 = arith.index_cast %swap3A : i32 to index
          %swap3A_263 = arith.index_cast %mul3A_254 : i32 to index
          %swap3A_264 = tpu.vector_load %arg10[%swap3A_262, %swap3A_263] {strides = array<i32>} : memref<8x128xi32, #tpu.memory_space<vmem>>, vector<1x16xi32>,
          %swap3A_265 = vector.shape_cast %swap3A_264 : vector<1x16xi32> to vector<16xi32>
          %swap3A_266 = vector.shape_cast %mul3A_261 : vector<16xi32> to vector<1x16xi32>
          tpu.vector_store %arg10[%swap3A_262, %swap3A_263], %swap3A_266 {strides = array<i32>} : memref<8x128xi32, #tpu.memory_space<vmem>>, vector<1x16xi32>,
        }
        %scan3A_244 = arith.constant 8 : i32
        %run_scoped3A_245 = arith.constant 6 : i32
        "tpu.region"() ({
          %run_scoped3A_252 = tpu.sem_alloc : memref<!tpu.dma_semaphore, #tpu.memory_space<semaphore_mem>>
          %dma_start3A = arith.constant 0 : i32
          %dma_start3A_253 = tpu.memref_slice %arg10[%run_scoped3A_245, %dma_start3A] : memref<8x128xi32, #tpu.memory_space<vmem>> -> memref<1x128xi32, #tpu.memory_space<vmem>>
          %dma_start3A_254 = tpu.memref_squeeze %dma_start3A_253 : memref<1x128xi32, #tpu.memory_space<vmem>> -> memref<128xi32, #tpu.memory_space<vmem>>
          %dma_start3A_255 = arith.constant 0 : i32
          %dma_start3A_256 = tpu.memref_slice %arg14[%dma_start3A_255] : memref<400384xf32, #tpu.memory_space<vmem_shared>> -> memref<400384xf32, #tpu.memory_space<vmem_shared>>
          tpu.enqueue_indirect_dma source(%arg11 : memref<128xf32, #tpu.memory_space<vmem>>) target(%dma_start3A_256 : memref<400384xf32, #tpu.memory_space<vmem_shared>>) offsets(%dma_start3A_254 : memref<128xi32, #tpu.memory_space<vmem>>) semaphore(%run_scoped3A_252 : memref<!tpu.dma_semaphore, #tpu.memory_space<semaphore_mem>>) {add = true}
          %dma_wait3A = arith.constant 0 : i32
          %dma_wait3A_257 = tpu.memref_slice %arg10[%run_scoped3A_245, %dma_wait3A] : memref<8x128xi32, #tpu.memory_space<vmem>> -> memref<1x128xi32, #tpu.memory_space<vmem>>
          %dma_wait3A_258 = tpu.memref_squeeze %dma_wait3A_257 : memref<1x128xi32, #tpu.memory_space<vmem>> -> memref<128xi32, #tpu.memory_space<vmem>>
          %dma_wait3A_259 = arith.constant 0 : i32
          %dma_wait3A_260 = tpu.memref_slice %arg14[%dma_wait3A_259] : memref<400384xf32, #tpu.memory_space<vmem_shared>> -> memref<400384xf32, #tpu.memory_space<vmem_shared>>
          tpu.wait_indirect_dma semaphore(%run_scoped3A_252 : memref<!tpu.dma_semaphore, #tpu.memory_space<semaphore_mem>>) src(%arg11 : memref<128xf32, #tpu.memory_space<vmem>>) dst(%dma_wait3A_260 : memref<400384xf32, #tpu.memory_space<vmem_shared>>)
          tpu.yield
        }) : () -> ()
        %scan3A_246 = arith.constant 0 : i32
        %scan3A_247 = arith.constant 8 : i32
        %scan3A_248 = arith.addi %scan3A_246, %scan3A_247 : i32
        %scan3A_249 = arith.constant 1 : i32
        scf.for %scan3A_252 = %scan3A_246 to %scan3A_248 step %scan3A_249  : i32 {
          %mul3A_253 = arith.constant 16 : i32
          %mul3A_254 = arith.muli %scan3A_252, %mul3A_253 : i32
          %get3A = arith.constant 7 : i32
          %get3A_255 = arith.index_cast %get3A : i32 to index
          %get3A_256 = arith.index_cast %mul3A_254 : i32 to index
          %get3A_257 = tpu.vector_load %arg9[%get3A_255, %get3A_256] {strides = array<i32>} : memref<8x128xi32, #tpu.memory_space<vmem>>, vector<1x16xi32>,
          %get3A_258 = vector.shape_cast %get3A_257 : vector<1x16xi32> to vector<16xi32>
          %mul3A_259 = arith.constant 8 : i32
          %mul3A_260 = vector.broadcast %mul3A_259 : i32 to vector<16xi32>
          %mul3A_261 = arith.muli %get3A_258, %mul3A_260 : vector<16xi32>
          %swap3A = arith.constant 7 : i32
          %swap3A_262 = arith.index_cast %swap3A : i32 to index
          %swap3A_263 = arith.index_cast %mul3A_254 : i32 to index
          %swap3A_264 = tpu.vector_load %arg10[%swap3A_262, %swap3A_263] {strides = array<i32>} : memref<8x128xi32, #tpu.memory_space<vmem>>, vector<1x16xi32>,
          %swap3A_265 = vector.shape_cast %swap3A_264 : vector<1x16xi32> to vector<16xi32>
          %swap3A_266 = vector.shape_cast %mul3A_261 : vector<16xi32> to vector<1x16xi32>
          tpu.vector_store %arg10[%swap3A_262, %swap3A_263], %swap3A_266 {strides = array<i32>} : memref<8x128xi32, #tpu.memory_space<vmem>>, vector<1x16xi32>,
        }
        %scan3A_250 = arith.constant 8 : i32
        %run_scoped3A_251 = arith.constant 7 : i32
        "tpu.region"() ({
          %run_scoped3A_252 = tpu.sem_alloc : memref<!tpu.dma_semaphore, #tpu.memory_space<semaphore_mem>>
          %dma_start3A = arith.constant 0 : i32
          %dma_start3A_253 = tpu.memref_slice %arg10[%run_scoped3A_251, %dma_start3A] : memref<8x128xi32, #tpu.memory_space<vmem>> -> memref<1x128xi32, #tpu.memory_space<vmem>>
          %dma_start3A_254 = tpu.memref_squeeze %dma_start3A_253 : memref<1x128xi32, #tpu.memory_space<vmem>> -> memref<128xi32, #tpu.memory_space<vmem>>
          %dma_start3A_255 = arith.constant 0 : i32
          %dma_start3A_256 = tpu.memref_slice %arg14[%dma_start3A_255] : memref<400384xf32, #tpu.memory_space<vmem_shared>> -> memref<400384xf32, #tpu.memory_space<vmem_shared>>
          tpu.enqueue_indirect_dma source(%arg11 : memref<128xf32, #tpu.memory_space<vmem>>) target(%dma_start3A_256 : memref<400384xf32, #tpu.memory_space<vmem_shared>>) offsets(%dma_start3A_254 : memref<128xi32, #tpu.memory_space<vmem>>) semaphore(%run_scoped3A_252 : memref<!tpu.dma_semaphore, #tpu.memory_space<semaphore_mem>>) {add = true}
          %dma_wait3A = arith.constant 0 : i32
          %dma_wait3A_257 = tpu.memref_slice %arg10[%run_scoped3A_251, %dma_wait3A] : memref<8x128xi32, #tpu.memory_space<vmem>> -> memref<1x128xi32, #tpu.memory_space<vmem>>
          %dma_wait3A_258 = tpu.memref_squeeze %dma_wait3A_257 : memref<1x128xi32, #tpu.memory_space<vmem>> -> memref<128xi32, #tpu.memory_space<vmem>>
          %dma_wait3A_259 = arith.constant 0 : i32
          %dma_wait3A_260 = tpu.memref_slice %arg14[%dma_wait3A_259] : memref<400384xf32, #tpu.memory_space<vmem_shared>> -> memref<400384xf32, #tpu.memory_space<vmem_shared>>
          tpu.wait_indirect_dma semaphore(%run_scoped3A_252 : memref<!tpu.dma_semaphore, #tpu.memory_space<semaphore_mem>>) src(%arg11 : memref<128xf32, #tpu.memory_space<vmem>>) dst(%dma_wait3A_260 : memref<400384xf32, #tpu.memory_space<vmem_shared>>)
          tpu.yield
        }) : () -> ()
      } else {
      }
    }
    %scan3A_95 = arith.constant 7 : i32
    %barrier3A_96 = arith.constant 0 : index
    tpu.barrier barrier_id(%barrier3A_96)
    "tpu.region"() ({
      %run_scoped3A = tpu.sem_alloc : memref<!tpu.dma_semaphore, #tpu.memory_space<semaphore_mem>>
      %dma_start3A = tpu.memref_slice %arg14[%mul3A_16] : memref<400384xf32, #tpu.memory_space<vmem_shared>> -> memref<25024xf32, #tpu.memory_space<vmem_shared>>
      %dma_start3A_197 = tpu.memref_slice %arg14[%mul3A_16] : memref<400384xf32, #tpu.memory_space<vmem_shared>> -> memref<25024xf32, #tpu.memory_space<vmem_shared>>
      tpu.enqueue_dma source(%dma_start3A_197 : memref<25024xf32, #tpu.memory_space<vmem_shared>>) target(%arg13 : memref<25024xf32, #tpu.memory_space<vmem>>) target_semaphore(%run_scoped3A : memref<!tpu.dma_semaphore, #tpu.memory_space<semaphore_mem>>)
      %dma_wait3A = tpu.memref_slice %arg14[%mul3A_16] : memref<400384xf32, #tpu.memory_space<vmem_shared>> -> memref<25024xf32, #tpu.memory_space<vmem_shared>>
      %dma_wait3A_198 = tpu.memref_slice %arg14[%mul3A_16] : memref<400384xf32, #tpu.memory_space<vmem_shared>> -> memref<25024xf32, #tpu.memory_space<vmem_shared>>
      tpu.wait_dma2 semaphore(%run_scoped3A : memref<!tpu.dma_semaphore, #tpu.memory_space<semaphore_mem>>) src(%dma_wait3A_198 : memref<25024xf32, #tpu.memory_space<vmem_shared>>) dst(%arg13 : memref<25024xf32, #tpu.memory_space<vmem>>)
      tpu.yield
    }) : () -> ()
    %mul3A_97 = arith.constant 6 : i32
    %mul3A_98 = arith.muli %arg0, %mul3A_97 : i32
    %add3A_99 = arith.constant 2 : i32
    %add3A_100 = arith.addi %mul3A_98, %add3A_99 : i32
    %mul3A_101 = arith.constant 50048 : i32
    %mul3A_102 = arith.muli %add3A_100, %mul3A_101 : i32
    %mul3A_103 = arith.constant 8 : i32
    %mul3A_104 = arith.muli %mul3A_102, %mul3A_103 : i32
    %add3A_105 = arith.addi %mul3A_104, %mul3A_16 : i32
    "tpu.region"() ({
      %run_scoped3A = tpu.sem_alloc : memref<!tpu.dma_semaphore, #tpu.memory_space<semaphore_mem>>
      %dma_start3A = tpu.memref_slice %arg8[%add3A_105] : memref<4804608xf32, #tpu.memory_space<hbm>> -> memref<25024xf32, #tpu.memory_space<hbm>>
      %dma_start3A_197 = tpu.memref_slice %arg8[%add3A_105] : memref<4804608xf32, #tpu.memory_space<hbm>> -> memref<25024xf32, #tpu.memory_space<hbm>>
      tpu.enqueue_dma source(%arg13 : memref<25024xf32, #tpu.memory_space<vmem>>) target(%dma_start3A_197 : memref<25024xf32, #tpu.memory_space<hbm>>) target_semaphore(%run_scoped3A : memref<!tpu.dma_semaphore, #tpu.memory_space<semaphore_mem>>)
      %dma_wait3A = tpu.memref_slice %arg8[%add3A_105] : memref<4804608xf32, #tpu.memory_space<hbm>> -> memref<25024xf32, #tpu.memory_space<hbm>>
      %dma_wait3A_198 = tpu.memref_slice %arg8[%add3A_105] : memref<4804608xf32, #tpu.memory_space<hbm>> -> memref<25024xf32, #tpu.memory_space<hbm>>
      tpu.wait_dma2 semaphore(%run_scoped3A : memref<!tpu.dma_semaphore, #tpu.memory_space<semaphore_mem>>) src(%arg13 : memref<25024xf32, #tpu.memory_space<vmem>>) dst(%dma_wait3A_198 : memref<25024xf32, #tpu.memory_space<hbm>>)
      tpu.yield
    }) : () -> ()
    %add3A_106 = arith.constant 0 : i32
    %add3A_107 = arith.addi %mul3A_16, %add3A_106 : i32
    "tpu.region"() ({
      %run_scoped3A = tpu.sem_alloc : memref<!tpu.dma_semaphore, #tpu.memory_space<semaphore_mem>>
      %dma_start3A = tpu.memref_slice %arg14[%add3A_107] : memref<400384xf32, #tpu.memory_space<vmem_shared>> -> memref<4096xf32, #tpu.memory_space<vmem_shared>>
      %dma_start3A_197 = tpu.memref_slice %arg14[%add3A_107] : memref<400384xf32, #tpu.memory_space<vmem_shared>> -> memref<4096xf32, #tpu.memory_space<vmem_shared>>
      tpu.enqueue_dma source(%arg12 : memref<4096xf32, #tpu.memory_space<vmem>>) target(%dma_start3A_197 : memref<4096xf32, #tpu.memory_space<vmem_shared>>) target_semaphore(%run_scoped3A : memref<!tpu.dma_semaphore, #tpu.memory_space<semaphore_mem>>)
      %dma_wait3A = tpu.memref_slice %arg14[%add3A_107] : memref<400384xf32, #tpu.memory_space<vmem_shared>> -> memref<4096xf32, #tpu.memory_space<vmem_shared>>
      %dma_wait3A_198 = tpu.memref_slice %arg14[%add3A_107] : memref<400384xf32, #tpu.memory_space<vmem_shared>> -> memref<4096xf32, #tpu.memory_space<vmem_shared>>
      tpu.wait_dma2 semaphore(%run_scoped3A : memref<!tpu.dma_semaphore, #tpu.memory_space<semaphore_mem>>) src(%arg12 : memref<4096xf32, #tpu.memory_space<vmem>>) dst(%dma_wait3A_198 : memref<4096xf32, #tpu.memory_space<vmem_shared>>)
      tpu.yield
    }) : () -> ()
    %add3A_108 = arith.constant 4096 : i32
    %add3A_109 = arith.addi %mul3A_16, %add3A_108 : i32
    "tpu.region"() ({
      %run_scoped3A = tpu.sem_alloc : memref<!tpu.dma_semaphore, #tpu.memory_space<semaphore_mem>>
      %dma_start3A = tpu.memref_slice %arg14[%add3A_109] : memref<400384xf32, #tpu.memory_space<vmem_shared>> -> memref<4096xf32, #tpu.memory_space<vmem_shared>>
      %dma_start3A_197 = tpu.memref_slice %arg14[%add3A_109] : memref<400384xf32, #tpu.memory_space<vmem_shared>> -> memref<4096xf32, #tpu.memory_space<vmem_shared>>
      tpu.enqueue_dma source(%arg12 : memref<4096xf32, #tpu.memory_space<vmem>>) target(%dma_start3A_197 : memref<4096xf32, #tpu.memory_space<vmem_shared>>) target_semaphore(%run_scoped3A : memref<!tpu.dma_semaphore, #tpu.memory_space<semaphore_mem>>)
      %dma_wait3A = tpu.memref_slice %arg14[%add3A_109] : memref<400384xf32, #tpu.memory_space<vmem_shared>> -> memref<4096xf32, #tpu.memory_space<vmem_shared>>
      %dma_wait3A_198 = tpu.memref_slice %arg14[%add3A_109] : memref<400384xf32, #tpu.memory_space<vmem_shared>> -> memref<4096xf32, #tpu.memory_space<vmem_shared>>
      tpu.wait_dma2 semaphore(%run_scoped3A : memref<!tpu.dma_semaphore, #tpu.memory_space<semaphore_mem>>) src(%arg12 : memref<4096xf32, #tpu.memory_space<vmem>>) dst(%dma_wait3A_198 : memref<4096xf32, #tpu.memory_space<vmem_shared>>)
      tpu.yield
    }) : () -> ()
    %add3A_110 = arith.constant 8192 : i32
    %add3A_111 = arith.addi %mul3A_16, %add3A_110 : i32
    "tpu.region"() ({
      %run_scoped3A = tpu.sem_alloc : memref<!tpu.dma_semaphore, #tpu.memory_space<semaphore_mem>>
      %dma_start3A = tpu.memref_slice %arg14[%add3A_111] : memref<400384xf32, #tpu.memory_space<vmem_shared>> -> memref<4096xf32, #tpu.memory_space<vmem_shared>>
      %dma_start3A_197 = tpu.memref_slice %arg14[%add3A_111] : memref<400384xf32, #tpu.memory_space<vmem_shared>> -> memref<4096xf32, #tpu.memory_space<vmem_shared>>
      tpu.enqueue_dma source(%arg12 : memref<4096xf32, #tpu.memory_space<vmem>>) target(%dma_start3A_197 : memref<4096xf32, #tpu.memory_space<vmem_shared>>) target_semaphore(%run_scoped3A : memref<!tpu.dma_semaphore, #tpu.memory_space<semaphore_mem>>)
      %dma_wait3A = tpu.memref_slice %arg14[%add3A_111] : memref<400384xf32, #tpu.memory_space<vmem_shared>> -> memref<4096xf32, #tpu.memory_space<vmem_shared>>
      %dma_wait3A_198 = tpu.memref_slice %arg14[%add3A_111] : memref<400384xf32, #tpu.memory_space<vmem_shared>> -> memref<4096xf32, #tpu.memory_space<vmem_shared>>
      tpu.wait_dma2 semaphore(%run_scoped3A : memref<!tpu.dma_semaphore, #tpu.memory_space<semaphore_mem>>) src(%arg12 : memref<4096xf32, #tpu.memory_space<vmem>>) dst(%dma_wait3A_198 : memref<4096xf32, #tpu.memory_space<vmem_shared>>)
      tpu.yield
    }) : () -> ()
    %add3A_112 = arith.constant 12288 : i32
    %add3A_113 = arith.addi %mul3A_16, %add3A_112 : i32
    "tpu.region"() ({
      %run_scoped3A = tpu.sem_alloc : memref<!tpu.dma_semaphore, #tpu.memory_space<semaphore_mem>>
      %dma_start3A = tpu.memref_slice %arg14[%add3A_113] : memref<400384xf32, #tpu.memory_space<vmem_shared>> -> memref<4096xf32, #tpu.memory_space<vmem_shared>>
      %dma_start3A_197 = tpu.memref_slice %arg14[%add3A_113] : memref<400384xf32, #tpu.memory_space<vmem_shared>> -> memref<4096xf32, #tpu.memory_space<vmem_shared>>
      tpu.enqueue_dma source(%arg12 : memref<4096xf32, #tpu.memory_space<vmem>>) target(%dma_start3A_197 : memref<4096xf32, #tpu.memory_space<vmem_shared>>) target_semaphore(%run_scoped3A : memref<!tpu.dma_semaphore, #tpu.memory_space<semaphore_mem>>)
      %dma_wait3A = tpu.memref_slice %arg14[%add3A_113] : memref<400384xf32, #tpu.memory_space<vmem_shared>> -> memref<4096xf32, #tpu.memory_space<vmem_shared>>
      %dma_wait3A_198 = tpu.memref_slice %arg14[%add3A_113] : memref<400384xf32, #tpu.memory_space<vmem_shared>> -> memref<4096xf32, #tpu.memory_space<vmem_shared>>
      tpu.wait_dma2 semaphore(%run_scoped3A : memref<!tpu.dma_semaphore, #tpu.memory_space<semaphore_mem>>) src(%arg12 : memref<4096xf32, #tpu.memory_space<vmem>>) dst(%dma_wait3A_198 : memref<4096xf32, #tpu.memory_space<vmem_shared>>)
      tpu.yield
    }) : () -> ()
    %add3A_114 = arith.constant 16384 : i32
    %add3A_115 = arith.addi %mul3A_16, %add3A_114 : i32
    "tpu.region"() ({
      %run_scoped3A = tpu.sem_alloc : memref<!tpu.dma_semaphore, #tpu.memory_space<semaphore_mem>>
      %dma_start3A = tpu.memref_slice %arg14[%add3A_115] : memref<400384xf32, #tpu.memory_space<vmem_shared>> -> memref<4096xf32, #tpu.memory_space<vmem_shared>>
      %dma_start3A_197 = tpu.memref_slice %arg14[%add3A_115] : memref<400384xf32, #tpu.memory_space<vmem_shared>> -> memref<4096xf32, #tpu.memory_space<vmem_shared>>
      tpu.enqueue_dma source(%arg12 : memref<4096xf32, #tpu.memory_space<vmem>>) target(%dma_start3A_197 : memref<4096xf32, #tpu.memory_space<vmem_shared>>) target_semaphore(%run_scoped3A : memref<!tpu.dma_semaphore, #tpu.memory_space<semaphore_mem>>)
      %dma_wait3A = tpu.memref_slice %arg14[%add3A_115] : memref<400384xf32, #tpu.memory_space<vmem_shared>> -> memref<4096xf32, #tpu.memory_space<vmem_shared>>
      %dma_wait3A_198 = tpu.memref_slice %arg14[%add3A_115] : memref<400384xf32, #tpu.memory_space<vmem_shared>> -> memref<4096xf32, #tpu.memory_space<vmem_shared>>
      tpu.wait_dma2 semaphore(%run_scoped3A : memref<!tpu.dma_semaphore, #tpu.memory_space<semaphore_mem>>) src(%arg12 : memref<4096xf32, #tpu.memory_space<vmem>>) dst(%dma_wait3A_198 : memref<4096xf32, #tpu.memory_space<vmem_shared>>)
      tpu.yield
    }) : () -> ()
    %add3A_116 = arith.constant 20480 : i32
    %add3A_117 = arith.addi %mul3A_16, %add3A_116 : i32
    "tpu.region"() ({
      %run_scoped3A = tpu.sem_alloc : memref<!tpu.dma_semaphore, #tpu.memory_space<semaphore_mem>>
      %dma_start3A = tpu.memref_slice %arg14[%add3A_117] : memref<400384xf32, #tpu.memory_space<vmem_shared>> -> memref<4096xf32, #tpu.memory_space<vmem_shared>>
      %dma_start3A_197 = tpu.memref_slice %arg14[%add3A_117] : memref<400384xf32, #tpu.memory_space<vmem_shared>> -> memref<4096xf32, #tpu.memory_space<vmem_shared>>
      tpu.enqueue_dma source(%arg12 : memref<4096xf32, #tpu.memory_space<vmem>>) target(%dma_start3A_197 : memref<4096xf32, #tpu.memory_space<vmem_shared>>) target_semaphore(%run_scoped3A : memref<!tpu.dma_semaphore, #tpu.memory_space<semaphore_mem>>)
      %dma_wait3A = tpu.memref_slice %arg14[%add3A_117] : memref<400384xf32, #tpu.memory_space<vmem_shared>> -> memref<4096xf32, #tpu.memory_space<vmem_shared>>
      %dma_wait3A_198 = tpu.memref_slice %arg14[%add3A_117] : memref<400384xf32, #tpu.memory_space<vmem_shared>> -> memref<4096xf32, #tpu.memory_space<vmem_shared>>
      tpu.wait_dma2 semaphore(%run_scoped3A : memref<!tpu.dma_semaphore, #tpu.memory_space<semaphore_mem>>) src(%arg12 : memref<4096xf32, #tpu.memory_space<vmem>>) dst(%dma_wait3A_198 : memref<4096xf32, #tpu.memory_space<vmem_shared>>)
      tpu.yield
    }) : () -> ()
    %add3A_118 = arith.constant 24576 : i32
    %add3A_119 = arith.addi %mul3A_16, %add3A_118 : i32
    "tpu.region"() ({
      %run_scoped3A = tpu.sem_alloc : memref<!tpu.dma_semaphore, #tpu.memory_space<semaphore_mem>>
      %dma_start3A = arith.constant 0 : i32
      %dma_start3A_197 = tpu.memref_slice %arg12[%dma_start3A] : memref<4096xf32, #tpu.memory_space<vmem>> -> memref<448xf32, #tpu.memory_space<vmem>>
      %dma_start3A_198 = tpu.memref_slice %arg14[%add3A_119] : memref<400384xf32, #tpu.memory_space<vmem_shared>> -> memref<448xf32, #tpu.memory_space<vmem_shared>>
      %dma_start3A_199 = tpu.memref_slice %arg14[%add3A_119] : memref<400384xf32, #tpu.memory_space<vmem_shared>> -> memref<448xf32, #tpu.memory_space<vmem_shared>>
      %dma_start3A_200 = arith.constant 0 : i32
      %dma_start3A_201 = tpu.memref_slice %arg12[%dma_start3A_200] : memref<4096xf32, #tpu.memory_space<vmem>> -> memref<448xf32, #tpu.memory_space<vmem>>
      tpu.enqueue_dma source(%dma_start3A_201 : memref<448xf32, #tpu.memory_space<vmem>>) target(%dma_start3A_199 : memref<448xf32, #tpu.memory_space<vmem_shared>>) target_semaphore(%run_scoped3A : memref<!tpu.dma_semaphore, #tpu.memory_space<semaphore_mem>>)
      %dma_wait3A = arith.constant 0 : i32
      %dma_wait3A_202 = tpu.memref_slice %arg12[%dma_wait3A] : memref<4096xf32, #tpu.memory_space<vmem>> -> memref<448xf32, #tpu.memory_space<vmem>>
      %dma_wait3A_203 = tpu.memref_slice %arg14[%add3A_119] : memref<400384xf32, #tpu.memory_space<vmem_shared>> -> memref<448xf32, #tpu.memory_space<vmem_shared>>
      %dma_wait3A_204 = tpu.memref_slice %arg14[%add3A_119] : memref<400384xf32, #tpu.memory_space<vmem_shared>> -> memref<448xf32, #tpu.memory_space<vmem_shared>>
      %dma_wait3A_205 = arith.constant 0 : i32
      %dma_wait3A_206 = tpu.memref_slice %arg12[%dma_wait3A_205] : memref<4096xf32, #tpu.memory_space<vmem>> -> memref<448xf32, #tpu.memory_space<vmem>>
      tpu.wait_dma2 semaphore(%run_scoped3A : memref<!tpu.dma_semaphore, #tpu.memory_space<semaphore_mem>>) src(%dma_wait3A_206 : memref<448xf32, #tpu.memory_space<vmem>>) dst(%dma_wait3A_204 : memref<448xf32, #tpu.memory_space<vmem_shared>>)
      tpu.yield
    }) : () -> ()
    %barrier3A_120 = arith.constant 0 : index
    tpu.barrier barrier_id(%barrier3A_120)
    %scan3A_121 = arith.constant 0 : i32
    %scan3A_122 = arith.constant 7 : i32
    %scan3A_123 = arith.addi %scan3A_121, %scan3A_122 : i32
    %scan3A_124 = arith.constant 1 : i32
    scf.for %scan3A_197 = %scan3A_121 to %scan3A_123 step %scan3A_124  : i32 {
      %mul3A_198 = arith.constant 32 : i32
      %mul3A_199 = arith.muli %mul3A_198, %scan3A_197 : i32
      %add3A_200 = arith.addi %add3A, %mul3A_199 : i32
      %lt3A = arith.constant 196 : i32
      %lt3A_201 = arith.cmpi slt, %add3A_200, %lt3A : i32
      %convert_element_type3A = arith.extui %lt3A_201 : i1 to i32
      %cond3A = arith.constant 0 : i32
      %cond3A_202 = arith.cmpi ne, %convert_element_type3A, %cond3A : i32
      scf.if %cond3A_202 {
        %mul3A_203 = arith.constant 8 : i32
        %mul3A_204 = arith.muli %add3A_200, %mul3A_203 : i32
        "tpu.region"() ({
          %run_scoped3A_252 = tpu.sem_alloc : memref<!tpu.dma_semaphore, #tpu.memory_space<semaphore_mem>>
          %dma_start3A = arith.constant 0 : i32
          %dma_start3A_253 = tpu.memref_slice %arg5[%mul3A_204, %dma_start3A] : memref<1568x128xi32, #tpu.memory_space<hbm>> -> memref<8x128xi32, #tpu.memory_space<hbm>>
          %dma_start3A_254 = arith.constant 0 : i32
          %dma_start3A_255 = tpu.memref_slice %arg5[%mul3A_204, %dma_start3A_254] : memref<1568x128xi32, #tpu.memory_space<hbm>> -> memref<8x128xi32, #tpu.memory_space<hbm>>
          tpu.enqueue_dma source(%dma_start3A_255 : memref<8x128xi32, #tpu.memory_space<hbm>>) target(%arg9 : memref<8x128xi32, #tpu.memory_space<vmem>>) target_semaphore(%run_scoped3A_252 : memref<!tpu.dma_semaphore, #tpu.memory_space<semaphore_mem>>)
          %dma_wait3A = arith.constant 0 : i32
          %dma_wait3A_256 = tpu.memref_slice %arg5[%mul3A_204, %dma_wait3A] : memref<1568x128xi32, #tpu.memory_space<hbm>> -> memref<8x128xi32, #tpu.memory_space<hbm>>
          %dma_wait3A_257 = arith.constant 0 : i32
          %dma_wait3A_258 = tpu.memref_slice %arg5[%mul3A_204, %dma_wait3A_257] : memref<1568x128xi32, #tpu.memory_space<hbm>> -> memref<8x128xi32, #tpu.memory_space<hbm>>
          tpu.wait_dma2 semaphore(%run_scoped3A_252 : memref<!tpu.dma_semaphore, #tpu.memory_space<semaphore_mem>>) src(%dma_wait3A_258 : memref<8x128xi32, #tpu.memory_space<hbm>>) dst(%arg9 : memref<8x128xi32, #tpu.memory_space<vmem>>)
          tpu.yield
        }) : () -> ()
        %scan3A_205 = arith.constant 0 : i32
        %scan3A_206 = arith.constant 8 : i32
        %scan3A_207 = arith.addi %scan3A_205, %scan3A_206 : i32
        %scan3A_208 = arith.constant 1 : i32
        scf.for %scan3A_252 = %scan3A_205 to %scan3A_207 step %scan3A_208  : i32 {
          %mul3A_253 = arith.constant 16 : i32
          %mul3A_254 = arith.muli %scan3A_252, %mul3A_253 : i32
          %get3A = arith.constant 0 : i32
          %get3A_255 = arith.index_cast %get3A : i32 to index
          %get3A_256 = arith.index_cast %mul3A_254 : i32 to index
          %get3A_257 = tpu.vector_load %arg9[%get3A_255, %get3A_256] {strides = array<i32>} : memref<8x128xi32, #tpu.memory_space<vmem>>, vector<1x16xi32>,
          %get3A_258 = vector.shape_cast %get3A_257 : vector<1x16xi32> to vector<16xi32>
          %mul3A_259 = arith.constant 8 : i32
          %mul3A_260 = vector.broadcast %mul3A_259 : i32 to vector<16xi32>
          %mul3A_261 = arith.muli %get3A_258, %mul3A_260 : vector<16xi32>
          %swap3A = arith.constant 0 : i32
          %swap3A_262 = arith.index_cast %swap3A : i32 to index
          %swap3A_263 = arith.index_cast %mul3A_254 : i32 to index
          %swap3A_264 = tpu.vector_load %arg10[%swap3A_262, %swap3A_263] {strides = array<i32>} : memref<8x128xi32, #tpu.memory_space<vmem>>, vector<1x16xi32>,
          %swap3A_265 = vector.shape_cast %swap3A_264 : vector<1x16xi32> to vector<16xi32>
          %swap3A_266 = vector.shape_cast %mul3A_261 : vector<16xi32> to vector<1x16xi32>
          tpu.vector_store %arg10[%swap3A_262, %swap3A_263], %swap3A_266 {strides = array<i32>} : memref<8x128xi32, #tpu.memory_space<vmem>>, vector<1x16xi32>,
        }
        %scan3A_209 = arith.constant 8 : i32
        %run_scoped3A = arith.constant 0 : i32
        "tpu.region"() ({
          %run_scoped3A_252 = tpu.sem_alloc : memref<!tpu.dma_semaphore, #tpu.memory_space<semaphore_mem>>
          %dma_start3A = arith.constant 0 : i32
          %dma_start3A_253 = tpu.memref_slice %arg10[%run_scoped3A, %dma_start3A] : memref<8x128xi32, #tpu.memory_space<vmem>> -> memref<1x128xi32, #tpu.memory_space<vmem>>
          %dma_start3A_254 = tpu.memref_squeeze %dma_start3A_253 : memref<1x128xi32, #tpu.memory_space<vmem>> -> memref<128xi32, #tpu.memory_space<vmem>>
          %dma_start3A_255 = arith.constant 0 : i32
          %dma_start3A_256 = tpu.memref_slice %arg14[%dma_start3A_255] : memref<400384xf32, #tpu.memory_space<vmem_shared>> -> memref<400384xf32, #tpu.memory_space<vmem_shared>>
          tpu.enqueue_indirect_dma source(%arg11 : memref<128xf32, #tpu.memory_space<vmem>>) target(%dma_start3A_256 : memref<400384xf32, #tpu.memory_space<vmem_shared>>) offsets(%dma_start3A_254 : memref<128xi32, #tpu.memory_space<vmem>>) semaphore(%run_scoped3A_252 : memref<!tpu.dma_semaphore, #tpu.memory_space<semaphore_mem>>) {add = true}
          %dma_wait3A = arith.constant 0 : i32
          %dma_wait3A_257 = tpu.memref_slice %arg10[%run_scoped3A, %dma_wait3A] : memref<8x128xi32, #tpu.memory_space<vmem>> -> memref<1x128xi32, #tpu.memory_space<vmem>>
          %dma_wait3A_258 = tpu.memref_squeeze %dma_wait3A_257 : memref<1x128xi32, #tpu.memory_space<vmem>> -> memref<128xi32, #tpu.memory_space<vmem>>
          %dma_wait3A_259 = arith.constant 0 : i32
          %dma_wait3A_260 = tpu.memref_slice %arg14[%dma_wait3A_259] : memref<400384xf32, #tpu.memory_space<vmem_shared>> -> memref<400384xf32, #tpu.memory_space<vmem_shared>>
          tpu.wait_indirect_dma semaphore(%run_scoped3A_252 : memref<!tpu.dma_semaphore, #tpu.memory_space<semaphore_mem>>) src(%arg11 : memref<128xf32, #tpu.memory_space<vmem>>) dst(%dma_wait3A_260 : memref<400384xf32, #tpu.memory_space<vmem_shared>>)
          tpu.yield
        }) : () -> ()
        %scan3A_210 = arith.constant 0 : i32
        %scan3A_211 = arith.constant 8 : i32
        %scan3A_212 = arith.addi %scan3A_210, %scan3A_211 : i32
        %scan3A_213 = arith.constant 1 : i32
        scf.for %scan3A_252 = %scan3A_210 to %scan3A_212 step %scan3A_213  : i32 {
          %mul3A_253 = arith.constant 16 : i32
          %mul3A_254 = arith.muli %scan3A_252, %mul3A_253 : i32
          %get3A = arith.constant 1 : i32
          %get3A_255 = arith.index_cast %get3A : i32 to index
          %get3A_256 = arith.index_cast %mul3A_254 : i32 to index
          %get3A_257 = tpu.vector_load %arg9[%get3A_255, %get3A_256] {strides = array<i32>} : memref<8x128xi32, #tpu.memory_space<vmem>>, vector<1x16xi32>,
          %get3A_258 = vector.shape_cast %get3A_257 : vector<1x16xi32> to vector<16xi32>
          %mul3A_259 = arith.constant 8 : i32
          %mul3A_260 = vector.broadcast %mul3A_259 : i32 to vector<16xi32>
          %mul3A_261 = arith.muli %get3A_258, %mul3A_260 : vector<16xi32>
          %swap3A = arith.constant 1 : i32
          %swap3A_262 = arith.index_cast %swap3A : i32 to index
          %swap3A_263 = arith.index_cast %mul3A_254 : i32 to index
          %swap3A_264 = tpu.vector_load %arg10[%swap3A_262, %swap3A_263] {strides = array<i32>} : memref<8x128xi32, #tpu.memory_space<vmem>>, vector<1x16xi32>,
          %swap3A_265 = vector.shape_cast %swap3A_264 : vector<1x16xi32> to vector<16xi32>
          %swap3A_266 = vector.shape_cast %mul3A_261 : vector<16xi32> to vector<1x16xi32>
          tpu.vector_store %arg10[%swap3A_262, %swap3A_263], %swap3A_266 {strides = array<i32>} : memref<8x128xi32, #tpu.memory_space<vmem>>, vector<1x16xi32>,
        }
        %scan3A_214 = arith.constant 8 : i32
        %run_scoped3A_215 = arith.constant 1 : i32
        "tpu.region"() ({
          %run_scoped3A_252 = tpu.sem_alloc : memref<!tpu.dma_semaphore, #tpu.memory_space<semaphore_mem>>
          %dma_start3A = arith.constant 0 : i32
          %dma_start3A_253 = tpu.memref_slice %arg10[%run_scoped3A_215, %dma_start3A] : memref<8x128xi32, #tpu.memory_space<vmem>> -> memref<1x128xi32, #tpu.memory_space<vmem>>
          %dma_start3A_254 = tpu.memref_squeeze %dma_start3A_253 : memref<1x128xi32, #tpu.memory_space<vmem>> -> memref<128xi32, #tpu.memory_space<vmem>>
          %dma_start3A_255 = arith.constant 0 : i32
          %dma_start3A_256 = tpu.memref_slice %arg14[%dma_start3A_255] : memref<400384xf32, #tpu.memory_space<vmem_shared>> -> memref<400384xf32, #tpu.memory_space<vmem_shared>>
          tpu.enqueue_indirect_dma source(%arg11 : memref<128xf32, #tpu.memory_space<vmem>>) target(%dma_start3A_256 : memref<400384xf32, #tpu.memory_space<vmem_shared>>) offsets(%dma_start3A_254 : memref<128xi32, #tpu.memory_space<vmem>>) semaphore(%run_scoped3A_252 : memref<!tpu.dma_semaphore, #tpu.memory_space<semaphore_mem>>) {add = true}
          %dma_wait3A = arith.constant 0 : i32
          %dma_wait3A_257 = tpu.memref_slice %arg10[%run_scoped3A_215, %dma_wait3A] : memref<8x128xi32, #tpu.memory_space<vmem>> -> memref<1x128xi32, #tpu.memory_space<vmem>>
          %dma_wait3A_258 = tpu.memref_squeeze %dma_wait3A_257 : memref<1x128xi32, #tpu.memory_space<vmem>> -> memref<128xi32, #tpu.memory_space<vmem>>
          %dma_wait3A_259 = arith.constant 0 : i32
          %dma_wait3A_260 = tpu.memref_slice %arg14[%dma_wait3A_259] : memref<400384xf32, #tpu.memory_space<vmem_shared>> -> memref<400384xf32, #tpu.memory_space<vmem_shared>>
          tpu.wait_indirect_dma semaphore(%run_scoped3A_252 : memref<!tpu.dma_semaphore, #tpu.memory_space<semaphore_mem>>) src(%arg11 : memref<128xf32, #tpu.memory_space<vmem>>) dst(%dma_wait3A_260 : memref<400384xf32, #tpu.memory_space<vmem_shared>>)
          tpu.yield
        }) : () -> ()
        %scan3A_216 = arith.constant 0 : i32
        %scan3A_217 = arith.constant 8 : i32
        %scan3A_218 = arith.addi %scan3A_216, %scan3A_217 : i32
        %scan3A_219 = arith.constant 1 : i32
        scf.for %scan3A_252 = %scan3A_216 to %scan3A_218 step %scan3A_219  : i32 {
          %mul3A_253 = arith.constant 16 : i32
          %mul3A_254 = arith.muli %scan3A_252, %mul3A_253 : i32
          %get3A = arith.constant 2 : i32
          %get3A_255 = arith.index_cast %get3A : i32 to index
          %get3A_256 = arith.index_cast %mul3A_254 : i32 to index
          %get3A_257 = tpu.vector_load %arg9[%get3A_255, %get3A_256] {strides = array<i32>} : memref<8x128xi32, #tpu.memory_space<vmem>>, vector<1x16xi32>,
          %get3A_258 = vector.shape_cast %get3A_257 : vector<1x16xi32> to vector<16xi32>
          %mul3A_259 = arith.constant 8 : i32
          %mul3A_260 = vector.broadcast %mul3A_259 : i32 to vector<16xi32>
          %mul3A_261 = arith.muli %get3A_258, %mul3A_260 : vector<16xi32>
          %swap3A = arith.constant 2 : i32
          %swap3A_262 = arith.index_cast %swap3A : i32 to index
          %swap3A_263 = arith.index_cast %mul3A_254 : i32 to index
          %swap3A_264 = tpu.vector_load %arg10[%swap3A_262, %swap3A_263] {strides = array<i32>} : memref<8x128xi32, #tpu.memory_space<vmem>>, vector<1x16xi32>,
          %swap3A_265 = vector.shape_cast %swap3A_264 : vector<1x16xi32> to vector<16xi32>
          %swap3A_266 = vector.shape_cast %mul3A_261 : vector<16xi32> to vector<1x16xi32>
          tpu.vector_store %arg10[%swap3A_262, %swap3A_263], %swap3A_266 {strides = array<i32>} : memref<8x128xi32, #tpu.memory_space<vmem>>, vector<1x16xi32>,
        }
        %scan3A_220 = arith.constant 8 : i32
        %run_scoped3A_221 = arith.constant 2 : i32
        "tpu.region"() ({
          %run_scoped3A_252 = tpu.sem_alloc : memref<!tpu.dma_semaphore, #tpu.memory_space<semaphore_mem>>
          %dma_start3A = arith.constant 0 : i32
          %dma_start3A_253 = tpu.memref_slice %arg10[%run_scoped3A_221, %dma_start3A] : memref<8x128xi32, #tpu.memory_space<vmem>> -> memref<1x128xi32, #tpu.memory_space<vmem>>
          %dma_start3A_254 = tpu.memref_squeeze %dma_start3A_253 : memref<1x128xi32, #tpu.memory_space<vmem>> -> memref<128xi32, #tpu.memory_space<vmem>>
          %dma_start3A_255 = arith.constant 0 : i32
          %dma_start3A_256 = tpu.memref_slice %arg14[%dma_start3A_255] : memref<400384xf32, #tpu.memory_space<vmem_shared>> -> memref<400384xf32, #tpu.memory_space<vmem_shared>>
          tpu.enqueue_indirect_dma source(%arg11 : memref<128xf32, #tpu.memory_space<vmem>>) target(%dma_start3A_256 : memref<400384xf32, #tpu.memory_space<vmem_shared>>) offsets(%dma_start3A_254 : memref<128xi32, #tpu.memory_space<vmem>>) semaphore(%run_scoped3A_252 : memref<!tpu.dma_semaphore, #tpu.memory_space<semaphore_mem>>) {add = true}
          %dma_wait3A = arith.constant 0 : i32
          %dma_wait3A_257 = tpu.memref_slice %arg10[%run_scoped3A_221, %dma_wait3A] : memref<8x128xi32, #tpu.memory_space<vmem>> -> memref<1x128xi32, #tpu.memory_space<vmem>>
          %dma_wait3A_258 = tpu.memref_squeeze %dma_wait3A_257 : memref<1x128xi32, #tpu.memory_space<vmem>> -> memref<128xi32, #tpu.memory_space<vmem>>
          %dma_wait3A_259 = arith.constant 0 : i32
          %dma_wait3A_260 = tpu.memref_slice %arg14[%dma_wait3A_259] : memref<400384xf32, #tpu.memory_space<vmem_shared>> -> memref<400384xf32, #tpu.memory_space<vmem_shared>>
          tpu.wait_indirect_dma semaphore(%run_scoped3A_252 : memref<!tpu.dma_semaphore, #tpu.memory_space<semaphore_mem>>) src(%arg11 : memref<128xf32, #tpu.memory_space<vmem>>) dst(%dma_wait3A_260 : memref<400384xf32, #tpu.memory_space<vmem_shared>>)
          tpu.yield
        }) : () -> ()
        %scan3A_222 = arith.constant 0 : i32
        %scan3A_223 = arith.constant 8 : i32
        %scan3A_224 = arith.addi %scan3A_222, %scan3A_223 : i32
        %scan3A_225 = arith.constant 1 : i32
        scf.for %scan3A_252 = %scan3A_222 to %scan3A_224 step %scan3A_225  : i32 {
          %mul3A_253 = arith.constant 16 : i32
          %mul3A_254 = arith.muli %scan3A_252, %mul3A_253 : i32
          %get3A = arith.constant 3 : i32
          %get3A_255 = arith.index_cast %get3A : i32 to index
          %get3A_256 = arith.index_cast %mul3A_254 : i32 to index
          %get3A_257 = tpu.vector_load %arg9[%get3A_255, %get3A_256] {strides = array<i32>} : memref<8x128xi32, #tpu.memory_space<vmem>>, vector<1x16xi32>,
          %get3A_258 = vector.shape_cast %get3A_257 : vector<1x16xi32> to vector<16xi32>
          %mul3A_259 = arith.constant 8 : i32
          %mul3A_260 = vector.broadcast %mul3A_259 : i32 to vector<16xi32>
          %mul3A_261 = arith.muli %get3A_258, %mul3A_260 : vector<16xi32>
          %swap3A = arith.constant 3 : i32
          %swap3A_262 = arith.index_cast %swap3A : i32 to index
          %swap3A_263 = arith.index_cast %mul3A_254 : i32 to index
          %swap3A_264 = tpu.vector_load %arg10[%swap3A_262, %swap3A_263] {strides = array<i32>} : memref<8x128xi32, #tpu.memory_space<vmem>>, vector<1x16xi32>,
          %swap3A_265 = vector.shape_cast %swap3A_264 : vector<1x16xi32> to vector<16xi32>
          %swap3A_266 = vector.shape_cast %mul3A_261 : vector<16xi32> to vector<1x16xi32>
          tpu.vector_store %arg10[%swap3A_262, %swap3A_263], %swap3A_266 {strides = array<i32>} : memref<8x128xi32, #tpu.memory_space<vmem>>, vector<1x16xi32>,
        }
        %scan3A_226 = arith.constant 8 : i32
        %run_scoped3A_227 = arith.constant 3 : i32
        "tpu.region"() ({
          %run_scoped3A_252 = tpu.sem_alloc : memref<!tpu.dma_semaphore, #tpu.memory_space<semaphore_mem>>
          %dma_start3A = arith.constant 0 : i32
          %dma_start3A_253 = tpu.memref_slice %arg10[%run_scoped3A_227, %dma_start3A] : memref<8x128xi32, #tpu.memory_space<vmem>> -> memref<1x128xi32, #tpu.memory_space<vmem>>
          %dma_start3A_254 = tpu.memref_squeeze %dma_start3A_253 : memref<1x128xi32, #tpu.memory_space<vmem>> -> memref<128xi32, #tpu.memory_space<vmem>>
          %dma_start3A_255 = arith.constant 0 : i32
          %dma_start3A_256 = tpu.memref_slice %arg14[%dma_start3A_255] : memref<400384xf32, #tpu.memory_space<vmem_shared>> -> memref<400384xf32, #tpu.memory_space<vmem_shared>>
          tpu.enqueue_indirect_dma source(%arg11 : memref<128xf32, #tpu.memory_space<vmem>>) target(%dma_start3A_256 : memref<400384xf32, #tpu.memory_space<vmem_shared>>) offsets(%dma_start3A_254 : memref<128xi32, #tpu.memory_space<vmem>>) semaphore(%run_scoped3A_252 : memref<!tpu.dma_semaphore, #tpu.memory_space<semaphore_mem>>) {add = true}
          %dma_wait3A = arith.constant 0 : i32
          %dma_wait3A_257 = tpu.memref_slice %arg10[%run_scoped3A_227, %dma_wait3A] : memref<8x128xi32, #tpu.memory_space<vmem>> -> memref<1x128xi32, #tpu.memory_space<vmem>>
          %dma_wait3A_258 = tpu.memref_squeeze %dma_wait3A_257 : memref<1x128xi32, #tpu.memory_space<vmem>> -> memref<128xi32, #tpu.memory_space<vmem>>
          %dma_wait3A_259 = arith.constant 0 : i32
          %dma_wait3A_260 = tpu.memref_slice %arg14[%dma_wait3A_259] : memref<400384xf32, #tpu.memory_space<vmem_shared>> -> memref<400384xf32, #tpu.memory_space<vmem_shared>>
          tpu.wait_indirect_dma semaphore(%run_scoped3A_252 : memref<!tpu.dma_semaphore, #tpu.memory_space<semaphore_mem>>) src(%arg11 : memref<128xf32, #tpu.memory_space<vmem>>) dst(%dma_wait3A_260 : memref<400384xf32, #tpu.memory_space<vmem_shared>>)
          tpu.yield
        }) : () -> ()
        %scan3A_228 = arith.constant 0 : i32
        %scan3A_229 = arith.constant 8 : i32
        %scan3A_230 = arith.addi %scan3A_228, %scan3A_229 : i32
        %scan3A_231 = arith.constant 1 : i32
        scf.for %scan3A_252 = %scan3A_228 to %scan3A_230 step %scan3A_231  : i32 {
          %mul3A_253 = arith.constant 16 : i32
          %mul3A_254 = arith.muli %scan3A_252, %mul3A_253 : i32
          %get3A = arith.constant 4 : i32
          %get3A_255 = arith.index_cast %get3A : i32 to index
          %get3A_256 = arith.index_cast %mul3A_254 : i32 to index
          %get3A_257 = tpu.vector_load %arg9[%get3A_255, %get3A_256] {strides = array<i32>} : memref<8x128xi32, #tpu.memory_space<vmem>>, vector<1x16xi32>,
          %get3A_258 = vector.shape_cast %get3A_257 : vector<1x16xi32> to vector<16xi32>
          %mul3A_259 = arith.constant 8 : i32
          %mul3A_260 = vector.broadcast %mul3A_259 : i32 to vector<16xi32>
          %mul3A_261 = arith.muli %get3A_258, %mul3A_260 : vector<16xi32>
          %swap3A = arith.constant 4 : i32
          %swap3A_262 = arith.index_cast %swap3A : i32 to index
          %swap3A_263 = arith.index_cast %mul3A_254 : i32 to index
          %swap3A_264 = tpu.vector_load %arg10[%swap3A_262, %swap3A_263] {strides = array<i32>} : memref<8x128xi32, #tpu.memory_space<vmem>>, vector<1x16xi32>,
          %swap3A_265 = vector.shape_cast %swap3A_264 : vector<1x16xi32> to vector<16xi32>
          %swap3A_266 = vector.shape_cast %mul3A_261 : vector<16xi32> to vector<1x16xi32>
          tpu.vector_store %arg10[%swap3A_262, %swap3A_263], %swap3A_266 {strides = array<i32>} : memref<8x128xi32, #tpu.memory_space<vmem>>, vector<1x16xi32>,
        }
        %scan3A_232 = arith.constant 8 : i32
        %run_scoped3A_233 = arith.constant 4 : i32
        "tpu.region"() ({
          %run_scoped3A_252 = tpu.sem_alloc : memref<!tpu.dma_semaphore, #tpu.memory_space<semaphore_mem>>
          %dma_start3A = arith.constant 0 : i32
          %dma_start3A_253 = tpu.memref_slice %arg10[%run_scoped3A_233, %dma_start3A] : memref<8x128xi32, #tpu.memory_space<vmem>> -> memref<1x128xi32, #tpu.memory_space<vmem>>
          %dma_start3A_254 = tpu.memref_squeeze %dma_start3A_253 : memref<1x128xi32, #tpu.memory_space<vmem>> -> memref<128xi32, #tpu.memory_space<vmem>>
          %dma_start3A_255 = arith.constant 0 : i32
          %dma_start3A_256 = tpu.memref_slice %arg14[%dma_start3A_255] : memref<400384xf32, #tpu.memory_space<vmem_shared>> -> memref<400384xf32, #tpu.memory_space<vmem_shared>>
          tpu.enqueue_indirect_dma source(%arg11 : memref<128xf32, #tpu.memory_space<vmem>>) target(%dma_start3A_256 : memref<400384xf32, #tpu.memory_space<vmem_shared>>) offsets(%dma_start3A_254 : memref<128xi32, #tpu.memory_space<vmem>>) semaphore(%run_scoped3A_252 : memref<!tpu.dma_semaphore, #tpu.memory_space<semaphore_mem>>) {add = true}
          %dma_wait3A = arith.constant 0 : i32
          %dma_wait3A_257 = tpu.memref_slice %arg10[%run_scoped3A_233, %dma_wait3A] : memref<8x128xi32, #tpu.memory_space<vmem>> -> memref<1x128xi32, #tpu.memory_space<vmem>>
          %dma_wait3A_258 = tpu.memref_squeeze %dma_wait3A_257 : memref<1x128xi32, #tpu.memory_space<vmem>> -> memref<128xi32, #tpu.memory_space<vmem>>
          %dma_wait3A_259 = arith.constant 0 : i32
          %dma_wait3A_260 = tpu.memref_slice %arg14[%dma_wait3A_259] : memref<400384xf32, #tpu.memory_space<vmem_shared>> -> memref<400384xf32, #tpu.memory_space<vmem_shared>>
          tpu.wait_indirect_dma semaphore(%run_scoped3A_252 : memref<!tpu.dma_semaphore, #tpu.memory_space<semaphore_mem>>) src(%arg11 : memref<128xf32, #tpu.memory_space<vmem>>) dst(%dma_wait3A_260 : memref<400384xf32, #tpu.memory_space<vmem_shared>>)
          tpu.yield
        }) : () -> ()
        %scan3A_234 = arith.constant 0 : i32
        %scan3A_235 = arith.constant 8 : i32
        %scan3A_236 = arith.addi %scan3A_234, %scan3A_235 : i32
        %scan3A_237 = arith.constant 1 : i32
        scf.for %scan3A_252 = %scan3A_234 to %scan3A_236 step %scan3A_237  : i32 {
          %mul3A_253 = arith.constant 16 : i32
          %mul3A_254 = arith.muli %scan3A_252, %mul3A_253 : i32
          %get3A = arith.constant 5 : i32
          %get3A_255 = arith.index_cast %get3A : i32 to index
          %get3A_256 = arith.index_cast %mul3A_254 : i32 to index
          %get3A_257 = tpu.vector_load %arg9[%get3A_255, %get3A_256] {strides = array<i32>} : memref<8x128xi32, #tpu.memory_space<vmem>>, vector<1x16xi32>,
          %get3A_258 = vector.shape_cast %get3A_257 : vector<1x16xi32> to vector<16xi32>
          %mul3A_259 = arith.constant 8 : i32
          %mul3A_260 = vector.broadcast %mul3A_259 : i32 to vector<16xi32>
          %mul3A_261 = arith.muli %get3A_258, %mul3A_260 : vector<16xi32>
          %swap3A = arith.constant 5 : i32
          %swap3A_262 = arith.index_cast %swap3A : i32 to index
          %swap3A_263 = arith.index_cast %mul3A_254 : i32 to index
          %swap3A_264 = tpu.vector_load %arg10[%swap3A_262, %swap3A_263] {strides = array<i32>} : memref<8x128xi32, #tpu.memory_space<vmem>>, vector<1x16xi32>,
          %swap3A_265 = vector.shape_cast %swap3A_264 : vector<1x16xi32> to vector<16xi32>
          %swap3A_266 = vector.shape_cast %mul3A_261 : vector<16xi32> to vector<1x16xi32>
          tpu.vector_store %arg10[%swap3A_262, %swap3A_263], %swap3A_266 {strides = array<i32>} : memref<8x128xi32, #tpu.memory_space<vmem>>, vector<1x16xi32>,
        }
        %scan3A_238 = arith.constant 8 : i32
        %run_scoped3A_239 = arith.constant 5 : i32
        "tpu.region"() ({
          %run_scoped3A_252 = tpu.sem_alloc : memref<!tpu.dma_semaphore, #tpu.memory_space<semaphore_mem>>
          %dma_start3A = arith.constant 0 : i32
          %dma_start3A_253 = tpu.memref_slice %arg10[%run_scoped3A_239, %dma_start3A] : memref<8x128xi32, #tpu.memory_space<vmem>> -> memref<1x128xi32, #tpu.memory_space<vmem>>
          %dma_start3A_254 = tpu.memref_squeeze %dma_start3A_253 : memref<1x128xi32, #tpu.memory_space<vmem>> -> memref<128xi32, #tpu.memory_space<vmem>>
          %dma_start3A_255 = arith.constant 0 : i32
          %dma_start3A_256 = tpu.memref_slice %arg14[%dma_start3A_255] : memref<400384xf32, #tpu.memory_space<vmem_shared>> -> memref<400384xf32, #tpu.memory_space<vmem_shared>>
          tpu.enqueue_indirect_dma source(%arg11 : memref<128xf32, #tpu.memory_space<vmem>>) target(%dma_start3A_256 : memref<400384xf32, #tpu.memory_space<vmem_shared>>) offsets(%dma_start3A_254 : memref<128xi32, #tpu.memory_space<vmem>>) semaphore(%run_scoped3A_252 : memref<!tpu.dma_semaphore, #tpu.memory_space<semaphore_mem>>) {add = true}
          %dma_wait3A = arith.constant 0 : i32
          %dma_wait3A_257 = tpu.memref_slice %arg10[%run_scoped3A_239, %dma_wait3A] : memref<8x128xi32, #tpu.memory_space<vmem>> -> memref<1x128xi32, #tpu.memory_space<vmem>>
          %dma_wait3A_258 = tpu.memref_squeeze %dma_wait3A_257 : memref<1x128xi32, #tpu.memory_space<vmem>> -> memref<128xi32, #tpu.memory_space<vmem>>
          %dma_wait3A_259 = arith.constant 0 : i32
          %dma_wait3A_260 = tpu.memref_slice %arg14[%dma_wait3A_259] : memref<400384xf32, #tpu.memory_space<vmem_shared>> -> memref<400384xf32, #tpu.memory_space<vmem_shared>>
          tpu.wait_indirect_dma semaphore(%run_scoped3A_252 : memref<!tpu.dma_semaphore, #tpu.memory_space<semaphore_mem>>) src(%arg11 : memref<128xf32, #tpu.memory_space<vmem>>) dst(%dma_wait3A_260 : memref<400384xf32, #tpu.memory_space<vmem_shared>>)
          tpu.yield
        }) : () -> ()
        %scan3A_240 = arith.constant 0 : i32
        %scan3A_241 = arith.constant 8 : i32
        %scan3A_242 = arith.addi %scan3A_240, %scan3A_241 : i32
        %scan3A_243 = arith.constant 1 : i32
        scf.for %scan3A_252 = %scan3A_240 to %scan3A_242 step %scan3A_243  : i32 {
          %mul3A_253 = arith.constant 16 : i32
          %mul3A_254 = arith.muli %scan3A_252, %mul3A_253 : i32
          %get3A = arith.constant 6 : i32
          %get3A_255 = arith.index_cast %get3A : i32 to index
          %get3A_256 = arith.index_cast %mul3A_254 : i32 to index
          %get3A_257 = tpu.vector_load %arg9[%get3A_255, %get3A_256] {strides = array<i32>} : memref<8x128xi32, #tpu.memory_space<vmem>>, vector<1x16xi32>,
          %get3A_258 = vector.shape_cast %get3A_257 : vector<1x16xi32> to vector<16xi32>
          %mul3A_259 = arith.constant 8 : i32
          %mul3A_260 = vector.broadcast %mul3A_259 : i32 to vector<16xi32>
          %mul3A_261 = arith.muli %get3A_258, %mul3A_260 : vector<16xi32>
          %swap3A = arith.constant 6 : i32
          %swap3A_262 = arith.index_cast %swap3A : i32 to index
          %swap3A_263 = arith.index_cast %mul3A_254 : i32 to index
          %swap3A_264 = tpu.vector_load %arg10[%swap3A_262, %swap3A_263] {strides = array<i32>} : memref<8x128xi32, #tpu.memory_space<vmem>>, vector<1x16xi32>,
          %swap3A_265 = vector.shape_cast %swap3A_264 : vector<1x16xi32> to vector<16xi32>
          %swap3A_266 = vector.shape_cast %mul3A_261 : vector<16xi32> to vector<1x16xi32>
          tpu.vector_store %arg10[%swap3A_262, %swap3A_263], %swap3A_266 {strides = array<i32>} : memref<8x128xi32, #tpu.memory_space<vmem>>, vector<1x16xi32>,
        }
        %scan3A_244 = arith.constant 8 : i32
        %run_scoped3A_245 = arith.constant 6 : i32
        "tpu.region"() ({
          %run_scoped3A_252 = tpu.sem_alloc : memref<!tpu.dma_semaphore, #tpu.memory_space<semaphore_mem>>
          %dma_start3A = arith.constant 0 : i32
          %dma_start3A_253 = tpu.memref_slice %arg10[%run_scoped3A_245, %dma_start3A] : memref<8x128xi32, #tpu.memory_space<vmem>> -> memref<1x128xi32, #tpu.memory_space<vmem>>
          %dma_start3A_254 = tpu.memref_squeeze %dma_start3A_253 : memref<1x128xi32, #tpu.memory_space<vmem>> -> memref<128xi32, #tpu.memory_space<vmem>>
          %dma_start3A_255 = arith.constant 0 : i32
          %dma_start3A_256 = tpu.memref_slice %arg14[%dma_start3A_255] : memref<400384xf32, #tpu.memory_space<vmem_shared>> -> memref<400384xf32, #tpu.memory_space<vmem_shared>>
          tpu.enqueue_indirect_dma source(%arg11 : memref<128xf32, #tpu.memory_space<vmem>>) target(%dma_start3A_256 : memref<400384xf32, #tpu.memory_space<vmem_shared>>) offsets(%dma_start3A_254 : memref<128xi32, #tpu.memory_space<vmem>>) semaphore(%run_scoped3A_252 : memref<!tpu.dma_semaphore, #tpu.memory_space<semaphore_mem>>) {add = true}
          %dma_wait3A = arith.constant 0 : i32
          %dma_wait3A_257 = tpu.memref_slice %arg10[%run_scoped3A_245, %dma_wait3A] : memref<8x128xi32, #tpu.memory_space<vmem>> -> memref<1x128xi32, #tpu.memory_space<vmem>>
          %dma_wait3A_258 = tpu.memref_squeeze %dma_wait3A_257 : memref<1x128xi32, #tpu.memory_space<vmem>> -> memref<128xi32, #tpu.memory_space<vmem>>
          %dma_wait3A_259 = arith.constant 0 : i32
          %dma_wait3A_260 = tpu.memref_slice %arg14[%dma_wait3A_259] : memref<400384xf32, #tpu.memory_space<vmem_shared>> -> memref<400384xf32, #tpu.memory_space<vmem_shared>>
          tpu.wait_indirect_dma semaphore(%run_scoped3A_252 : memref<!tpu.dma_semaphore, #tpu.memory_space<semaphore_mem>>) src(%arg11 : memref<128xf32, #tpu.memory_space<vmem>>) dst(%dma_wait3A_260 : memref<400384xf32, #tpu.memory_space<vmem_shared>>)
          tpu.yield
        }) : () -> ()
        %scan3A_246 = arith.constant 0 : i32
        %scan3A_247 = arith.constant 8 : i32
        %scan3A_248 = arith.addi %scan3A_246, %scan3A_247 : i32
        %scan3A_249 = arith.constant 1 : i32
        scf.for %scan3A_252 = %scan3A_246 to %scan3A_248 step %scan3A_249  : i32 {
          %mul3A_253 = arith.constant 16 : i32
          %mul3A_254 = arith.muli %scan3A_252, %mul3A_253 : i32
          %get3A = arith.constant 7 : i32
          %get3A_255 = arith.index_cast %get3A : i32 to index
          %get3A_256 = arith.index_cast %mul3A_254 : i32 to index
          %get3A_257 = tpu.vector_load %arg9[%get3A_255, %get3A_256] {strides = array<i32>} : memref<8x128xi32, #tpu.memory_space<vmem>>, vector<1x16xi32>,
          %get3A_258 = vector.shape_cast %get3A_257 : vector<1x16xi32> to vector<16xi32>
          %mul3A_259 = arith.constant 8 : i32
          %mul3A_260 = vector.broadcast %mul3A_259 : i32 to vector<16xi32>
          %mul3A_261 = arith.muli %get3A_258, %mul3A_260 : vector<16xi32>
          %swap3A = arith.constant 7 : i32
          %swap3A_262 = arith.index_cast %swap3A : i32 to index
          %swap3A_263 = arith.index_cast %mul3A_254 : i32 to index
          %swap3A_264 = tpu.vector_load %arg10[%swap3A_262, %swap3A_263] {strides = array<i32>} : memref<8x128xi32, #tpu.memory_space<vmem>>, vector<1x16xi32>,
          %swap3A_265 = vector.shape_cast %swap3A_264 : vector<1x16xi32> to vector<16xi32>
          %swap3A_266 = vector.shape_cast %mul3A_261 : vector<16xi32> to vector<1x16xi32>
          tpu.vector_store %arg10[%swap3A_262, %swap3A_263], %swap3A_266 {strides = array<i32>} : memref<8x128xi32, #tpu.memory_space<vmem>>, vector<1x16xi32>,
        }
        %scan3A_250 = arith.constant 8 : i32
        %run_scoped3A_251 = arith.constant 7 : i32
        "tpu.region"() ({
          %run_scoped3A_252 = tpu.sem_alloc : memref<!tpu.dma_semaphore, #tpu.memory_space<semaphore_mem>>
          %dma_start3A = arith.constant 0 : i32
          %dma_start3A_253 = tpu.memref_slice %arg10[%run_scoped3A_251, %dma_start3A] : memref<8x128xi32, #tpu.memory_space<vmem>> -> memref<1x128xi32, #tpu.memory_space<vmem>>
          %dma_start3A_254 = tpu.memref_squeeze %dma_start3A_253 : memref<1x128xi32, #tpu.memory_space<vmem>> -> memref<128xi32, #tpu.memory_space<vmem>>
          %dma_start3A_255 = arith.constant 0 : i32
          %dma_start3A_256 = tpu.memref_slice %arg14[%dma_start3A_255] : memref<400384xf32, #tpu.memory_space<vmem_shared>> -> memref<400384xf32, #tpu.memory_space<vmem_shared>>
          tpu.enqueue_indirect_dma source(%arg11 : memref<128xf32, #tpu.memory_space<vmem>>) target(%dma_start3A_256 : memref<400384xf32, #tpu.memory_space<vmem_shared>>) offsets(%dma_start3A_254 : memref<128xi32, #tpu.memory_space<vmem>>) semaphore(%run_scoped3A_252 : memref<!tpu.dma_semaphore, #tpu.memory_space<semaphore_mem>>) {add = true}
          %dma_wait3A = arith.constant 0 : i32
          %dma_wait3A_257 = tpu.memref_slice %arg10[%run_scoped3A_251, %dma_wait3A] : memref<8x128xi32, #tpu.memory_space<vmem>> -> memref<1x128xi32, #tpu.memory_space<vmem>>
          %dma_wait3A_258 = tpu.memref_squeeze %dma_wait3A_257 : memref<1x128xi32, #tpu.memory_space<vmem>> -> memref<128xi32, #tpu.memory_space<vmem>>
          %dma_wait3A_259 = arith.constant 0 : i32
          %dma_wait3A_260 = tpu.memref_slice %arg14[%dma_wait3A_259] : memref<400384xf32, #tpu.memory_space<vmem_shared>> -> memref<400384xf32, #tpu.memory_space<vmem_shared>>
          tpu.wait_indirect_dma semaphore(%run_scoped3A_252 : memref<!tpu.dma_semaphore, #tpu.memory_space<semaphore_mem>>) src(%arg11 : memref<128xf32, #tpu.memory_space<vmem>>) dst(%dma_wait3A_260 : memref<400384xf32, #tpu.memory_space<vmem_shared>>)
          tpu.yield
        }) : () -> ()
      } else {
      }
    }
    %scan3A_125 = arith.constant 7 : i32
    %barrier3A_126 = arith.constant 0 : index
    tpu.barrier barrier_id(%barrier3A_126)
    "tpu.region"() ({
      %run_scoped3A = tpu.sem_alloc : memref<!tpu.dma_semaphore, #tpu.memory_space<semaphore_mem>>
      %dma_start3A = tpu.memref_slice %arg14[%mul3A_16] : memref<400384xf32, #tpu.memory_space<vmem_shared>> -> memref<25024xf32, #tpu.memory_space<vmem_shared>>
      %dma_start3A_197 = tpu.memref_slice %arg14[%mul3A_16] : memref<400384xf32, #tpu.memory_space<vmem_shared>> -> memref<25024xf32, #tpu.memory_space<vmem_shared>>
      tpu.enqueue_dma source(%dma_start3A_197 : memref<25024xf32, #tpu.memory_space<vmem_shared>>) target(%arg13 : memref<25024xf32, #tpu.memory_space<vmem>>) target_semaphore(%run_scoped3A : memref<!tpu.dma_semaphore, #tpu.memory_space<semaphore_mem>>)
      %dma_wait3A = tpu.memref_slice %arg14[%mul3A_16] : memref<400384xf32, #tpu.memory_space<vmem_shared>> -> memref<25024xf32, #tpu.memory_space<vmem_shared>>
      %dma_wait3A_198 = tpu.memref_slice %arg14[%mul3A_16] : memref<400384xf32, #tpu.memory_space<vmem_shared>> -> memref<25024xf32, #tpu.memory_space<vmem_shared>>
      tpu.wait_dma2 semaphore(%run_scoped3A : memref<!tpu.dma_semaphore, #tpu.memory_space<semaphore_mem>>) src(%dma_wait3A_198 : memref<25024xf32, #tpu.memory_space<vmem_shared>>) dst(%arg13 : memref<25024xf32, #tpu.memory_space<vmem>>)
      tpu.yield
    }) : () -> ()
    %mul3A_127 = arith.constant 6 : i32
    %mul3A_128 = arith.muli %arg0, %mul3A_127 : i32
    %add3A_129 = arith.constant 3 : i32
    %add3A_130 = arith.addi %mul3A_128, %add3A_129 : i32
    %mul3A_131 = arith.constant 50048 : i32
    %mul3A_132 = arith.muli %add3A_130, %mul3A_131 : i32
    %mul3A_133 = arith.constant 8 : i32
    %mul3A_134 = arith.muli %mul3A_132, %mul3A_133 : i32
    %add3A_135 = arith.addi %mul3A_134, %mul3A_16 : i32
    "tpu.region"() ({
      %run_scoped3A = tpu.sem_alloc : memref<!tpu.dma_semaphore, #tpu.memory_space<semaphore_mem>>
      %dma_start3A = tpu.memref_slice %arg8[%add3A_135] : memref<4804608xf32, #tpu.memory_space<hbm>> -> memref<25024xf32, #tpu.memory_space<hbm>>
      %dma_start3A_197 = tpu.memref_slice %arg8[%add3A_135] : memref<4804608xf32, #tpu.memory_space<hbm>> -> memref<25024xf32, #tpu.memory_space<hbm>>
      tpu.enqueue_dma source(%arg13 : memref<25024xf32, #tpu.memory_space<vmem>>) target(%dma_start3A_197 : memref<25024xf32, #tpu.memory_space<hbm>>) target_semaphore(%run_scoped3A : memref<!tpu.dma_semaphore, #tpu.memory_space<semaphore_mem>>)
      %dma_wait3A = tpu.memref_slice %arg8[%add3A_135] : memref<4804608xf32, #tpu.memory_space<hbm>> -> memref<25024xf32, #tpu.memory_space<hbm>>
      %dma_wait3A_198 = tpu.memref_slice %arg8[%add3A_135] : memref<4804608xf32, #tpu.memory_space<hbm>> -> memref<25024xf32, #tpu.memory_space<hbm>>
      tpu.wait_dma2 semaphore(%run_scoped3A : memref<!tpu.dma_semaphore, #tpu.memory_space<semaphore_mem>>) src(%arg13 : memref<25024xf32, #tpu.memory_space<vmem>>) dst(%dma_wait3A_198 : memref<25024xf32, #tpu.memory_space<hbm>>)
      tpu.yield
    }) : () -> ()
    %add3A_136 = arith.constant 0 : i32
    %add3A_137 = arith.addi %mul3A_16, %add3A_136 : i32
    "tpu.region"() ({
      %run_scoped3A = tpu.sem_alloc : memref<!tpu.dma_semaphore, #tpu.memory_space<semaphore_mem>>
      %dma_start3A = tpu.memref_slice %arg14[%add3A_137] : memref<400384xf32, #tpu.memory_space<vmem_shared>> -> memref<4096xf32, #tpu.memory_space<vmem_shared>>
      %dma_start3A_197 = tpu.memref_slice %arg14[%add3A_137] : memref<400384xf32, #tpu.memory_space<vmem_shared>> -> memref<4096xf32, #tpu.memory_space<vmem_shared>>
      tpu.enqueue_dma source(%arg12 : memref<4096xf32, #tpu.memory_space<vmem>>) target(%dma_start3A_197 : memref<4096xf32, #tpu.memory_space<vmem_shared>>) target_semaphore(%run_scoped3A : memref<!tpu.dma_semaphore, #tpu.memory_space<semaphore_mem>>)
      %dma_wait3A = tpu.memref_slice %arg14[%add3A_137] : memref<400384xf32, #tpu.memory_space<vmem_shared>> -> memref<4096xf32, #tpu.memory_space<vmem_shared>>
      %dma_wait3A_198 = tpu.memref_slice %arg14[%add3A_137] : memref<400384xf32, #tpu.memory_space<vmem_shared>> -> memref<4096xf32, #tpu.memory_space<vmem_shared>>
      tpu.wait_dma2 semaphore(%run_scoped3A : memref<!tpu.dma_semaphore, #tpu.memory_space<semaphore_mem>>) src(%arg12 : memref<4096xf32, #tpu.memory_space<vmem>>) dst(%dma_wait3A_198 : memref<4096xf32, #tpu.memory_space<vmem_shared>>)
      tpu.yield
    }) : () -> ()
    %add3A_138 = arith.constant 4096 : i32
    %add3A_139 = arith.addi %mul3A_16, %add3A_138 : i32
    "tpu.region"() ({
      %run_scoped3A = tpu.sem_alloc : memref<!tpu.dma_semaphore, #tpu.memory_space<semaphore_mem>>
      %dma_start3A = tpu.memref_slice %arg14[%add3A_139] : memref<400384xf32, #tpu.memory_space<vmem_shared>> -> memref<4096xf32, #tpu.memory_space<vmem_shared>>
      %dma_start3A_197 = tpu.memref_slice %arg14[%add3A_139] : memref<400384xf32, #tpu.memory_space<vmem_shared>> -> memref<4096xf32, #tpu.memory_space<vmem_shared>>
      tpu.enqueue_dma source(%arg12 : memref<4096xf32, #tpu.memory_space<vmem>>) target(%dma_start3A_197 : memref<4096xf32, #tpu.memory_space<vmem_shared>>) target_semaphore(%run_scoped3A : memref<!tpu.dma_semaphore, #tpu.memory_space<semaphore_mem>>)
      %dma_wait3A = tpu.memref_slice %arg14[%add3A_139] : memref<400384xf32, #tpu.memory_space<vmem_shared>> -> memref<4096xf32, #tpu.memory_space<vmem_shared>>
      %dma_wait3A_198 = tpu.memref_slice %arg14[%add3A_139] : memref<400384xf32, #tpu.memory_space<vmem_shared>> -> memref<4096xf32, #tpu.memory_space<vmem_shared>>
      tpu.wait_dma2 semaphore(%run_scoped3A : memref<!tpu.dma_semaphore, #tpu.memory_space<semaphore_mem>>) src(%arg12 : memref<4096xf32, #tpu.memory_space<vmem>>) dst(%dma_wait3A_198 : memref<4096xf32, #tpu.memory_space<vmem_shared>>)
      tpu.yield
    }) : () -> ()
    %add3A_140 = arith.constant 8192 : i32
    %add3A_141 = arith.addi %mul3A_16, %add3A_140 : i32
    "tpu.region"() ({
      %run_scoped3A = tpu.sem_alloc : memref<!tpu.dma_semaphore, #tpu.memory_space<semaphore_mem>>
      %dma_start3A = tpu.memref_slice %arg14[%add3A_141] : memref<400384xf32, #tpu.memory_space<vmem_shared>> -> memref<4096xf32, #tpu.memory_space<vmem_shared>>
      %dma_start3A_197 = tpu.memref_slice %arg14[%add3A_141] : memref<400384xf32, #tpu.memory_space<vmem_shared>> -> memref<4096xf32, #tpu.memory_space<vmem_shared>>
      tpu.enqueue_dma source(%arg12 : memref<4096xf32, #tpu.memory_space<vmem>>) target(%dma_start3A_197 : memref<4096xf32, #tpu.memory_space<vmem_shared>>) target_semaphore(%run_scoped3A : memref<!tpu.dma_semaphore, #tpu.memory_space<semaphore_mem>>)
      %dma_wait3A = tpu.memref_slice %arg14[%add3A_141] : memref<400384xf32, #tpu.memory_space<vmem_shared>> -> memref<4096xf32, #tpu.memory_space<vmem_shared>>
      %dma_wait3A_198 = tpu.memref_slice %arg14[%add3A_141] : memref<400384xf32, #tpu.memory_space<vmem_shared>> -> memref<4096xf32, #tpu.memory_space<vmem_shared>>
      tpu.wait_dma2 semaphore(%run_scoped3A : memref<!tpu.dma_semaphore, #tpu.memory_space<semaphore_mem>>) src(%arg12 : memref<4096xf32, #tpu.memory_space<vmem>>) dst(%dma_wait3A_198 : memref<4096xf32, #tpu.memory_space<vmem_shared>>)
      tpu.yield
    }) : () -> ()
    %add3A_142 = arith.constant 12288 : i32
    %add3A_143 = arith.addi %mul3A_16, %add3A_142 : i32
    "tpu.region"() ({
      %run_scoped3A = tpu.sem_alloc : memref<!tpu.dma_semaphore, #tpu.memory_space<semaphore_mem>>
      %dma_start3A = tpu.memref_slice %arg14[%add3A_143] : memref<400384xf32, #tpu.memory_space<vmem_shared>> -> memref<4096xf32, #tpu.memory_space<vmem_shared>>
      %dma_start3A_197 = tpu.memref_slice %arg14[%add3A_143] : memref<400384xf32, #tpu.memory_space<vmem_shared>> -> memref<4096xf32, #tpu.memory_space<vmem_shared>>
      tpu.enqueue_dma source(%arg12 : memref<4096xf32, #tpu.memory_space<vmem>>) target(%dma_start3A_197 : memref<4096xf32, #tpu.memory_space<vmem_shared>>) target_semaphore(%run_scoped3A : memref<!tpu.dma_semaphore, #tpu.memory_space<semaphore_mem>>)
      %dma_wait3A = tpu.memref_slice %arg14[%add3A_143] : memref<400384xf32, #tpu.memory_space<vmem_shared>> -> memref<4096xf32, #tpu.memory_space<vmem_shared>>
      %dma_wait3A_198 = tpu.memref_slice %arg14[%add3A_143] : memref<400384xf32, #tpu.memory_space<vmem_shared>> -> memref<4096xf32, #tpu.memory_space<vmem_shared>>
      tpu.wait_dma2 semaphore(%run_scoped3A : memref<!tpu.dma_semaphore, #tpu.memory_space<semaphore_mem>>) src(%arg12 : memref<4096xf32, #tpu.memory_space<vmem>>) dst(%dma_wait3A_198 : memref<4096xf32, #tpu.memory_space<vmem_shared>>)
      tpu.yield
    }) : () -> ()
    %add3A_144 = arith.constant 16384 : i32
    %add3A_145 = arith.addi %mul3A_16, %add3A_144 : i32
    "tpu.region"() ({
      %run_scoped3A = tpu.sem_alloc : memref<!tpu.dma_semaphore, #tpu.memory_space<semaphore_mem>>
      %dma_start3A = tpu.memref_slice %arg14[%add3A_145] : memref<400384xf32, #tpu.memory_space<vmem_shared>> -> memref<4096xf32, #tpu.memory_space<vmem_shared>>
      %dma_start3A_197 = tpu.memref_slice %arg14[%add3A_145] : memref<400384xf32, #tpu.memory_space<vmem_shared>> -> memref<4096xf32, #tpu.memory_space<vmem_shared>>
      tpu.enqueue_dma source(%arg12 : memref<4096xf32, #tpu.memory_space<vmem>>) target(%dma_start3A_197 : memref<4096xf32, #tpu.memory_space<vmem_shared>>) target_semaphore(%run_scoped3A : memref<!tpu.dma_semaphore, #tpu.memory_space<semaphore_mem>>)
      %dma_wait3A = tpu.memref_slice %arg14[%add3A_145] : memref<400384xf32, #tpu.memory_space<vmem_shared>> -> memref<4096xf32, #tpu.memory_space<vmem_shared>>
      %dma_wait3A_198 = tpu.memref_slice %arg14[%add3A_145] : memref<400384xf32, #tpu.memory_space<vmem_shared>> -> memref<4096xf32, #tpu.memory_space<vmem_shared>>
      tpu.wait_dma2 semaphore(%run_scoped3A : memref<!tpu.dma_semaphore, #tpu.memory_space<semaphore_mem>>) src(%arg12 : memref<4096xf32, #tpu.memory_space<vmem>>) dst(%dma_wait3A_198 : memref<4096xf32, #tpu.memory_space<vmem_shared>>)
      tpu.yield
    }) : () -> ()
    %add3A_146 = arith.constant 20480 : i32
    %add3A_147 = arith.addi %mul3A_16, %add3A_146 : i32
    "tpu.region"() ({
      %run_scoped3A = tpu.sem_alloc : memref<!tpu.dma_semaphore, #tpu.memory_space<semaphore_mem>>
      %dma_start3A = tpu.memref_slice %arg14[%add3A_147] : memref<400384xf32, #tpu.memory_space<vmem_shared>> -> memref<4096xf32, #tpu.memory_space<vmem_shared>>
      %dma_start3A_197 = tpu.memref_slice %arg14[%add3A_147] : memref<400384xf32, #tpu.memory_space<vmem_shared>> -> memref<4096xf32, #tpu.memory_space<vmem_shared>>
      tpu.enqueue_dma source(%arg12 : memref<4096xf32, #tpu.memory_space<vmem>>) target(%dma_start3A_197 : memref<4096xf32, #tpu.memory_space<vmem_shared>>) target_semaphore(%run_scoped3A : memref<!tpu.dma_semaphore, #tpu.memory_space<semaphore_mem>>)
      %dma_wait3A = tpu.memref_slice %arg14[%add3A_147] : memref<400384xf32, #tpu.memory_space<vmem_shared>> -> memref<4096xf32, #tpu.memory_space<vmem_shared>>
      %dma_wait3A_198 = tpu.memref_slice %arg14[%add3A_147] : memref<400384xf32, #tpu.memory_space<vmem_shared>> -> memref<4096xf32, #tpu.memory_space<vmem_shared>>
      tpu.wait_dma2 semaphore(%run_scoped3A : memref<!tpu.dma_semaphore, #tpu.memory_space<semaphore_mem>>) src(%arg12 : memref<4096xf32, #tpu.memory_space<vmem>>) dst(%dma_wait3A_198 : memref<4096xf32, #tpu.memory_space<vmem_shared>>)
      tpu.yield
    }) : () -> ()
    %add3A_148 = arith.constant 24576 : i32
    %add3A_149 = arith.addi %mul3A_16, %add3A_148 : i32
    "tpu.region"() ({
      %run_scoped3A = tpu.sem_alloc : memref<!tpu.dma_semaphore, #tpu.memory_space<semaphore_mem>>
      %dma_start3A = arith.constant 0 : i32
      %dma_start3A_197 = tpu.memref_slice %arg12[%dma_start3A] : memref<4096xf32, #tpu.memory_space<vmem>> -> memref<448xf32, #tpu.memory_space<vmem>>
      %dma_start3A_198 = tpu.memref_slice %arg14[%add3A_149] : memref<400384xf32, #tpu.memory_space<vmem_shared>> -> memref<448xf32, #tpu.memory_space<vmem_shared>>
      %dma_start3A_199 = tpu.memref_slice %arg14[%add3A_149] : memref<400384xf32, #tpu.memory_space<vmem_shared>> -> memref<448xf32, #tpu.memory_space<vmem_shared>>
      %dma_start3A_200 = arith.constant 0 : i32
      %dma_start3A_201 = tpu.memref_slice %arg12[%dma_start3A_200] : memref<4096xf32, #tpu.memory_space<vmem>> -> memref<448xf32, #tpu.memory_space<vmem>>
      tpu.enqueue_dma source(%dma_start3A_201 : memref<448xf32, #tpu.memory_space<vmem>>) target(%dma_start3A_199 : memref<448xf32, #tpu.memory_space<vmem_shared>>) target_semaphore(%run_scoped3A : memref<!tpu.dma_semaphore, #tpu.memory_space<semaphore_mem>>)
      %dma_wait3A = arith.constant 0 : i32
      %dma_wait3A_202 = tpu.memref_slice %arg12[%dma_wait3A] : memref<4096xf32, #tpu.memory_space<vmem>> -> memref<448xf32, #tpu.memory_space<vmem>>
      %dma_wait3A_203 = tpu.memref_slice %arg14[%add3A_149] : memref<400384xf32, #tpu.memory_space<vmem_shared>> -> memref<448xf32, #tpu.memory_space<vmem_shared>>
      %dma_wait3A_204 = tpu.memref_slice %arg14[%add3A_149] : memref<400384xf32, #tpu.memory_space<vmem_shared>> -> memref<448xf32, #tpu.memory_space<vmem_shared>>
      %dma_wait3A_205 = arith.constant 0 : i32
      %dma_wait3A_206 = tpu.memref_slice %arg12[%dma_wait3A_205] : memref<4096xf32, #tpu.memory_space<vmem>> -> memref<448xf32, #tpu.memory_space<vmem>>
      tpu.wait_dma2 semaphore(%run_scoped3A : memref<!tpu.dma_semaphore, #tpu.memory_space<semaphore_mem>>) src(%dma_wait3A_206 : memref<448xf32, #tpu.memory_space<vmem>>) dst(%dma_wait3A_204 : memref<448xf32, #tpu.memory_space<vmem_shared>>)
      tpu.yield
    }) : () -> ()
    %barrier3A_150 = arith.constant 0 : index
    tpu.barrier barrier_id(%barrier3A_150)
    %scan3A_151 = arith.constant 0 : i32
    %scan3A_152 = arith.constant 7 : i32
    %scan3A_153 = arith.addi %scan3A_151, %scan3A_152 : i32
    %scan3A_154 = arith.constant 1 : i32
    scf.for %scan3A_197 = %scan3A_151 to %scan3A_153 step %scan3A_154  : i32 {
      %mul3A_198 = arith.constant 32 : i32
      %mul3A_199 = arith.muli %mul3A_198, %scan3A_197 : i32
      %add3A_200 = arith.addi %add3A, %mul3A_199 : i32
      %lt3A = arith.constant 196 : i32
      %lt3A_201 = arith.cmpi slt, %add3A_200, %lt3A : i32
      %convert_element_type3A = arith.extui %lt3A_201 : i1 to i32
      %cond3A = arith.constant 0 : i32
      %cond3A_202 = arith.cmpi ne, %convert_element_type3A, %cond3A : i32
      scf.if %cond3A_202 {
        %mul3A_203 = arith.constant 8 : i32
        %mul3A_204 = arith.muli %add3A_200, %mul3A_203 : i32
        "tpu.region"() ({
          %run_scoped3A_252 = tpu.sem_alloc : memref<!tpu.dma_semaphore, #tpu.memory_space<semaphore_mem>>
          %dma_start3A = arith.constant 0 : i32
          %dma_start3A_253 = tpu.memref_slice %arg6[%mul3A_204, %dma_start3A] : memref<1568x128xi32, #tpu.memory_space<hbm>> -> memref<8x128xi32, #tpu.memory_space<hbm>>
          %dma_start3A_254 = arith.constant 0 : i32
          %dma_start3A_255 = tpu.memref_slice %arg6[%mul3A_204, %dma_start3A_254] : memref<1568x128xi32, #tpu.memory_space<hbm>> -> memref<8x128xi32, #tpu.memory_space<hbm>>
          tpu.enqueue_dma source(%dma_start3A_255 : memref<8x128xi32, #tpu.memory_space<hbm>>) target(%arg9 : memref<8x128xi32, #tpu.memory_space<vmem>>) target_semaphore(%run_scoped3A_252 : memref<!tpu.dma_semaphore, #tpu.memory_space<semaphore_mem>>)
          %dma_wait3A = arith.constant 0 : i32
          %dma_wait3A_256 = tpu.memref_slice %arg6[%mul3A_204, %dma_wait3A] : memref<1568x128xi32, #tpu.memory_space<hbm>> -> memref<8x128xi32, #tpu.memory_space<hbm>>
          %dma_wait3A_257 = arith.constant 0 : i32
          %dma_wait3A_258 = tpu.memref_slice %arg6[%mul3A_204, %dma_wait3A_257] : memref<1568x128xi32, #tpu.memory_space<hbm>> -> memref<8x128xi32, #tpu.memory_space<hbm>>
          tpu.wait_dma2 semaphore(%run_scoped3A_252 : memref<!tpu.dma_semaphore, #tpu.memory_space<semaphore_mem>>) src(%dma_wait3A_258 : memref<8x128xi32, #tpu.memory_space<hbm>>) dst(%arg9 : memref<8x128xi32, #tpu.memory_space<vmem>>)
          tpu.yield
        }) : () -> ()
        %scan3A_205 = arith.constant 0 : i32
        %scan3A_206 = arith.constant 8 : i32
        %scan3A_207 = arith.addi %scan3A_205, %scan3A_206 : i32
        %scan3A_208 = arith.constant 1 : i32
        scf.for %scan3A_252 = %scan3A_205 to %scan3A_207 step %scan3A_208  : i32 {
          %mul3A_253 = arith.constant 16 : i32
          %mul3A_254 = arith.muli %scan3A_252, %mul3A_253 : i32
          %get3A = arith.constant 0 : i32
          %get3A_255 = arith.index_cast %get3A : i32 to index
          %get3A_256 = arith.index_cast %mul3A_254 : i32 to index
          %get3A_257 = tpu.vector_load %arg9[%get3A_255, %get3A_256] {strides = array<i32>} : memref<8x128xi32, #tpu.memory_space<vmem>>, vector<1x16xi32>,
          %get3A_258 = vector.shape_cast %get3A_257 : vector<1x16xi32> to vector<16xi32>
          %mul3A_259 = arith.constant 8 : i32
          %mul3A_260 = vector.broadcast %mul3A_259 : i32 to vector<16xi32>
          %mul3A_261 = arith.muli %get3A_258, %mul3A_260 : vector<16xi32>
          %swap3A = arith.constant 0 : i32
          %swap3A_262 = arith.index_cast %swap3A : i32 to index
          %swap3A_263 = arith.index_cast %mul3A_254 : i32 to index
          %swap3A_264 = tpu.vector_load %arg10[%swap3A_262, %swap3A_263] {strides = array<i32>} : memref<8x128xi32, #tpu.memory_space<vmem>>, vector<1x16xi32>,
          %swap3A_265 = vector.shape_cast %swap3A_264 : vector<1x16xi32> to vector<16xi32>
          %swap3A_266 = vector.shape_cast %mul3A_261 : vector<16xi32> to vector<1x16xi32>
          tpu.vector_store %arg10[%swap3A_262, %swap3A_263], %swap3A_266 {strides = array<i32>} : memref<8x128xi32, #tpu.memory_space<vmem>>, vector<1x16xi32>,
        }
        %scan3A_209 = arith.constant 8 : i32
        %run_scoped3A = arith.constant 0 : i32
        "tpu.region"() ({
          %run_scoped3A_252 = tpu.sem_alloc : memref<!tpu.dma_semaphore, #tpu.memory_space<semaphore_mem>>
          %dma_start3A = arith.constant 0 : i32
          %dma_start3A_253 = tpu.memref_slice %arg10[%run_scoped3A, %dma_start3A] : memref<8x128xi32, #tpu.memory_space<vmem>> -> memref<1x128xi32, #tpu.memory_space<vmem>>
          %dma_start3A_254 = tpu.memref_squeeze %dma_start3A_253 : memref<1x128xi32, #tpu.memory_space<vmem>> -> memref<128xi32, #tpu.memory_space<vmem>>
          %dma_start3A_255 = arith.constant 0 : i32
          %dma_start3A_256 = tpu.memref_slice %arg14[%dma_start3A_255] : memref<400384xf32, #tpu.memory_space<vmem_shared>> -> memref<400384xf32, #tpu.memory_space<vmem_shared>>
          tpu.enqueue_indirect_dma source(%arg11 : memref<128xf32, #tpu.memory_space<vmem>>) target(%dma_start3A_256 : memref<400384xf32, #tpu.memory_space<vmem_shared>>) offsets(%dma_start3A_254 : memref<128xi32, #tpu.memory_space<vmem>>) semaphore(%run_scoped3A_252 : memref<!tpu.dma_semaphore, #tpu.memory_space<semaphore_mem>>) {add = true}
          %dma_wait3A = arith.constant 0 : i32
          %dma_wait3A_257 = tpu.memref_slice %arg10[%run_scoped3A, %dma_wait3A] : memref<8x128xi32, #tpu.memory_space<vmem>> -> memref<1x128xi32, #tpu.memory_space<vmem>>
          %dma_wait3A_258 = tpu.memref_squeeze %dma_wait3A_257 : memref<1x128xi32, #tpu.memory_space<vmem>> -> memref<128xi32, #tpu.memory_space<vmem>>
          %dma_wait3A_259 = arith.constant 0 : i32
          %dma_wait3A_260 = tpu.memref_slice %arg14[%dma_wait3A_259] : memref<400384xf32, #tpu.memory_space<vmem_shared>> -> memref<400384xf32, #tpu.memory_space<vmem_shared>>
          tpu.wait_indirect_dma semaphore(%run_scoped3A_252 : memref<!tpu.dma_semaphore, #tpu.memory_space<semaphore_mem>>) src(%arg11 : memref<128xf32, #tpu.memory_space<vmem>>) dst(%dma_wait3A_260 : memref<400384xf32, #tpu.memory_space<vmem_shared>>)
          tpu.yield
        }) : () -> ()
        %scan3A_210 = arith.constant 0 : i32
        %scan3A_211 = arith.constant 8 : i32
        %scan3A_212 = arith.addi %scan3A_210, %scan3A_211 : i32
        %scan3A_213 = arith.constant 1 : i32
        scf.for %scan3A_252 = %scan3A_210 to %scan3A_212 step %scan3A_213  : i32 {
          %mul3A_253 = arith.constant 16 : i32
          %mul3A_254 = arith.muli %scan3A_252, %mul3A_253 : i32
          %get3A = arith.constant 1 : i32
          %get3A_255 = arith.index_cast %get3A : i32 to index
          %get3A_256 = arith.index_cast %mul3A_254 : i32 to index
          %get3A_257 = tpu.vector_load %arg9[%get3A_255, %get3A_256] {strides = array<i32>} : memref<8x128xi32, #tpu.memory_space<vmem>>, vector<1x16xi32>,
          %get3A_258 = vector.shape_cast %get3A_257 : vector<1x16xi32> to vector<16xi32>
          %mul3A_259 = arith.constant 8 : i32
          %mul3A_260 = vector.broadcast %mul3A_259 : i32 to vector<16xi32>
          %mul3A_261 = arith.muli %get3A_258, %mul3A_260 : vector<16xi32>
          %swap3A = arith.constant 1 : i32
          %swap3A_262 = arith.index_cast %swap3A : i32 to index
          %swap3A_263 = arith.index_cast %mul3A_254 : i32 to index
          %swap3A_264 = tpu.vector_load %arg10[%swap3A_262, %swap3A_263] {strides = array<i32>} : memref<8x128xi32, #tpu.memory_space<vmem>>, vector<1x16xi32>,
          %swap3A_265 = vector.shape_cast %swap3A_264 : vector<1x16xi32> to vector<16xi32>
          %swap3A_266 = vector.shape_cast %mul3A_261 : vector<16xi32> to vector<1x16xi32>
          tpu.vector_store %arg10[%swap3A_262, %swap3A_263], %swap3A_266 {strides = array<i32>} : memref<8x128xi32, #tpu.memory_space<vmem>>, vector<1x16xi32>,
        }
        %scan3A_214 = arith.constant 8 : i32
        %run_scoped3A_215 = arith.constant 1 : i32
        "tpu.region"() ({
          %run_scoped3A_252 = tpu.sem_alloc : memref<!tpu.dma_semaphore, #tpu.memory_space<semaphore_mem>>
          %dma_start3A = arith.constant 0 : i32
          %dma_start3A_253 = tpu.memref_slice %arg10[%run_scoped3A_215, %dma_start3A] : memref<8x128xi32, #tpu.memory_space<vmem>> -> memref<1x128xi32, #tpu.memory_space<vmem>>
          %dma_start3A_254 = tpu.memref_squeeze %dma_start3A_253 : memref<1x128xi32, #tpu.memory_space<vmem>> -> memref<128xi32, #tpu.memory_space<vmem>>
          %dma_start3A_255 = arith.constant 0 : i32
          %dma_start3A_256 = tpu.memref_slice %arg14[%dma_start3A_255] : memref<400384xf32, #tpu.memory_space<vmem_shared>> -> memref<400384xf32, #tpu.memory_space<vmem_shared>>
          tpu.enqueue_indirect_dma source(%arg11 : memref<128xf32, #tpu.memory_space<vmem>>) target(%dma_start3A_256 : memref<400384xf32, #tpu.memory_space<vmem_shared>>) offsets(%dma_start3A_254 : memref<128xi32, #tpu.memory_space<vmem>>) semaphore(%run_scoped3A_252 : memref<!tpu.dma_semaphore, #tpu.memory_space<semaphore_mem>>) {add = true}
          %dma_wait3A = arith.constant 0 : i32
          %dma_wait3A_257 = tpu.memref_slice %arg10[%run_scoped3A_215, %dma_wait3A] : memref<8x128xi32, #tpu.memory_space<vmem>> -> memref<1x128xi32, #tpu.memory_space<vmem>>
          %dma_wait3A_258 = tpu.memref_squeeze %dma_wait3A_257 : memref<1x128xi32, #tpu.memory_space<vmem>> -> memref<128xi32, #tpu.memory_space<vmem>>
          %dma_wait3A_259 = arith.constant 0 : i32
          %dma_wait3A_260 = tpu.memref_slice %arg14[%dma_wait3A_259] : memref<400384xf32, #tpu.memory_space<vmem_shared>> -> memref<400384xf32, #tpu.memory_space<vmem_shared>>
          tpu.wait_indirect_dma semaphore(%run_scoped3A_252 : memref<!tpu.dma_semaphore, #tpu.memory_space<semaphore_mem>>) src(%arg11 : memref<128xf32, #tpu.memory_space<vmem>>) dst(%dma_wait3A_260 : memref<400384xf32, #tpu.memory_space<vmem_shared>>)
          tpu.yield
        }) : () -> ()
        %scan3A_216 = arith.constant 0 : i32
        %scan3A_217 = arith.constant 8 : i32
        %scan3A_218 = arith.addi %scan3A_216, %scan3A_217 : i32
        %scan3A_219 = arith.constant 1 : i32
        scf.for %scan3A_252 = %scan3A_216 to %scan3A_218 step %scan3A_219  : i32 {
          %mul3A_253 = arith.constant 16 : i32
          %mul3A_254 = arith.muli %scan3A_252, %mul3A_253 : i32
          %get3A = arith.constant 2 : i32
          %get3A_255 = arith.index_cast %get3A : i32 to index
          %get3A_256 = arith.index_cast %mul3A_254 : i32 to index
          %get3A_257 = tpu.vector_load %arg9[%get3A_255, %get3A_256] {strides = array<i32>} : memref<8x128xi32, #tpu.memory_space<vmem>>, vector<1x16xi32>,
          %get3A_258 = vector.shape_cast %get3A_257 : vector<1x16xi32> to vector<16xi32>
          %mul3A_259 = arith.constant 8 : i32
          %mul3A_260 = vector.broadcast %mul3A_259 : i32 to vector<16xi32>
          %mul3A_261 = arith.muli %get3A_258, %mul3A_260 : vector<16xi32>
          %swap3A = arith.constant 2 : i32
          %swap3A_262 = arith.index_cast %swap3A : i32 to index
          %swap3A_263 = arith.index_cast %mul3A_254 : i32 to index
          %swap3A_264 = tpu.vector_load %arg10[%swap3A_262, %swap3A_263] {strides = array<i32>} : memref<8x128xi32, #tpu.memory_space<vmem>>, vector<1x16xi32>,
          %swap3A_265 = vector.shape_cast %swap3A_264 : vector<1x16xi32> to vector<16xi32>
          %swap3A_266 = vector.shape_cast %mul3A_261 : vector<16xi32> to vector<1x16xi32>
          tpu.vector_store %arg10[%swap3A_262, %swap3A_263], %swap3A_266 {strides = array<i32>} : memref<8x128xi32, #tpu.memory_space<vmem>>, vector<1x16xi32>,
        }
        %scan3A_220 = arith.constant 8 : i32
        %run_scoped3A_221 = arith.constant 2 : i32
        "tpu.region"() ({
          %run_scoped3A_252 = tpu.sem_alloc : memref<!tpu.dma_semaphore, #tpu.memory_space<semaphore_mem>>
          %dma_start3A = arith.constant 0 : i32
          %dma_start3A_253 = tpu.memref_slice %arg10[%run_scoped3A_221, %dma_start3A] : memref<8x128xi32, #tpu.memory_space<vmem>> -> memref<1x128xi32, #tpu.memory_space<vmem>>
          %dma_start3A_254 = tpu.memref_squeeze %dma_start3A_253 : memref<1x128xi32, #tpu.memory_space<vmem>> -> memref<128xi32, #tpu.memory_space<vmem>>
          %dma_start3A_255 = arith.constant 0 : i32
          %dma_start3A_256 = tpu.memref_slice %arg14[%dma_start3A_255] : memref<400384xf32, #tpu.memory_space<vmem_shared>> -> memref<400384xf32, #tpu.memory_space<vmem_shared>>
          tpu.enqueue_indirect_dma source(%arg11 : memref<128xf32, #tpu.memory_space<vmem>>) target(%dma_start3A_256 : memref<400384xf32, #tpu.memory_space<vmem_shared>>) offsets(%dma_start3A_254 : memref<128xi32, #tpu.memory_space<vmem>>) semaphore(%run_scoped3A_252 : memref<!tpu.dma_semaphore, #tpu.memory_space<semaphore_mem>>) {add = true}
          %dma_wait3A = arith.constant 0 : i32
          %dma_wait3A_257 = tpu.memref_slice %arg10[%run_scoped3A_221, %dma_wait3A] : memref<8x128xi32, #tpu.memory_space<vmem>> -> memref<1x128xi32, #tpu.memory_space<vmem>>
          %dma_wait3A_258 = tpu.memref_squeeze %dma_wait3A_257 : memref<1x128xi32, #tpu.memory_space<vmem>> -> memref<128xi32, #tpu.memory_space<vmem>>
          %dma_wait3A_259 = arith.constant 0 : i32
          %dma_wait3A_260 = tpu.memref_slice %arg14[%dma_wait3A_259] : memref<400384xf32, #tpu.memory_space<vmem_shared>> -> memref<400384xf32, #tpu.memory_space<vmem_shared>>
          tpu.wait_indirect_dma semaphore(%run_scoped3A_252 : memref<!tpu.dma_semaphore, #tpu.memory_space<semaphore_mem>>) src(%arg11 : memref<128xf32, #tpu.memory_space<vmem>>) dst(%dma_wait3A_260 : memref<400384xf32, #tpu.memory_space<vmem_shared>>)
          tpu.yield
        }) : () -> ()
        %scan3A_222 = arith.constant 0 : i32
        %scan3A_223 = arith.constant 8 : i32
        %scan3A_224 = arith.addi %scan3A_222, %scan3A_223 : i32
        %scan3A_225 = arith.constant 1 : i32
        scf.for %scan3A_252 = %scan3A_222 to %scan3A_224 step %scan3A_225  : i32 {
          %mul3A_253 = arith.constant 16 : i32
          %mul3A_254 = arith.muli %scan3A_252, %mul3A_253 : i32
          %get3A = arith.constant 3 : i32
          %get3A_255 = arith.index_cast %get3A : i32 to index
          %get3A_256 = arith.index_cast %mul3A_254 : i32 to index
          %get3A_257 = tpu.vector_load %arg9[%get3A_255, %get3A_256] {strides = array<i32>} : memref<8x128xi32, #tpu.memory_space<vmem>>, vector<1x16xi32>,
          %get3A_258 = vector.shape_cast %get3A_257 : vector<1x16xi32> to vector<16xi32>
          %mul3A_259 = arith.constant 8 : i32
          %mul3A_260 = vector.broadcast %mul3A_259 : i32 to vector<16xi32>
          %mul3A_261 = arith.muli %get3A_258, %mul3A_260 : vector<16xi32>
          %swap3A = arith.constant 3 : i32
          %swap3A_262 = arith.index_cast %swap3A : i32 to index
          %swap3A_263 = arith.index_cast %mul3A_254 : i32 to index
          %swap3A_264 = tpu.vector_load %arg10[%swap3A_262, %swap3A_263] {strides = array<i32>} : memref<8x128xi32, #tpu.memory_space<vmem>>, vector<1x16xi32>,
          %swap3A_265 = vector.shape_cast %swap3A_264 : vector<1x16xi32> to vector<16xi32>
          %swap3A_266 = vector.shape_cast %mul3A_261 : vector<16xi32> to vector<1x16xi32>
          tpu.vector_store %arg10[%swap3A_262, %swap3A_263], %swap3A_266 {strides = array<i32>} : memref<8x128xi32, #tpu.memory_space<vmem>>, vector<1x16xi32>,
        }
        %scan3A_226 = arith.constant 8 : i32
        %run_scoped3A_227 = arith.constant 3 : i32
        "tpu.region"() ({
          %run_scoped3A_252 = tpu.sem_alloc : memref<!tpu.dma_semaphore, #tpu.memory_space<semaphore_mem>>
          %dma_start3A = arith.constant 0 : i32
          %dma_start3A_253 = tpu.memref_slice %arg10[%run_scoped3A_227, %dma_start3A] : memref<8x128xi32, #tpu.memory_space<vmem>> -> memref<1x128xi32, #tpu.memory_space<vmem>>
          %dma_start3A_254 = tpu.memref_squeeze %dma_start3A_253 : memref<1x128xi32, #tpu.memory_space<vmem>> -> memref<128xi32, #tpu.memory_space<vmem>>
          %dma_start3A_255 = arith.constant 0 : i32
          %dma_start3A_256 = tpu.memref_slice %arg14[%dma_start3A_255] : memref<400384xf32, #tpu.memory_space<vmem_shared>> -> memref<400384xf32, #tpu.memory_space<vmem_shared>>
          tpu.enqueue_indirect_dma source(%arg11 : memref<128xf32, #tpu.memory_space<vmem>>) target(%dma_start3A_256 : memref<400384xf32, #tpu.memory_space<vmem_shared>>) offsets(%dma_start3A_254 : memref<128xi32, #tpu.memory_space<vmem>>) semaphore(%run_scoped3A_252 : memref<!tpu.dma_semaphore, #tpu.memory_space<semaphore_mem>>) {add = true}
          %dma_wait3A = arith.constant 0 : i32
          %dma_wait3A_257 = tpu.memref_slice %arg10[%run_scoped3A_227, %dma_wait3A] : memref<8x128xi32, #tpu.memory_space<vmem>> -> memref<1x128xi32, #tpu.memory_space<vmem>>
          %dma_wait3A_258 = tpu.memref_squeeze %dma_wait3A_257 : memref<1x128xi32, #tpu.memory_space<vmem>> -> memref<128xi32, #tpu.memory_space<vmem>>
          %dma_wait3A_259 = arith.constant 0 : i32
          %dma_wait3A_260 = tpu.memref_slice %arg14[%dma_wait3A_259] : memref<400384xf32, #tpu.memory_space<vmem_shared>> -> memref<400384xf32, #tpu.memory_space<vmem_shared>>
          tpu.wait_indirect_dma semaphore(%run_scoped3A_252 : memref<!tpu.dma_semaphore, #tpu.memory_space<semaphore_mem>>) src(%arg11 : memref<128xf32, #tpu.memory_space<vmem>>) dst(%dma_wait3A_260 : memref<400384xf32, #tpu.memory_space<vmem_shared>>)
          tpu.yield
        }) : () -> ()
        %scan3A_228 = arith.constant 0 : i32
        %scan3A_229 = arith.constant 8 : i32
        %scan3A_230 = arith.addi %scan3A_228, %scan3A_229 : i32
        %scan3A_231 = arith.constant 1 : i32
        scf.for %scan3A_252 = %scan3A_228 to %scan3A_230 step %scan3A_231  : i32 {
          %mul3A_253 = arith.constant 16 : i32
          %mul3A_254 = arith.muli %scan3A_252, %mul3A_253 : i32
          %get3A = arith.constant 4 : i32
          %get3A_255 = arith.index_cast %get3A : i32 to index
          %get3A_256 = arith.index_cast %mul3A_254 : i32 to index
          %get3A_257 = tpu.vector_load %arg9[%get3A_255, %get3A_256] {strides = array<i32>} : memref<8x128xi32, #tpu.memory_space<vmem>>, vector<1x16xi32>,
          %get3A_258 = vector.shape_cast %get3A_257 : vector<1x16xi32> to vector<16xi32>
          %mul3A_259 = arith.constant 8 : i32
          %mul3A_260 = vector.broadcast %mul3A_259 : i32 to vector<16xi32>
          %mul3A_261 = arith.muli %get3A_258, %mul3A_260 : vector<16xi32>
          %swap3A = arith.constant 4 : i32
          %swap3A_262 = arith.index_cast %swap3A : i32 to index
          %swap3A_263 = arith.index_cast %mul3A_254 : i32 to index
          %swap3A_264 = tpu.vector_load %arg10[%swap3A_262, %swap3A_263] {strides = array<i32>} : memref<8x128xi32, #tpu.memory_space<vmem>>, vector<1x16xi32>,
          %swap3A_265 = vector.shape_cast %swap3A_264 : vector<1x16xi32> to vector<16xi32>
          %swap3A_266 = vector.shape_cast %mul3A_261 : vector<16xi32> to vector<1x16xi32>
          tpu.vector_store %arg10[%swap3A_262, %swap3A_263], %swap3A_266 {strides = array<i32>} : memref<8x128xi32, #tpu.memory_space<vmem>>, vector<1x16xi32>,
        }
        %scan3A_232 = arith.constant 8 : i32
        %run_scoped3A_233 = arith.constant 4 : i32
        "tpu.region"() ({
          %run_scoped3A_252 = tpu.sem_alloc : memref<!tpu.dma_semaphore, #tpu.memory_space<semaphore_mem>>
          %dma_start3A = arith.constant 0 : i32
          %dma_start3A_253 = tpu.memref_slice %arg10[%run_scoped3A_233, %dma_start3A] : memref<8x128xi32, #tpu.memory_space<vmem>> -> memref<1x128xi32, #tpu.memory_space<vmem>>
          %dma_start3A_254 = tpu.memref_squeeze %dma_start3A_253 : memref<1x128xi32, #tpu.memory_space<vmem>> -> memref<128xi32, #tpu.memory_space<vmem>>
          %dma_start3A_255 = arith.constant 0 : i32
          %dma_start3A_256 = tpu.memref_slice %arg14[%dma_start3A_255] : memref<400384xf32, #tpu.memory_space<vmem_shared>> -> memref<400384xf32, #tpu.memory_space<vmem_shared>>
          tpu.enqueue_indirect_dma source(%arg11 : memref<128xf32, #tpu.memory_space<vmem>>) target(%dma_start3A_256 : memref<400384xf32, #tpu.memory_space<vmem_shared>>) offsets(%dma_start3A_254 : memref<128xi32, #tpu.memory_space<vmem>>) semaphore(%run_scoped3A_252 : memref<!tpu.dma_semaphore, #tpu.memory_space<semaphore_mem>>) {add = true}
          %dma_wait3A = arith.constant 0 : i32
          %dma_wait3A_257 = tpu.memref_slice %arg10[%run_scoped3A_233, %dma_wait3A] : memref<8x128xi32, #tpu.memory_space<vmem>> -> memref<1x128xi32, #tpu.memory_space<vmem>>
          %dma_wait3A_258 = tpu.memref_squeeze %dma_wait3A_257 : memref<1x128xi32, #tpu.memory_space<vmem>> -> memref<128xi32, #tpu.memory_space<vmem>>
          %dma_wait3A_259 = arith.constant 0 : i32
          %dma_wait3A_260 = tpu.memref_slice %arg14[%dma_wait3A_259] : memref<400384xf32, #tpu.memory_space<vmem_shared>> -> memref<400384xf32, #tpu.memory_space<vmem_shared>>
          tpu.wait_indirect_dma semaphore(%run_scoped3A_252 : memref<!tpu.dma_semaphore, #tpu.memory_space<semaphore_mem>>) src(%arg11 : memref<128xf32, #tpu.memory_space<vmem>>) dst(%dma_wait3A_260 : memref<400384xf32, #tpu.memory_space<vmem_shared>>)
          tpu.yield
        }) : () -> ()
        %scan3A_234 = arith.constant 0 : i32
        %scan3A_235 = arith.constant 8 : i32
        %scan3A_236 = arith.addi %scan3A_234, %scan3A_235 : i32
        %scan3A_237 = arith.constant 1 : i32
        scf.for %scan3A_252 = %scan3A_234 to %scan3A_236 step %scan3A_237  : i32 {
          %mul3A_253 = arith.constant 16 : i32
          %mul3A_254 = arith.muli %scan3A_252, %mul3A_253 : i32
          %get3A = arith.constant 5 : i32
          %get3A_255 = arith.index_cast %get3A : i32 to index
          %get3A_256 = arith.index_cast %mul3A_254 : i32 to index
          %get3A_257 = tpu.vector_load %arg9[%get3A_255, %get3A_256] {strides = array<i32>} : memref<8x128xi32, #tpu.memory_space<vmem>>, vector<1x16xi32>,
          %get3A_258 = vector.shape_cast %get3A_257 : vector<1x16xi32> to vector<16xi32>
          %mul3A_259 = arith.constant 8 : i32
          %mul3A_260 = vector.broadcast %mul3A_259 : i32 to vector<16xi32>
          %mul3A_261 = arith.muli %get3A_258, %mul3A_260 : vector<16xi32>
          %swap3A = arith.constant 5 : i32
          %swap3A_262 = arith.index_cast %swap3A : i32 to index
          %swap3A_263 = arith.index_cast %mul3A_254 : i32 to index
          %swap3A_264 = tpu.vector_load %arg10[%swap3A_262, %swap3A_263] {strides = array<i32>} : memref<8x128xi32, #tpu.memory_space<vmem>>, vector<1x16xi32>,
          %swap3A_265 = vector.shape_cast %swap3A_264 : vector<1x16xi32> to vector<16xi32>
          %swap3A_266 = vector.shape_cast %mul3A_261 : vector<16xi32> to vector<1x16xi32>
          tpu.vector_store %arg10[%swap3A_262, %swap3A_263], %swap3A_266 {strides = array<i32>} : memref<8x128xi32, #tpu.memory_space<vmem>>, vector<1x16xi32>,
        }
        %scan3A_238 = arith.constant 8 : i32
        %run_scoped3A_239 = arith.constant 5 : i32
        "tpu.region"() ({
          %run_scoped3A_252 = tpu.sem_alloc : memref<!tpu.dma_semaphore, #tpu.memory_space<semaphore_mem>>
          %dma_start3A = arith.constant 0 : i32
          %dma_start3A_253 = tpu.memref_slice %arg10[%run_scoped3A_239, %dma_start3A] : memref<8x128xi32, #tpu.memory_space<vmem>> -> memref<1x128xi32, #tpu.memory_space<vmem>>
          %dma_start3A_254 = tpu.memref_squeeze %dma_start3A_253 : memref<1x128xi32, #tpu.memory_space<vmem>> -> memref<128xi32, #tpu.memory_space<vmem>>
          %dma_start3A_255 = arith.constant 0 : i32
          %dma_start3A_256 = tpu.memref_slice %arg14[%dma_start3A_255] : memref<400384xf32, #tpu.memory_space<vmem_shared>> -> memref<400384xf32, #tpu.memory_space<vmem_shared>>
          tpu.enqueue_indirect_dma source(%arg11 : memref<128xf32, #tpu.memory_space<vmem>>) target(%dma_start3A_256 : memref<400384xf32, #tpu.memory_space<vmem_shared>>) offsets(%dma_start3A_254 : memref<128xi32, #tpu.memory_space<vmem>>) semaphore(%run_scoped3A_252 : memref<!tpu.dma_semaphore, #tpu.memory_space<semaphore_mem>>) {add = true}
          %dma_wait3A = arith.constant 0 : i32
          %dma_wait3A_257 = tpu.memref_slice %arg10[%run_scoped3A_239, %dma_wait3A] : memref<8x128xi32, #tpu.memory_space<vmem>> -> memref<1x128xi32, #tpu.memory_space<vmem>>
          %dma_wait3A_258 = tpu.memref_squeeze %dma_wait3A_257 : memref<1x128xi32, #tpu.memory_space<vmem>> -> memref<128xi32, #tpu.memory_space<vmem>>
          %dma_wait3A_259 = arith.constant 0 : i32
          %dma_wait3A_260 = tpu.memref_slice %arg14[%dma_wait3A_259] : memref<400384xf32, #tpu.memory_space<vmem_shared>> -> memref<400384xf32, #tpu.memory_space<vmem_shared>>
          tpu.wait_indirect_dma semaphore(%run_scoped3A_252 : memref<!tpu.dma_semaphore, #tpu.memory_space<semaphore_mem>>) src(%arg11 : memref<128xf32, #tpu.memory_space<vmem>>) dst(%dma_wait3A_260 : memref<400384xf32, #tpu.memory_space<vmem_shared>>)
          tpu.yield
        }) : () -> ()
        %scan3A_240 = arith.constant 0 : i32
        %scan3A_241 = arith.constant 8 : i32
        %scan3A_242 = arith.addi %scan3A_240, %scan3A_241 : i32
        %scan3A_243 = arith.constant 1 : i32
        scf.for %scan3A_252 = %scan3A_240 to %scan3A_242 step %scan3A_243  : i32 {
          %mul3A_253 = arith.constant 16 : i32
          %mul3A_254 = arith.muli %scan3A_252, %mul3A_253 : i32
          %get3A = arith.constant 6 : i32
          %get3A_255 = arith.index_cast %get3A : i32 to index
          %get3A_256 = arith.index_cast %mul3A_254 : i32 to index
          %get3A_257 = tpu.vector_load %arg9[%get3A_255, %get3A_256] {strides = array<i32>} : memref<8x128xi32, #tpu.memory_space<vmem>>, vector<1x16xi32>,
          %get3A_258 = vector.shape_cast %get3A_257 : vector<1x16xi32> to vector<16xi32>
          %mul3A_259 = arith.constant 8 : i32
          %mul3A_260 = vector.broadcast %mul3A_259 : i32 to vector<16xi32>
          %mul3A_261 = arith.muli %get3A_258, %mul3A_260 : vector<16xi32>
          %swap3A = arith.constant 6 : i32
          %swap3A_262 = arith.index_cast %swap3A : i32 to index
          %swap3A_263 = arith.index_cast %mul3A_254 : i32 to index
          %swap3A_264 = tpu.vector_load %arg10[%swap3A_262, %swap3A_263] {strides = array<i32>} : memref<8x128xi32, #tpu.memory_space<vmem>>, vector<1x16xi32>,
          %swap3A_265 = vector.shape_cast %swap3A_264 : vector<1x16xi32> to vector<16xi32>
          %swap3A_266 = vector.shape_cast %mul3A_261 : vector<16xi32> to vector<1x16xi32>
          tpu.vector_store %arg10[%swap3A_262, %swap3A_263], %swap3A_266 {strides = array<i32>} : memref<8x128xi32, #tpu.memory_space<vmem>>, vector<1x16xi32>,
        }
        %scan3A_244 = arith.constant 8 : i32
        %run_scoped3A_245 = arith.constant 6 : i32
        "tpu.region"() ({
          %run_scoped3A_252 = tpu.sem_alloc : memref<!tpu.dma_semaphore, #tpu.memory_space<semaphore_mem>>
          %dma_start3A = arith.constant 0 : i32
          %dma_start3A_253 = tpu.memref_slice %arg10[%run_scoped3A_245, %dma_start3A] : memref<8x128xi32, #tpu.memory_space<vmem>> -> memref<1x128xi32, #tpu.memory_space<vmem>>
          %dma_start3A_254 = tpu.memref_squeeze %dma_start3A_253 : memref<1x128xi32, #tpu.memory_space<vmem>> -> memref<128xi32, #tpu.memory_space<vmem>>
          %dma_start3A_255 = arith.constant 0 : i32
          %dma_start3A_256 = tpu.memref_slice %arg14[%dma_start3A_255] : memref<400384xf32, #tpu.memory_space<vmem_shared>> -> memref<400384xf32, #tpu.memory_space<vmem_shared>>
          tpu.enqueue_indirect_dma source(%arg11 : memref<128xf32, #tpu.memory_space<vmem>>) target(%dma_start3A_256 : memref<400384xf32, #tpu.memory_space<vmem_shared>>) offsets(%dma_start3A_254 : memref<128xi32, #tpu.memory_space<vmem>>) semaphore(%run_scoped3A_252 : memref<!tpu.dma_semaphore, #tpu.memory_space<semaphore_mem>>) {add = true}
          %dma_wait3A = arith.constant 0 : i32
          %dma_wait3A_257 = tpu.memref_slice %arg10[%run_scoped3A_245, %dma_wait3A] : memref<8x128xi32, #tpu.memory_space<vmem>> -> memref<1x128xi32, #tpu.memory_space<vmem>>
          %dma_wait3A_258 = tpu.memref_squeeze %dma_wait3A_257 : memref<1x128xi32, #tpu.memory_space<vmem>> -> memref<128xi32, #tpu.memory_space<vmem>>
          %dma_wait3A_259 = arith.constant 0 : i32
          %dma_wait3A_260 = tpu.memref_slice %arg14[%dma_wait3A_259] : memref<400384xf32, #tpu.memory_space<vmem_shared>> -> memref<400384xf32, #tpu.memory_space<vmem_shared>>
          tpu.wait_indirect_dma semaphore(%run_scoped3A_252 : memref<!tpu.dma_semaphore, #tpu.memory_space<semaphore_mem>>) src(%arg11 : memref<128xf32, #tpu.memory_space<vmem>>) dst(%dma_wait3A_260 : memref<400384xf32, #tpu.memory_space<vmem_shared>>)
          tpu.yield
        }) : () -> ()
        %scan3A_246 = arith.constant 0 : i32
        %scan3A_247 = arith.constant 8 : i32
        %scan3A_248 = arith.addi %scan3A_246, %scan3A_247 : i32
        %scan3A_249 = arith.constant 1 : i32
        scf.for %scan3A_252 = %scan3A_246 to %scan3A_248 step %scan3A_249  : i32 {
          %mul3A_253 = arith.constant 16 : i32
          %mul3A_254 = arith.muli %scan3A_252, %mul3A_253 : i32
          %get3A = arith.constant 7 : i32
          %get3A_255 = arith.index_cast %get3A : i32 to index
          %get3A_256 = arith.index_cast %mul3A_254 : i32 to index
          %get3A_257 = tpu.vector_load %arg9[%get3A_255, %get3A_256] {strides = array<i32>} : memref<8x128xi32, #tpu.memory_space<vmem>>, vector<1x16xi32>,
          %get3A_258 = vector.shape_cast %get3A_257 : vector<1x16xi32> to vector<16xi32>
          %mul3A_259 = arith.constant 8 : i32
          %mul3A_260 = vector.broadcast %mul3A_259 : i32 to vector<16xi32>
          %mul3A_261 = arith.muli %get3A_258, %mul3A_260 : vector<16xi32>
          %swap3A = arith.constant 7 : i32
          %swap3A_262 = arith.index_cast %swap3A : i32 to index
          %swap3A_263 = arith.index_cast %mul3A_254 : i32 to index
          %swap3A_264 = tpu.vector_load %arg10[%swap3A_262, %swap3A_263] {strides = array<i32>} : memref<8x128xi32, #tpu.memory_space<vmem>>, vector<1x16xi32>,
          %swap3A_265 = vector.shape_cast %swap3A_264 : vector<1x16xi32> to vector<16xi32>
          %swap3A_266 = vector.shape_cast %mul3A_261 : vector<16xi32> to vector<1x16xi32>
          tpu.vector_store %arg10[%swap3A_262, %swap3A_263], %swap3A_266 {strides = array<i32>} : memref<8x128xi32, #tpu.memory_space<vmem>>, vector<1x16xi32>,
        }
        %scan3A_250 = arith.constant 8 : i32
        %run_scoped3A_251 = arith.constant 7 : i32
        "tpu.region"() ({
          %run_scoped3A_252 = tpu.sem_alloc : memref<!tpu.dma_semaphore, #tpu.memory_space<semaphore_mem>>
          %dma_start3A = arith.constant 0 : i32
          %dma_start3A_253 = tpu.memref_slice %arg10[%run_scoped3A_251, %dma_start3A] : memref<8x128xi32, #tpu.memory_space<vmem>> -> memref<1x128xi32, #tpu.memory_space<vmem>>
          %dma_start3A_254 = tpu.memref_squeeze %dma_start3A_253 : memref<1x128xi32, #tpu.memory_space<vmem>> -> memref<128xi32, #tpu.memory_space<vmem>>
          %dma_start3A_255 = arith.constant 0 : i32
          %dma_start3A_256 = tpu.memref_slice %arg14[%dma_start3A_255] : memref<400384xf32, #tpu.memory_space<vmem_shared>> -> memref<400384xf32, #tpu.memory_space<vmem_shared>>
          tpu.enqueue_indirect_dma source(%arg11 : memref<128xf32, #tpu.memory_space<vmem>>) target(%dma_start3A_256 : memref<400384xf32, #tpu.memory_space<vmem_shared>>) offsets(%dma_start3A_254 : memref<128xi32, #tpu.memory_space<vmem>>) semaphore(%run_scoped3A_252 : memref<!tpu.dma_semaphore, #tpu.memory_space<semaphore_mem>>) {add = true}
          %dma_wait3A = arith.constant 0 : i32
          %dma_wait3A_257 = tpu.memref_slice %arg10[%run_scoped3A_251, %dma_wait3A] : memref<8x128xi32, #tpu.memory_space<vmem>> -> memref<1x128xi32, #tpu.memory_space<vmem>>
          %dma_wait3A_258 = tpu.memref_squeeze %dma_wait3A_257 : memref<1x128xi32, #tpu.memory_space<vmem>> -> memref<128xi32, #tpu.memory_space<vmem>>
          %dma_wait3A_259 = arith.constant 0 : i32
          %dma_wait3A_260 = tpu.memref_slice %arg14[%dma_wait3A_259] : memref<400384xf32, #tpu.memory_space<vmem_shared>> -> memref<400384xf32, #tpu.memory_space<vmem_shared>>
          tpu.wait_indirect_dma semaphore(%run_scoped3A_252 : memref<!tpu.dma_semaphore, #tpu.memory_space<semaphore_mem>>) src(%arg11 : memref<128xf32, #tpu.memory_space<vmem>>) dst(%dma_wait3A_260 : memref<400384xf32, #tpu.memory_space<vmem_shared>>)
          tpu.yield
        }) : () -> ()
      } else {
      }
    }
    %scan3A_155 = arith.constant 7 : i32
    %barrier3A_156 = arith.constant 0 : index
    tpu.barrier barrier_id(%barrier3A_156)
    "tpu.region"() ({
      %run_scoped3A = tpu.sem_alloc : memref<!tpu.dma_semaphore, #tpu.memory_space<semaphore_mem>>
      %dma_start3A = tpu.memref_slice %arg14[%mul3A_16] : memref<400384xf32, #tpu.memory_space<vmem_shared>> -> memref<25024xf32, #tpu.memory_space<vmem_shared>>
      %dma_start3A_197 = tpu.memref_slice %arg14[%mul3A_16] : memref<400384xf32, #tpu.memory_space<vmem_shared>> -> memref<25024xf32, #tpu.memory_space<vmem_shared>>
      tpu.enqueue_dma source(%dma_start3A_197 : memref<25024xf32, #tpu.memory_space<vmem_shared>>) target(%arg13 : memref<25024xf32, #tpu.memory_space<vmem>>) target_semaphore(%run_scoped3A : memref<!tpu.dma_semaphore, #tpu.memory_space<semaphore_mem>>)
      %dma_wait3A = tpu.memref_slice %arg14[%mul3A_16] : memref<400384xf32, #tpu.memory_space<vmem_shared>> -> memref<25024xf32, #tpu.memory_space<vmem_shared>>
      %dma_wait3A_198 = tpu.memref_slice %arg14[%mul3A_16] : memref<400384xf32, #tpu.memory_space<vmem_shared>> -> memref<25024xf32, #tpu.memory_space<vmem_shared>>
      tpu.wait_dma2 semaphore(%run_scoped3A : memref<!tpu.dma_semaphore, #tpu.memory_space<semaphore_mem>>) src(%dma_wait3A_198 : memref<25024xf32, #tpu.memory_space<vmem_shared>>) dst(%arg13 : memref<25024xf32, #tpu.memory_space<vmem>>)
      tpu.yield
    }) : () -> ()
    %mul3A_157 = arith.constant 6 : i32
    %mul3A_158 = arith.muli %arg0, %mul3A_157 : i32
    %add3A_159 = arith.constant 4 : i32
    %add3A_160 = arith.addi %mul3A_158, %add3A_159 : i32
    %mul3A_161 = arith.constant 50048 : i32
    %mul3A_162 = arith.muli %add3A_160, %mul3A_161 : i32
    %mul3A_163 = arith.constant 8 : i32
    %mul3A_164 = arith.muli %mul3A_162, %mul3A_163 : i32
    %add3A_165 = arith.addi %mul3A_164, %mul3A_16 : i32
    "tpu.region"() ({
      %run_scoped3A = tpu.sem_alloc : memref<!tpu.dma_semaphore, #tpu.memory_space<semaphore_mem>>
      %dma_start3A = tpu.memref_slice %arg8[%add3A_165] : memref<4804608xf32, #tpu.memory_space<hbm>> -> memref<25024xf32, #tpu.memory_space<hbm>>
      %dma_start3A_197 = tpu.memref_slice %arg8[%add3A_165] : memref<4804608xf32, #tpu.memory_space<hbm>> -> memref<25024xf32, #tpu.memory_space<hbm>>
      tpu.enqueue_dma source(%arg13 : memref<25024xf32, #tpu.memory_space<vmem>>) target(%dma_start3A_197 : memref<25024xf32, #tpu.memory_space<hbm>>) target_semaphore(%run_scoped3A : memref<!tpu.dma_semaphore, #tpu.memory_space<semaphore_mem>>)
      %dma_wait3A = tpu.memref_slice %arg8[%add3A_165] : memref<4804608xf32, #tpu.memory_space<hbm>> -> memref<25024xf32, #tpu.memory_space<hbm>>
      %dma_wait3A_198 = tpu.memref_slice %arg8[%add3A_165] : memref<4804608xf32, #tpu.memory_space<hbm>> -> memref<25024xf32, #tpu.memory_space<hbm>>
      tpu.wait_dma2 semaphore(%run_scoped3A : memref<!tpu.dma_semaphore, #tpu.memory_space<semaphore_mem>>) src(%arg13 : memref<25024xf32, #tpu.memory_space<vmem>>) dst(%dma_wait3A_198 : memref<25024xf32, #tpu.memory_space<hbm>>)
      tpu.yield
    }) : () -> ()
    %add3A_166 = arith.constant 0 : i32
    %add3A_167 = arith.addi %mul3A_16, %add3A_166 : i32
    "tpu.region"() ({
      %run_scoped3A = tpu.sem_alloc : memref<!tpu.dma_semaphore, #tpu.memory_space<semaphore_mem>>
      %dma_start3A = tpu.memref_slice %arg14[%add3A_167] : memref<400384xf32, #tpu.memory_space<vmem_shared>> -> memref<4096xf32, #tpu.memory_space<vmem_shared>>
      %dma_start3A_197 = tpu.memref_slice %arg14[%add3A_167] : memref<400384xf32, #tpu.memory_space<vmem_shared>> -> memref<4096xf32, #tpu.memory_space<vmem_shared>>
      tpu.enqueue_dma source(%arg12 : memref<4096xf32, #tpu.memory_space<vmem>>) target(%dma_start3A_197 : memref<4096xf32, #tpu.memory_space<vmem_shared>>) target_semaphore(%run_scoped3A : memref<!tpu.dma_semaphore, #tpu.memory_space<semaphore_mem>>)
      %dma_wait3A = tpu.memref_slice %arg14[%add3A_167] : memref<400384xf32, #tpu.memory_space<vmem_shared>> -> memref<4096xf32, #tpu.memory_space<vmem_shared>>
      %dma_wait3A_198 = tpu.memref_slice %arg14[%add3A_167] : memref<400384xf32, #tpu.memory_space<vmem_shared>> -> memref<4096xf32, #tpu.memory_space<vmem_shared>>
      tpu.wait_dma2 semaphore(%run_scoped3A : memref<!tpu.dma_semaphore, #tpu.memory_space<semaphore_mem>>) src(%arg12 : memref<4096xf32, #tpu.memory_space<vmem>>) dst(%dma_wait3A_198 : memref<4096xf32, #tpu.memory_space<vmem_shared>>)
      tpu.yield
    }) : () -> ()
    %add3A_168 = arith.constant 4096 : i32
    %add3A_169 = arith.addi %mul3A_16, %add3A_168 : i32
    "tpu.region"() ({
      %run_scoped3A = tpu.sem_alloc : memref<!tpu.dma_semaphore, #tpu.memory_space<semaphore_mem>>
      %dma_start3A = tpu.memref_slice %arg14[%add3A_169] : memref<400384xf32, #tpu.memory_space<vmem_shared>> -> memref<4096xf32, #tpu.memory_space<vmem_shared>>
      %dma_start3A_197 = tpu.memref_slice %arg14[%add3A_169] : memref<400384xf32, #tpu.memory_space<vmem_shared>> -> memref<4096xf32, #tpu.memory_space<vmem_shared>>
      tpu.enqueue_dma source(%arg12 : memref<4096xf32, #tpu.memory_space<vmem>>) target(%dma_start3A_197 : memref<4096xf32, #tpu.memory_space<vmem_shared>>) target_semaphore(%run_scoped3A : memref<!tpu.dma_semaphore, #tpu.memory_space<semaphore_mem>>)
      %dma_wait3A = tpu.memref_slice %arg14[%add3A_169] : memref<400384xf32, #tpu.memory_space<vmem_shared>> -> memref<4096xf32, #tpu.memory_space<vmem_shared>>
      %dma_wait3A_198 = tpu.memref_slice %arg14[%add3A_169] : memref<400384xf32, #tpu.memory_space<vmem_shared>> -> memref<4096xf32, #tpu.memory_space<vmem_shared>>
      tpu.wait_dma2 semaphore(%run_scoped3A : memref<!tpu.dma_semaphore, #tpu.memory_space<semaphore_mem>>) src(%arg12 : memref<4096xf32, #tpu.memory_space<vmem>>) dst(%dma_wait3A_198 : memref<4096xf32, #tpu.memory_space<vmem_shared>>)
      tpu.yield
    }) : () -> ()
    %add3A_170 = arith.constant 8192 : i32
    %add3A_171 = arith.addi %mul3A_16, %add3A_170 : i32
    "tpu.region"() ({
      %run_scoped3A = tpu.sem_alloc : memref<!tpu.dma_semaphore, #tpu.memory_space<semaphore_mem>>
      %dma_start3A = tpu.memref_slice %arg14[%add3A_171] : memref<400384xf32, #tpu.memory_space<vmem_shared>> -> memref<4096xf32, #tpu.memory_space<vmem_shared>>
      %dma_start3A_197 = tpu.memref_slice %arg14[%add3A_171] : memref<400384xf32, #tpu.memory_space<vmem_shared>> -> memref<4096xf32, #tpu.memory_space<vmem_shared>>
      tpu.enqueue_dma source(%arg12 : memref<4096xf32, #tpu.memory_space<vmem>>) target(%dma_start3A_197 : memref<4096xf32, #tpu.memory_space<vmem_shared>>) target_semaphore(%run_scoped3A : memref<!tpu.dma_semaphore, #tpu.memory_space<semaphore_mem>>)
      %dma_wait3A = tpu.memref_slice %arg14[%add3A_171] : memref<400384xf32, #tpu.memory_space<vmem_shared>> -> memref<4096xf32, #tpu.memory_space<vmem_shared>>
      %dma_wait3A_198 = tpu.memref_slice %arg14[%add3A_171] : memref<400384xf32, #tpu.memory_space<vmem_shared>> -> memref<4096xf32, #tpu.memory_space<vmem_shared>>
      tpu.wait_dma2 semaphore(%run_scoped3A : memref<!tpu.dma_semaphore, #tpu.memory_space<semaphore_mem>>) src(%arg12 : memref<4096xf32, #tpu.memory_space<vmem>>) dst(%dma_wait3A_198 : memref<4096xf32, #tpu.memory_space<vmem_shared>>)
      tpu.yield
    }) : () -> ()
    %add3A_172 = arith.constant 12288 : i32
    %add3A_173 = arith.addi %mul3A_16, %add3A_172 : i32
    "tpu.region"() ({
      %run_scoped3A = tpu.sem_alloc : memref<!tpu.dma_semaphore, #tpu.memory_space<semaphore_mem>>
      %dma_start3A = tpu.memref_slice %arg14[%add3A_173] : memref<400384xf32, #tpu.memory_space<vmem_shared>> -> memref<4096xf32, #tpu.memory_space<vmem_shared>>
      %dma_start3A_197 = tpu.memref_slice %arg14[%add3A_173] : memref<400384xf32, #tpu.memory_space<vmem_shared>> -> memref<4096xf32, #tpu.memory_space<vmem_shared>>
      tpu.enqueue_dma source(%arg12 : memref<4096xf32, #tpu.memory_space<vmem>>) target(%dma_start3A_197 : memref<4096xf32, #tpu.memory_space<vmem_shared>>) target_semaphore(%run_scoped3A : memref<!tpu.dma_semaphore, #tpu.memory_space<semaphore_mem>>)
      %dma_wait3A = tpu.memref_slice %arg14[%add3A_173] : memref<400384xf32, #tpu.memory_space<vmem_shared>> -> memref<4096xf32, #tpu.memory_space<vmem_shared>>
      %dma_wait3A_198 = tpu.memref_slice %arg14[%add3A_173] : memref<400384xf32, #tpu.memory_space<vmem_shared>> -> memref<4096xf32, #tpu.memory_space<vmem_shared>>
      tpu.wait_dma2 semaphore(%run_scoped3A : memref<!tpu.dma_semaphore, #tpu.memory_space<semaphore_mem>>) src(%arg12 : memref<4096xf32, #tpu.memory_space<vmem>>) dst(%dma_wait3A_198 : memref<4096xf32, #tpu.memory_space<vmem_shared>>)
      tpu.yield
    }) : () -> ()
    %add3A_174 = arith.constant 16384 : i32
    %add3A_175 = arith.addi %mul3A_16, %add3A_174 : i32
    "tpu.region"() ({
      %run_scoped3A = tpu.sem_alloc : memref<!tpu.dma_semaphore, #tpu.memory_space<semaphore_mem>>
      %dma_start3A = tpu.memref_slice %arg14[%add3A_175] : memref<400384xf32, #tpu.memory_space<vmem_shared>> -> memref<4096xf32, #tpu.memory_space<vmem_shared>>
      %dma_start3A_197 = tpu.memref_slice %arg14[%add3A_175] : memref<400384xf32, #tpu.memory_space<vmem_shared>> -> memref<4096xf32, #tpu.memory_space<vmem_shared>>
      tpu.enqueue_dma source(%arg12 : memref<4096xf32, #tpu.memory_space<vmem>>) target(%dma_start3A_197 : memref<4096xf32, #tpu.memory_space<vmem_shared>>) target_semaphore(%run_scoped3A : memref<!tpu.dma_semaphore, #tpu.memory_space<semaphore_mem>>)
      %dma_wait3A = tpu.memref_slice %arg14[%add3A_175] : memref<400384xf32, #tpu.memory_space<vmem_shared>> -> memref<4096xf32, #tpu.memory_space<vmem_shared>>
      %dma_wait3A_198 = tpu.memref_slice %arg14[%add3A_175] : memref<400384xf32, #tpu.memory_space<vmem_shared>> -> memref<4096xf32, #tpu.memory_space<vmem_shared>>
      tpu.wait_dma2 semaphore(%run_scoped3A : memref<!tpu.dma_semaphore, #tpu.memory_space<semaphore_mem>>) src(%arg12 : memref<4096xf32, #tpu.memory_space<vmem>>) dst(%dma_wait3A_198 : memref<4096xf32, #tpu.memory_space<vmem_shared>>)
      tpu.yield
    }) : () -> ()
    %add3A_176 = arith.constant 20480 : i32
    %add3A_177 = arith.addi %mul3A_16, %add3A_176 : i32
    "tpu.region"() ({
      %run_scoped3A = tpu.sem_alloc : memref<!tpu.dma_semaphore, #tpu.memory_space<semaphore_mem>>
      %dma_start3A = tpu.memref_slice %arg14[%add3A_177] : memref<400384xf32, #tpu.memory_space<vmem_shared>> -> memref<4096xf32, #tpu.memory_space<vmem_shared>>
      %dma_start3A_197 = tpu.memref_slice %arg14[%add3A_177] : memref<400384xf32, #tpu.memory_space<vmem_shared>> -> memref<4096xf32, #tpu.memory_space<vmem_shared>>
      tpu.enqueue_dma source(%arg12 : memref<4096xf32, #tpu.memory_space<vmem>>) target(%dma_start3A_197 : memref<4096xf32, #tpu.memory_space<vmem_shared>>) target_semaphore(%run_scoped3A : memref<!tpu.dma_semaphore, #tpu.memory_space<semaphore_mem>>)
      %dma_wait3A = tpu.memref_slice %arg14[%add3A_177] : memref<400384xf32, #tpu.memory_space<vmem_shared>> -> memref<4096xf32, #tpu.memory_space<vmem_shared>>
      %dma_wait3A_198 = tpu.memref_slice %arg14[%add3A_177] : memref<400384xf32, #tpu.memory_space<vmem_shared>> -> memref<4096xf32, #tpu.memory_space<vmem_shared>>
      tpu.wait_dma2 semaphore(%run_scoped3A : memref<!tpu.dma_semaphore, #tpu.memory_space<semaphore_mem>>) src(%arg12 : memref<4096xf32, #tpu.memory_space<vmem>>) dst(%dma_wait3A_198 : memref<4096xf32, #tpu.memory_space<vmem_shared>>)
      tpu.yield
    }) : () -> ()
    %add3A_178 = arith.constant 24576 : i32
    %add3A_179 = arith.addi %mul3A_16, %add3A_178 : i32
    "tpu.region"() ({
      %run_scoped3A = tpu.sem_alloc : memref<!tpu.dma_semaphore, #tpu.memory_space<semaphore_mem>>
      %dma_start3A = arith.constant 0 : i32
      %dma_start3A_197 = tpu.memref_slice %arg12[%dma_start3A] : memref<4096xf32, #tpu.memory_space<vmem>> -> memref<448xf32, #tpu.memory_space<vmem>>
      %dma_start3A_198 = tpu.memref_slice %arg14[%add3A_179] : memref<400384xf32, #tpu.memory_space<vmem_shared>> -> memref<448xf32, #tpu.memory_space<vmem_shared>>
      %dma_start3A_199 = tpu.memref_slice %arg14[%add3A_179] : memref<400384xf32, #tpu.memory_space<vmem_shared>> -> memref<448xf32, #tpu.memory_space<vmem_shared>>
      %dma_start3A_200 = arith.constant 0 : i32
      %dma_start3A_201 = tpu.memref_slice %arg12[%dma_start3A_200] : memref<4096xf32, #tpu.memory_space<vmem>> -> memref<448xf32, #tpu.memory_space<vmem>>
      tpu.enqueue_dma source(%dma_start3A_201 : memref<448xf32, #tpu.memory_space<vmem>>) target(%dma_start3A_199 : memref<448xf32, #tpu.memory_space<vmem_shared>>) target_semaphore(%run_scoped3A : memref<!tpu.dma_semaphore, #tpu.memory_space<semaphore_mem>>)
      %dma_wait3A = arith.constant 0 : i32
      %dma_wait3A_202 = tpu.memref_slice %arg12[%dma_wait3A] : memref<4096xf32, #tpu.memory_space<vmem>> -> memref<448xf32, #tpu.memory_space<vmem>>
      %dma_wait3A_203 = tpu.memref_slice %arg14[%add3A_179] : memref<400384xf32, #tpu.memory_space<vmem_shared>> -> memref<448xf32, #tpu.memory_space<vmem_shared>>
      %dma_wait3A_204 = tpu.memref_slice %arg14[%add3A_179] : memref<400384xf32, #tpu.memory_space<vmem_shared>> -> memref<448xf32, #tpu.memory_space<vmem_shared>>
      %dma_wait3A_205 = arith.constant 0 : i32
      %dma_wait3A_206 = tpu.memref_slice %arg12[%dma_wait3A_205] : memref<4096xf32, #tpu.memory_space<vmem>> -> memref<448xf32, #tpu.memory_space<vmem>>
      tpu.wait_dma2 semaphore(%run_scoped3A : memref<!tpu.dma_semaphore, #tpu.memory_space<semaphore_mem>>) src(%dma_wait3A_206 : memref<448xf32, #tpu.memory_space<vmem>>) dst(%dma_wait3A_204 : memref<448xf32, #tpu.memory_space<vmem_shared>>)
      tpu.yield
    }) : () -> ()
    %barrier3A_180 = arith.constant 0 : index
    tpu.barrier barrier_id(%barrier3A_180)
    %scan3A_181 = arith.constant 0 : i32
    %scan3A_182 = arith.constant 7 : i32
    %scan3A_183 = arith.addi %scan3A_181, %scan3A_182 : i32
    %scan3A_184 = arith.constant 1 : i32
    scf.for %scan3A_197 = %scan3A_181 to %scan3A_183 step %scan3A_184  : i32 {
      %mul3A_198 = arith.constant 32 : i32
      %mul3A_199 = arith.muli %mul3A_198, %scan3A_197 : i32
      %add3A_200 = arith.addi %add3A, %mul3A_199 : i32
      %lt3A = arith.constant 196 : i32
      %lt3A_201 = arith.cmpi slt, %add3A_200, %lt3A : i32
      %convert_element_type3A = arith.extui %lt3A_201 : i1 to i32
      %cond3A = arith.constant 0 : i32
      %cond3A_202 = arith.cmpi ne, %convert_element_type3A, %cond3A : i32
      scf.if %cond3A_202 {
        %mul3A_203 = arith.constant 8 : i32
        %mul3A_204 = arith.muli %add3A_200, %mul3A_203 : i32
        "tpu.region"() ({
          %run_scoped3A_252 = tpu.sem_alloc : memref<!tpu.dma_semaphore, #tpu.memory_space<semaphore_mem>>
          %dma_start3A = arith.constant 0 : i32
          %dma_start3A_253 = tpu.memref_slice %arg7[%mul3A_204, %dma_start3A] : memref<1568x128xi32, #tpu.memory_space<hbm>> -> memref<8x128xi32, #tpu.memory_space<hbm>>
          %dma_start3A_254 = arith.constant 0 : i32
          %dma_start3A_255 = tpu.memref_slice %arg7[%mul3A_204, %dma_start3A_254] : memref<1568x128xi32, #tpu.memory_space<hbm>> -> memref<8x128xi32, #tpu.memory_space<hbm>>
          tpu.enqueue_dma source(%dma_start3A_255 : memref<8x128xi32, #tpu.memory_space<hbm>>) target(%arg9 : memref<8x128xi32, #tpu.memory_space<vmem>>) target_semaphore(%run_scoped3A_252 : memref<!tpu.dma_semaphore, #tpu.memory_space<semaphore_mem>>)
          %dma_wait3A = arith.constant 0 : i32
          %dma_wait3A_256 = tpu.memref_slice %arg7[%mul3A_204, %dma_wait3A] : memref<1568x128xi32, #tpu.memory_space<hbm>> -> memref<8x128xi32, #tpu.memory_space<hbm>>
          %dma_wait3A_257 = arith.constant 0 : i32
          %dma_wait3A_258 = tpu.memref_slice %arg7[%mul3A_204, %dma_wait3A_257] : memref<1568x128xi32, #tpu.memory_space<hbm>> -> memref<8x128xi32, #tpu.memory_space<hbm>>
          tpu.wait_dma2 semaphore(%run_scoped3A_252 : memref<!tpu.dma_semaphore, #tpu.memory_space<semaphore_mem>>) src(%dma_wait3A_258 : memref<8x128xi32, #tpu.memory_space<hbm>>) dst(%arg9 : memref<8x128xi32, #tpu.memory_space<vmem>>)
          tpu.yield
        }) : () -> ()
        %scan3A_205 = arith.constant 0 : i32
        %scan3A_206 = arith.constant 8 : i32
        %scan3A_207 = arith.addi %scan3A_205, %scan3A_206 : i32
        %scan3A_208 = arith.constant 1 : i32
        scf.for %scan3A_252 = %scan3A_205 to %scan3A_207 step %scan3A_208  : i32 {
          %mul3A_253 = arith.constant 16 : i32
          %mul3A_254 = arith.muli %scan3A_252, %mul3A_253 : i32
          %get3A = arith.constant 0 : i32
          %get3A_255 = arith.index_cast %get3A : i32 to index
          %get3A_256 = arith.index_cast %mul3A_254 : i32 to index
          %get3A_257 = tpu.vector_load %arg9[%get3A_255, %get3A_256] {strides = array<i32>} : memref<8x128xi32, #tpu.memory_space<vmem>>, vector<1x16xi32>,
          %get3A_258 = vector.shape_cast %get3A_257 : vector<1x16xi32> to vector<16xi32>
          %mul3A_259 = arith.constant 8 : i32
          %mul3A_260 = vector.broadcast %mul3A_259 : i32 to vector<16xi32>
          %mul3A_261 = arith.muli %get3A_258, %mul3A_260 : vector<16xi32>
          %swap3A = arith.constant 0 : i32
          %swap3A_262 = arith.index_cast %swap3A : i32 to index
          %swap3A_263 = arith.index_cast %mul3A_254 : i32 to index
          %swap3A_264 = tpu.vector_load %arg10[%swap3A_262, %swap3A_263] {strides = array<i32>} : memref<8x128xi32, #tpu.memory_space<vmem>>, vector<1x16xi32>,
          %swap3A_265 = vector.shape_cast %swap3A_264 : vector<1x16xi32> to vector<16xi32>
          %swap3A_266 = vector.shape_cast %mul3A_261 : vector<16xi32> to vector<1x16xi32>
          tpu.vector_store %arg10[%swap3A_262, %swap3A_263], %swap3A_266 {strides = array<i32>} : memref<8x128xi32, #tpu.memory_space<vmem>>, vector<1x16xi32>,
        }
        %scan3A_209 = arith.constant 8 : i32
        %run_scoped3A = arith.constant 0 : i32
        "tpu.region"() ({
          %run_scoped3A_252 = tpu.sem_alloc : memref<!tpu.dma_semaphore, #tpu.memory_space<semaphore_mem>>
          %dma_start3A = arith.constant 0 : i32
          %dma_start3A_253 = tpu.memref_slice %arg10[%run_scoped3A, %dma_start3A] : memref<8x128xi32, #tpu.memory_space<vmem>> -> memref<1x128xi32, #tpu.memory_space<vmem>>
          %dma_start3A_254 = tpu.memref_squeeze %dma_start3A_253 : memref<1x128xi32, #tpu.memory_space<vmem>> -> memref<128xi32, #tpu.memory_space<vmem>>
          %dma_start3A_255 = arith.constant 0 : i32
          %dma_start3A_256 = tpu.memref_slice %arg14[%dma_start3A_255] : memref<400384xf32, #tpu.memory_space<vmem_shared>> -> memref<400384xf32, #tpu.memory_space<vmem_shared>>
          tpu.enqueue_indirect_dma source(%arg11 : memref<128xf32, #tpu.memory_space<vmem>>) target(%dma_start3A_256 : memref<400384xf32, #tpu.memory_space<vmem_shared>>) offsets(%dma_start3A_254 : memref<128xi32, #tpu.memory_space<vmem>>) semaphore(%run_scoped3A_252 : memref<!tpu.dma_semaphore, #tpu.memory_space<semaphore_mem>>) {add = true}
          %dma_wait3A = arith.constant 0 : i32
          %dma_wait3A_257 = tpu.memref_slice %arg10[%run_scoped3A, %dma_wait3A] : memref<8x128xi32, #tpu.memory_space<vmem>> -> memref<1x128xi32, #tpu.memory_space<vmem>>
          %dma_wait3A_258 = tpu.memref_squeeze %dma_wait3A_257 : memref<1x128xi32, #tpu.memory_space<vmem>> -> memref<128xi32, #tpu.memory_space<vmem>>
          %dma_wait3A_259 = arith.constant 0 : i32
          %dma_wait3A_260 = tpu.memref_slice %arg14[%dma_wait3A_259] : memref<400384xf32, #tpu.memory_space<vmem_shared>> -> memref<400384xf32, #tpu.memory_space<vmem_shared>>
          tpu.wait_indirect_dma semaphore(%run_scoped3A_252 : memref<!tpu.dma_semaphore, #tpu.memory_space<semaphore_mem>>) src(%arg11 : memref<128xf32, #tpu.memory_space<vmem>>) dst(%dma_wait3A_260 : memref<400384xf32, #tpu.memory_space<vmem_shared>>)
          tpu.yield
        }) : () -> ()
        %scan3A_210 = arith.constant 0 : i32
        %scan3A_211 = arith.constant 8 : i32
        %scan3A_212 = arith.addi %scan3A_210, %scan3A_211 : i32
        %scan3A_213 = arith.constant 1 : i32
        scf.for %scan3A_252 = %scan3A_210 to %scan3A_212 step %scan3A_213  : i32 {
          %mul3A_253 = arith.constant 16 : i32
          %mul3A_254 = arith.muli %scan3A_252, %mul3A_253 : i32
          %get3A = arith.constant 1 : i32
          %get3A_255 = arith.index_cast %get3A : i32 to index
          %get3A_256 = arith.index_cast %mul3A_254 : i32 to index
          %get3A_257 = tpu.vector_load %arg9[%get3A_255, %get3A_256] {strides = array<i32>} : memref<8x128xi32, #tpu.memory_space<vmem>>, vector<1x16xi32>,
          %get3A_258 = vector.shape_cast %get3A_257 : vector<1x16xi32> to vector<16xi32>
          %mul3A_259 = arith.constant 8 : i32
          %mul3A_260 = vector.broadcast %mul3A_259 : i32 to vector<16xi32>
          %mul3A_261 = arith.muli %get3A_258, %mul3A_260 : vector<16xi32>
          %swap3A = arith.constant 1 : i32
          %swap3A_262 = arith.index_cast %swap3A : i32 to index
          %swap3A_263 = arith.index_cast %mul3A_254 : i32 to index
          %swap3A_264 = tpu.vector_load %arg10[%swap3A_262, %swap3A_263] {strides = array<i32>} : memref<8x128xi32, #tpu.memory_space<vmem>>, vector<1x16xi32>,
          %swap3A_265 = vector.shape_cast %swap3A_264 : vector<1x16xi32> to vector<16xi32>
          %swap3A_266 = vector.shape_cast %mul3A_261 : vector<16xi32> to vector<1x16xi32>
          tpu.vector_store %arg10[%swap3A_262, %swap3A_263], %swap3A_266 {strides = array<i32>} : memref<8x128xi32, #tpu.memory_space<vmem>>, vector<1x16xi32>,
        }
        %scan3A_214 = arith.constant 8 : i32
        %run_scoped3A_215 = arith.constant 1 : i32
        "tpu.region"() ({
          %run_scoped3A_252 = tpu.sem_alloc : memref<!tpu.dma_semaphore, #tpu.memory_space<semaphore_mem>>
          %dma_start3A = arith.constant 0 : i32
          %dma_start3A_253 = tpu.memref_slice %arg10[%run_scoped3A_215, %dma_start3A] : memref<8x128xi32, #tpu.memory_space<vmem>> -> memref<1x128xi32, #tpu.memory_space<vmem>>
          %dma_start3A_254 = tpu.memref_squeeze %dma_start3A_253 : memref<1x128xi32, #tpu.memory_space<vmem>> -> memref<128xi32, #tpu.memory_space<vmem>>
          %dma_start3A_255 = arith.constant 0 : i32
          %dma_start3A_256 = tpu.memref_slice %arg14[%dma_start3A_255] : memref<400384xf32, #tpu.memory_space<vmem_shared>> -> memref<400384xf32, #tpu.memory_space<vmem_shared>>
          tpu.enqueue_indirect_dma source(%arg11 : memref<128xf32, #tpu.memory_space<vmem>>) target(%dma_start3A_256 : memref<400384xf32, #tpu.memory_space<vmem_shared>>) offsets(%dma_start3A_254 : memref<128xi32, #tpu.memory_space<vmem>>) semaphore(%run_scoped3A_252 : memref<!tpu.dma_semaphore, #tpu.memory_space<semaphore_mem>>) {add = true}
          %dma_wait3A = arith.constant 0 : i32
          %dma_wait3A_257 = tpu.memref_slice %arg10[%run_scoped3A_215, %dma_wait3A] : memref<8x128xi32, #tpu.memory_space<vmem>> -> memref<1x128xi32, #tpu.memory_space<vmem>>
          %dma_wait3A_258 = tpu.memref_squeeze %dma_wait3A_257 : memref<1x128xi32, #tpu.memory_space<vmem>> -> memref<128xi32, #tpu.memory_space<vmem>>
          %dma_wait3A_259 = arith.constant 0 : i32
          %dma_wait3A_260 = tpu.memref_slice %arg14[%dma_wait3A_259] : memref<400384xf32, #tpu.memory_space<vmem_shared>> -> memref<400384xf32, #tpu.memory_space<vmem_shared>>
          tpu.wait_indirect_dma semaphore(%run_scoped3A_252 : memref<!tpu.dma_semaphore, #tpu.memory_space<semaphore_mem>>) src(%arg11 : memref<128xf32, #tpu.memory_space<vmem>>) dst(%dma_wait3A_260 : memref<400384xf32, #tpu.memory_space<vmem_shared>>)
          tpu.yield
        }) : () -> ()
        %scan3A_216 = arith.constant 0 : i32
        %scan3A_217 = arith.constant 8 : i32
        %scan3A_218 = arith.addi %scan3A_216, %scan3A_217 : i32
        %scan3A_219 = arith.constant 1 : i32
        scf.for %scan3A_252 = %scan3A_216 to %scan3A_218 step %scan3A_219  : i32 {
          %mul3A_253 = arith.constant 16 : i32
          %mul3A_254 = arith.muli %scan3A_252, %mul3A_253 : i32
          %get3A = arith.constant 2 : i32
          %get3A_255 = arith.index_cast %get3A : i32 to index
          %get3A_256 = arith.index_cast %mul3A_254 : i32 to index
          %get3A_257 = tpu.vector_load %arg9[%get3A_255, %get3A_256] {strides = array<i32>} : memref<8x128xi32, #tpu.memory_space<vmem>>, vector<1x16xi32>,
          %get3A_258 = vector.shape_cast %get3A_257 : vector<1x16xi32> to vector<16xi32>
          %mul3A_259 = arith.constant 8 : i32
          %mul3A_260 = vector.broadcast %mul3A_259 : i32 to vector<16xi32>
          %mul3A_261 = arith.muli %get3A_258, %mul3A_260 : vector<16xi32>
          %swap3A = arith.constant 2 : i32
          %swap3A_262 = arith.index_cast %swap3A : i32 to index
          %swap3A_263 = arith.index_cast %mul3A_254 : i32 to index
          %swap3A_264 = tpu.vector_load %arg10[%swap3A_262, %swap3A_263] {strides = array<i32>} : memref<8x128xi32, #tpu.memory_space<vmem>>, vector<1x16xi32>,
          %swap3A_265 = vector.shape_cast %swap3A_264 : vector<1x16xi32> to vector<16xi32>
          %swap3A_266 = vector.shape_cast %mul3A_261 : vector<16xi32> to vector<1x16xi32>
          tpu.vector_store %arg10[%swap3A_262, %swap3A_263], %swap3A_266 {strides = array<i32>} : memref<8x128xi32, #tpu.memory_space<vmem>>, vector<1x16xi32>,
        }
        %scan3A_220 = arith.constant 8 : i32
        %run_scoped3A_221 = arith.constant 2 : i32
        "tpu.region"() ({
          %run_scoped3A_252 = tpu.sem_alloc : memref<!tpu.dma_semaphore, #tpu.memory_space<semaphore_mem>>
          %dma_start3A = arith.constant 0 : i32
          %dma_start3A_253 = tpu.memref_slice %arg10[%run_scoped3A_221, %dma_start3A] : memref<8x128xi32, #tpu.memory_space<vmem>> -> memref<1x128xi32, #tpu.memory_space<vmem>>
          %dma_start3A_254 = tpu.memref_squeeze %dma_start3A_253 : memref<1x128xi32, #tpu.memory_space<vmem>> -> memref<128xi32, #tpu.memory_space<vmem>>
          %dma_start3A_255 = arith.constant 0 : i32
          %dma_start3A_256 = tpu.memref_slice %arg14[%dma_start3A_255] : memref<400384xf32, #tpu.memory_space<vmem_shared>> -> memref<400384xf32, #tpu.memory_space<vmem_shared>>
          tpu.enqueue_indirect_dma source(%arg11 : memref<128xf32, #tpu.memory_space<vmem>>) target(%dma_start3A_256 : memref<400384xf32, #tpu.memory_space<vmem_shared>>) offsets(%dma_start3A_254 : memref<128xi32, #tpu.memory_space<vmem>>) semaphore(%run_scoped3A_252 : memref<!tpu.dma_semaphore, #tpu.memory_space<semaphore_mem>>) {add = true}
          %dma_wait3A = arith.constant 0 : i32
          %dma_wait3A_257 = tpu.memref_slice %arg10[%run_scoped3A_221, %dma_wait3A] : memref<8x128xi32, #tpu.memory_space<vmem>> -> memref<1x128xi32, #tpu.memory_space<vmem>>
          %dma_wait3A_258 = tpu.memref_squeeze %dma_wait3A_257 : memref<1x128xi32, #tpu.memory_space<vmem>> -> memref<128xi32, #tpu.memory_space<vmem>>
          %dma_wait3A_259 = arith.constant 0 : i32
          %dma_wait3A_260 = tpu.memref_slice %arg14[%dma_wait3A_259] : memref<400384xf32, #tpu.memory_space<vmem_shared>> -> memref<400384xf32, #tpu.memory_space<vmem_shared>>
          tpu.wait_indirect_dma semaphore(%run_scoped3A_252 : memref<!tpu.dma_semaphore, #tpu.memory_space<semaphore_mem>>) src(%arg11 : memref<128xf32, #tpu.memory_space<vmem>>) dst(%dma_wait3A_260 : memref<400384xf32, #tpu.memory_space<vmem_shared>>)
          tpu.yield
        }) : () -> ()
        %scan3A_222 = arith.constant 0 : i32
        %scan3A_223 = arith.constant 8 : i32
        %scan3A_224 = arith.addi %scan3A_222, %scan3A_223 : i32
        %scan3A_225 = arith.constant 1 : i32
        scf.for %scan3A_252 = %scan3A_222 to %scan3A_224 step %scan3A_225  : i32 {
          %mul3A_253 = arith.constant 16 : i32
          %mul3A_254 = arith.muli %scan3A_252, %mul3A_253 : i32
          %get3A = arith.constant 3 : i32
          %get3A_255 = arith.index_cast %get3A : i32 to index
          %get3A_256 = arith.index_cast %mul3A_254 : i32 to index
          %get3A_257 = tpu.vector_load %arg9[%get3A_255, %get3A_256] {strides = array<i32>} : memref<8x128xi32, #tpu.memory_space<vmem>>, vector<1x16xi32>,
          %get3A_258 = vector.shape_cast %get3A_257 : vector<1x16xi32> to vector<16xi32>
          %mul3A_259 = arith.constant 8 : i32
          %mul3A_260 = vector.broadcast %mul3A_259 : i32 to vector<16xi32>
          %mul3A_261 = arith.muli %get3A_258, %mul3A_260 : vector<16xi32>
          %swap3A = arith.constant 3 : i32
          %swap3A_262 = arith.index_cast %swap3A : i32 to index
          %swap3A_263 = arith.index_cast %mul3A_254 : i32 to index
          %swap3A_264 = tpu.vector_load %arg10[%swap3A_262, %swap3A_263] {strides = array<i32>} : memref<8x128xi32, #tpu.memory_space<vmem>>, vector<1x16xi32>,
          %swap3A_265 = vector.shape_cast %swap3A_264 : vector<1x16xi32> to vector<16xi32>
          %swap3A_266 = vector.shape_cast %mul3A_261 : vector<16xi32> to vector<1x16xi32>
          tpu.vector_store %arg10[%swap3A_262, %swap3A_263], %swap3A_266 {strides = array<i32>} : memref<8x128xi32, #tpu.memory_space<vmem>>, vector<1x16xi32>,
        }
        %scan3A_226 = arith.constant 8 : i32
        %run_scoped3A_227 = arith.constant 3 : i32
        "tpu.region"() ({
          %run_scoped3A_252 = tpu.sem_alloc : memref<!tpu.dma_semaphore, #tpu.memory_space<semaphore_mem>>
          %dma_start3A = arith.constant 0 : i32
          %dma_start3A_253 = tpu.memref_slice %arg10[%run_scoped3A_227, %dma_start3A] : memref<8x128xi32, #tpu.memory_space<vmem>> -> memref<1x128xi32, #tpu.memory_space<vmem>>
          %dma_start3A_254 = tpu.memref_squeeze %dma_start3A_253 : memref<1x128xi32, #tpu.memory_space<vmem>> -> memref<128xi32, #tpu.memory_space<vmem>>
          %dma_start3A_255 = arith.constant 0 : i32
          %dma_start3A_256 = tpu.memref_slice %arg14[%dma_start3A_255] : memref<400384xf32, #tpu.memory_space<vmem_shared>> -> memref<400384xf32, #tpu.memory_space<vmem_shared>>
          tpu.enqueue_indirect_dma source(%arg11 : memref<128xf32, #tpu.memory_space<vmem>>) target(%dma_start3A_256 : memref<400384xf32, #tpu.memory_space<vmem_shared>>) offsets(%dma_start3A_254 : memref<128xi32, #tpu.memory_space<vmem>>) semaphore(%run_scoped3A_252 : memref<!tpu.dma_semaphore, #tpu.memory_space<semaphore_mem>>) {add = true}
          %dma_wait3A = arith.constant 0 : i32
          %dma_wait3A_257 = tpu.memref_slice %arg10[%run_scoped3A_227, %dma_wait3A] : memref<8x128xi32, #tpu.memory_space<vmem>> -> memref<1x128xi32, #tpu.memory_space<vmem>>
          %dma_wait3A_258 = tpu.memref_squeeze %dma_wait3A_257 : memref<1x128xi32, #tpu.memory_space<vmem>> -> memref<128xi32, #tpu.memory_space<vmem>>
          %dma_wait3A_259 = arith.constant 0 : i32
          %dma_wait3A_260 = tpu.memref_slice %arg14[%dma_wait3A_259] : memref<400384xf32, #tpu.memory_space<vmem_shared>> -> memref<400384xf32, #tpu.memory_space<vmem_shared>>
          tpu.wait_indirect_dma semaphore(%run_scoped3A_252 : memref<!tpu.dma_semaphore, #tpu.memory_space<semaphore_mem>>) src(%arg11 : memref<128xf32, #tpu.memory_space<vmem>>) dst(%dma_wait3A_260 : memref<400384xf32, #tpu.memory_space<vmem_shared>>)
          tpu.yield
        }) : () -> ()
        %scan3A_228 = arith.constant 0 : i32
        %scan3A_229 = arith.constant 8 : i32
        %scan3A_230 = arith.addi %scan3A_228, %scan3A_229 : i32
        %scan3A_231 = arith.constant 1 : i32
        scf.for %scan3A_252 = %scan3A_228 to %scan3A_230 step %scan3A_231  : i32 {
          %mul3A_253 = arith.constant 16 : i32
          %mul3A_254 = arith.muli %scan3A_252, %mul3A_253 : i32
          %get3A = arith.constant 4 : i32
          %get3A_255 = arith.index_cast %get3A : i32 to index
          %get3A_256 = arith.index_cast %mul3A_254 : i32 to index
          %get3A_257 = tpu.vector_load %arg9[%get3A_255, %get3A_256] {strides = array<i32>} : memref<8x128xi32, #tpu.memory_space<vmem>>, vector<1x16xi32>,
          %get3A_258 = vector.shape_cast %get3A_257 : vector<1x16xi32> to vector<16xi32>
          %mul3A_259 = arith.constant 8 : i32
          %mul3A_260 = vector.broadcast %mul3A_259 : i32 to vector<16xi32>
          %mul3A_261 = arith.muli %get3A_258, %mul3A_260 : vector<16xi32>
          %swap3A = arith.constant 4 : i32
          %swap3A_262 = arith.index_cast %swap3A : i32 to index
          %swap3A_263 = arith.index_cast %mul3A_254 : i32 to index
          %swap3A_264 = tpu.vector_load %arg10[%swap3A_262, %swap3A_263] {strides = array<i32>} : memref<8x128xi32, #tpu.memory_space<vmem>>, vector<1x16xi32>,
          %swap3A_265 = vector.shape_cast %swap3A_264 : vector<1x16xi32> to vector<16xi32>
          %swap3A_266 = vector.shape_cast %mul3A_261 : vector<16xi32> to vector<1x16xi32>
          tpu.vector_store %arg10[%swap3A_262, %swap3A_263], %swap3A_266 {strides = array<i32>} : memref<8x128xi32, #tpu.memory_space<vmem>>, vector<1x16xi32>,
        }
        %scan3A_232 = arith.constant 8 : i32
        %run_scoped3A_233 = arith.constant 4 : i32
        "tpu.region"() ({
          %run_scoped3A_252 = tpu.sem_alloc : memref<!tpu.dma_semaphore, #tpu.memory_space<semaphore_mem>>
          %dma_start3A = arith.constant 0 : i32
          %dma_start3A_253 = tpu.memref_slice %arg10[%run_scoped3A_233, %dma_start3A] : memref<8x128xi32, #tpu.memory_space<vmem>> -> memref<1x128xi32, #tpu.memory_space<vmem>>
          %dma_start3A_254 = tpu.memref_squeeze %dma_start3A_253 : memref<1x128xi32, #tpu.memory_space<vmem>> -> memref<128xi32, #tpu.memory_space<vmem>>
          %dma_start3A_255 = arith.constant 0 : i32
          %dma_start3A_256 = tpu.memref_slice %arg14[%dma_start3A_255] : memref<400384xf32, #tpu.memory_space<vmem_shared>> -> memref<400384xf32, #tpu.memory_space<vmem_shared>>
          tpu.enqueue_indirect_dma source(%arg11 : memref<128xf32, #tpu.memory_space<vmem>>) target(%dma_start3A_256 : memref<400384xf32, #tpu.memory_space<vmem_shared>>) offsets(%dma_start3A_254 : memref<128xi32, #tpu.memory_space<vmem>>) semaphore(%run_scoped3A_252 : memref<!tpu.dma_semaphore, #tpu.memory_space<semaphore_mem>>) {add = true}
          %dma_wait3A = arith.constant 0 : i32
          %dma_wait3A_257 = tpu.memref_slice %arg10[%run_scoped3A_233, %dma_wait3A] : memref<8x128xi32, #tpu.memory_space<vmem>> -> memref<1x128xi32, #tpu.memory_space<vmem>>
          %dma_wait3A_258 = tpu.memref_squeeze %dma_wait3A_257 : memref<1x128xi32, #tpu.memory_space<vmem>> -> memref<128xi32, #tpu.memory_space<vmem>>
          %dma_wait3A_259 = arith.constant 0 : i32
          %dma_wait3A_260 = tpu.memref_slice %arg14[%dma_wait3A_259] : memref<400384xf32, #tpu.memory_space<vmem_shared>> -> memref<400384xf32, #tpu.memory_space<vmem_shared>>
          tpu.wait_indirect_dma semaphore(%run_scoped3A_252 : memref<!tpu.dma_semaphore, #tpu.memory_space<semaphore_mem>>) src(%arg11 : memref<128xf32, #tpu.memory_space<vmem>>) dst(%dma_wait3A_260 : memref<400384xf32, #tpu.memory_space<vmem_shared>>)
          tpu.yield
        }) : () -> ()
        %scan3A_234 = arith.constant 0 : i32
        %scan3A_235 = arith.constant 8 : i32
        %scan3A_236 = arith.addi %scan3A_234, %scan3A_235 : i32
        %scan3A_237 = arith.constant 1 : i32
        scf.for %scan3A_252 = %scan3A_234 to %scan3A_236 step %scan3A_237  : i32 {
          %mul3A_253 = arith.constant 16 : i32
          %mul3A_254 = arith.muli %scan3A_252, %mul3A_253 : i32
          %get3A = arith.constant 5 : i32
          %get3A_255 = arith.index_cast %get3A : i32 to index
          %get3A_256 = arith.index_cast %mul3A_254 : i32 to index
          %get3A_257 = tpu.vector_load %arg9[%get3A_255, %get3A_256] {strides = array<i32>} : memref<8x128xi32, #tpu.memory_space<vmem>>, vector<1x16xi32>,
          %get3A_258 = vector.shape_cast %get3A_257 : vector<1x16xi32> to vector<16xi32>
          %mul3A_259 = arith.constant 8 : i32
          %mul3A_260 = vector.broadcast %mul3A_259 : i32 to vector<16xi32>
          %mul3A_261 = arith.muli %get3A_258, %mul3A_260 : vector<16xi32>
          %swap3A = arith.constant 5 : i32
          %swap3A_262 = arith.index_cast %swap3A : i32 to index
          %swap3A_263 = arith.index_cast %mul3A_254 : i32 to index
          %swap3A_264 = tpu.vector_load %arg10[%swap3A_262, %swap3A_263] {strides = array<i32>} : memref<8x128xi32, #tpu.memory_space<vmem>>, vector<1x16xi32>,
          %swap3A_265 = vector.shape_cast %swap3A_264 : vector<1x16xi32> to vector<16xi32>
          %swap3A_266 = vector.shape_cast %mul3A_261 : vector<16xi32> to vector<1x16xi32>
          tpu.vector_store %arg10[%swap3A_262, %swap3A_263], %swap3A_266 {strides = array<i32>} : memref<8x128xi32, #tpu.memory_space<vmem>>, vector<1x16xi32>,
        }
        %scan3A_238 = arith.constant 8 : i32
        %run_scoped3A_239 = arith.constant 5 : i32
        "tpu.region"() ({
          %run_scoped3A_252 = tpu.sem_alloc : memref<!tpu.dma_semaphore, #tpu.memory_space<semaphore_mem>>
          %dma_start3A = arith.constant 0 : i32
          %dma_start3A_253 = tpu.memref_slice %arg10[%run_scoped3A_239, %dma_start3A] : memref<8x128xi32, #tpu.memory_space<vmem>> -> memref<1x128xi32, #tpu.memory_space<vmem>>
          %dma_start3A_254 = tpu.memref_squeeze %dma_start3A_253 : memref<1x128xi32, #tpu.memory_space<vmem>> -> memref<128xi32, #tpu.memory_space<vmem>>
          %dma_start3A_255 = arith.constant 0 : i32
          %dma_start3A_256 = tpu.memref_slice %arg14[%dma_start3A_255] : memref<400384xf32, #tpu.memory_space<vmem_shared>> -> memref<400384xf32, #tpu.memory_space<vmem_shared>>
          tpu.enqueue_indirect_dma source(%arg11 : memref<128xf32, #tpu.memory_space<vmem>>) target(%dma_start3A_256 : memref<400384xf32, #tpu.memory_space<vmem_shared>>) offsets(%dma_start3A_254 : memref<128xi32, #tpu.memory_space<vmem>>) semaphore(%run_scoped3A_252 : memref<!tpu.dma_semaphore, #tpu.memory_space<semaphore_mem>>) {add = true}
          %dma_wait3A = arith.constant 0 : i32
          %dma_wait3A_257 = tpu.memref_slice %arg10[%run_scoped3A_239, %dma_wait3A] : memref<8x128xi32, #tpu.memory_space<vmem>> -> memref<1x128xi32, #tpu.memory_space<vmem>>
          %dma_wait3A_258 = tpu.memref_squeeze %dma_wait3A_257 : memref<1x128xi32, #tpu.memory_space<vmem>> -> memref<128xi32, #tpu.memory_space<vmem>>
          %dma_wait3A_259 = arith.constant 0 : i32
          %dma_wait3A_260 = tpu.memref_slice %arg14[%dma_wait3A_259] : memref<400384xf32, #tpu.memory_space<vmem_shared>> -> memref<400384xf32, #tpu.memory_space<vmem_shared>>
          tpu.wait_indirect_dma semaphore(%run_scoped3A_252 : memref<!tpu.dma_semaphore, #tpu.memory_space<semaphore_mem>>) src(%arg11 : memref<128xf32, #tpu.memory_space<vmem>>) dst(%dma_wait3A_260 : memref<400384xf32, #tpu.memory_space<vmem_shared>>)
          tpu.yield
        }) : () -> ()
        %scan3A_240 = arith.constant 0 : i32
        %scan3A_241 = arith.constant 8 : i32
        %scan3A_242 = arith.addi %scan3A_240, %scan3A_241 : i32
        %scan3A_243 = arith.constant 1 : i32
        scf.for %scan3A_252 = %scan3A_240 to %scan3A_242 step %scan3A_243  : i32 {
          %mul3A_253 = arith.constant 16 : i32
          %mul3A_254 = arith.muli %scan3A_252, %mul3A_253 : i32
          %get3A = arith.constant 6 : i32
          %get3A_255 = arith.index_cast %get3A : i32 to index
          %get3A_256 = arith.index_cast %mul3A_254 : i32 to index
          %get3A_257 = tpu.vector_load %arg9[%get3A_255, %get3A_256] {strides = array<i32>} : memref<8x128xi32, #tpu.memory_space<vmem>>, vector<1x16xi32>,
          %get3A_258 = vector.shape_cast %get3A_257 : vector<1x16xi32> to vector<16xi32>
          %mul3A_259 = arith.constant 8 : i32
          %mul3A_260 = vector.broadcast %mul3A_259 : i32 to vector<16xi32>
          %mul3A_261 = arith.muli %get3A_258, %mul3A_260 : vector<16xi32>
          %swap3A = arith.constant 6 : i32
          %swap3A_262 = arith.index_cast %swap3A : i32 to index
          %swap3A_263 = arith.index_cast %mul3A_254 : i32 to index
          %swap3A_264 = tpu.vector_load %arg10[%swap3A_262, %swap3A_263] {strides = array<i32>} : memref<8x128xi32, #tpu.memory_space<vmem>>, vector<1x16xi32>,
          %swap3A_265 = vector.shape_cast %swap3A_264 : vector<1x16xi32> to vector<16xi32>
          %swap3A_266 = vector.shape_cast %mul3A_261 : vector<16xi32> to vector<1x16xi32>
          tpu.vector_store %arg10[%swap3A_262, %swap3A_263], %swap3A_266 {strides = array<i32>} : memref<8x128xi32, #tpu.memory_space<vmem>>, vector<1x16xi32>,
        }
        %scan3A_244 = arith.constant 8 : i32
        %run_scoped3A_245 = arith.constant 6 : i32
        "tpu.region"() ({
          %run_scoped3A_252 = tpu.sem_alloc : memref<!tpu.dma_semaphore, #tpu.memory_space<semaphore_mem>>
          %dma_start3A = arith.constant 0 : i32
          %dma_start3A_253 = tpu.memref_slice %arg10[%run_scoped3A_245, %dma_start3A] : memref<8x128xi32, #tpu.memory_space<vmem>> -> memref<1x128xi32, #tpu.memory_space<vmem>>
          %dma_start3A_254 = tpu.memref_squeeze %dma_start3A_253 : memref<1x128xi32, #tpu.memory_space<vmem>> -> memref<128xi32, #tpu.memory_space<vmem>>
          %dma_start3A_255 = arith.constant 0 : i32
          %dma_start3A_256 = tpu.memref_slice %arg14[%dma_start3A_255] : memref<400384xf32, #tpu.memory_space<vmem_shared>> -> memref<400384xf32, #tpu.memory_space<vmem_shared>>
          tpu.enqueue_indirect_dma source(%arg11 : memref<128xf32, #tpu.memory_space<vmem>>) target(%dma_start3A_256 : memref<400384xf32, #tpu.memory_space<vmem_shared>>) offsets(%dma_start3A_254 : memref<128xi32, #tpu.memory_space<vmem>>) semaphore(%run_scoped3A_252 : memref<!tpu.dma_semaphore, #tpu.memory_space<semaphore_mem>>) {add = true}
          %dma_wait3A = arith.constant 0 : i32
          %dma_wait3A_257 = tpu.memref_slice %arg10[%run_scoped3A_245, %dma_wait3A] : memref<8x128xi32, #tpu.memory_space<vmem>> -> memref<1x128xi32, #tpu.memory_space<vmem>>
          %dma_wait3A_258 = tpu.memref_squeeze %dma_wait3A_257 : memref<1x128xi32, #tpu.memory_space<vmem>> -> memref<128xi32, #tpu.memory_space<vmem>>
          %dma_wait3A_259 = arith.constant 0 : i32
          %dma_wait3A_260 = tpu.memref_slice %arg14[%dma_wait3A_259] : memref<400384xf32, #tpu.memory_space<vmem_shared>> -> memref<400384xf32, #tpu.memory_space<vmem_shared>>
          tpu.wait_indirect_dma semaphore(%run_scoped3A_252 : memref<!tpu.dma_semaphore, #tpu.memory_space<semaphore_mem>>) src(%arg11 : memref<128xf32, #tpu.memory_space<vmem>>) dst(%dma_wait3A_260 : memref<400384xf32, #tpu.memory_space<vmem_shared>>)
          tpu.yield
        }) : () -> ()
        %scan3A_246 = arith.constant 0 : i32
        %scan3A_247 = arith.constant 8 : i32
        %scan3A_248 = arith.addi %scan3A_246, %scan3A_247 : i32
        %scan3A_249 = arith.constant 1 : i32
        scf.for %scan3A_252 = %scan3A_246 to %scan3A_248 step %scan3A_249  : i32 {
          %mul3A_253 = arith.constant 16 : i32
          %mul3A_254 = arith.muli %scan3A_252, %mul3A_253 : i32
          %get3A = arith.constant 7 : i32
          %get3A_255 = arith.index_cast %get3A : i32 to index
          %get3A_256 = arith.index_cast %mul3A_254 : i32 to index
          %get3A_257 = tpu.vector_load %arg9[%get3A_255, %get3A_256] {strides = array<i32>} : memref<8x128xi32, #tpu.memory_space<vmem>>, vector<1x16xi32>,
          %get3A_258 = vector.shape_cast %get3A_257 : vector<1x16xi32> to vector<16xi32>
          %mul3A_259 = arith.constant 8 : i32
          %mul3A_260 = vector.broadcast %mul3A_259 : i32 to vector<16xi32>
          %mul3A_261 = arith.muli %get3A_258, %mul3A_260 : vector<16xi32>
          %swap3A = arith.constant 7 : i32
          %swap3A_262 = arith.index_cast %swap3A : i32 to index
          %swap3A_263 = arith.index_cast %mul3A_254 : i32 to index
          %swap3A_264 = tpu.vector_load %arg10[%swap3A_262, %swap3A_263] {strides = array<i32>} : memref<8x128xi32, #tpu.memory_space<vmem>>, vector<1x16xi32>,
          %swap3A_265 = vector.shape_cast %swap3A_264 : vector<1x16xi32> to vector<16xi32>
          %swap3A_266 = vector.shape_cast %mul3A_261 : vector<16xi32> to vector<1x16xi32>
          tpu.vector_store %arg10[%swap3A_262, %swap3A_263], %swap3A_266 {strides = array<i32>} : memref<8x128xi32, #tpu.memory_space<vmem>>, vector<1x16xi32>,
        }
        %scan3A_250 = arith.constant 8 : i32
        %run_scoped3A_251 = arith.constant 7 : i32
        "tpu.region"() ({
          %run_scoped3A_252 = tpu.sem_alloc : memref<!tpu.dma_semaphore, #tpu.memory_space<semaphore_mem>>
          %dma_start3A = arith.constant 0 : i32
          %dma_start3A_253 = tpu.memref_slice %arg10[%run_scoped3A_251, %dma_start3A] : memref<8x128xi32, #tpu.memory_space<vmem>> -> memref<1x128xi32, #tpu.memory_space<vmem>>
          %dma_start3A_254 = tpu.memref_squeeze %dma_start3A_253 : memref<1x128xi32, #tpu.memory_space<vmem>> -> memref<128xi32, #tpu.memory_space<vmem>>
          %dma_start3A_255 = arith.constant 0 : i32
          %dma_start3A_256 = tpu.memref_slice %arg14[%dma_start3A_255] : memref<400384xf32, #tpu.memory_space<vmem_shared>> -> memref<400384xf32, #tpu.memory_space<vmem_shared>>
          tpu.enqueue_indirect_dma source(%arg11 : memref<128xf32, #tpu.memory_space<vmem>>) target(%dma_start3A_256 : memref<400384xf32, #tpu.memory_space<vmem_shared>>) offsets(%dma_start3A_254 : memref<128xi32, #tpu.memory_space<vmem>>) semaphore(%run_scoped3A_252 : memref<!tpu.dma_semaphore, #tpu.memory_space<semaphore_mem>>) {add = true}
          %dma_wait3A = arith.constant 0 : i32
          %dma_wait3A_257 = tpu.memref_slice %arg10[%run_scoped3A_251, %dma_wait3A] : memref<8x128xi32, #tpu.memory_space<vmem>> -> memref<1x128xi32, #tpu.memory_space<vmem>>
          %dma_wait3A_258 = tpu.memref_squeeze %dma_wait3A_257 : memref<1x128xi32, #tpu.memory_space<vmem>> -> memref<128xi32, #tpu.memory_space<vmem>>
          %dma_wait3A_259 = arith.constant 0 : i32
          %dma_wait3A_260 = tpu.memref_slice %arg14[%dma_wait3A_259] : memref<400384xf32, #tpu.memory_space<vmem_shared>> -> memref<400384xf32, #tpu.memory_space<vmem_shared>>
          tpu.wait_indirect_dma semaphore(%run_scoped3A_252 : memref<!tpu.dma_semaphore, #tpu.memory_space<semaphore_mem>>) src(%arg11 : memref<128xf32, #tpu.memory_space<vmem>>) dst(%dma_wait3A_260 : memref<400384xf32, #tpu.memory_space<vmem_shared>>)
          tpu.yield
        }) : () -> ()
      } else {
      }
    }
    %scan3A_185 = arith.constant 7 : i32
    %barrier3A_186 = arith.constant 0 : index
    tpu.barrier barrier_id(%barrier3A_186)
    "tpu.region"() ({
      %run_scoped3A = tpu.sem_alloc : memref<!tpu.dma_semaphore, #tpu.memory_space<semaphore_mem>>
      %dma_start3A = tpu.memref_slice %arg14[%mul3A_16] : memref<400384xf32, #tpu.memory_space<vmem_shared>> -> memref<25024xf32, #tpu.memory_space<vmem_shared>>
      %dma_start3A_197 = tpu.memref_slice %arg14[%mul3A_16] : memref<400384xf32, #tpu.memory_space<vmem_shared>> -> memref<25024xf32, #tpu.memory_space<vmem_shared>>
      tpu.enqueue_dma source(%dma_start3A_197 : memref<25024xf32, #tpu.memory_space<vmem_shared>>) target(%arg13 : memref<25024xf32, #tpu.memory_space<vmem>>) target_semaphore(%run_scoped3A : memref<!tpu.dma_semaphore, #tpu.memory_space<semaphore_mem>>)
      %dma_wait3A = tpu.memref_slice %arg14[%mul3A_16] : memref<400384xf32, #tpu.memory_space<vmem_shared>> -> memref<25024xf32, #tpu.memory_space<vmem_shared>>
      %dma_wait3A_198 = tpu.memref_slice %arg14[%mul3A_16] : memref<400384xf32, #tpu.memory_space<vmem_shared>> -> memref<25024xf32, #tpu.memory_space<vmem_shared>>
      tpu.wait_dma2 semaphore(%run_scoped3A : memref<!tpu.dma_semaphore, #tpu.memory_space<semaphore_mem>>) src(%dma_wait3A_198 : memref<25024xf32, #tpu.memory_space<vmem_shared>>) dst(%arg13 : memref<25024xf32, #tpu.memory_space<vmem>>)
      tpu.yield
    }) : () -> ()
    %mul3A_187 = arith.constant 6 : i32
    %mul3A_188 = arith.muli %arg0, %mul3A_187 : i32
    %add3A_189 = arith.constant 5 : i32
    %add3A_190 = arith.addi %mul3A_188, %add3A_189 : i32
    %mul3A_191 = arith.constant 50048 : i32
    %mul3A_192 = arith.muli %add3A_190, %mul3A_191 : i32
    %mul3A_193 = arith.constant 8 : i32
    %mul3A_194 = arith.muli %mul3A_192, %mul3A_193 : i32
    %add3A_195 = arith.addi %mul3A_194, %mul3A_16 : i32
    "tpu.region"() ({
      %run_scoped3A = tpu.sem_alloc : memref<!tpu.dma_semaphore, #tpu.memory_space<semaphore_mem>>
      %dma_start3A = tpu.memref_slice %arg8[%add3A_195] : memref<4804608xf32, #tpu.memory_space<hbm>> -> memref<25024xf32, #tpu.memory_space<hbm>>
      %dma_start3A_197 = tpu.memref_slice %arg8[%add3A_195] : memref<4804608xf32, #tpu.memory_space<hbm>> -> memref<25024xf32, #tpu.memory_space<hbm>>
      tpu.enqueue_dma source(%arg13 : memref<25024xf32, #tpu.memory_space<vmem>>) target(%dma_start3A_197 : memref<25024xf32, #tpu.memory_space<hbm>>) target_semaphore(%run_scoped3A : memref<!tpu.dma_semaphore, #tpu.memory_space<semaphore_mem>>)
      %dma_wait3A = tpu.memref_slice %arg8[%add3A_195] : memref<4804608xf32, #tpu.memory_space<hbm>> -> memref<25024xf32, #tpu.memory_space<hbm>>
      %dma_wait3A_198 = tpu.memref_slice %arg8[%add3A_195] : memref<4804608xf32, #tpu.memory_space<hbm>> -> memref<25024xf32, #tpu.memory_space<hbm>>
      tpu.wait_dma2 semaphore(%run_scoped3A : memref<!tpu.dma_semaphore, #tpu.memory_space<semaphore_mem>>) src(%arg13 : memref<25024xf32, #tpu.memory_space<vmem>>) dst(%dma_wait3A_198 : memref<25024xf32, #tpu.memory_space<hbm>>)
      tpu.yield
    }) : () -> ()
    %barrier3A_196 = arith.constant 0 : index
    tpu.barrier barrier_id(%barrier3A_196)
    return
  }
}

module attributes {stable_mosaic.version = 14 : i64} {
  func.func @gen_body(%arg0: i32, %arg1: i32, %arg2: memref<1000x12xf32, #tpu.memory_space<vmem>>, %arg3: memref<1000x128xf32, #tpu.memory_space<vmem>>, %arg4: memref<1x128x128xf32, #tpu.memory_space<vmem>>, %arg5: memref<1000x128xf32, #tpu.memory_space<vmem>>) attributes {dimension_semantics = [#tpu.dimension_semantics<arbitrary>, #tpu.dimension_semantics<arbitrary>], iteration_bounds = array<i64: 3, 50>, scalar_prefetch = 0 : i64, scratch_operands = 0 : i64, tpu.core_type = #tpu.core_type<tc>, window_params = [{transform_indices = @transform_0, window_bounds = array<i64: 1000, 12>}, {transform_indices = @transform_1, window_bounds = array<i64: 1000, 128>}, {transform_indices = @transform_2, window_bounds = array<i64: 1, 128, 128>}, {transform_indices = @transform_3, window_bounds = array<i64: 1000, 128>}]} {
    %get3A = arith.constant 0 : index
    %get3A_0 = arith.constant 0 : index
    %get3A_1 = vector.load %arg2[%get3A, %get3A_0] : memref<1000x12xf32, #tpu.memory_space<vmem>>, vector<1000x12xf32>
    %slice3A = vector.extract_strided_slice %get3A_1 {offsets = [0, 0], sizes = [1000, 1], strides = [1, 1]} : vector<1000x12xf32> to vector<1000x1xf32>
    %slice3A_2 = vector.extract_strided_slice %get3A_1 {offsets = [0, 6], sizes = [1000, 1], strides = [1, 1]} : vector<1000x12xf32> to vector<1000x1xf32>
    %add3A = arith.addf %slice3A, %slice3A_2 : vector<1000x1xf32>
    %slice3A_3 = vector.extract_strided_slice %get3A_1 {offsets = [0, 2], sizes = [1000, 1], strides = [1, 1]} : vector<1000x12xf32> to vector<1000x1xf32>
    %slice3A_4 = vector.extract_strided_slice %get3A_1 {offsets = [0, 8], sizes = [1000, 1], strides = [1, 1]} : vector<1000x12xf32> to vector<1000x1xf32>
    %add3A_5 = arith.addf %slice3A_3, %slice3A_4 : vector<1000x1xf32>
    %slice3A_6 = vector.extract_strided_slice %get3A_1 {offsets = [0, 4], sizes = [1000, 1], strides = [1, 1]} : vector<1000x12xf32> to vector<1000x1xf32>
    %slice3A_7 = vector.extract_strided_slice %get3A_1 {offsets = [0, 10], sizes = [1000, 1], strides = [1, 1]} : vector<1000x12xf32> to vector<1000x1xf32>
    %add3A_8 = arith.addf %slice3A_6, %slice3A_7 : vector<1000x1xf32>
    %eq3A = arith.constant 0 : i32
    %eq3A_9 = arith.cmpi eq, %arg0, %eq3A : i32
    %eq3A_10 = arith.constant 1 : i32
    %eq3A_11 = arith.cmpi eq, %arg0, %eq3A_10 : i32
    %select_n3A = arith.select %eq3A_11, %add3A_5, %add3A_8 : vector<1000x1xf32>
    %select_n3A_12 = arith.select %eq3A_9, %add3A, %select_n3A : vector<1000x1xf32>
    %gt3A = arith.constant 0.000000e+00 : f32
    %gt3A_13 = vector.broadcast %gt3A : f32 to vector<1000x1xf32>
    %gt3A_14 = arith.cmpf ogt, %select_n3A_12, %gt3A_13 : vector<1000x1xf32>
    %gt3A_15 = arith.constant 0.000000e+00 : f32
    %gt3A_16 = vector.broadcast %gt3A_15 : f32 to vector<1000x1xf32>
    %gt3A_17 = arith.cmpf ogt, %select_n3A_12, %gt3A_16 : vector<1000x1xf32>
    %jit3A = arith.constant 1.000000e+00 : f32
    %broadcast_in_dim3A = vector.broadcast %jit3A : f32 to vector<1000x1xf32>
    %select_n3A_18 = arith.select %gt3A_17, %select_n3A_12, %broadcast_in_dim3A : vector<1000x1xi1>, vector<1000x1xf32>
    %rsqrt3A = math.rsqrt %select_n3A_18 : vector<1000x1xf32>
    %jit3A_19 = arith.constant 0.000000e+00 : f32
    %broadcast_in_dim3A_20 = vector.broadcast %jit3A_19 : f32 to vector<1000x1xf32>
    %select_n3A_21 = arith.select %gt3A_14, %rsqrt3A, %broadcast_in_dim3A_20 : vector<1000x1xi1>, vector<1000x1xf32>
    %get3A_22 = arith.constant 0 : index
    %get3A_23 = arith.constant 0 : index
    %get3A_24 = vector.load %arg3[%get3A_22, %get3A_23] : memref<1000x128xf32, #tpu.memory_space<vmem>>, vector<1000x128xf32>
    %mul3A = vector.broadcast %select_n3A_21 : vector<1000x1xf32> to vector<1000x128xf32>
    %mul3A_25 = arith.mulf %get3A_24, %mul3A : vector<1000x128xf32>
    %get3A_26 = arith.constant 0 : index
    %get3A_27 = arith.constant 0 : index
    %get3A_28 = arith.constant 0 : index
    %get3A_29 = vector.load %arg4[%get3A_26, %get3A_27, %get3A_28] : memref<1x128x128xf32, #tpu.memory_space<vmem>>, vector<1x128x128xf32>
    %get3A_30 = vector.shape_cast %get3A_29 : vector<1x128x128xf32> to vector<128x128xf32>
    %dot_general3A = arith.constant dense<0.000000e+00> : vector<1000x128xf32>
    %dot_general3A_31 = tpu.matmul %mul3A_25, %get3A_30, %dot_general3A {dimension_numbers = #tpu.dot_dimension_numbers<[1], [0], [0], [1], [0, 0, 1, 1], [], []>, transpose_lhs_hint = false} : vector<1000x128xf32>, vector<128x128xf32>, vector<1000x128xf32> -> vector<1000x128xf32>
    %swap3A = arith.constant 0 : index
    %swap3A_32 = arith.constant 0 : index
    %swap3A_33 = vector.load %arg5[%swap3A, %swap3A_32] : memref<1000x128xf32, #tpu.memory_space<vmem>>, vector<1000x128xf32>
    tpu.vector_store %arg5[%swap3A, %swap3A_32], %dot_general3A_31 {strides = array<i32>} : memref<1000x128xf32, #tpu.memory_space<vmem>>, vector<1000x128xf32>,
    return
  }
  func.func @transform_0(%arg0: i32, %arg1: i32) -> (i32, i32) {
    %c0_i32 = arith.constant 0 : i32
    %c0_i32_0 = arith.constant 0 : i32
    return %arg1, %c0_i32 : i32, i32
  }
  func.func @transform_1(%arg0: i32, %arg1: i32) -> (i32, i32) {
    %c0_i32 = arith.constant 0 : i32
    %c0_i32_0 = arith.constant 0 : i32
    return %arg1, %c0_i32 : i32, i32
  }
  func.func @transform_2(%arg0: i32, %arg1: i32) -> (i32, i32, i32) {
    %c0_i32 = arith.constant 0 : i32
    %c0_i32_0 = arith.constant 0 : i32
    %c0_i32_1 = arith.constant 0 : i32
    return %arg0, %c0_i32, %c0_i32_0 : i32, i32, i32
  }
  func.func @transform_3(%arg0: i32, %arg1: i32) -> (i32, i32) {
    %mul3A = arith.constant 50 : i32
    %mul3A_0 = arith.muli %arg0, %mul3A : i32
    %add3A = arith.addi %mul3A_0, %arg1 : i32
    %c0_i32 = arith.constant 0 : i32
    %c0_i32_1 = arith.constant 0 : i32
    return %add3A, %c0_i32 : i32, i32
  }
}

module attributes {stable_mosaic.version = 14 : i64} {
  func.func @_comb_body(%arg0: i32, %arg1: memref<3x1000x128xf32, #tpu.memory_space<vmem>>, %arg2: memref<1000x12xf32, #tpu.memory_space<vmem>>, %arg3: memref<1000x128xf32, #tpu.memory_space<vmem>>) attributes {dimension_semantics = [#tpu.dimension_semantics<arbitrary>], iteration_bounds = array<i64: 50>, scalar_prefetch = 0 : i64, scratch_operands = 0 : i64, tpu.core_type = #tpu.core_type<tc>, window_params = [{transform_indices = @transform_0, window_bounds = array<i64: 3, 1000, 128>}, {transform_indices = @transform_1, window_bounds = array<i64: 1000, 12>}, {transform_indices = @transform_2, window_bounds = array<i64: 1000, 128>}]} {
    %get3A = arith.constant 0 : index
    %get3A_0 = arith.constant 0 : index
    %get3A_1 = vector.load %arg2[%get3A, %get3A_0] : memref<1000x12xf32, #tpu.memory_space<vmem>>, vector<1000x12xf32>
    %broadcast_in_dim3A = arith.constant 0.000000e+00 : f32
    %broadcast_in_dim3A_2 = vector.broadcast %broadcast_in_dim3A : f32 to vector<1000x128xf32>
    %slice3A = vector.extract_strided_slice %get3A_1 {offsets = [0, 1], sizes = [1000, 1], strides = [1, 1]} : vector<1000x12xf32> to vector<1000x1xf32>
    %slice3A_3 = vector.extract_strided_slice %get3A_1 {offsets = [0, 7], sizes = [1000, 1], strides = [1, 1]} : vector<1000x12xf32> to vector<1000x1xf32>
    %add3A = arith.addf %slice3A, %slice3A_3 : vector<1000x1xf32>
    %gt3A = arith.constant 0.000000e+00 : f32
    %gt3A_4 = vector.broadcast %gt3A : f32 to vector<1000x1xf32>
    %gt3A_5 = arith.cmpf ogt, %add3A, %gt3A_4 : vector<1000x1xf32>
    %gt3A_6 = arith.constant 0.000000e+00 : f32
    %gt3A_7 = vector.broadcast %gt3A_6 : f32 to vector<1000x1xf32>
    %gt3A_8 = arith.cmpf ogt, %add3A, %gt3A_7 : vector<1000x1xf32>
    %jit3A = arith.constant 1.000000e+00 : f32
    %broadcast_in_dim3A_9 = vector.broadcast %jit3A : f32 to vector<1000x1xf32>
    %select_n3A = arith.select %gt3A_8, %add3A, %broadcast_in_dim3A_9 : vector<1000x1xi1>, vector<1000x1xf32>
    %rsqrt3A = math.rsqrt %select_n3A : vector<1000x1xf32>
    %jit3A_10 = arith.constant 0.000000e+00 : f32
    %broadcast_in_dim3A_11 = vector.broadcast %jit3A_10 : f32 to vector<1000x1xf32>
    %select_n3A_12 = arith.select %gt3A_5, %rsqrt3A, %broadcast_in_dim3A_11 : vector<1000x1xi1>, vector<1000x1xf32>
    %get3A_13 = arith.constant 0 : index
    %get3A_14 = arith.constant 0 : index
    %get3A_15 = arith.constant 0 : index
    %get3A_16 = vector.load %arg1[%get3A_13, %get3A_14, %get3A_15] : memref<3x1000x128xf32, #tpu.memory_space<vmem>>, vector<1x1000x128xf32>
    %get3A_17 = vector.shape_cast %get3A_16 : vector<1x1000x128xf32> to vector<1000x128xf32>
    %mul3A = vector.broadcast %select_n3A_12 : vector<1000x1xf32> to vector<1000x128xf32>
    %mul3A_18 = arith.mulf %get3A_17, %mul3A : vector<1000x128xf32>
    %add3A_19 = arith.addf %broadcast_in_dim3A_2, %mul3A_18 : vector<1000x128xf32>
    %slice3A_20 = vector.extract_strided_slice %get3A_1 {offsets = [0, 3], sizes = [1000, 1], strides = [1, 1]} : vector<1000x12xf32> to vector<1000x1xf32>
    %slice3A_21 = vector.extract_strided_slice %get3A_1 {offsets = [0, 9], sizes = [1000, 1], strides = [1, 1]} : vector<1000x12xf32> to vector<1000x1xf32>
    %add3A_22 = arith.addf %slice3A_20, %slice3A_21 : vector<1000x1xf32>
    %gt3A_23 = arith.constant 0.000000e+00 : f32
    %gt3A_24 = vector.broadcast %gt3A_23 : f32 to vector<1000x1xf32>
    %gt3A_25 = arith.cmpf ogt, %add3A_22, %gt3A_24 : vector<1000x1xf32>
    %gt3A_26 = arith.constant 0.000000e+00 : f32
    %gt3A_27 = vector.broadcast %gt3A_26 : f32 to vector<1000x1xf32>
    %gt3A_28 = arith.cmpf ogt, %add3A_22, %gt3A_27 : vector<1000x1xf32>
    %jit3A_29 = arith.constant 1.000000e+00 : f32
    %broadcast_in_dim3A_30 = vector.broadcast %jit3A_29 : f32 to vector<1000x1xf32>
    %select_n3A_31 = arith.select %gt3A_28, %add3A_22, %broadcast_in_dim3A_30 : vector<1000x1xi1>, vector<1000x1xf32>
    %rsqrt3A_32 = math.rsqrt %select_n3A_31 : vector<1000x1xf32>
    %jit3A_33 = arith.constant 0.000000e+00 : f32
    %broadcast_in_dim3A_34 = vector.broadcast %jit3A_33 : f32 to vector<1000x1xf32>
    %select_n3A_35 = arith.select %gt3A_25, %rsqrt3A_32, %broadcast_in_dim3A_34 : vector<1000x1xi1>, vector<1000x1xf32>
    %get3A_36 = arith.constant 1 : index
    %get3A_37 = arith.constant 0 : index
    %get3A_38 = arith.constant 0 : index
    %get3A_39 = vector.load %arg1[%get3A_36, %get3A_37, %get3A_38] : memref<3x1000x128xf32, #tpu.memory_space<vmem>>, vector<1x1000x128xf32>
    %get3A_40 = vector.shape_cast %get3A_39 : vector<1x1000x128xf32> to vector<1000x128xf32>
    %mul3A_41 = vector.broadcast %select_n3A_35 : vector<1000x1xf32> to vector<1000x128xf32>
    %mul3A_42 = arith.mulf %get3A_40, %mul3A_41 : vector<1000x128xf32>
    %add3A_43 = arith.addf %add3A_19, %mul3A_42 : vector<1000x128xf32>
    %slice3A_44 = vector.extract_strided_slice %get3A_1 {offsets = [0, 5], sizes = [1000, 1], strides = [1, 1]} : vector<1000x12xf32> to vector<1000x1xf32>
    %slice3A_45 = vector.extract_strided_slice %get3A_1 {offsets = [0, 11], sizes = [1000, 1], strides = [1, 1]} : vector<1000x12xf32> to vector<1000x1xf32>
    %add3A_46 = arith.addf %slice3A_44, %slice3A_45 : vector<1000x1xf32>
    %gt3A_47 = arith.constant 0.000000e+00 : f32
    %gt3A_48 = vector.broadcast %gt3A_47 : f32 to vector<1000x1xf32>
    %gt3A_49 = arith.cmpf ogt, %add3A_46, %gt3A_48 : vector<1000x1xf32>
    %gt3A_50 = arith.constant 0.000000e+00 : f32
    %gt3A_51 = vector.broadcast %gt3A_50 : f32 to vector<1000x1xf32>
    %gt3A_52 = arith.cmpf ogt, %add3A_46, %gt3A_51 : vector<1000x1xf32>
    %jit3A_53 = arith.constant 1.000000e+00 : f32
    %broadcast_in_dim3A_54 = vector.broadcast %jit3A_53 : f32 to vector<1000x1xf32>
    %select_n3A_55 = arith.select %gt3A_52, %add3A_46, %broadcast_in_dim3A_54 : vector<1000x1xi1>, vector<1000x1xf32>
    %rsqrt3A_56 = math.rsqrt %select_n3A_55 : vector<1000x1xf32>
    %jit3A_57 = arith.constant 0.000000e+00 : f32
    %broadcast_in_dim3A_58 = vector.broadcast %jit3A_57 : f32 to vector<1000x1xf32>
    %select_n3A_59 = arith.select %gt3A_49, %rsqrt3A_56, %broadcast_in_dim3A_58 : vector<1000x1xi1>, vector<1000x1xf32>
    %get3A_60 = arith.constant 2 : index
    %get3A_61 = arith.constant 0 : index
    %get3A_62 = arith.constant 0 : index
    %get3A_63 = vector.load %arg1[%get3A_60, %get3A_61, %get3A_62] : memref<3x1000x128xf32, #tpu.memory_space<vmem>>, vector<1x1000x128xf32>
    %get3A_64 = vector.shape_cast %get3A_63 : vector<1x1000x128xf32> to vector<1000x128xf32>
    %mul3A_65 = vector.broadcast %select_n3A_59 : vector<1000x1xf32> to vector<1000x128xf32>
    %mul3A_66 = arith.mulf %get3A_64, %mul3A_65 : vector<1000x128xf32>
    %add3A_67 = arith.addf %add3A_43, %mul3A_66 : vector<1000x128xf32>
    %swap3A = arith.constant 0 : index
    %swap3A_68 = arith.constant 0 : index
    %swap3A_69 = vector.load %arg3[%swap3A, %swap3A_68] : memref<1000x128xf32, #tpu.memory_space<vmem>>, vector<1000x128xf32>
    tpu.vector_store %arg3[%swap3A, %swap3A_68], %add3A_67 {strides = array<i32>} : memref<1000x128xf32, #tpu.memory_space<vmem>>, vector<1000x128xf32>,
    return
  }
  func.func @transform_0(%arg0: i32) -> (i32, i32, i32) {
    %c0_i32 = arith.constant 0 : i32
    %c0_i32_0 = arith.constant 0 : i32
    %c0_i32_1 = arith.constant 0 : i32
    return %c0_i32, %arg0, %c0_i32_0 : i32, i32, i32
  }
  func.func @transform_1(%arg0: i32) -> (i32, i32) {
    %c0_i32 = arith.constant 0 : i32
    %c0_i32_0 = arith.constant 0 : i32
    return %arg0, %c0_i32 : i32, i32
  }
  func.func @transform_2(%arg0: i32) -> (i32, i32) {
    %c0_i32 = arith.constant 0 : i32
    %c0_i32_0 = arith.constant 0 : i32
    return %arg0, %c0_i32 : i32, i32
  }
}

</mosaic_0001>

<sc_bundles>
// kernel: kernel.6.cloned.1.call-start
scs
__scs_entry_jumppad:
0x0: {  	(pc) =	sbr.rel $0x88, $3  }
0x1: {  	(tag) =	ssettag $0x0;
	lr =	simm.s32 $0x1  }
0x2: {  	[smem:$0x3F9A] =	sst lr;
	_ =	strace $0xD0000000  }
0x3: {  	_ = 	snop  }
0x4: {  	_ = 	snop  }
0x5: {  	_ = 	snop  }
0x6: {  	_ = 	snop  }
0x7: {  	_ = 	snop  }
__scs_overlays_trampoline_lowered:
0x8: {  	[smem:$0x3FA9] =	sst s0  }
0x9: {  	[smem:$0x3FAA] =	sst s1  }
0xa: {  	[smem:$0x3FAB] =	sst s2  }
0xb: {  	[smem:$0x3FAC] =	sst s3  }
0xc: {  	[smem:$0x3FAD] =	sst s4  }
0xd: {  	[smem:$0x3FAE] =	sst s5  }
0xe: {  	[smem:$0x3FAF] =	sst s6  }
0xf: {  	[smem:$0x3FB0] =	sst s7  }
0x10: {  	[smem:$0x3FB1] =	sst s8  }
0x11: {  	[smem:$0x3FB2] =	sst s9;
	s0 =	simm.s32 @!p0 $0x0  }
0x12: {  	s1 =	sld [smem:$0x3F98];
	s0 =	simm.s32 @p0 $0x1  }
0x13: {  	[smem:$0x3FB3] =	sst s0;
	s0 =	simm.s32 @!p1 $0x0  }
0x14: {  	s2 =	sld [smem:$0x3F97];
	s0 =	simm.s32 @p1 $0x1  }
0x15: {  	[smem:$0x3FB4] =	sst s0;
	s0 =	simm.s32 @!p2 $0x0  }
0x16: {  	s3 =	sld [smem:$0x3FDB];
	s0 =	simm.s32 @p2 $0x1  }
0x17: {  	s4 =	simm.s32 $0x1BF5;
	[smem:$0x3FB6] =	sst s0  }
0x18: {  	s0 =	sld [smem:$0x3F99];
	_ =	swait.ge [sflag:s4], $0x0  }
0x19: {  	s7 =	sld [smem:$0x3F9A]  }
0x1a: {  	s8 =	sadd.s32 $0xFFFFE003, lr  }
0x1b: {  	s9 =	sadd.s32 $0xFFFFFEF7, lr;
	s5 =	simm.s32 $0xFFFFFFFF;
	p2 =	slt.u32 s8, $0xFFFFF086  }
0x1c: {  	p1 =	slt.u32 s9, $0xF7A;
	s5 =	simm.s32 @!p2 $0x0  }
0x1d: {  	s5 =	simm.s32 @p1 $0x1;
	p0 =	seq.s32 s7, s2  }
0x1e: {  	s7 =	smul.u32 @!p0 $0xF7A, s2;
	p2 =	seq.s32 @!p0 s5, $0x0  }
0x1f: {  	s9 =	smul.u32 $0xF7A, s1;
	s8 =	simm.s32 @!p0 $0x1BF5;
	p2 =	por !p2, p0  }
0x20: {  	[sflag:s8] =	ssyncset.s32 @!p0 $0xFFFFF086;
	s6 =	sadd.s32 @!p0 s3, s7;
	s7 =	simm.s32 @!p0 $0x108  }
0x21: {  	s3 =	sadd.s32 s3, s9;
	s6 =	sadd.s32 @!p0 $0x88, s6;
	s7 =	simm.s32 @p2 $0x1082  }
0x22: {  	[simem:s7], [sflag:s8] =	dma.local @!p0 [hbm:s6], $0xF7A  }
0x23: {  	s9 =	sor.u32 $0xD0000000, s2;
	s6 =	simm.s32 $0x108;
	_ =	swait.ge @!p0 [sflag:s8], $0x0  }
0x24: {  	s3 =	sadd.s32 $0x88, s3;
	s6 =	simm.s32 @!p1 $0x1082;
	[sflag:s4] =	ssyncset.s32 $0xFFFFF086  }
0x25: {  	[simem:s6], [sflag:s4] =	dma.local [hbm:s3], $0xF7A  }
0x26: {  	[smem:$0x3F9A] =	sst s1;
	(tag) =	ssettag s2;
	_ =	strace s9  }
0x27: {  	s1 =	sld [smem:$0x3FAA]  }
0x28: {  	s2 =	sld [smem:$0x3FAB]  }
0x29: {  	s4 =	sld [smem:$0x3FAD]  }
0x2a: {  	p0 =	seq.s32 s5, $0x0;
	s5 =	sld [smem:$0x3FAE]  }
0x2b: {  	s6 =	sld [smem:$0x3FAF]  }
0x2c: {  	s7 =	sld [smem:$0x3FB0]  }
0x2d: {  	s3 =	simm.s32 $0x108;
	s8 =	sld [smem:$0x3FB1]  }
0x2e: {  	s3 =	simm.s32 @!p0 $0x1082;
	s9 =	sld [smem:$0x3FB2]  }
0x2f: {  	lr =	sadd.s32 s0, s3;
	s0 =	sld [smem:$0x3FA9]  }
0x30: {  	s3 =	sld [smem:$0x3FAC]  }
0x31: {  	[smem:$0x3FB5] =	sst s10  }
0x32: {  	s10 =	sld [smem:$0x3FB3];
	_ =	sdelay $0x3  }
0x33: {  	p0 =	seq.s32 s10, $0x1;
	s10 =	sld [smem:$0x3FB5];
	_ =	sdelay $0x3  }
0x34: {  	[smem:$0x3FB5] =	sst s10  }
0x35: {  	s10 =	sld [smem:$0x3FB4];
	_ =	sdelay $0x3  }
0x36: {  	p1 =	seq.s32 s10, $0x1;
	s10 =	sld [smem:$0x3FB5];
	_ =	sdelay $0x3  }
0x37: {  	[smem:$0x3FB5] =	sst s10  }
0x38: {  	s10 =	sld [smem:$0x3FB6]  }
0x39: {  	_ = 	snop;
	(pc) =	sbr.ind lr, $3  }
0x3a: {  	_ = 	snop  }
0x3b: {  	_ = 	snop  }
0x3c: {  	p2 =	seq.s32 s10, $0x1;
	s10 =	sld [smem:$0x3FB5]  }
0x3d: {  	_ =	shalt  }
0x3e: {  	_ =	shalt  }
0x3f: {  	_ =	shalt  }
0x40: {  	_ =	shalt  }
0x41: {  	_ =	shalt  }
0x42: {  	_ =	shalt  }
0x43: {  	_ =	shalt  }
0x44: {  	_ =	shalt  }
0x45: {  	_ =	shalt  }
0x46: {  	_ =	shalt  }
0x47: {  	_ =	shalt  }
0x48: {  	_ =	shalt  }
0x49: {  	_ =	shalt  }
0x4a: {  	_ =	shalt  }
0x4b: {  	_ =	shalt  }
0x4c: {  	_ =	shalt  }
0x4d: {  	_ =	shalt  }
0x4e: {  	_ =	shalt  }
0x4f: {  	_ =	shalt  }
0x50: {  	_ =	shalt  }
0x51: {  	_ =	shalt  }
0x52: {  	_ =	shalt  }
0x53: {  	_ =	shalt  }
0x54: {  	_ =	shalt  }
0x55: {  	_ =	shalt  }
0x56: {  	_ =	shalt  }
0x57: {  	_ =	shalt  }
0x58: {  	_ =	shalt  }
0x59: {  	_ =	shalt  }
0x5a: {  	_ =	shalt  }
0x5b: {  	_ =	shalt  }
0x5c: {  	_ =	shalt  }
0x5d: {  	_ =	shalt  }
0x5e: {  	_ =	shalt  }
0x5f: {  	_ =	shalt  }
0x60: {  	_ =	shalt  }
0x61: {  	_ =	shalt  }
0x62: {  	_ =	shalt  }
0x63: {  	_ =	shalt  }
0x64: {  	_ =	shalt  }
0x65: {  	_ =	shalt  }
0x66: {  	_ =	shalt  }
0x67: {  	_ =	shalt  }
0x68: {  	_ =	shalt  }
0x69: {  	_ =	shalt  }
0x6a: {  	_ =	shalt  }
0x6b: {  	_ =	shalt  }
0x6c: {  	_ =	shalt  }
0x6d: {  	_ =	shalt  }
0x6e: {  	_ =	shalt  }
0x6f: {  	_ =	shalt  }
0x70: {  	_ =	shalt  }
0x71: {  	_ =	shalt  }
0x72: {  	_ =	shalt  }
0x73: {  	_ =	shalt  }
0x74: {  	_ =	shalt  }
0x75: {  	_ =	shalt  }
0x76: {  	_ =	shalt  }
0x77: {  	_ =	shalt  }
0x78: {  	_ =	shalt  }
0x79: {  	_ =	shalt  }
0x7a: {  	_ =	shalt  }
0x7b: {  	_ =	shalt  }
0x7c: {  	_ =	shalt  }
0x7d: {  	_ =	shalt  }
0x7e: {  	_ =	shalt  }
0x7f: {  	_ =	shalt  }
0x80: {  	_ =	shalt  }
0x81: {  	_ =	shalt  }
0x82: {  	_ =	shalt  }
0x83: {  	_ =	shalt  }
0x84: {  	_ =	shalt  }
0x85: {  	_ =	shalt  }
0x86: {  	_ =	shalt  }
0x87: {  	_ =	shalt  }
.Lfunc_end0:
.L_simem_size_0:
called_computation_lowered:
.L_overlay_start_0:
0x88: {  	s2 =	sld [smem:$0x3FD9]  }
0x89: {  	s3 =	sld [smem:$0x3FFE];
	_ =	sdelay $0x1  }
0x8a: {  	s1 =	srdreg.scid  }
0x8b: {  	s0 =	sand.u32 $0x1, s1  }
0x8c: {  	s17 =	sshll.u32 s0, $0xA;
	s2 =	sadd.s32 s3, s2  }
0x8d: {  	s2 =	sadd.s32 s2, s17  }
0x8e: {  	[smem:$0x3FC1] =	sst s2  }
0x8f: {  	_ = 	snop  }
0x90: {  	s2 =	sld [smem:$0x3FD0];
	(tm) =	ssettm $0x1  }
0x91: {  	s18 =	sld [smem:$0x3FFB];
	_ =	sdelay $0x3  }
0x92: {  	_ =	strace s18  }
0x93: {  	s3 =	sld [smem:$0x3FFC];
	_ =	sdelay $0x3  }
0x94: {  	_ =	strace s3  }
0x95: {  	s3 =	sld [smem:$0x3FFD];
	_ =	sdelay $0x3  }
0x96: {  	_ =	strace s3  }
0x97: {  	_ =	strace $0x8FFFFFFF  }
0x98: {  	s19 =	sld [smem:$0x3FDB];
	_ =	sdelay $0x1  }
0x99: {  	s4 =	simm.s32 $_scs_section_size  }
0x9a: {  	s5 =	simm.s32 $_size__tile_overlayer_lowered;
	s6 =	simm.s32 $_tile_overlayer_lowered  }
0x9b: {  	s22 =	simm.s32 $0x1BFF;
	s21 =	sshll.u32 s6, $0x1;
	s3 =	sadd.s32 s4, s19  }
0x9c: {  	s7 =	simm.s32 $0x0;
	s20 =	sshll.u32 s5, $0x1;
	s5 =	sadd.s32 s21, s3  }
0x9d: {  	[timem:s7], [sflag:s22] =	dma.local [hbm:s5], s20  }
0x9e: {  	_ =	swait.ge [sflag:s22], s20  }
0x9f: {  	s4 =	ssub.s32 $0x0, s20;
	[sflag:s22] =	ssyncset.done $0x0  }
0xa0: {  	[sflag:s22] =	ssyncadd.s32 s4;
	_ =	sdelay $0x1  }
0xa1: {  	s23 =	simm.s32 $0x1B8B  }
0xa2: {  	_ =	swait.ge [sflag:s23], $0x1  }
0xa3: {  	[sflag:s23] =	ssyncset.done $0x0  }
0xa4: {  	s25 =	simm.s32 $0x1B8E;
	s24 =	sld [smem:$0x3FFE];
	[sflag:s23] =	ssyncadd.s32 $0xFFFFFFFF  }
0xa5: {  	s26 =	simm.s32 $execute0_lowered;
	[smem:$0x3FD2] =	sst s25  }
0xa6: {  	s5 =	sshll.u32 s26, $0x1;
	_ =	strace $0x80000046;
	[dreg:$0x1] =	wrdreg $0xFFFFFFFF  }
0xa7: {  	s28 =	simm.s32 $_size_execute0_lowered;
	s3 =	sadd.s32 s3, s5;
	[dreg:$0x0] =	wrdreg $0x0  }
0xa8: {  	s5 =	sshll.u32 s28, $0x1;
	[dreg:$0x2] =	wrdreg s3  }
0xa9: {  	[dreg:$0x3] =	wrdreg s5  }
0xaa: {  	[dreg:$0x4] =	wrdreg $0xC0  }
0xab: {  	_ =	task [dreg:s7], $0x5FFFF  }
0xac: {  	[dreg:$0x1] =	wrdreg $0xFFFFFFFF  }
0xad: {  	[dreg:$0x0] =	wrdreg $0x60  }
0xae: {  	[dreg:$0x2] =	wrdreg s24  }
0xaf: {  	[dreg:$0x3] =	wrdreg s2  }
0xb0: {  	[dreg:$0x4] =	wrdreg $0x7A800  }
0xb1: {  	[dreg:$0x5] =	wrdreg $0x9  }
0xb2: {  	_ =	task.clear_ibuf [dreg:s7], $0x6FFFF;
	_ =	strace $0x90000046  }
0xb3: {  	s29 =	simm.s32 $0x9;
	_ =	strace $0x80000048  }
0xb4: {  	_ =	swait.ge [sflag:s29], $0x1  }
0xb5: {  	[sflag:s29] =	ssyncadd.s32 $0xFFFFFFFF  }
0xb6: {  	_ =	strace $0x90000048  }
0xb7: {  	_ =	sfence  }
0xb8: {  	s30 =	sld [smem:$0x0];
	_ =	sdelay $0x2  }
0xb9: {  	s31 =	sshll.u32 s1, $0xD;
	s1 =	sshrl.u32 s1, $0x2  }
0xba: {  	s3 =	sand.u32 $0x4000, s31;
	s1 =	sadd.s32 s1, s30  }
0xbb: {  	s0 =	sor.u32 s3, s0;
	s1 =	sshll.u32 s1, $0x11  }
0xbc: {  	s0 =	sor.u32 s1, s0  }
0xbd: {  	s0 =	sadd.s32 $0x8F2B, s0  }
0xbe: {  	[sflag:s0] =	ssyncadd.remote.s32 $0x1  }
0xbf: {  	_ =	sfence.sel $0xFFFF  }
0xc0: {  	[dreg:$0x0] =	wrdreg $0xFFFFFFFF;
	(pc) =	sbr.abs _section_cstart, $3  }
0xc1: {  	[dreg:$0x1] =	wrdreg $0xFFFFFFFF  }
0xc2: {  	_ =	task.clear_ibuf [dreg:s7], $0x2FFFF;
	_ =	strace $0x9FFFFFFF  }
0xc3: {  	(tm) =	ssettm $0x7FFFFFFF  }
tec
execute0_lowered:
.L_overlay_start_1:
0x0: {  	(tag) =	ssettag $0x1  }
0x1: {  	s0 =	rddreg [dreg:$0x0]  }
0x2: {  	s2 =	rddreg [dreg:$0x1]  }
0x3: {  	s1 =	rddreg [dreg:$0x2];
	s3 =	simm.s32 $0x0;
	s4 =	srdreg.scid  }
0x4: {  	s6 =	stileid.u32;
	s28 =	simm.s32 $0x2;
	s29 =	simm.s32 $0x80  }
0x5: {  	s30 =	simm.s32 $0x400;
	s31 =	simm.s32 $0x800;
	[smem:$0x7FF] =	sst s3  }
0x6: {  	s12 =	sand.u32 $0x1, s4;
	s16 =	sshll.u32 s6, $0x8;
	s7 =	smul.u32 $0x61C0, s6  }
0x7: {  	s14 =	sshll.u32 s6, $0x1;
	_ =	strace $0x80000047;
	s5 =	ssub.s32 $0x2, s12  }
0x8: {  	s0 =	sadd.s32 s16, s0;
	s8 =	smul.u32 $0x24A800, s12;
	s19 =	sshll.u32 s12, $0x7  }
0x9: {  	s16 =	simm.s32 $0x780;
	s17 =	sshrl.u32 s5, $0x1;
	s4 =	sadd.s32 s7, s1  }
0xa: {  	s0 =	sadd.s32 s19, s0;
	s19 =	sor.u32 s12, s14;
	s12 =	simm.s32 $0x580  }
0xb: {  	s14 =	simm.s32 $0x680;
	s13 =	ssub.s32 s5, s17;
	s5 =	sadd.s32 $0x1000, s4  }
0xc: {  	s6 =	sadd.s32 $0x2000, s4;
	s9 =	sadd.s32 s7, s8;
	s7 =	sadd.s32 $0x3000, s4  }
0xd: {  	s8 =	sadd.s32 $0x4000, s4;
	s10 =	sadd.s32 $0x6000, s4;
	s23 =	sadd.s32 $0x8A00, s0  }
0xe: {  	s24 =	sadd.s32 $0x2800, s0;
	s25 =	sadd.s32 $0x14E00, s0;
	[dreg:$0xa] =	wrdreg s23  }
0xf: {  	s26 =	sadd.s32 $0xEC00, s0;
	s17 =	simm.s32 $0x1880;
	[dreg:$0xb] =	wrdreg s24  }
0x10: {  	s11 =	sshrl.u32 s9, $0x3;
	s9 =	sadd.s32 $0x5000, s4;
	[dreg:$0xc] =	wrdreg s25  }
0x11: {  	s22 =	smax.u32 s13, $0x1;
	[dreg:$0xd] =	wrdreg s26;
	s11 =	sadd.s32 s2, s11  }
0x12: {  	s23 =	sadd.s32 $0x21200, s0;
	[dreg:$0x9] =	wrdreg s22;
	s2 =	sadd.s32 $0xC380, s11  }
0x13: {  	s24 =	sadd.s32 $0x1B000, s0;
	s18 =	sadd.s32 $0x18700, s11;
	[dreg:$0x4] =	wrdreg s2  }
.Ltmp0:
0x14: {  	s15 =	sadd.s32 $0x24A80, s11;
	[dreg:$0x5] =	wrdreg s18;
	(pc) =	sbr.rel .LBB2_1-.Ltmp0, $4  }
0x15: {  	s25 =	simm.s32 $0x880;
	s20 =	sadd.s32 $0x30E00, s11;
	[dreg:$0x6] =	wrdreg s15  }
0x16: {  	s26 =	simm.s32 $0x1;
	s21 =	sadd.s32 $0x3D180, s11;
	[dreg:$0x7] =	wrdreg s20  }
0x17: {  	s0 =	simm.s32 $0x480;
	s13 =	simm.s32 $0x600;
	[dreg:$0x8] =	wrdreg s21  }
0x18: {  	v0 =	vimm.f32 $1.000000000e+00;
	v1 =	vimm.f32 $0.0e+00;
	s2 =	simm.s32 $0x500;
	s15 =	simm.s32 $0x700;
	s18 =	simm.s32 $0x0  }
.LBB2_27:
0x19: {  	[bflag:$0x0] =	sbarrier.arrive $0xFFFF  }
0x1a: {  	[tilespmem:s17], [sflag:$0x1] =	stream.linear.gather [spmem:s4], $0x61C0, $0x38;
	[tilespmem:$0xDC40] =	vst v63  }
0x1b: {  	_ =	swait.ge [sflag:s26], $0x61C0  }
0x1c: {  	[sflag:s26] =	ssyncset.done $0x0  }
0x1d: {  	s20 =	rddreg [dreg:$0x8];
	[sflag:s26] =	ssyncadd.s32 $0xFFFF9E40  }
0x1e: {  	[hbm4b:s20+s3] =	stream.linear.scatter [tilespmem:s17], [sflag:$0x1], $0x61C0, $0x38;
	[tilespmem:$0xDC40] =	vst v63  }
0x1f: {  	_ =	swait.ge [sflag:s26], $0x61C0  }
0x20: {  	s18 =	sadd.s32 $0x1, s18;
	s22 =	rddreg [dreg:$0x9]  }
0x21: {  	p0 =	sne.s32 s18, s22  }
.Ltmp1:
0x22: {  	_ = 	snop;
	(pc) =	sbr.rel @!p0 .LBB2_28-.Ltmp1, $3  }
0x23: {  	[sflag:s26] =	ssyncset.done $0x0  }
0x24: {  	[sflag:s26] =	ssyncadd.s32 $0xFFFF9E40  }
0x25: {  	[bflag:$0x0] =	sbarrier.arrive $0xFFFF;
	_ =	sdelay $0x1  }
.LBB2_1:
0x26: {  	[tilespmem:$0x800] =	vst v0  }
0x27: {  	[tilespmem:$0x810] =	vst v0  }
0x28: {  	[tilespmem:$0x820] =	vst v0  }
0x29: {  	[tilespmem:$0x830] =	vst v0  }
0x2a: {  	[tilespmem:$0x840] =	vst v0  }
0x2b: {  	[tilespmem:$0x850] =	vst v0  }
0x2c: {  	[tilespmem:$0x860] =	vst v0  }
0x2d: {  	[tilespmem:$0x870] =	vst v0;
	s20 =	simm.s32 $0x40;
	s21 =	simm.s32 $0x0  }
.LBB2_2:
0x2e: {  	p0 =	sne.s32 s20, $0x3FC0;
	[tilespmem:s21+$0x880] =	vst v1;
	s21 =	smov.u32 s20;
	s20 =	sadd.s32 $0x40, s20  }
.Ltmp2:
0x2f: {  	(pc) =	sbr.rel @p0 .LBB2_2-.Ltmp2, $2  }
0x30: {  	_ =	sdelay $0x2  }
0x31: {  	s21 =	sshra.s32 s21, $0x2  }
0x32: {  	[tilespmem:s21+$0x880] =	vst v1  }
0x33: {  	[spmem:s4] =	stream.linear.scatter [tilespmem:s25], [sflag:$0x1], $0x1000, $0x38;
	[tilespmem:$0xDC40] =	vst v63  }
0x34: {  	_ =	swait.ge [sflag:s26], $0x1000  }
0x35: {  	[sflag:s26] =	ssyncset.done $0x0  }
0x36: {  	[sflag:s26] =	ssyncadd.s32 $0xFFFFF000  }
0x37: {  	[spmem:s5] =	stream.linear.scatter [tilespmem:s25], [sflag:$0x1], $0x1000, $0x38;
	[tilespmem:$0xDC40] =	vst v63  }
0x38: {  	_ =	swait.ge [sflag:s26], $0x1000  }
0x39: {  	[sflag:s26] =	ssyncset.done $0x0  }
0x3a: {  	[sflag:s26] =	ssyncadd.s32 $0xFFFFF000  }
0x3b: {  	[spmem:s6] =	stream.linear.scatter [tilespmem:s25], [sflag:$0x1], $0x1000, $0x38;
	[tilespmem:$0xDC40] =	vst v63  }
0x3c: {  	_ =	swait.ge [sflag:s26], $0x1000  }
0x3d: {  	[sflag:s26] =	ssyncset.done $0x0  }
0x3e: {  	[sflag:s26] =	ssyncadd.s32 $0xFFFFF000  }
0x3f: {  	[spmem:s7] =	stream.linear.scatter [tilespmem:s25], [sflag:$0x1], $0x1000, $0x38;
	[tilespmem:$0xDC40] =	vst v63  }
0x40: {  	_ =	swait.ge [sflag:s26], $0x1000  }
0x41: {  	[sflag:s26] =	ssyncset.done $0x0  }
0x42: {  	[sflag:s26] =	ssyncadd.s32 $0xFFFFF000  }
0x43: {  	[spmem:s8] =	stream.linear.scatter [tilespmem:s25], [sflag:$0x1], $0x1000, $0x38;
	[tilespmem:$0xDC40] =	vst v63  }
0x44: {  	_ =	swait.ge [sflag:s26], $0x1000  }
0x45: {  	[sflag:s26] =	ssyncset.done $0x0  }
0x46: {  	[sflag:s26] =	ssyncadd.s32 $0xFFFFF000  }
0x47: {  	[spmem:s9] =	stream.linear.scatter [tilespmem:s25], [sflag:$0x1], $0x1000, $0x38;
	[tilespmem:$0xDC40] =	vst v63  }
0x48: {  	_ =	swait.ge [sflag:s26], $0x1000  }
0x49: {  	[sflag:s26] =	ssyncset.done $0x0  }
0x4a: {  	[sflag:s26] =	ssyncadd.s32 $0xFFFFF000  }
0x4b: {  	[spmem:s10] =	stream.linear.scatter [tilespmem:s25], [sflag:$0x1], $0x1C0, $0x38;
	[tilespmem:$0xDC40] =	vst v63  }
.Ltmp3:
0x4c: {  	_ =	swait.ge [sflag:s26], $0x1C0;
	(pc) =	sbr.rel .LBB2_4-.Ltmp3, $4  }
0x4d: {  	[sflag:s26] =	ssyncset.done $0x0  }
0x4e: {  	[sflag:s26] =	ssyncadd.s32 $0xFFFFFE40  }
0x4f: {  	[bflag:$0x0] =	sbarrier.arrive $0xFFFF  }
0x50: {  	s20 =	simm.s32 $0x0;
	s21 =	rddreg [dreg:$0xa]  }
.LBB2_6:
0x51: {  	s20 =	sadd.s32 $0x20, s20  }
0x52: {  	p0 =	sne.s32 s20, $0xE0  }
.Ltmp4:
0x53: {  	_ = 	snop;
	(pc) =	sbr.rel @!p0 .LBB2_7-.Ltmp4, $2  }
0x54: {  	_ =	sdelay $0x2  }
0x55: {  	s21 =	sadd.s32 $0x1000, s21  }
.LBB2_4:
0x56: {  	s22 =	sadd.s32 s20, s19  }
0x57: {  	p0 =	sgt.u32 s22, $0xC3  }
.Ltmp5:
0x58: {  	_ = 	snop;
	(pc) =	sbr.rel @p0 .LBB2_6-.Ltmp5, $1  }
0x59: {  	_ =	sdelay $0x3  }
0x5a: {  	[tilespmem:s3], [sflag:$0x2] =	stream.linear.gather [hbm4b:s21+s3], $0x400, $0x38;
	[tilespmem:$0xDC40] =	vst v63  }
0x5b: {  	_ =	swait.ge [sflag:s28], $0x400  }
0x5c: {  	[sflag:s28] =	ssyncset.done $0x0  }
0x5d: {  	[sflag:s28] =	ssyncadd.s32 $0xFFFFFC00  }
0x5e: {  	v2 =	vld [tilespmem:$0x0]  }
0x5f: {  	v3 =	vld [tilespmem:$0x10]  }
0x60: {  	v4 =	vld [tilespmem:$0x20]  }
0x61: {  	v5 =	vld [tilespmem:$0x30]  }
0x62: {  	v6 =	vld [tilespmem:$0x40]  }
0x63: {  	v7 =	vld [tilespmem:$0x50];
	v2 =	vshll.u32 v2, $0x3  }
0x64: {  	[tilespmem:$0x400] =	vst v2;
	v2 =	vshll.u32 v3, $0x3;
	v3 =	vld [tilespmem:$0x60]  }
0x65: {  	v28 =	vld [tilespmem:$0x70];
	[tilespmem:$0x410] =	vst v2;
	v2 =	vshll.u32 v4, $0x3  }
0x66: {  	[tilespmem:$0x420] =	vst v2;
	v2 =	vshll.u32 v5, $0x3  }
0x67: {  	[tilespmem:$0x430] =	vst v2;
	v2 =	vshll.u32 v6, $0x3  }
0x68: {  	[tilespmem:$0x440] =	vst v2;
	v2 =	vshll.u32 v7, $0x3  }
0x69: {  	[tilespmem:$0x450] =	vst v2;
	v2 =	vshll.u32 v3, $0x3  }
0x6a: {  	[tilespmem:$0x460] =	vst v2;
	v2 =	vshll.u32 v28, $0x3  }
0x6b: {  	[tilespmem:$0x470] =	vst v2  }
0x6c: {  	[spmem:s1] =	stream.indirect.scatter.add.f32 [tilespmem:s31], [sflag:$0x2], $0x1, s30, s29, $0xb8;
	[tilespmem:$0xDC40] =	vst v63  }
0x6d: {  	_ =	swait.ge [sflag:s28], $0x80  }
0x6e: {  	[sflag:s28] =	ssyncset.done $0x0  }
0x6f: {  	[sflag:s28] =	ssyncadd.s32 $0xFFFFFF80  }
0x70: {  	v2 =	vld [tilespmem:$0x80]  }
0x71: {  	v3 =	vld [tilespmem:$0x90]  }
0x72: {  	v29 =	vld [tilespmem:$0xA0]  }
0x73: {  	v30 =	vld [tilespmem:$0xB0]  }
0x74: {  	v31 =	vld [tilespmem:$0xC0]  }
0x75: {  	v32 =	vld [tilespmem:$0xD0];
	v2 =	vshll.u32 v2, $0x3  }
0x76: {  	[tilespmem:$0x480] =	vst v2;
	v2 =	vshll.u32 v3, $0x3;
	v3 =	vld [tilespmem:$0xE0]  }
0x77: {  	v33 =	vld [tilespmem:$0xF0];
	[tilespmem:$0x490] =	vst v2;
	v2 =	vshll.u32 v29, $0x3  }
0x78: {  	[tilespmem:$0x4A0] =	vst v2;
	v2 =	vshll.u32 v30, $0x3  }
0x79: {  	[tilespmem:$0x4B0] =	vst v2;
	v2 =	vshll.u32 v31, $0x3  }
0x7a: {  	[tilespmem:$0x4C0] =	vst v2;
	v2 =	vshll.u32 v32, $0x3  }
0x7b: {  	[tilespmem:$0x4D0] =	vst v2;
	v2 =	vshll.u32 v3, $0x3  }
0x7c: {  	[tilespmem:$0x4E0] =	vst v2;
	v2 =	vshll.u32 v33, $0x3  }
0x7d: {  	[tilespmem:$0x4F0] =	vst v2  }
0x7e: {  	[spmem:s1] =	stream.indirect.scatter.add.f32 [tilespmem:s31], [sflag:$0x2], $0x1, s0, s29, $0xb8;
	[tilespmem:$0xDC40] =	vst v63  }
0x7f: {  	_ =	swait.ge [sflag:s28], $0x80  }
0x80: {  	[sflag:s28] =	ssyncset.done $0x0  }
0x81: {  	[sflag:s28] =	ssyncadd.s32 $0xFFFFFF80  }
0x82: {  	v2 =	vld [tilespmem:$0x100]  }
0x83: {  	v3 =	vld [tilespmem:$0x110]  }
0x84: {  	v34 =	vld [tilespmem:$0x120]  }
0x85: {  	v35 =	vld [tilespmem:$0x130]  }
0x86: {  	v36 =	vld [tilespmem:$0x140]  }
0x87: {  	v37 =	vld [tilespmem:$0x150];
	v2 =	vshll.u32 v2, $0x3  }
0x88: {  	[tilespmem:$0x500] =	vst v2;
	v2 =	vshll.u32 v3, $0x3;
	v3 =	vld [tilespmem:$0x160]  }
0x89: {  	v38 =	vld [tilespmem:$0x170];
	[tilespmem:$0x510] =	vst v2;
	v2 =	vshll.u32 v34, $0x3  }
0x8a: {  	[tilespmem:$0x520] =	vst v2;
	v2 =	vshll.u32 v35, $0x3  }
0x8b: {  	[tilespmem:$0x530] =	vst v2;
	v2 =	vshll.u32 v36, $0x3  }
0x8c: {  	[tilespmem:$0x540] =	vst v2;
	v2 =	vshll.u32 v37, $0x3  }
0x8d: {  	[tilespmem:$0x550] =	vst v2;
	v2 =	vshll.u32 v3, $0x3  }
0x8e: {  	[tilespmem:$0x560] =	vst v2;
	v2 =	vshll.u32 v38, $0x3  }
0x8f: {  	[tilespmem:$0x570] =	vst v2  }
0x90: {  	[spmem:s1] =	stream.indirect.scatter.add.f32 [tilespmem:s31], [sflag:$0x2], $0x1, s2, s29, $0xb8;
	[tilespmem:$0xDC40] =	vst v63  }
0x91: {  	_ =	swait.ge [sflag:s28], $0x80  }
0x92: {  	[sflag:s28] =	ssyncset.done $0x0  }
0x93: {  	[sflag:s28] =	ssyncadd.s32 $0xFFFFFF80  }
0x94: {  	v2 =	vld [tilespmem:$0x180]  }
0x95: {  	v3 =	vld [tilespmem:$0x190]  }
0x96: {  	v39 =	vld [tilespmem:$0x1A0]  }
0x97: {  	v40 =	vld [tilespmem:$0x1B0]  }
0x98: {  	v41 =	vld [tilespmem:$0x1C0]  }
0x99: {  	v42 =	vld [tilespmem:$0x1D0];
	v2 =	vshll.u32 v2, $0x3  }
0x9a: {  	[tilespmem:$0x580] =	vst v2;
	v2 =	vshll.u32 v3, $0x3;
	v3 =	vld [tilespmem:$0x1E0]  }
0x9b: {  	v43 =	vld [tilespmem:$0x1F0];
	[tilespmem:$0x590] =	vst v2;
	v2 =	vshll.u32 v39, $0x3  }
0x9c: {  	[tilespmem:$0x5A0] =	vst v2;
	v2 =	vshll.u32 v40, $0x3  }
0x9d: {  	[tilespmem:$0x5B0] =	vst v2;
	v2 =	vshll.u32 v41, $0x3  }
0x9e: {  	[tilespmem:$0x5C0] =	vst v2;
	v2 =	vshll.u32 v42, $0x3  }
0x9f: {  	[tilespmem:$0x5D0] =	vst v2;
	v2 =	vshll.u32 v3, $0x3  }
0xa0: {  	[tilespmem:$0x5E0] =	vst v2;
	v2 =	vshll.u32 v43, $0x3  }
0xa1: {  	[tilespmem:$0x5F0] =	vst v2  }
0xa2: {  	[spmem:s1] =	stream.indirect.scatter.add.f32 [tilespmem:s31], [sflag:$0x2], $0x1, s12, s29, $0xb8;
	[tilespmem:$0xDC40] =	vst v63  }
0xa3: {  	_ =	swait.ge [sflag:s28], $0x80  }
0xa4: {  	[sflag:s28] =	ssyncset.done $0x0  }
0xa5: {  	[sflag:s28] =	ssyncadd.s32 $0xFFFFFF80  }
0xa6: {  	v2 =	vld [tilespmem:$0x200]  }
0xa7: {  	v3 =	vld [tilespmem:$0x210]  }
0xa8: {  	v44 =	vld [tilespmem:$0x220]  }
0xa9: {  	v45 =	vld [tilespmem:$0x230]  }
0xaa: {  	v46 =	vld [tilespmem:$0x240]  }
0xab: {  	v47 =	vld [tilespmem:$0x250];
	v2 =	vshll.u32 v2, $0x3  }
0xac: {  	[tilespmem:$0x600] =	vst v2;
	v2 =	vshll.u32 v3, $0x3;
	v3 =	vld [tilespmem:$0x260]  }
0xad: {  	v48 =	vld [tilespmem:$0x270];
	[tilespmem:$0x610] =	vst v2;
	v2 =	vshll.u32 v44, $0x3  }
0xae: {  	[tilespmem:$0x620] =	vst v2;
	v2 =	vshll.u32 v45, $0x3  }
0xaf: {  	[tilespmem:$0x630] =	vst v2;
	v2 =	vshll.u32 v46, $0x3  }
0xb0: {  	[tilespmem:$0x640] =	vst v2;
	v2 =	vshll.u32 v47, $0x3  }
0xb1: {  	[tilespmem:$0x650] =	vst v2;
	v2 =	vshll.u32 v3, $0x3  }
0xb2: {  	[tilespmem:$0x660] =	vst v2;
	v2 =	vshll.u32 v48, $0x3  }
0xb3: {  	[tilespmem:$0x670] =	vst v2  }
0xb4: {  	[spmem:s1] =	stream.indirect.scatter.add.f32 [tilespmem:s31], [sflag:$0x2], $0x1, s13, s29, $0xb8;
	[tilespmem:$0xDC40] =	vst v63  }
0xb5: {  	_ =	swait.ge [sflag:s28], $0x80  }
0xb6: {  	[sflag:s28] =	ssyncset.done $0x0  }
0xb7: {  	[sflag:s28] =	ssyncadd.s32 $0xFFFFFF80  }
0xb8: {  	v2 =	vld [tilespmem:$0x280]  }
0xb9: {  	v3 =	vld [tilespmem:$0x290]  }
0xba: {  	v49 =	vld [tilespmem:$0x2A0]  }
0xbb: {  	v50 =	vld [tilespmem:$0x2B0]  }
0xbc: {  	v51 =	vld [tilespmem:$0x2C0]  }
0xbd: {  	v52 =	vld [tilespmem:$0x2D0];
	v2 =	vshll.u32 v2, $0x3  }
0xbe: {  	[tilespmem:$0x680] =	vst v2;
	v2 =	vshll.u32 v3, $0x3;
	v3 =	vld [tilespmem:$0x2E0]  }
0xbf: {  	v53 =	vld [tilespmem:$0x2F0];
	[tilespmem:$0x690] =	vst v2;
	v2 =	vshll.u32 v49, $0x3  }
0xc0: {  	[tilespmem:$0x6A0] =	vst v2;
	v2 =	vshll.u32 v50, $0x3  }
0xc1: {  	[tilespmem:$0x6B0] =	vst v2;
	v2 =	vshll.u32 v51, $0x3  }
0xc2: {  	[tilespmem:$0x6C0] =	vst v2;
	v2 =	vshll.u32 v52, $0x3  }
0xc3: {  	[tilespmem:$0x6D0] =	vst v2;
	v2 =	vshll.u32 v3, $0x3  }
0xc4: {  	[tilespmem:$0x6E0] =	vst v2;
	v2 =	vshll.u32 v53, $0x3  }
0xc5: {  	[tilespmem:$0x6F0] =	vst v2  }
0xc6: {  	[spmem:s1] =	stream.indirect.scatter.add.f32 [tilespmem:s31], [sflag:$0x2], $0x1, s14, s29, $0xb8;
	[tilespmem:$0xDC40] =	vst v63  }
0xc7: {  	_ =	swait.ge [sflag:s28], $0x80  }
0xc8: {  	[sflag:s28] =	ssyncset.done $0x0  }
0xc9: {  	[sflag:s28] =	ssyncadd.s32 $0xFFFFFF80  }
0xca: {  	v2 =	vld [tilespmem:$0x300]  }
0xcb: {  	v3 =	vld [tilespmem:$0x310]  }
0xcc: {  	v54 =	vld [tilespmem:$0x320]  }
0xcd: {  	v55 =	vld [tilespmem:$0x330]  }
0xce: {  	v56 =	vld [tilespmem:$0x340]  }
0xcf: {  	v57 =	vld [tilespmem:$0x350];
	v2 =	vshll.u32 v2, $0x3  }
0xd0: {  	[tilespmem:$0x700] =	vst v2;
	v2 =	vshll.u32 v3, $0x3;
	v3 =	vld [tilespmem:$0x360]  }
0xd1: {  	v58 =	vld [tilespmem:$0x370];
	[tilespmem:$0x710] =	vst v2;
	v2 =	vshll.u32 v54, $0x3  }
0xd2: {  	[tilespmem:$0x720] =	vst v2;
	v2 =	vshll.u32 v55, $0x3  }
0xd3: {  	[tilespmem:$0x730] =	vst v2;
	v2 =	vshll.u32 v56, $0x3  }
0xd4: {  	[tilespmem:$0x740] =	vst v2;
	v2 =	vshll.u32 v57, $0x3  }
0xd5: {  	[tilespmem:$0x750] =	vst v2;
	v2 =	vshll.u32 v3, $0x3  }
0xd6: {  	[tilespmem:$0x760] =	vst v2;
	v2 =	vshll.u32 v58, $0x3  }
0xd7: {  	[tilespmem:$0x770] =	vst v2  }
0xd8: {  	[spmem:s1] =	stream.indirect.scatter.add.f32 [tilespmem:s31], [sflag:$0x2], $0x1, s15, s29, $0xb8;
	[tilespmem:$0xDC40] =	vst v63  }
0xd9: {  	_ =	swait.ge [sflag:s28], $0x80  }
0xda: {  	[sflag:s28] =	ssyncset.done $0x0  }
0xdb: {  	[sflag:s28] =	ssyncadd.s32 $0xFFFFFF80  }
0xdc: {  	v2 =	vld [tilespmem:$0x380]  }
0xdd: {  	v3 =	vld [tilespmem:$0x390]  }
0xde: {  	v59 =	vld [tilespmem:$0x3A0]  }
0xdf: {  	v60 =	vld [tilespmem:$0x3B0]  }
0xe0: {  	v61 =	vld [tilespmem:$0x3C0]  }
0xe1: {  	v62 =	vld [tilespmem:$0x3D0];
	v2 =	vshll.u32 v2, $0x3  }
0xe2: {  	[tilespmem:$0x780] =	vst v2;
	v2 =	vshll.u32 v3, $0x3;
	v3 =	vld [tilespmem:$0x3E0]  }
0xe3: {  	v63 =	vld [tilespmem:$0x3F0];
	[tilespmem:$0x790] =	vst v2;
	v2 =	vshll.u32 v59, $0x3  }
0xe4: {  	[tilespmem:$0x7A0] =	vst v2;
	v2 =	vshll.u32 v60, $0x3  }
0xe5: {  	[tilespmem:$0x7B0] =	vst v2;
	v2 =	vshll.u32 v61, $0x3  }
0xe6: {  	[tilespmem:$0x7C0] =	vst v2;
	v2 =	vshll.u32 v62, $0x3  }
0xe7: {  	[tilespmem:$0x7D0] =	vst v2;
	v2 =	vshll.u32 v3, $0x3  }
0xe8: {  	[tilespmem:$0x7E0] =	vst v2;
	v2 =	vshll.u32 v63, $0x3  }
.Ltmp6:
0xe9: {  	[tilespmem:$0x7F0] =	vst v2;
	(pc) =	sbr.rel .LBB2_6-.Ltmp6, $4  }
0xea: {  	[spmem:s1] =	stream.indirect.scatter.add.f32 [tilespmem:s31], [sflag:$0x1], $0x1, s16, s29, $0xb8;
	[tilespmem:$0xDC40] =	vst v63  }
0xeb: {  	_ =	swait.ge [sflag:s26], $0x80  }
0xec: {  	[sflag:s26] =	ssyncset.done $0x0  }
0xed: {  	[sflag:s26] =	ssyncadd.s32 $0xFFFFFF80  }
.LBB2_7:
0xee: {  	[bflag:$0x0] =	sbarrier.arrive $0xFFFF  }
0xef: {  	[tilespmem:s17], [sflag:$0x1] =	stream.linear.gather [spmem:s4], $0x61C0, $0x38;
	[tilespmem:$0xDC40] =	vst v63  }
0xf0: {  	_ =	swait.ge [sflag:s26], $0x61C0  }
0xf1: {  	[sflag:s26] =	ssyncset.done $0x0  }
0xf2: {  	s20 =	simm.s32 $0x0;
	[sflag:s26] =	ssyncadd.s32 $0xFFFF9E40  }
0xf3: {  	[hbm4b:s11+s20] =	stream.linear.scatter [tilespmem:s17], [sflag:$0x1], $0x61C0, $0x38;
	[tilespmem:$0xDC40] =	vst v63  }
0xf4: {  	_ =	swait.ge [sflag:s26], $0x61C0  }
0xf5: {  	[sflag:s26] =	ssyncset.done $0x0  }
0xf6: {  	[sflag:s26] =	ssyncadd.s32 $0xFFFF9E40  }
0xf7: {  	[spmem:s4] =	stream.linear.scatter [tilespmem:s25], [sflag:$0x1], $0x1000, $0x38;
	[tilespmem:$0xDC40] =	vst v63  }
0xf8: {  	_ =	swait.ge [sflag:s26], $0x1000  }
0xf9: {  	[sflag:s26] =	ssyncset.done $0x0  }
0xfa: {  	[sflag:s26] =	ssyncadd.s32 $0xFFFFF000  }
0xfb: {  	[spmem:s5] =	stream.linear.scatter [tilespmem:s25], [sflag:$0x1], $0x1000, $0x38;
	[tilespmem:$0xDC40] =	vst v63  }
0xfc: {  	_ =	swait.ge [sflag:s26], $0x1000  }
0xfd: {  	[sflag:s26] =	ssyncset.done $0x0  }
0xfe: {  	[sflag:s26] =	ssyncadd.s32 $0xFFFFF000  }
0xff: {  	[spmem:s6] =	stream.linear.scatter [tilespmem:s25], [sflag:$0x1], $0x1000, $0x38;
	[tilespmem:$0xDC40] =	vst v63  }
0x100: {  	_ =	swait.ge [sflag:s26], $0x1000  }
0x101: {  	[sflag:s26] =	ssyncset.done $0x0  }
0x102: {  	[sflag:s26] =	ssyncadd.s32 $0xFFFFF000  }
0x103: {  	[spmem:s7] =	stream.linear.scatter [tilespmem:s25], [sflag:$0x1], $0x1000, $0x38;
	[tilespmem:$0xDC40] =	vst v63  }
0x104: {  	_ =	swait.ge [sflag:s26], $0x1000  }
0x105: {  	[sflag:s26] =	ssyncset.done $0x0  }
0x106: {  	[sflag:s26] =	ssyncadd.s32 $0xFFFFF000  }
0x107: {  	[spmem:s8] =	stream.linear.scatter [tilespmem:s25], [sflag:$0x1], $0x1000, $0x38;
	[tilespmem:$0xDC40] =	vst v63  }
0x108: {  	_ =	swait.ge [sflag:s26], $0x1000  }
0x109: {  	[sflag:s26] =	ssyncset.done $0x0  }
0x10a: {  	[sflag:s26] =	ssyncadd.s32 $0xFFFFF000  }
0x10b: {  	[spmem:s9] =	stream.linear.scatter [tilespmem:s25], [sflag:$0x1], $0x1000, $0x38;
	[tilespmem:$0xDC40] =	vst v63  }
0x10c: {  	_ =	swait.ge [sflag:s26], $0x1000  }
0x10d: {  	[sflag:s26] =	ssyncset.done $0x0  }
0x10e: {  	[sflag:s26] =	ssyncadd.s32 $0xFFFFF000  }
0x10f: {  	[spmem:s10] =	stream.linear.scatter [tilespmem:s25], [sflag:$0x1], $0x1C0, $0x38;
	[tilespmem:$0xDC40] =	vst v63  }
.Ltmp7:
0x110: {  	_ =	swait.ge [sflag:s26], $0x1C0;
	(pc) =	sbr.rel .LBB2_8-.Ltmp7, $4  }
0x111: {  	[sflag:s26] =	ssyncset.done $0x0  }
0x112: {  	[sflag:s26] =	ssyncadd.s32 $0xFFFFFE40  }
0x113: {  	[bflag:$0x0] =	sbarrier.arrive $0xFFFF  }
0x114: {  	s21 =	rddreg [dreg:$0xb]  }
.LBB2_10:
0x115: {  	s20 =	sadd.s32 $0x20, s20  }
0x116: {  	p0 =	sne.s32 s20, $0xE0  }
.Ltmp8:
0x117: {  	_ = 	snop;
	(pc) =	sbr.rel @!p0 .LBB2_11-.Ltmp8, $2  }
0x118: {  	_ =	sdelay $0x2  }
0x119: {  	s21 =	sadd.s32 $0x1000, s21  }
.LBB2_8:
0x11a: {  	s22 =	sadd.s32 s20, s19  }
0x11b: {  	p0 =	sgt.u32 s22, $0xC3  }
.Ltmp9:
0x11c: {  	_ = 	snop;
	(pc) =	sbr.rel @p0 .LBB2_10-.Ltmp9, $1  }
0x11d: {  	_ =	sdelay $0x3  }
0x11e: {  	[tilespmem:s3], [sflag:$0x2] =	stream.linear.gather [hbm4b:s21+s3], $0x400, $0x38;
	[tilespmem:$0xDC40] =	vst v63  }
0x11f: {  	_ =	swait.ge [sflag:s28], $0x400  }
0x120: {  	[sflag:s28] =	ssyncset.done $0x0  }
0x121: {  	[sflag:s28] =	ssyncadd.s32 $0xFFFFFC00  }
0x122: {  	v2 =	vld [tilespmem:$0x0]  }
0x123: {  	v3 =	vld [tilespmem:$0x10]  }
0x124: {  	v4 =	vld [tilespmem:$0x20]  }
0x125: {  	v5 =	vld [tilespmem:$0x30]  }
0x126: {  	v6 =	vld [tilespmem:$0x40]  }
0x127: {  	v7 =	vld [tilespmem:$0x50];
	v2 =	vshll.u32 v2, $0x3  }
0x128: {  	[tilespmem:$0x400] =	vst v2;
	v2 =	vshll.u32 v3, $0x3;
	v3 =	vld [tilespmem:$0x60]  }
0x129: {  	v28 =	vld [tilespmem:$0x70];
	[tilespmem:$0x410] =	vst v2;
	v2 =	vshll.u32 v4, $0x3  }
0x12a: {  	[tilespmem:$0x420] =	vst v2;
	v2 =	vshll.u32 v5, $0x3  }
0x12b: {  	[tilespmem:$0x430] =	vst v2;
	v2 =	vshll.u32 v6, $0x3  }
0x12c: {  	[tilespmem:$0x440] =	vst v2;
	v2 =	vshll.u32 v7, $0x3  }
0x12d: {  	[tilespmem:$0x450] =	vst v2;
	v2 =	vshll.u32 v3, $0x3  }
0x12e: {  	[tilespmem:$0x460] =	vst v2;
	v2 =	vshll.u32 v28, $0x3  }
0x12f: {  	[tilespmem:$0x470] =	vst v2  }
0x130: {  	[spmem:s1] =	stream.indirect.scatter.add.f32 [tilespmem:s31], [sflag:$0x2], $0x1, s30, s29, $0xb8;
	[tilespmem:$0xDC40] =	vst v63  }
0x131: {  	_ =	swait.ge [sflag:s28], $0x80  }
0x132: {  	[sflag:s28] =	ssyncset.done $0x0  }
0x133: {  	[sflag:s28] =	ssyncadd.s32 $0xFFFFFF80  }
0x134: {  	v2 =	vld [tilespmem:$0x80]  }
0x135: {  	v3 =	vld [tilespmem:$0x90]  }
0x136: {  	v29 =	vld [tilespmem:$0xA0]  }
0x137: {  	v30 =	vld [tilespmem:$0xB0]  }
0x138: {  	v31 =	vld [tilespmem:$0xC0]  }
0x139: {  	v32 =	vld [tilespmem:$0xD0];
	v2 =	vshll.u32 v2, $0x3  }
0x13a: {  	[tilespmem:$0x480] =	vst v2;
	v2 =	vshll.u32 v3, $0x3;
	v3 =	vld [tilespmem:$0xE0]  }
0x13b: {  	v33 =	vld [tilespmem:$0xF0];
	[tilespmem:$0x490] =	vst v2;
	v2 =	vshll.u32 v29, $0x3  }
0x13c: {  	[tilespmem:$0x4A0] =	vst v2;
	v2 =	vshll.u32 v30, $0x3  }
0x13d: {  	[tilespmem:$0x4B0] =	vst v2;
	v2 =	vshll.u32 v31, $0x3  }
0x13e: {  	[tilespmem:$0x4C0] =	vst v2;
	v2 =	vshll.u32 v32, $0x3  }
0x13f: {  	[tilespmem:$0x4D0] =	vst v2;
	v2 =	vshll.u32 v3, $0x3  }
0x140: {  	[tilespmem:$0x4E0] =	vst v2;
	v2 =	vshll.u32 v33, $0x3  }
0x141: {  	[tilespmem:$0x4F0] =	vst v2  }
0x142: {  	[spmem:s1] =	stream.indirect.scatter.add.f32 [tilespmem:s31], [sflag:$0x2], $0x1, s0, s29, $0xb8;
	[tilespmem:$0xDC40] =	vst v63  }
0x143: {  	_ =	swait.ge [sflag:s28], $0x80  }
0x144: {  	[sflag:s28] =	ssyncset.done $0x0  }
0x145: {  	[sflag:s28] =	ssyncadd.s32 $0xFFFFFF80  }
0x146: {  	v2 =	vld [tilespmem:$0x100]  }
0x147: {  	v3 =	vld [tilespmem:$0x110]  }
0x148: {  	v34 =	vld [tilespmem:$0x120]  }
0x149: {  	v35 =	vld [tilespmem:$0x130]  }
0x14a: {  	v36 =	vld [tilespmem:$0x140]  }
0x14b: {  	v37 =	vld [tilespmem:$0x150];
	v2 =	vshll.u32 v2, $0x3  }
0x14c: {  	[tilespmem:$0x500] =	vst v2;
	v2 =	vshll.u32 v3, $0x3;
	v3 =	vld [tilespmem:$0x160]  }
0x14d: {  	v38 =	vld [tilespmem:$0x170];
	[tilespmem:$0x510] =	vst v2;
	v2 =	vshll.u32 v34, $0x3  }
0x14e: {  	[tilespmem:$0x520] =	vst v2;
	v2 =	vshll.u32 v35, $0x3  }
0x14f: {  	[tilespmem:$0x530] =	vst v2;
	v2 =	vshll.u32 v36, $0x3  }
0x150: {  	[tilespmem:$0x540] =	vst v2;
	v2 =	vshll.u32 v37, $0x3  }
0x151: {  	[tilespmem:$0x550] =	vst v2;
	v2 =	vshll.u32 v3, $0x3  }
0x152: {  	[tilespmem:$0x560] =	vst v2;
	v2 =	vshll.u32 v38, $0x3  }
0x153: {  	[tilespmem:$0x570] =	vst v2  }
0x154: {  	[spmem:s1] =	stream.indirect.scatter.add.f32 [tilespmem:s31], [sflag:$0x2], $0x1, s2, s29, $0xb8;
	[tilespmem:$0xDC40] =	vst v63  }
0x155: {  	_ =	swait.ge [sflag:s28], $0x80  }
0x156: {  	[sflag:s28] =	ssyncset.done $0x0  }
0x157: {  	[sflag:s28] =	ssyncadd.s32 $0xFFFFFF80  }
0x158: {  	v2 =	vld [tilespmem:$0x180]  }
0x159: {  	v3 =	vld [tilespmem:$0x190]  }
0x15a: {  	v39 =	vld [tilespmem:$0x1A0]  }
0x15b: {  	v40 =	vld [tilespmem:$0x1B0]  }
0x15c: {  	v41 =	vld [tilespmem:$0x1C0]  }
0x15d: {  	v42 =	vld [tilespmem:$0x1D0];
	v2 =	vshll.u32 v2, $0x3  }
0x15e: {  	[tilespmem:$0x580] =	vst v2;
	v2 =	vshll.u32 v3, $0x3;
	v3 =	vld [tilespmem:$0x1E0]  }
0x15f: {  	v43 =	vld [tilespmem:$0x1F0];
	[tilespmem:$0x590] =	vst v2;
	v2 =	vshll.u32 v39, $0x3  }
0x160: {  	[tilespmem:$0x5A0] =	vst v2;
	v2 =	vshll.u32 v40, $0x3  }
0x161: {  	[tilespmem:$0x5B0] =	vst v2;
	v2 =	vshll.u32 v41, $0x3  }
0x162: {  	[tilespmem:$0x5C0] =	vst v2;
	v2 =	vshll.u32 v42, $0x3  }
0x163: {  	[tilespmem:$0x5D0] =	vst v2;
	v2 =	vshll.u32 v3, $0x3  }
0x164: {  	[tilespmem:$0x5E0] =	vst v2;
	v2 =	vshll.u32 v43, $0x3  }
0x165: {  	[tilespmem:$0x5F0] =	vst v2  }
0x166: {  	[spmem:s1] =	stream.indirect.scatter.add.f32 [tilespmem:s31], [sflag:$0x2], $0x1, s12, s29, $0xb8;
	[tilespmem:$0xDC40] =	vst v63  }
0x167: {  	_ =	swait.ge [sflag:s28], $0x80  }
0x168: {  	[sflag:s28] =	ssyncset.done $0x0  }
0x169: {  	[sflag:s28] =	ssyncadd.s32 $0xFFFFFF80  }
0x16a: {  	v2 =	vld [tilespmem:$0x200]  }
0x16b: {  	v3 =	vld [tilespmem:$0x210]  }
0x16c: {  	v44 =	vld [tilespmem:$0x220]  }
0x16d: {  	v45 =	vld [tilespmem:$0x230]  }
0x16e: {  	v46 =	vld [tilespmem:$0x240]  }
0x16f: {  	v47 =	vld [tilespmem:$0x250];
	v2 =	vshll.u32 v2, $0x3  }
0x170: {  	[tilespmem:$0x600] =	vst v2;
	v2 =	vshll.u32 v3, $0x3;
	v3 =	vld [tilespmem:$0x260]  }
0x171: {  	v48 =	vld [tilespmem:$0x270];
	[tilespmem:$0x610] =	vst v2;
	v2 =	vshll.u32 v44, $0x3  }
0x172: {  	[tilespmem:$0x620] =	vst v2;
	v2 =	vshll.u32 v45, $0x3  }
0x173: {  	[tilespmem:$0x630] =	vst v2;
	v2 =	vshll.u32 v46, $0x3  }
0x174: {  	[tilespmem:$0x640] =	vst v2;
	v2 =	vshll.u32 v47, $0x3  }
0x175: {  	[tilespmem:$0x650] =	vst v2;
	v2 =	vshll.u32 v3, $0x3  }
0x176: {  	[tilespmem:$0x660] =	vst v2;
	v2 =	vshll.u32 v48, $0x3  }
0x177: {  	[tilespmem:$0x670] =	vst v2  }
0x178: {  	[spmem:s1] =	stream.indirect.scatter.add.f32 [tilespmem:s31], [sflag:$0x2], $0x1, s13, s29, $0xb8;
	[tilespmem:$0xDC40] =	vst v63  }
0x179: {  	_ =	swait.ge [sflag:s28], $0x80  }
0x17a: {  	[sflag:s28] =	ssyncset.done $0x0  }
0x17b: {  	[sflag:s28] =	ssyncadd.s32 $0xFFFFFF80  }
0x17c: {  	v2 =	vld [tilespmem:$0x280]  }
0x17d: {  	v3 =	vld [tilespmem:$0x290]  }
0x17e: {  	v49 =	vld [tilespmem:$0x2A0]  }
0x17f: {  	v50 =	vld [tilespmem:$0x2B0]  }
0x180: {  	v51 =	vld [tilespmem:$0x2C0]  }
0x181: {  	v52 =	vld [tilespmem:$0x2D0];
	v2 =	vshll.u32 v2, $0x3  }
0x182: {  	[tilespmem:$0x680] =	vst v2;
	v2 =	vshll.u32 v3, $0x3;
	v3 =	vld [tilespmem:$0x2E0]  }
0x183: {  	v53 =	vld [tilespmem:$0x2F0];
	[tilespmem:$0x690] =	vst v2;
	v2 =	vshll.u32 v49, $0x3  }
0x184: {  	[tilespmem:$0x6A0] =	vst v2;
	v2 =	vshll.u32 v50, $0x3  }
0x185: {  	[tilespmem:$0x6B0] =	vst v2;
	v2 =	vshll.u32 v51, $0x3  }
0x186: {  	[tilespmem:$0x6C0] =	vst v2;
	v2 =	vshll.u32 v52, $0x3  }
0x187: {  	[tilespmem:$0x6D0] =	vst v2;
	v2 =	vshll.u32 v3, $0x3  }
0x188: {  	[tilespmem:$0x6E0] =	vst v2;
	v2 =	vshll.u32 v53, $0x3  }
0x189: {  	[tilespmem:$0x6F0] =	vst v2  }
0x18a: {  	[spmem:s1] =	stream.indirect.scatter.add.f32 [tilespmem:s31], [sflag:$0x2], $0x1, s14, s29, $0xb8;
	[tilespmem:$0xDC40] =	vst v63  }
0x18b: {  	_ =	swait.ge [sflag:s28], $0x80  }
0x18c: {  	[sflag:s28] =	ssyncset.done $0x0  }
0x18d: {  	[sflag:s28] =	ssyncadd.s32 $0xFFFFFF80  }
0x18e: {  	v2 =	vld [tilespmem:$0x300]  }
0x18f: {  	v3 =	vld [tilespmem:$0x310]  }
0x190: {  	v54 =	vld [tilespmem:$0x320]  }
0x191: {  	v55 =	vld [tilespmem:$0x330]  }
0x192: {  	v56 =	vld [tilespmem:$0x340]  }
0x193: {  	v57 =	vld [tilespmem:$0x350];
	v2 =	vshll.u32 v2, $0x3  }
0x194: {  	[tilespmem:$0x700] =	vst v2;
	v2 =	vshll.u32 v3, $0x3;
	v3 =	vld [tilespmem:$0x360]  }
0x195: {  	v58 =	vld [tilespmem:$0x370];
	[tilespmem:$0x710] =	vst v2;
	v2 =	vshll.u32 v54, $0x3  }
0x196: {  	[tilespmem:$0x720] =	vst v2;
	v2 =	vshll.u32 v55, $0x3  }
0x197: {  	[tilespmem:$0x730] =	vst v2;
	v2 =	vshll.u32 v56, $0x3  }
0x198: {  	[tilespmem:$0x740] =	vst v2;
	v2 =	vshll.u32 v57, $0x3  }
0x199: {  	[tilespmem:$0x750] =	vst v2;
	v2 =	vshll.u32 v3, $0x3  }
0x19a: {  	[tilespmem:$0x760] =	vst v2;
	v2 =	vshll.u32 v58, $0x3  }
0x19b: {  	[tilespmem:$0x770] =	vst v2  }
0x19c: {  	[spmem:s1] =	stream.indirect.scatter.add.f32 [tilespmem:s31], [sflag:$0x2], $0x1, s15, s29, $0xb8;
	[tilespmem:$0xDC40] =	vst v63  }
0x19d: {  	_ =	swait.ge [sflag:s28], $0x80  }
0x19e: {  	[sflag:s28] =	ssyncset.done $0x0  }
0x19f: {  	[sflag:s28] =	ssyncadd.s32 $0xFFFFFF80  }
0x1a0: {  	v2 =	vld [tilespmem:$0x380]  }
0x1a1: {  	v3 =	vld [tilespmem:$0x390]  }
0x1a2: {  	v59 =	vld [tilespmem:$0x3A0]  }
0x1a3: {  	v60 =	vld [tilespmem:$0x3B0]  }
0x1a4: {  	v61 =	vld [tilespmem:$0x3C0]  }
0x1a5: {  	v62 =	vld [tilespmem:$0x3D0];
	v2 =	vshll.u32 v2, $0x3  }
0x1a6: {  	[tilespmem:$0x780] =	vst v2;
	v2 =	vshll.u32 v3, $0x3;
	v3 =	vld [tilespmem:$0x3E0]  }
0x1a7: {  	v63 =	vld [tilespmem:$0x3F0];
	[tilespmem:$0x790] =	vst v2;
	v2 =	vshll.u32 v59, $0x3  }
0x1a8: {  	[tilespmem:$0x7A0] =	vst v2;
	v2 =	vshll.u32 v60, $0x3  }
0x1a9: {  	[tilespmem:$0x7B0] =	vst v2;
	v2 =	vshll.u32 v61, $0x3  }
0x1aa: {  	[tilespmem:$0x7C0] =	vst v2;
	v2 =	vshll.u32 v62, $0x3  }
0x1ab: {  	[tilespmem:$0x7D0] =	vst v2;
	v2 =	vshll.u32 v3, $0x3  }
0x1ac: {  	[tilespmem:$0x7E0] =	vst v2;
	v2 =	vshll.u32 v63, $0x3  }
.Ltmp10:
0x1ad: {  	[tilespmem:$0x7F0] =	vst v2;
	(pc) =	sbr.rel .LBB2_10-.Ltmp10, $4  }
0x1ae: {  	[spmem:s1] =	stream.indirect.scatter.add.f32 [tilespmem:s31], [sflag:$0x1], $0x1, s16, s29, $0xb8;
	[tilespmem:$0xDC40] =	vst v63  }
0x1af: {  	_ =	swait.ge [sflag:s26], $0x80  }
0x1b0: {  	[sflag:s26] =	ssyncset.done $0x0  }
0x1b1: {  	[sflag:s26] =	ssyncadd.s32 $0xFFFFFF80  }
.LBB2_11:
0x1b2: {  	[bflag:$0x0] =	sbarrier.arrive $0xFFFF  }
0x1b3: {  	[tilespmem:s17], [sflag:$0x1] =	stream.linear.gather [spmem:s4], $0x61C0, $0x38;
	[tilespmem:$0xDC40] =	vst v63  }
0x1b4: {  	_ =	swait.ge [sflag:s26], $0x61C0  }
0x1b5: {  	[sflag:s26] =	ssyncset.done $0x0  }
0x1b6: {  	s20 =	simm.s32 $0x0;
	s21 =	rddreg [dreg:$0x4];
	[sflag:s26] =	ssyncadd.s32 $0xFFFF9E40  }
0x1b7: {  	[hbm4b:s21+s20] =	stream.linear.scatter [tilespmem:s17], [sflag:$0x1], $0x61C0, $0x38;
	[tilespmem:$0xDC40] =	vst v63  }
0x1b8: {  	_ =	swait.ge [sflag:s26], $0x61C0  }
0x1b9: {  	[sflag:s26] =	ssyncset.done $0x0  }
0x1ba: {  	[sflag:s26] =	ssyncadd.s32 $0xFFFF9E40  }
0x1bb: {  	[spmem:s4] =	stream.linear.scatter [tilespmem:s25], [sflag:$0x1], $0x1000, $0x38;
	[tilespmem:$0xDC40] =	vst v63  }
0x1bc: {  	_ =	swait.ge [sflag:s26], $0x1000  }
0x1bd: {  	[sflag:s26] =	ssyncset.done $0x0  }
0x1be: {  	[sflag:s26] =	ssyncadd.s32 $0xFFFFF000  }
0x1bf: {  	[spmem:s5] =	stream.linear.scatter [tilespmem:s25], [sflag:$0x1], $0x1000, $0x38;
	[tilespmem:$0xDC40] =	vst v63  }
0x1c0: {  	_ =	swait.ge [sflag:s26], $0x1000  }
0x1c1: {  	[sflag:s26] =	ssyncset.done $0x0  }
0x1c2: {  	[sflag:s26] =	ssyncadd.s32 $0xFFFFF000  }
0x1c3: {  	[spmem:s6] =	stream.linear.scatter [tilespmem:s25], [sflag:$0x1], $0x1000, $0x38;
	[tilespmem:$0xDC40] =	vst v63  }
0x1c4: {  	_ =	swait.ge [sflag:s26], $0x1000  }
0x1c5: {  	[sflag:s26] =	ssyncset.done $0x0  }
0x1c6: {  	[sflag:s26] =	ssyncadd.s32 $0xFFFFF000  }
0x1c7: {  	[spmem:s7] =	stream.linear.scatter [tilespmem:s25], [sflag:$0x1], $0x1000, $0x38;
	[tilespmem:$0xDC40] =	vst v63  }
0x1c8: {  	_ =	swait.ge [sflag:s26], $0x1000  }
0x1c9: {  	[sflag:s26] =	ssyncset.done $0x0  }
0x1ca: {  	[sflag:s26] =	ssyncadd.s32 $0xFFFFF000  }
0x1cb: {  	[spmem:s8] =	stream.linear.scatter [tilespmem:s25], [sflag:$0x1], $0x1000, $0x38;
	[tilespmem:$0xDC40] =	vst v63  }
0x1cc: {  	_ =	swait.ge [sflag:s26], $0x1000  }
0x1cd: {  	[sflag:s26] =	ssyncset.done $0x0  }
0x1ce: {  	[sflag:s26] =	ssyncadd.s32 $0xFFFFF000  }
0x1cf: {  	[spmem:s9] =	stream.linear.scatter [tilespmem:s25], [sflag:$0x1], $0x1000, $0x38;
	[tilespmem:$0xDC40] =	vst v63  }
0x1d0: {  	_ =	swait.ge [sflag:s26], $0x1000  }
0x1d1: {  	[sflag:s26] =	ssyncset.done $0x0  }
0x1d2: {  	[sflag:s26] =	ssyncadd.s32 $0xFFFFF000  }
0x1d3: {  	[spmem:s10] =	stream.linear.scatter [tilespmem:s25], [sflag:$0x1], $0x1C0, $0x38;
	[tilespmem:$0xDC40] =	vst v63  }
.Ltmp11:
0x1d4: {  	_ =	swait.ge [sflag:s26], $0x1C0;
	(pc) =	sbr.rel .LBB2_12-.Ltmp11, $4  }
0x1d5: {  	[sflag:s26] =	ssyncset.done $0x0  }
0x1d6: {  	[sflag:s26] =	ssyncadd.s32 $0xFFFFFE40  }
0x1d7: {  	[bflag:$0x0] =	sbarrier.arrive $0xFFFF  }
0x1d8: {  	s21 =	rddreg [dreg:$0xc]  }
.LBB2_14:
0x1d9: {  	s20 =	sadd.s32 $0x20, s20  }
0x1da: {  	p0 =	sne.s32 s20, $0xE0  }
.Ltmp12:
0x1db: {  	_ = 	snop;
	(pc) =	sbr.rel @!p0 .LBB2_15-.Ltmp12, $2  }
0x1dc: {  	_ =	sdelay $0x2  }
0x1dd: {  	s21 =	sadd.s32 $0x1000, s21  }
.LBB2_12:
0x1de: {  	s22 =	sadd.s32 s20, s19  }
0x1df: {  	p0 =	sgt.u32 s22, $0xC3  }
.Ltmp13:
0x1e0: {  	_ = 	snop;
	(pc) =	sbr.rel @p0 .LBB2_14-.Ltmp13, $1  }
0x1e1: {  	_ =	sdelay $0x3  }
0x1e2: {  	[tilespmem:s3], [sflag:$0x2] =	stream.linear.gather [hbm4b:s21+s3], $0x400, $0x38;
	[tilespmem:$0xDC40] =	vst v63  }
0x1e3: {  	_ =	swait.ge [sflag:s28], $0x400  }
0x1e4: {  	[sflag:s28] =	ssyncset.done $0x0  }
0x1e5: {  	[sflag:s28] =	ssyncadd.s32 $0xFFFFFC00  }
0x1e6: {  	v2 =	vld [tilespmem:$0x0]  }
0x1e7: {  	v3 =	vld [tilespmem:$0x10]  }
0x1e8: {  	v4 =	vld [tilespmem:$0x20]  }
0x1e9: {  	v5 =	vld [tilespmem:$0x30]  }
0x1ea: {  	v6 =	vld [tilespmem:$0x40]  }
0x1eb: {  	v7 =	vld [tilespmem:$0x50];
	v2 =	vshll.u32 v2, $0x3  }
0x1ec: {  	[tilespmem:$0x400] =	vst v2;
	v2 =	vshll.u32 v3, $0x3;
	v3 =	vld [tilespmem:$0x60]  }
0x1ed: {  	v28 =	vld [tilespmem:$0x70];
	[tilespmem:$0x410] =	vst v2;
	v2 =	vshll.u32 v4, $0x3  }
0x1ee: {  	[tilespmem:$0x420] =	vst v2;
	v2 =	vshll.u32 v5, $0x3  }
0x1ef: {  	[tilespmem:$0x430] =	vst v2;
	v2 =	vshll.u32 v6, $0x3  }
0x1f0: {  	[tilespmem:$0x440] =	vst v2;
	v2 =	vshll.u32 v7, $0x3  }
0x1f1: {  	[tilespmem:$0x450] =	vst v2;
	v2 =	vshll.u32 v3, $0x3  }
0x1f2: {  	[tilespmem:$0x460] =	vst v2;
	v2 =	vshll.u32 v28, $0x3  }
0x1f3: {  	[tilespmem:$0x470] =	vst v2  }
0x1f4: {  	[spmem:s1] =	stream.indirect.scatter.add.f32 [tilespmem:s31], [sflag:$0x2], $0x1, s30, s29, $0xb8;
	[tilespmem:$0xDC40] =	vst v63  }
0x1f5: {  	_ =	swait.ge [sflag:s28], $0x80  }
0x1f6: {  	[sflag:s28] =	ssyncset.done $0x0  }
0x1f7: {  	[sflag:s28] =	ssyncadd.s32 $0xFFFFFF80  }
0x1f8: {  	v2 =	vld [tilespmem:$0x80]  }
0x1f9: {  	v3 =	vld [tilespmem:$0x90]  }
0x1fa: {  	v29 =	vld [tilespmem:$0xA0]  }
0x1fb: {  	v30 =	vld [tilespmem:$0xB0]  }
0x1fc: {  	v31 =	vld [tilespmem:$0xC0]  }
0x1fd: {  	v32 =	vld [tilespmem:$0xD0];
	v2 =	vshll.u32 v2, $0x3  }
0x1fe: {  	[tilespmem:$0x480] =	vst v2;
	v2 =	vshll.u32 v3, $0x3;
	v3 =	vld [tilespmem:$0xE0]  }
0x1ff: {  	v33 =	vld [tilespmem:$0xF0];
	[tilespmem:$0x490] =	vst v2;
	v2 =	vshll.u32 v29, $0x3  }
0x200: {  	[tilespmem:$0x4A0] =	vst v2;
	v2 =	vshll.u32 v30, $0x3  }
0x201: {  	[tilespmem:$0x4B0] =	vst v2;
	v2 =	vshll.u32 v31, $0x3  }
0x202: {  	[tilespmem:$0x4C0] =	vst v2;
	v2 =	vshll.u32 v32, $0x3  }
0x203: {  	[tilespmem:$0x4D0] =	vst v2;
	v2 =	vshll.u32 v3, $0x3  }
0x204: {  	[tilespmem:$0x4E0] =	vst v2;
	v2 =	vshll.u32 v33, $0x3  }
0x205: {  	[tilespmem:$0x4F0] =	vst v2  }
0x206: {  	[spmem:s1] =	stream.indirect.scatter.add.f32 [tilespmem:s31], [sflag:$0x2], $0x1, s0, s29, $0xb8;
	[tilespmem:$0xDC40] =	vst v63  }
0x207: {  	_ =	swait.ge [sflag:s28], $0x80  }
0x208: {  	[sflag:s28] =	ssyncset.done $0x0  }
0x209: {  	[sflag:s28] =	ssyncadd.s32 $0xFFFFFF80  }
0x20a: {  	v2 =	vld [tilespmem:$0x100]  }
0x20b: {  	v3 =	vld [tilespmem:$0x110]  }
0x20c: {  	v34 =	vld [tilespmem:$0x120]  }
0x20d: {  	v35 =	vld [tilespmem:$0x130]  }
0x20e: {  	v36 =	vld [tilespmem:$0x140]  }
0x20f: {  	v37 =	vld [tilespmem:$0x150];
	v2 =	vshll.u32 v2, $0x3  }
0x210: {  	[tilespmem:$0x500] =	vst v2;
	v2 =	vshll.u32 v3, $0x3;
	v3 =	vld [tilespmem:$0x160]  }
0x211: {  	v38 =	vld [tilespmem:$0x170];
	[tilespmem:$0x510] =	vst v2;
	v2 =	vshll.u32 v34, $0x3  }
0x212: {  	[tilespmem:$0x520] =	vst v2;
	v2 =	vshll.u32 v35, $0x3  }
0x213: {  	[tilespmem:$0x530] =	vst v2;
	v2 =	vshll.u32 v36, $0x3  }
0x214: {  	[tilespmem:$0x540] =	vst v2;
	v2 =	vshll.u32 v37, $0x3  }
0x215: {  	[tilespmem:$0x550] =	vst v2;
	v2 =	vshll.u32 v3, $0x3  }
0x216: {  	[tilespmem:$0x560] =	vst v2;
	v2 =	vshll.u32 v38, $0x3  }
0x217: {  	[tilespmem:$0x570] =	vst v2  }
0x218: {  	[spmem:s1] =	stream.indirect.scatter.add.f32 [tilespmem:s31], [sflag:$0x2], $0x1, s2, s29, $0xb8;
	[tilespmem:$0xDC40] =	vst v63  }
0x219: {  	_ =	swait.ge [sflag:s28], $0x80  }
0x21a: {  	[sflag:s28] =	ssyncset.done $0x0  }
0x21b: {  	[sflag:s28] =	ssyncadd.s32 $0xFFFFFF80  }
0x21c: {  	v2 =	vld [tilespmem:$0x180]  }
0x21d: {  	v3 =	vld [tilespmem:$0x190]  }
0x21e: {  	v39 =	vld [tilespmem:$0x1A0]  }
0x21f: {  	v40 =	vld [tilespmem:$0x1B0]  }
0x220: {  	v41 =	vld [tilespmem:$0x1C0]  }
0x221: {  	v42 =	vld [tilespmem:$0x1D0];
	v2 =	vshll.u32 v2, $0x3  }
0x222: {  	[tilespmem:$0x580] =	vst v2;
	v2 =	vshll.u32 v3, $0x3;
	v3 =	vld [tilespmem:$0x1E0]  }
0x223: {  	v43 =	vld [tilespmem:$0x1F0];
	[tilespmem:$0x590] =	vst v2;
	v2 =	vshll.u32 v39, $0x3  }
0x224: {  	[tilespmem:$0x5A0] =	vst v2;
	v2 =	vshll.u32 v40, $0x3  }
0x225: {  	[tilespmem:$0x5B0] =	vst v2;
	v2 =	vshll.u32 v41, $0x3  }
0x226: {  	[tilespmem:$0x5C0] =	vst v2;
	v2 =	vshll.u32 v42, $0x3  }
0x227: {  	[tilespmem:$0x5D0] =	vst v2;
	v2 =	vshll.u32 v3, $0x3  }
0x228: {  	[tilespmem:$0x5E0] =	vst v2;
	v2 =	vshll.u32 v43, $0x3  }
0x229: {  	[tilespmem:$0x5F0] =	vst v2  }
0x22a: {  	[spmem:s1] =	stream.indirect.scatter.add.f32 [tilespmem:s31], [sflag:$0x2], $0x1, s12, s29, $0xb8;
	[tilespmem:$0xDC40] =	vst v63  }
0x22b: {  	_ =	swait.ge [sflag:s28], $0x80  }
0x22c: {  	[sflag:s28] =	ssyncset.done $0x0  }
0x22d: {  	[sflag:s28] =	ssyncadd.s32 $0xFFFFFF80  }
0x22e: {  	v2 =	vld [tilespmem:$0x200]  }
0x22f: {  	v3 =	vld [tilespmem:$0x210]  }
0x230: {  	v44 =	vld [tilespmem:$0x220]  }
0x231: {  	v45 =	vld [tilespmem:$0x230]  }
0x232: {  	v46 =	vld [tilespmem:$0x240]  }
0x233: {  	v47 =	vld [tilespmem:$0x250];
	v2 =	vshll.u32 v2, $0x3  }
0x234: {  	[tilespmem:$0x600] =	vst v2;
	v2 =	vshll.u32 v3, $0x3;
	v3 =	vld [tilespmem:$0x260]  }
0x235: {  	v48 =	vld [tilespmem:$0x270];
	[tilespmem:$0x610] =	vst v2;
	v2 =	vshll.u32 v44, $0x3  }
0x236: {  	[tilespmem:$0x620] =	vst v2;
	v2 =	vshll.u32 v45, $0x3  }
0x237: {  	[tilespmem:$0x630] =	vst v2;
	v2 =	vshll.u32 v46, $0x3  }
0x238: {  	[tilespmem:$0x640] =	vst v2;
	v2 =	vshll.u32 v47, $0x3  }
0x239: {  	[tilespmem:$0x650] =	vst v2;
	v2 =	vshll.u32 v3, $0x3  }
0x23a: {  	[tilespmem:$0x660] =	vst v2;
	v2 =	vshll.u32 v48, $0x3  }
0x23b: {  	[tilespmem:$0x670] =	vst v2  }
0x23c: {  	[spmem:s1] =	stream.indirect.scatter.add.f32 [tilespmem:s31], [sflag:$0x2], $0x1, s13, s29, $0xb8;
	[tilespmem:$0xDC40] =	vst v63  }
0x23d: {  	_ =	swait.ge [sflag:s28], $0x80  }
0x23e: {  	[sflag:s28] =	ssyncset.done $0x0  }
0x23f: {  	[sflag:s28] =	ssyncadd.s32 $0xFFFFFF80  }
0x240: {  	v2 =	vld [tilespmem:$0x280]  }
0x241: {  	v3 =	vld [tilespmem:$0x290]  }
0x242: {  	v49 =	vld [tilespmem:$0x2A0]  }
0x243: {  	v50 =	vld [tilespmem:$0x2B0]  }
0x244: {  	v51 =	vld [tilespmem:$0x2C0]  }
0x245: {  	v52 =	vld [tilespmem:$0x2D0];
	v2 =	vshll.u32 v2, $0x3  }
0x246: {  	[tilespmem:$0x680] =	vst v2;
	v2 =	vshll.u32 v3, $0x3;
	v3 =	vld [tilespmem:$0x2E0]  }
0x247: {  	v53 =	vld [tilespmem:$0x2F0];
	[tilespmem:$0x690] =	vst v2;
	v2 =	vshll.u32 v49, $0x3  }
0x248: {  	[tilespmem:$0x6A0] =	vst v2;
	v2 =	vshll.u32 v50, $0x3  }
0x249: {  	[tilespmem:$0x6B0] =	vst v2;
	v2 =	vshll.u32 v51, $0x3  }
0x24a: {  	[tilespmem:$0x6C0] =	vst v2;
	v2 =	vshll.u32 v52, $0x3  }
0x24b: {  	[tilespmem:$0x6D0] =	vst v2;
	v2 =	vshll.u32 v3, $0x3  }
0x24c: {  	[tilespmem:$0x6E0] =	vst v2;
	v2 =	vshll.u32 v53, $0x3  }
0x24d: {  	[tilespmem:$0x6F0] =	vst v2  }
0x24e: {  	[spmem:s1] =	stream.indirect.scatter.add.f32 [tilespmem:s31], [sflag:$0x2], $0x1, s14, s29, $0xb8;
	[tilespmem:$0xDC40] =	vst v63  }
0x24f: {  	_ =	swait.ge [sflag:s28], $0x80  }
0x250: {  	[sflag:s28] =	ssyncset.done $0x0  }
0x251: {  	[sflag:s28] =	ssyncadd.s32 $0xFFFFFF80  }
0x252: {  	v2 =	vld [tilespmem:$0x300]  }
0x253: {  	v3 =	vld [tilespmem:$0x310]  }
0x254: {  	v54 =	vld [tilespmem:$0x320]  }
0x255: {  	v55 =	vld [tilespmem:$0x330]  }
0x256: {  	v56 =	vld [tilespmem:$0x340]  }
0x257: {  	v57 =	vld [tilespmem:$0x350];
	v2 =	vshll.u32 v2, $0x3  }
0x258: {  	[tilespmem:$0x700] =	vst v2;
	v2 =	vshll.u32 v3, $0x3;
	v3 =	vld [tilespmem:$0x360]  }
0x259: {  	v58 =	vld [tilespmem:$0x370];
	[tilespmem:$0x710] =	vst v2;
	v2 =	vshll.u32 v54, $0x3  }
0x25a: {  	[tilespmem:$0x720] =	vst v2;
	v2 =	vshll.u32 v55, $0x3  }
0x25b: {  	[tilespmem:$0x730] =	vst v2;
	v2 =	vshll.u32 v56, $0x3  }
0x25c: {  	[tilespmem:$0x740] =	vst v2;
	v2 =	vshll.u32 v57, $0x3  }
0x25d: {  	[tilespmem:$0x750] =	vst v2;
	v2 =	vshll.u32 v3, $0x3  }
0x25e: {  	[tilespmem:$0x760] =	vst v2;
	v2 =	vshll.u32 v58, $0x3  }
0x25f: {  	[tilespmem:$0x770] =	vst v2  }
0x260: {  	[spmem:s1] =	stream.indirect.scatter.add.f32 [tilespmem:s31], [sflag:$0x2], $0x1, s15, s29, $0xb8;
	[tilespmem:$0xDC40] =	vst v63  }
0x261: {  	_ =	swait.ge [sflag:s28], $0x80  }
0x262: {  	[sflag:s28] =	ssyncset.done $0x0  }
0x263: {  	[sflag:s28] =	ssyncadd.s32 $0xFFFFFF80  }
0x264: {  	v2 =	vld [tilespmem:$0x380]  }
0x265: {  	v3 =	vld [tilespmem:$0x390]  }
0x266: {  	v59 =	vld [tilespmem:$0x3A0]  }
0x267: {  	v60 =	vld [tilespmem:$0x3B0]  }
0x268: {  	v61 =	vld [tilespmem:$0x3C0]  }
0x269: {  	v62 =	vld [tilespmem:$0x3D0];
	v2 =	vshll.u32 v2, $0x3  }
0x26a: {  	[tilespmem:$0x780] =	vst v2;
	v2 =	vshll.u32 v3, $0x3;
	v3 =	vld [tilespmem:$0x3E0]  }
0x26b: {  	v63 =	vld [tilespmem:$0x3F0];
	[tilespmem:$0x790] =	vst v2;
	v2 =	vshll.u32 v59, $0x3  }
0x26c: {  	[tilespmem:$0x7A0] =	vst v2;
	v2 =	vshll.u32 v60, $0x3  }
0x26d: {  	[tilespmem:$0x7B0] =	vst v2;
	v2 =	vshll.u32 v61, $0x3  }
0x26e: {  	[tilespmem:$0x7C0] =	vst v2;
	v2 =	vshll.u32 v62, $0x3  }
0x26f: {  	[tilespmem:$0x7D0] =	vst v2;
	v2 =	vshll.u32 v3, $0x3  }
0x270: {  	[tilespmem:$0x7E0] =	vst v2;
	v2 =	vshll.u32 v63, $0x3  }
.Ltmp14:
0x271: {  	[tilespmem:$0x7F0] =	vst v2;
	(pc) =	sbr.rel .LBB2_14-.Ltmp14, $4  }
0x272: {  	[spmem:s1] =	stream.indirect.scatter.add.f32 [tilespmem:s31], [sflag:$0x1], $0x1, s16, s29, $0xb8;
	[tilespmem:$0xDC40] =	vst v63  }
0x273: {  	_ =	swait.ge [sflag:s26], $0x80  }
0x274: {  	[sflag:s26] =	ssyncset.done $0x0  }
0x275: {  	[sflag:s26] =	ssyncadd.s32 $0xFFFFFF80  }
.LBB2_15:
0x276: {  	[bflag:$0x0] =	sbarrier.arrive $0xFFFF  }
0x277: {  	[tilespmem:s17], [sflag:$0x1] =	stream.linear.gather [spmem:s4], $0x61C0, $0x38;
	[tilespmem:$0xDC40] =	vst v63  }
0x278: {  	_ =	swait.ge [sflag:s26], $0x61C0  }
0x279: {  	[sflag:s26] =	ssyncset.done $0x0  }
0x27a: {  	s20 =	simm.s32 $0x0;
	s21 =	rddreg [dreg:$0x5];
	[sflag:s26] =	ssyncadd.s32 $0xFFFF9E40  }
0x27b: {  	[hbm4b:s21+s20] =	stream.linear.scatter [tilespmem:s17], [sflag:$0x1], $0x61C0, $0x38;
	[tilespmem:$0xDC40] =	vst v63  }
0x27c: {  	_ =	swait.ge [sflag:s26], $0x61C0  }
0x27d: {  	[sflag:s26] =	ssyncset.done $0x0  }
0x27e: {  	[sflag:s26] =	ssyncadd.s32 $0xFFFF9E40  }
0x27f: {  	[spmem:s4] =	stream.linear.scatter [tilespmem:s25], [sflag:$0x1], $0x1000, $0x38;
	[tilespmem:$0xDC40] =	vst v63  }
0x280: {  	_ =	swait.ge [sflag:s26], $0x1000  }
0x281: {  	[sflag:s26] =	ssyncset.done $0x0  }
0x282: {  	[sflag:s26] =	ssyncadd.s32 $0xFFFFF000  }
0x283: {  	[spmem:s5] =	stream.linear.scatter [tilespmem:s25], [sflag:$0x1], $0x1000, $0x38;
	[tilespmem:$0xDC40] =	vst v63  }
0x284: {  	_ =	swait.ge [sflag:s26], $0x1000  }
0x285: {  	[sflag:s26] =	ssyncset.done $0x0  }
0x286: {  	[sflag:s26] =	ssyncadd.s32 $0xFFFFF000  }
0x287: {  	[spmem:s6] =	stream.linear.scatter [tilespmem:s25], [sflag:$0x1], $0x1000, $0x38;
	[tilespmem:$0xDC40] =	vst v63  }
0x288: {  	_ =	swait.ge [sflag:s26], $0x1000  }
0x289: {  	[sflag:s26] =	ssyncset.done $0x0  }
0x28a: {  	[sflag:s26] =	ssyncadd.s32 $0xFFFFF000  }
0x28b: {  	[spmem:s7] =	stream.linear.scatter [tilespmem:s25], [sflag:$0x1], $0x1000, $0x38;
	[tilespmem:$0xDC40] =	vst v63  }
0x28c: {  	_ =	swait.ge [sflag:s26], $0x1000  }
0x28d: {  	[sflag:s26] =	ssyncset.done $0x0  }
0x28e: {  	[sflag:s26] =	ssyncadd.s32 $0xFFFFF000  }
0x28f: {  	[spmem:s8] =	stream.linear.scatter [tilespmem:s25], [sflag:$0x1], $0x1000, $0x38;
	[tilespmem:$0xDC40] =	vst v63  }
0x290: {  	_ =	swait.ge [sflag:s26], $0x1000  }
0x291: {  	[sflag:s26] =	ssyncset.done $0x0  }
0x292: {  	[sflag:s26] =	ssyncadd.s32 $0xFFFFF000  }
0x293: {  	[spmem:s9] =	stream.linear.scatter [tilespmem:s25], [sflag:$0x1], $0x1000, $0x38;
	[tilespmem:$0xDC40] =	vst v63  }
0x294: {  	_ =	swait.ge [sflag:s26], $0x1000  }
0x295: {  	[sflag:s26] =	ssyncset.done $0x0  }
0x296: {  	[sflag:s26] =	ssyncadd.s32 $0xFFFFF000  }
0x297: {  	[spmem:s10] =	stream.linear.scatter [tilespmem:s25], [sflag:$0x1], $0x1C0, $0x38;
	[tilespmem:$0xDC40] =	vst v63  }
.Ltmp15:
0x298: {  	_ =	swait.ge [sflag:s26], $0x1C0;
	(pc) =	sbr.rel .LBB2_16-.Ltmp15, $4  }
0x299: {  	[sflag:s26] =	ssyncset.done $0x0  }
0x29a: {  	[sflag:s26] =	ssyncadd.s32 $0xFFFFFE40  }
0x29b: {  	[bflag:$0x0] =	sbarrier.arrive $0xFFFF  }
0x29c: {  	s21 =	rddreg [dreg:$0xd]  }
.LBB2_18:
0x29d: {  	s20 =	sadd.s32 $0x20, s20  }
0x29e: {  	p0 =	sne.s32 s20, $0xE0  }
.Ltmp16:
0x29f: {  	_ = 	snop;
	(pc) =	sbr.rel @!p0 .LBB2_19-.Ltmp16, $2  }
0x2a0: {  	_ =	sdelay $0x2  }
0x2a1: {  	s21 =	sadd.s32 $0x1000, s21  }
.LBB2_16:
0x2a2: {  	s22 =	sadd.s32 s20, s19  }
0x2a3: {  	p0 =	sgt.u32 s22, $0xC3  }
.Ltmp17:
0x2a4: {  	_ = 	snop;
	(pc) =	sbr.rel @p0 .LBB2_18-.Ltmp17, $1  }
0x2a5: {  	_ =	sdelay $0x3  }
0x2a6: {  	[tilespmem:s3], [sflag:$0x2] =	stream.linear.gather [hbm4b:s21+s3], $0x400, $0x38;
	[tilespmem:$0xDC40] =	vst v63  }
0x2a7: {  	_ =	swait.ge [sflag:s28], $0x400  }
0x2a8: {  	[sflag:s28] =	ssyncset.done $0x0  }
0x2a9: {  	[sflag:s28] =	ssyncadd.s32 $0xFFFFFC00  }
0x2aa: {  	v2 =	vld [tilespmem:$0x0]  }
0x2ab: {  	v3 =	vld [tilespmem:$0x10]  }
0x2ac: {  	v4 =	vld [tilespmem:$0x20]  }
0x2ad: {  	v5 =	vld [tilespmem:$0x30]  }
0x2ae: {  	v6 =	vld [tilespmem:$0x40]  }
0x2af: {  	v7 =	vld [tilespmem:$0x50];
	v2 =	vshll.u32 v2, $0x3  }
0x2b0: {  	[tilespmem:$0x400] =	vst v2;
	v2 =	vshll.u32 v3, $0x3;
	v3 =	vld [tilespmem:$0x60]  }
0x2b1: {  	v28 =	vld [tilespmem:$0x70];
	[tilespmem:$0x410] =	vst v2;
	v2 =	vshll.u32 v4, $0x3  }
0x2b2: {  	[tilespmem:$0x420] =	vst v2;
	v2 =	vshll.u32 v5, $0x3  }
0x2b3: {  	[tilespmem:$0x430] =	vst v2;
	v2 =	vshll.u32 v6, $0x3  }
0x2b4: {  	[tilespmem:$0x440] =	vst v2;
	v2 =	vshll.u32 v7, $0x3  }
0x2b5: {  	[tilespmem:$0x450] =	vst v2;
	v2 =	vshll.u32 v3, $0x3  }
0x2b6: {  	[tilespmem:$0x460] =	vst v2;
	v2 =	vshll.u32 v28, $0x3  }
0x2b7: {  	[tilespmem:$0x470] =	vst v2  }
0x2b8: {  	[spmem:s1] =	stream.indirect.scatter.add.f32 [tilespmem:s31], [sflag:$0x2], $0x1, s30, s29, $0xb8;
	[tilespmem:$0xDC40] =	vst v63  }
0x2b9: {  	_ =	swait.ge [sflag:s28], $0x80  }
0x2ba: {  	[sflag:s28] =	ssyncset.done $0x0  }
0x2bb: {  	[sflag:s28] =	ssyncadd.s32 $0xFFFFFF80  }
0x2bc: {  	v2 =	vld [tilespmem:$0x80]  }
0x2bd: {  	v3 =	vld [tilespmem:$0x90]  }
0x2be: {  	v29 =	vld [tilespmem:$0xA0]  }
0x2bf: {  	v30 =	vld [tilespmem:$0xB0]  }
0x2c0: {  	v31 =	vld [tilespmem:$0xC0]  }
0x2c1: {  	v32 =	vld [tilespmem:$0xD0];
	v2 =	vshll.u32 v2, $0x3  }
0x2c2: {  	[tilespmem:$0x480] =	vst v2;
	v2 =	vshll.u32 v3, $0x3;
	v3 =	vld [tilespmem:$0xE0]  }
0x2c3: {  	v33 =	vld [tilespmem:$0xF0];
	[tilespmem:$0x490] =	vst v2;
	v2 =	vshll.u32 v29, $0x3  }
0x2c4: {  	[tilespmem:$0x4A0] =	vst v2;
	v2 =	vshll.u32 v30, $0x3  }
0x2c5: {  	[tilespmem:$0x4B0] =	vst v2;
	v2 =	vshll.u32 v31, $0x3  }
0x2c6: {  	[tilespmem:$0x4C0] =	vst v2;
	v2 =	vshll.u32 v32, $0x3  }
0x2c7: {  	[tilespmem:$0x4D0] =	vst v2;
	v2 =	vshll.u32 v3, $0x3  }
0x2c8: {  	[tilespmem:$0x4E0] =	vst v2;
	v2 =	vshll.u32 v33, $0x3  }
0x2c9: {  	[tilespmem:$0x4F0] =	vst v2  }
0x2ca: {  	[spmem:s1] =	stream.indirect.scatter.add.f32 [tilespmem:s31], [sflag:$0x2], $0x1, s0, s29, $0xb8;
	[tilespmem:$0xDC40] =	vst v63  }
0x2cb: {  	_ =	swait.ge [sflag:s28], $0x80  }
0x2cc: {  	[sflag:s28] =	ssyncset.done $0x0  }
0x2cd: {  	[sflag:s28] =	ssyncadd.s32 $0xFFFFFF80  }
0x2ce: {  	v2 =	vld [tilespmem:$0x100]  }
0x2cf: {  	v3 =	vld [tilespmem:$0x110]  }
0x2d0: {  	v34 =	vld [tilespmem:$0x120]  }
0x2d1: {  	v35 =	vld [tilespmem:$0x130]  }
0x2d2: {  	v36 =	vld [tilespmem:$0x140]  }
0x2d3: {  	v37 =	vld [tilespmem:$0x150];
	v2 =	vshll.u32 v2, $0x3  }
0x2d4: {  	[tilespmem:$0x500] =	vst v2;
	v2 =	vshll.u32 v3, $0x3;
	v3 =	vld [tilespmem:$0x160]  }
0x2d5: {  	v38 =	vld [tilespmem:$0x170];
	[tilespmem:$0x510] =	vst v2;
	v2 =	vshll.u32 v34, $0x3  }
0x2d6: {  	[tilespmem:$0x520] =	vst v2;
	v2 =	vshll.u32 v35, $0x3  }
0x2d7: {  	[tilespmem:$0x530] =	vst v2;
	v2 =	vshll.u32 v36, $0x3  }
0x2d8: {  	[tilespmem:$0x540] =	vst v2;
	v2 =	vshll.u32 v37, $0x3  }
0x2d9: {  	[tilespmem:$0x550] =	vst v2;
	v2 =	vshll.u32 v3, $0x3  }
0x2da: {  	[tilespmem:$0x560] =	vst v2;
	v2 =	vshll.u32 v38, $0x3  }
0x2db: {  	[tilespmem:$0x570] =	vst v2  }
0x2dc: {  	[spmem:s1] =	stream.indirect.scatter.add.f32 [tilespmem:s31], [sflag:$0x2], $0x1, s2, s29, $0xb8;
	[tilespmem:$0xDC40] =	vst v63  }
0x2dd: {  	_ =	swait.ge [sflag:s28], $0x80  }
0x2de: {  	[sflag:s28] =	ssyncset.done $0x0  }
0x2df: {  	[sflag:s28] =	ssyncadd.s32 $0xFFFFFF80  }
0x2e0: {  	v2 =	vld [tilespmem:$0x180]  }
0x2e1: {  	v3 =	vld [tilespmem:$0x190]  }
0x2e2: {  	v39 =	vld [tilespmem:$0x1A0]  }
0x2e3: {  	v40 =	vld [tilespmem:$0x1B0]  }
0x2e4: {  	v41 =	vld [tilespmem:$0x1C0]  }
0x2e5: {  	v42 =	vld [tilespmem:$0x1D0];
	v2 =	vshll.u32 v2, $0x3  }
0x2e6: {  	[tilespmem:$0x580] =	vst v2;
	v2 =	vshll.u32 v3, $0x3;
	v3 =	vld [tilespmem:$0x1E0]  }
0x2e7: {  	v43 =	vld [tilespmem:$0x1F0];
	[tilespmem:$0x590] =	vst v2;
	v2 =	vshll.u32 v39, $0x3  }
0x2e8: {  	[tilespmem:$0x5A0] =	vst v2;
	v2 =	vshll.u32 v40, $0x3  }
0x2e9: {  	[tilespmem:$0x5B0] =	vst v2;
	v2 =	vshll.u32 v41, $0x3  }
0x2ea: {  	[tilespmem:$0x5C0] =	vst v2;
	v2 =	vshll.u32 v42, $0x3  }
0x2eb: {  	[tilespmem:$0x5D0] =	vst v2;
	v2 =	vshll.u32 v3, $0x3  }
0x2ec: {  	[tilespmem:$0x5E0] =	vst v2;
	v2 =	vshll.u32 v43, $0x3  }
0x2ed: {  	[tilespmem:$0x5F0] =	vst v2  }
0x2ee: {  	[spmem:s1] =	stream.indirect.scatter.add.f32 [tilespmem:s31], [sflag:$0x2], $0x1, s12, s29, $0xb8;
	[tilespmem:$0xDC40] =	vst v63  }
0x2ef: {  	_ =	swait.ge [sflag:s28], $0x80  }
0x2f0: {  	[sflag:s28] =	ssyncset.done $0x0  }
0x2f1: {  	[sflag:s28] =	ssyncadd.s32 $0xFFFFFF80  }
0x2f2: {  	v2 =	vld [tilespmem:$0x200]  }
0x2f3: {  	v3 =	vld [tilespmem:$0x210]  }
0x2f4: {  	v44 =	vld [tilespmem:$0x220]  }
0x2f5: {  	v45 =	vld [tilespmem:$0x230]  }
0x2f6: {  	v46 =	vld [tilespmem:$0x240]  }
0x2f7: {  	v47 =	vld [tilespmem:$0x250];
	v2 =	vshll.u32 v2, $0x3  }
0x2f8: {  	[tilespmem:$0x600] =	vst v2;
	v2 =	vshll.u32 v3, $0x3;
	v3 =	vld [tilespmem:$0x260]  }
0x2f9: {  	v48 =	vld [tilespmem:$0x270];
	[tilespmem:$0x610] =	vst v2;
	v2 =	vshll.u32 v44, $0x3  }
0x2fa: {  	[tilespmem:$0x620] =	vst v2;
	v2 =	vshll.u32 v45, $0x3  }
0x2fb: {  	[tilespmem:$0x630] =	vst v2;
	v2 =	vshll.u32 v46, $0x3  }
0x2fc: {  	[tilespmem:$0x640] =	vst v2;
	v2 =	vshll.u32 v47, $0x3  }
0x2fd: {  	[tilespmem:$0x650] =	vst v2;
	v2 =	vshll.u32 v3, $0x3  }
0x2fe: {  	[tilespmem:$0x660] =	vst v2;
	v2 =	vshll.u32 v48, $0x3  }
0x2ff: {  	[tilespmem:$0x670] =	vst v2  }
0x300: {  	[spmem:s1] =	stream.indirect.scatter.add.f32 [tilespmem:s31], [sflag:$0x2], $0x1, s13, s29, $0xb8;
	[tilespmem:$0xDC40] =	vst v63  }
0x301: {  	_ =	swait.ge [sflag:s28], $0x80  }
0x302: {  	[sflag:s28] =	ssyncset.done $0x0  }
0x303: {  	[sflag:s28] =	ssyncadd.s32 $0xFFFFFF80  }
0x304: {  	v2 =	vld [tilespmem:$0x280]  }
0x305: {  	v3 =	vld [tilespmem:$0x290]  }
0x306: {  	v49 =	vld [tilespmem:$0x2A0]  }
0x307: {  	v50 =	vld [tilespmem:$0x2B0]  }
0x308: {  	v51 =	vld [tilespmem:$0x2C0]  }
0x309: {  	v52 =	vld [tilespmem:$0x2D0];
	v2 =	vshll.u32 v2, $0x3  }
0x30a: {  	[tilespmem:$0x680] =	vst v2;
	v2 =	vshll.u32 v3, $0x3;
	v3 =	vld [tilespmem:$0x2E0]  }
0x30b: {  	v53 =	vld [tilespmem:$0x2F0];
	[tilespmem:$0x690] =	vst v2;
	v2 =	vshll.u32 v49, $0x3  }
0x30c: {  	[tilespmem:$0x6A0] =	vst v2;
	v2 =	vshll.u32 v50, $0x3  }
0x30d: {  	[tilespmem:$0x6B0] =	vst v2;
	v2 =	vshll.u32 v51, $0x3  }
0x30e: {  	[tilespmem:$0x6C0] =	vst v2;
	v2 =	vshll.u32 v52, $0x3  }
0x30f: {  	[tilespmem:$0x6D0] =	vst v2;
	v2 =	vshll.u32 v3, $0x3  }
0x310: {  	[tilespmem:$0x6E0] =	vst v2;
	v2 =	vshll.u32 v53, $0x3  }
0x311: {  	[tilespmem:$0x6F0] =	vst v2  }
0x312: {  	[spmem:s1] =	stream.indirect.scatter.add.f32 [tilespmem:s31], [sflag:$0x2], $0x1, s14, s29, $0xb8;
	[tilespmem:$0xDC40] =	vst v63  }
0x313: {  	_ =	swait.ge [sflag:s28], $0x80  }
0x314: {  	[sflag:s28] =	ssyncset.done $0x0  }
0x315: {  	[sflag:s28] =	ssyncadd.s32 $0xFFFFFF80  }
0x316: {  	v2 =	vld [tilespmem:$0x300]  }
0x317: {  	v3 =	vld [tilespmem:$0x310]  }
0x318: {  	v54 =	vld [tilespmem:$0x320]  }
0x319: {  	v55 =	vld [tilespmem:$0x330]  }
0x31a: {  	v56 =	vld [tilespmem:$0x340]  }
0x31b: {  	v57 =	vld [tilespmem:$0x350];
	v2 =	vshll.u32 v2, $0x3  }
0x31c: {  	[tilespmem:$0x700] =	vst v2;
	v2 =	vshll.u32 v3, $0x3;
	v3 =	vld [tilespmem:$0x360]  }
0x31d: {  	v58 =	vld [tilespmem:$0x370];
	[tilespmem:$0x710] =	vst v2;
	v2 =	vshll.u32 v54, $0x3  }
0x31e: {  	[tilespmem:$0x720] =	vst v2;
	v2 =	vshll.u32 v55, $0x3  }
0x31f: {  	[tilespmem:$0x730] =	vst v2;
	v2 =	vshll.u32 v56, $0x3  }
0x320: {  	[tilespmem:$0x740] =	vst v2;
	v2 =	vshll.u32 v57, $0x3  }
0x321: {  	[tilespmem:$0x750] =	vst v2;
	v2 =	vshll.u32 v3, $0x3  }
0x322: {  	[tilespmem:$0x760] =	vst v2;
	v2 =	vshll.u32 v58, $0x3  }
0x323: {  	[tilespmem:$0x770] =	vst v2  }
0x324: {  	[spmem:s1] =	stream.indirect.scatter.add.f32 [tilespmem:s31], [sflag:$0x2], $0x1, s15, s29, $0xb8;
	[tilespmem:$0xDC40] =	vst v63  }
0x325: {  	_ =	swait.ge [sflag:s28], $0x80  }
0x326: {  	[sflag:s28] =	ssyncset.done $0x0  }
0x327: {  	[sflag:s28] =	ssyncadd.s32 $0xFFFFFF80  }
0x328: {  	v2 =	vld [tilespmem:$0x380]  }
0x329: {  	v3 =	vld [tilespmem:$0x390]  }
0x32a: {  	v59 =	vld [tilespmem:$0x3A0]  }
0x32b: {  	v60 =	vld [tilespmem:$0x3B0]  }
0x32c: {  	v61 =	vld [tilespmem:$0x3C0]  }
0x32d: {  	v62 =	vld [tilespmem:$0x3D0];
	v2 =	vshll.u32 v2, $0x3  }
0x32e: {  	[tilespmem:$0x780] =	vst v2;
	v2 =	vshll.u32 v3, $0x3;
	v3 =	vld [tilespmem:$0x3E0]  }
0x32f: {  	v63 =	vld [tilespmem:$0x3F0];
	[tilespmem:$0x790] =	vst v2;
	v2 =	vshll.u32 v59, $0x3  }
0x330: {  	[tilespmem:$0x7A0] =	vst v2;
	v2 =	vshll.u32 v60, $0x3  }
0x331: {  	[tilespmem:$0x7B0] =	vst v2;
	v2 =	vshll.u32 v61, $0x3  }
0x332: {  	[tilespmem:$0x7C0] =	vst v2;
	v2 =	vshll.u32 v62, $0x3  }
0x333: {  	[tilespmem:$0x7D0] =	vst v2;
	v2 =	vshll.u32 v3, $0x3  }
0x334: {  	[tilespmem:$0x7E0] =	vst v2;
	v2 =	vshll.u32 v63, $0x3  }
.Ltmp18:
0x335: {  	[tilespmem:$0x7F0] =	vst v2;
	(pc) =	sbr.rel .LBB2_18-.Ltmp18, $4  }
0x336: {  	[spmem:s1] =	stream.indirect.scatter.add.f32 [tilespmem:s31], [sflag:$0x1], $0x1, s16, s29, $0xb8;
	[tilespmem:$0xDC40] =	vst v63  }
0x337: {  	_ =	swait.ge [sflag:s26], $0x80  }
0x338: {  	[sflag:s26] =	ssyncset.done $0x0  }
0x339: {  	[sflag:s26] =	ssyncadd.s32 $0xFFFFFF80  }
.LBB2_19:
0x33a: {  	[bflag:$0x0] =	sbarrier.arrive $0xFFFF  }
0x33b: {  	[tilespmem:s17], [sflag:$0x1] =	stream.linear.gather [spmem:s4], $0x61C0, $0x38;
	[tilespmem:$0xDC40] =	vst v63  }
0x33c: {  	_ =	swait.ge [sflag:s26], $0x61C0  }
0x33d: {  	[sflag:s26] =	ssyncset.done $0x0  }
0x33e: {  	s20 =	simm.s32 $0x0;
	s21 =	rddreg [dreg:$0x6];
	[sflag:s26] =	ssyncadd.s32 $0xFFFF9E40  }
0x33f: {  	[hbm4b:s21+s20] =	stream.linear.scatter [tilespmem:s17], [sflag:$0x1], $0x61C0, $0x38;
	[tilespmem:$0xDC40] =	vst v63  }
0x340: {  	_ =	swait.ge [sflag:s26], $0x61C0  }
0x341: {  	[sflag:s26] =	ssyncset.done $0x0  }
0x342: {  	[sflag:s26] =	ssyncadd.s32 $0xFFFF9E40  }
0x343: {  	[spmem:s4] =	stream.linear.scatter [tilespmem:s25], [sflag:$0x1], $0x1000, $0x38;
	[tilespmem:$0xDC40] =	vst v63  }
0x344: {  	_ =	swait.ge [sflag:s26], $0x1000  }
0x345: {  	[sflag:s26] =	ssyncset.done $0x0  }
0x346: {  	[sflag:s26] =	ssyncadd.s32 $0xFFFFF000  }
0x347: {  	[spmem:s5] =	stream.linear.scatter [tilespmem:s25], [sflag:$0x1], $0x1000, $0x38;
	[tilespmem:$0xDC40] =	vst v63  }
0x348: {  	_ =	swait.ge [sflag:s26], $0x1000  }
0x349: {  	[sflag:s26] =	ssyncset.done $0x0  }
0x34a: {  	[sflag:s26] =	ssyncadd.s32 $0xFFFFF000  }
0x34b: {  	[spmem:s6] =	stream.linear.scatter [tilespmem:s25], [sflag:$0x1], $0x1000, $0x38;
	[tilespmem:$0xDC40] =	vst v63  }
0x34c: {  	_ =	swait.ge [sflag:s26], $0x1000  }
0x34d: {  	[sflag:s26] =	ssyncset.done $0x0  }
0x34e: {  	[sflag:s26] =	ssyncadd.s32 $0xFFFFF000  }
0x34f: {  	[spmem:s7] =	stream.linear.scatter [tilespmem:s25], [sflag:$0x1], $0x1000, $0x38;
	[tilespmem:$0xDC40] =	vst v63  }
0x350: {  	_ =	swait.ge [sflag:s26], $0x1000  }
0x351: {  	[sflag:s26] =	ssyncset.done $0x0  }
0x352: {  	[sflag:s26] =	ssyncadd.s32 $0xFFFFF000  }
0x353: {  	[spmem:s8] =	stream.linear.scatter [tilespmem:s25], [sflag:$0x1], $0x1000, $0x38;
	[tilespmem:$0xDC40] =	vst v63  }
0x354: {  	_ =	swait.ge [sflag:s26], $0x1000  }
0x355: {  	[sflag:s26] =	ssyncset.done $0x0  }
0x356: {  	[sflag:s26] =	ssyncadd.s32 $0xFFFFF000  }
0x357: {  	[spmem:s9] =	stream.linear.scatter [tilespmem:s25], [sflag:$0x1], $0x1000, $0x38;
	[tilespmem:$0xDC40] =	vst v63  }
0x358: {  	_ =	swait.ge [sflag:s26], $0x1000  }
0x359: {  	[sflag:s26] =	ssyncset.done $0x0  }
0x35a: {  	[sflag:s26] =	ssyncadd.s32 $0xFFFFF000  }
0x35b: {  	[spmem:s10] =	stream.linear.scatter [tilespmem:s25], [sflag:$0x1], $0x1C0, $0x38;
	[tilespmem:$0xDC40] =	vst v63  }
.Ltmp19:
0x35c: {  	_ =	swait.ge [sflag:s26], $0x1C0;
	(pc) =	sbr.rel .LBB2_20-.Ltmp19, $4  }
0x35d: {  	[sflag:s26] =	ssyncset.done $0x0  }
0x35e: {  	[sflag:s26] =	ssyncadd.s32 $0xFFFFFE40  }
0x35f: {  	[bflag:$0x0] =	sbarrier.arrive $0xFFFF  }
0x360: {  	s21 =	smov.u32 s23  }
.LBB2_22:
0x361: {  	s20 =	sadd.s32 $0x20, s20  }
0x362: {  	p0 =	sne.s32 s20, $0xE0  }
.Ltmp20:
0x363: {  	_ = 	snop;
	(pc) =	sbr.rel @!p0 .LBB2_23-.Ltmp20, $2  }
0x364: {  	_ =	sdelay $0x2  }
0x365: {  	s21 =	sadd.s32 $0x1000, s21  }
.LBB2_20:
0x366: {  	s22 =	sadd.s32 s20, s19  }
0x367: {  	p0 =	sgt.u32 s22, $0xC3  }
.Ltmp21:
0x368: {  	_ = 	snop;
	(pc) =	sbr.rel @p0 .LBB2_22-.Ltmp21, $1  }
0x369: {  	_ =	sdelay $0x3  }
0x36a: {  	[tilespmem:s3], [sflag:$0x2] =	stream.linear.gather [hbm4b:s21+s3], $0x400, $0x38;
	[tilespmem:$0xDC40] =	vst v63  }
0x36b: {  	_ =	swait.ge [sflag:s28], $0x400  }
0x36c: {  	[sflag:s28] =	ssyncset.done $0x0  }
0x36d: {  	[sflag:s28] =	ssyncadd.s32 $0xFFFFFC00  }
0x36e: {  	v2 =	vld [tilespmem:$0x0]  }
0x36f: {  	v3 =	vld [tilespmem:$0x10]  }
0x370: {  	v4 =	vld [tilespmem:$0x20]  }
0x371: {  	v5 =	vld [tilespmem:$0x30]  }
0x372: {  	v6 =	vld [tilespmem:$0x40]  }
0x373: {  	v7 =	vld [tilespmem:$0x50];
	v2 =	vshll.u32 v2, $0x3  }
0x374: {  	[tilespmem:$0x400] =	vst v2;
	v2 =	vshll.u32 v3, $0x3;
	v3 =	vld [tilespmem:$0x60]  }
0x375: {  	v28 =	vld [tilespmem:$0x70];
	[tilespmem:$0x410] =	vst v2;
	v2 =	vshll.u32 v4, $0x3  }
0x376: {  	[tilespmem:$0x420] =	vst v2;
	v2 =	vshll.u32 v5, $0x3  }
0x377: {  	[tilespmem:$0x430] =	vst v2;
	v2 =	vshll.u32 v6, $0x3  }
0x378: {  	[tilespmem:$0x440] =	vst v2;
	v2 =	vshll.u32 v7, $0x3  }
0x379: {  	[tilespmem:$0x450] =	vst v2;
	v2 =	vshll.u32 v3, $0x3  }
0x37a: {  	[tilespmem:$0x460] =	vst v2;
	v2 =	vshll.u32 v28, $0x3  }
0x37b: {  	[tilespmem:$0x470] =	vst v2  }
0x37c: {  	[spmem:s1] =	stream.indirect.scatter.add.f32 [tilespmem:s31], [sflag:$0x2], $0x1, s30, s29, $0xb8;
	[tilespmem:$0xDC40] =	vst v63  }
0x37d: {  	_ =	swait.ge [sflag:s28], $0x80  }
0x37e: {  	[sflag:s28] =	ssyncset.done $0x0  }
0x37f: {  	[sflag:s28] =	ssyncadd.s32 $0xFFFFFF80  }
0x380: {  	v2 =	vld [tilespmem:$0x80]  }
0x381: {  	v3 =	vld [tilespmem:$0x90]  }
0x382: {  	v29 =	vld [tilespmem:$0xA0]  }
0x383: {  	v30 =	vld [tilespmem:$0xB0]  }
0x384: {  	v31 =	vld [tilespmem:$0xC0]  }
0x385: {  	v32 =	vld [tilespmem:$0xD0];
	v2 =	vshll.u32 v2, $0x3  }
0x386: {  	[tilespmem:$0x480] =	vst v2;
	v2 =	vshll.u32 v3, $0x3;
	v3 =	vld [tilespmem:$0xE0]  }
0x387: {  	v33 =	vld [tilespmem:$0xF0];
	[tilespmem:$0x490] =	vst v2;
	v2 =	vshll.u32 v29, $0x3  }
0x388: {  	[tilespmem:$0x4A0] =	vst v2;
	v2 =	vshll.u32 v30, $0x3  }
0x389: {  	[tilespmem:$0x4B0] =	vst v2;
	v2 =	vshll.u32 v31, $0x3  }
0x38a: {  	[tilespmem:$0x4C0] =	vst v2;
	v2 =	vshll.u32 v32, $0x3  }
0x38b: {  	[tilespmem:$0x4D0] =	vst v2;
	v2 =	vshll.u32 v3, $0x3  }
0x38c: {  	[tilespmem:$0x4E0] =	vst v2;
	v2 =	vshll.u32 v33, $0x3  }
0x38d: {  	[tilespmem:$0x4F0] =	vst v2  }
0x38e: {  	[spmem:s1] =	stream.indirect.scatter.add.f32 [tilespmem:s31], [sflag:$0x2], $0x1, s0, s29, $0xb8;
	[tilespmem:$0xDC40] =	vst v63  }
0x38f: {  	_ =	swait.ge [sflag:s28], $0x80  }
0x390: {  	[sflag:s28] =	ssyncset.done $0x0  }
0x391: {  	[sflag:s28] =	ssyncadd.s32 $0xFFFFFF80  }
0x392: {  	v2 =	vld [tilespmem:$0x100]  }
0x393: {  	v3 =	vld [tilespmem:$0x110]  }
0x394: {  	v34 =	vld [tilespmem:$0x120]  }
0x395: {  	v35 =	vld [tilespmem:$0x130]  }
0x396: {  	v36 =	vld [tilespmem:$0x140]  }
0x397: {  	v37 =	vld [tilespmem:$0x150];
	v2 =	vshll.u32 v2, $0x3  }
0x398: {  	[tilespmem:$0x500] =	vst v2;
	v2 =	vshll.u32 v3, $0x3;
	v3 =	vld [tilespmem:$0x160]  }
0x399: {  	v38 =	vld [tilespmem:$0x170];
	[tilespmem:$0x510] =	vst v2;
	v2 =	vshll.u32 v34, $0x3  }
0x39a: {  	[tilespmem:$0x520] =	vst v2;
	v2 =	vshll.u32 v35, $0x3  }
0x39b: {  	[tilespmem:$0x530] =	vst v2;
	v2 =	vshll.u32 v36, $0x3  }
0x39c: {  	[tilespmem:$0x540] =	vst v2;
	v2 =	vshll.u32 v37, $0x3  }
0x39d: {  	[tilespmem:$0x550] =	vst v2;
	v2 =	vshll.u32 v3, $0x3  }
0x39e: {  	[tilespmem:$0x560] =	vst v2;
	v2 =	vshll.u32 v38, $0x3  }
0x39f: {  	[tilespmem:$0x570] =	vst v2  }
0x3a0: {  	[spmem:s1] =	stream.indirect.scatter.add.f32 [tilespmem:s31], [sflag:$0x2], $0x1, s2, s29, $0xb8;
	[tilespmem:$0xDC40] =	vst v63  }
0x3a1: {  	_ =	swait.ge [sflag:s28], $0x80  }
0x3a2: {  	[sflag:s28] =	ssyncset.done $0x0  }
0x3a3: {  	[sflag:s28] =	ssyncadd.s32 $0xFFFFFF80  }
0x3a4: {  	v2 =	vld [tilespmem:$0x180]  }
0x3a5: {  	v3 =	vld [tilespmem:$0x190]  }
0x3a6: {  	v39 =	vld [tilespmem:$0x1A0]  }
0x3a7: {  	v40 =	vld [tilespmem:$0x1B0]  }
0x3a8: {  	v41 =	vld [tilespmem:$0x1C0]  }
0x3a9: {  	v42 =	vld [tilespmem:$0x1D0];
	v2 =	vshll.u32 v2, $0x3  }
0x3aa: {  	[tilespmem:$0x580] =	vst v2;
	v2 =	vshll.u32 v3, $0x3;
	v3 =	vld [tilespmem:$0x1E0]  }
0x3ab: {  	v43 =	vld [tilespmem:$0x1F0];
	[tilespmem:$0x590] =	vst v2;
	v2 =	vshll.u32 v39, $0x3  }
0x3ac: {  	[tilespmem:$0x5A0] =	vst v2;
	v2 =	vshll.u32 v40, $0x3  }
0x3ad: {  	[tilespmem:$0x5B0] =	vst v2;
	v2 =	vshll.u32 v41, $0x3  }
0x3ae: {  	[tilespmem:$0x5C0] =	vst v2;
	v2 =	vshll.u32 v42, $0x3  }
0x3af: {  	[tilespmem:$0x5D0] =	vst v2;
	v2 =	vshll.u32 v3, $0x3  }
0x3b0: {  	[tilespmem:$0x5E0] =	vst v2;
	v2 =	vshll.u32 v43, $0x3  }
0x3b1: {  	[tilespmem:$0x5F0] =	vst v2  }
0x3b2: {  	[spmem:s1] =	stream.indirect.scatter.add.f32 [tilespmem:s31], [sflag:$0x2], $0x1, s12, s29, $0xb8;
	[tilespmem:$0xDC40] =	vst v63  }
0x3b3: {  	_ =	swait.ge [sflag:s28], $0x80  }
0x3b4: {  	[sflag:s28] =	ssyncset.done $0x0  }
0x3b5: {  	[sflag:s28] =	ssyncadd.s32 $0xFFFFFF80  }
0x3b6: {  	v2 =	vld [tilespmem:$0x200]  }
0x3b7: {  	v3 =	vld [tilespmem:$0x210]  }
0x3b8: {  	v44 =	vld [tilespmem:$0x220]  }
0x3b9: {  	v45 =	vld [tilespmem:$0x230]  }
0x3ba: {  	v46 =	vld [tilespmem:$0x240]  }
0x3bb: {  	v47 =	vld [tilespmem:$0x250];
	v2 =	vshll.u32 v2, $0x3  }
0x3bc: {  	[tilespmem:$0x600] =	vst v2;
	v2 =	vshll.u32 v3, $0x3;
	v3 =	vld [tilespmem:$0x260]  }
0x3bd: {  	v48 =	vld [tilespmem:$0x270];
	[tilespmem:$0x610] =	vst v2;
	v2 =	vshll.u32 v44, $0x3  }
0x3be: {  	[tilespmem:$0x620] =	vst v2;
	v2 =	vshll.u32 v45, $0x3  }
0x3bf: {  	[tilespmem:$0x630] =	vst v2;
	v2 =	vshll.u32 v46, $0x3  }
0x3c0: {  	[tilespmem:$0x640] =	vst v2;
	v2 =	vshll.u32 v47, $0x3  }
0x3c1: {  	[tilespmem:$0x650] =	vst v2;
	v2 =	vshll.u32 v3, $0x3  }
0x3c2: {  	[tilespmem:$0x660] =	vst v2;
	v2 =	vshll.u32 v48, $0x3  }
0x3c3: {  	[tilespmem:$0x670] =	vst v2  }
0x3c4: {  	[spmem:s1] =	stream.indirect.scatter.add.f32 [tilespmem:s31], [sflag:$0x2], $0x1, s13, s29, $0xb8;
	[tilespmem:$0xDC40] =	vst v63  }
0x3c5: {  	_ =	swait.ge [sflag:s28], $0x80  }
0x3c6: {  	[sflag:s28] =	ssyncset.done $0x0  }
0x3c7: {  	[sflag:s28] =	ssyncadd.s32 $0xFFFFFF80  }
0x3c8: {  	v2 =	vld [tilespmem:$0x280]  }
0x3c9: {  	v3 =	vld [tilespmem:$0x290]  }
0x3ca: {  	v49 =	vld [tilespmem:$0x2A0]  }
0x3cb: {  	v50 =	vld [tilespmem:$0x2B0]  }
0x3cc: {  	v51 =	vld [tilespmem:$0x2C0]  }
0x3cd: {  	v52 =	vld [tilespmem:$0x2D0];
	v2 =	vshll.u32 v2, $0x3  }
0x3ce: {  	[tilespmem:$0x680] =	vst v2;
	v2 =	vshll.u32 v3, $0x3;
	v3 =	vld [tilespmem:$0x2E0]  }
0x3cf: {  	v53 =	vld [tilespmem:$0x2F0];
	[tilespmem:$0x690] =	vst v2;
	v2 =	vshll.u32 v49, $0x3  }
0x3d0: {  	[tilespmem:$0x6A0] =	vst v2;
	v2 =	vshll.u32 v50, $0x3  }
0x3d1: {  	[tilespmem:$0x6B0] =	vst v2;
	v2 =	vshll.u32 v51, $0x3  }
0x3d2: {  	[tilespmem:$0x6C0] =	vst v2;
	v2 =	vshll.u32 v52, $0x3  }
0x3d3: {  	[tilespmem:$0x6D0] =	vst v2;
	v2 =	vshll.u32 v3, $0x3  }
0x3d4: {  	[tilespmem:$0x6E0] =	vst v2;
	v2 =	vshll.u32 v53, $0x3  }
0x3d5: {  	[tilespmem:$0x6F0] =	vst v2  }
0x3d6: {  	[spmem:s1] =	stream.indirect.scatter.add.f32 [tilespmem:s31], [sflag:$0x2], $0x1, s14, s29, $0xb8;
	[tilespmem:$0xDC40] =	vst v63  }
0x3d7: {  	_ =	swait.ge [sflag:s28], $0x80  }
0x3d8: {  	[sflag:s28] =	ssyncset.done $0x0  }
0x3d9: {  	[sflag:s28] =	ssyncadd.s32 $0xFFFFFF80  }
0x3da: {  	v2 =	vld [tilespmem:$0x300]  }
0x3db: {  	v3 =	vld [tilespmem:$0x310]  }
0x3dc: {  	v54 =	vld [tilespmem:$0x320]  }
0x3dd: {  	v55 =	vld [tilespmem:$0x330]  }
0x3de: {  	v56 =	vld [tilespmem:$0x340]  }
0x3df: {  	v57 =	vld [tilespmem:$0x350];
	v2 =	vshll.u32 v2, $0x3  }
0x3e0: {  	[tilespmem:$0x700] =	vst v2;
	v2 =	vshll.u32 v3, $0x3;
	v3 =	vld [tilespmem:$0x360]  }
0x3e1: {  	v58 =	vld [tilespmem:$0x370];
	[tilespmem:$0x710] =	vst v2;
	v2 =	vshll.u32 v54, $0x3  }
0x3e2: {  	[tilespmem:$0x720] =	vst v2;
	v2 =	vshll.u32 v55, $0x3  }
0x3e3: {  	[tilespmem:$0x730] =	vst v2;
	v2 =	vshll.u32 v56, $0x3  }
0x3e4: {  	[tilespmem:$0x740] =	vst v2;
	v2 =	vshll.u32 v57, $0x3  }
0x3e5: {  	[tilespmem:$0x750] =	vst v2;
	v2 =	vshll.u32 v3, $0x3  }
0x3e6: {  	[tilespmem:$0x760] =	vst v2;
	v2 =	vshll.u32 v58, $0x3  }
0x3e7: {  	[tilespmem:$0x770] =	vst v2  }
0x3e8: {  	[spmem:s1] =	stream.indirect.scatter.add.f32 [tilespmem:s31], [sflag:$0x2], $0x1, s15, s29, $0xb8;
	[tilespmem:$0xDC40] =	vst v63  }
0x3e9: {  	_ =	swait.ge [sflag:s28], $0x80  }
0x3ea: {  	[sflag:s28] =	ssyncset.done $0x0  }
0x3eb: {  	[sflag:s28] =	ssyncadd.s32 $0xFFFFFF80  }
0x3ec: {  	v2 =	vld [tilespmem:$0x380]  }
0x3ed: {  	v3 =	vld [tilespmem:$0x390]  }
0x3ee: {  	v59 =	vld [tilespmem:$0x3A0]  }
0x3ef: {  	v60 =	vld [tilespmem:$0x3B0]  }
0x3f0: {  	v61 =	vld [tilespmem:$0x3C0]  }
0x3f1: {  	v62 =	vld [tilespmem:$0x3D0];
	v2 =	vshll.u32 v2, $0x3  }
0x3f2: {  	[tilespmem:$0x780] =	vst v2;
	v2 =	vshll.u32 v3, $0x3;
	v3 =	vld [tilespmem:$0x3E0]  }
0x3f3: {  	v63 =	vld [tilespmem:$0x3F0];
	[tilespmem:$0x790] =	vst v2;
	v2 =	vshll.u32 v59, $0x3  }
0x3f4: {  	[tilespmem:$0x7A0] =	vst v2;
	v2 =	vshll.u32 v60, $0x3  }
0x3f5: {  	[tilespmem:$0x7B0] =	vst v2;
	v2 =	vshll.u32 v61, $0x3  }
0x3f6: {  	[tilespmem:$0x7C0] =	vst v2;
	v2 =	vshll.u32 v62, $0x3  }
0x3f7: {  	[tilespmem:$0x7D0] =	vst v2;
	v2 =	vshll.u32 v3, $0x3  }
0x3f8: {  	[tilespmem:$0x7E0] =	vst v2;
	v2 =	vshll.u32 v63, $0x3  }
.Ltmp22:
0x3f9: {  	[tilespmem:$0x7F0] =	vst v2;
	(pc) =	sbr.rel .LBB2_22-.Ltmp22, $4  }
0x3fa: {  	[spmem:s1] =	stream.indirect.scatter.add.f32 [tilespmem:s31], [sflag:$0x1], $0x1, s16, s29, $0xb8;
	[tilespmem:$0xDC40] =	vst v63  }
0x3fb: {  	_ =	swait.ge [sflag:s26], $0x80  }
0x3fc: {  	[sflag:s26] =	ssyncset.done $0x0  }
0x3fd: {  	[sflag:s26] =	ssyncadd.s32 $0xFFFFFF80  }
.LBB2_23:
0x3fe: {  	[bflag:$0x0] =	sbarrier.arrive $0xFFFF  }
0x3ff: {  	[tilespmem:s17], [sflag:$0x1] =	stream.linear.gather [spmem:s4], $0x61C0, $0x38;
	[tilespmem:$0xDC40] =	vst v63  }
0x400: {  	_ =	swait.ge [sflag:s26], $0x61C0  }
0x401: {  	[sflag:s26] =	ssyncset.done $0x0  }
0x402: {  	s20 =	simm.s32 $0x0;
	s21 =	rddreg [dreg:$0x7];
	[sflag:s26] =	ssyncadd.s32 $0xFFFF9E40  }
0x403: {  	[hbm4b:s21+s20] =	stream.linear.scatter [tilespmem:s17], [sflag:$0x1], $0x61C0, $0x38;
	[tilespmem:$0xDC40] =	vst v63  }
0x404: {  	_ =	swait.ge [sflag:s26], $0x61C0  }
0x405: {  	[sflag:s26] =	ssyncset.done $0x0  }
0x406: {  	[sflag:s26] =	ssyncadd.s32 $0xFFFF9E40  }
0x407: {  	[spmem:s4] =	stream.linear.scatter [tilespmem:s25], [sflag:$0x1], $0x1000, $0x38;
	[tilespmem:$0xDC40] =	vst v63  }
0x408: {  	_ =	swait.ge [sflag:s26], $0x1000  }
0x409: {  	[sflag:s26] =	ssyncset.done $0x0  }
0x40a: {  	[sflag:s26] =	ssyncadd.s32 $0xFFFFF000  }
0x40b: {  	[spmem:s5] =	stream.linear.scatter [tilespmem:s25], [sflag:$0x1], $0x1000, $0x38;
	[tilespmem:$0xDC40] =	vst v63  }
0x40c: {  	_ =	swait.ge [sflag:s26], $0x1000  }
0x40d: {  	[sflag:s26] =	ssyncset.done $0x0  }
0x40e: {  	[sflag:s26] =	ssyncadd.s32 $0xFFFFF000  }
0x40f: {  	[spmem:s6] =	stream.linear.scatter [tilespmem:s25], [sflag:$0x1], $0x1000, $0x38;
	[tilespmem:$0xDC40] =	vst v63  }
0x410: {  	_ =	swait.ge [sflag:s26], $0x1000  }
0x411: {  	[sflag:s26] =	ssyncset.done $0x0  }
0x412: {  	[sflag:s26] =	ssyncadd.s32 $0xFFFFF000  }
0x413: {  	[spmem:s7] =	stream.linear.scatter [tilespmem:s25], [sflag:$0x1], $0x1000, $0x38;
	[tilespmem:$0xDC40] =	vst v63  }
0x414: {  	_ =	swait.ge [sflag:s26], $0x1000  }
0x415: {  	[sflag:s26] =	ssyncset.done $0x0  }
0x416: {  	[sflag:s26] =	ssyncadd.s32 $0xFFFFF000  }
0x417: {  	[spmem:s8] =	stream.linear.scatter [tilespmem:s25], [sflag:$0x1], $0x1000, $0x38;
	[tilespmem:$0xDC40] =	vst v63  }
0x418: {  	_ =	swait.ge [sflag:s26], $0x1000  }
0x419: {  	[sflag:s26] =	ssyncset.done $0x0  }
0x41a: {  	[sflag:s26] =	ssyncadd.s32 $0xFFFFF000  }
0x41b: {  	[spmem:s9] =	stream.linear.scatter [tilespmem:s25], [sflag:$0x1], $0x1000, $0x38;
	[tilespmem:$0xDC40] =	vst v63  }
0x41c: {  	_ =	swait.ge [sflag:s26], $0x1000  }
0x41d: {  	[sflag:s26] =	ssyncset.done $0x0  }
0x41e: {  	[sflag:s26] =	ssyncadd.s32 $0xFFFFF000  }
0x41f: {  	[spmem:s10] =	stream.linear.scatter [tilespmem:s25], [sflag:$0x1], $0x1C0, $0x38;
	[tilespmem:$0xDC40] =	vst v63  }
.Ltmp23:
0x420: {  	_ =	swait.ge [sflag:s26], $0x1C0;
	(pc) =	sbr.rel .LBB2_24-.Ltmp23, $4  }
0x421: {  	[sflag:s26] =	ssyncset.done $0x0  }
0x422: {  	[sflag:s26] =	ssyncadd.s32 $0xFFFFFE40  }
0x423: {  	[bflag:$0x0] =	sbarrier.arrive $0xFFFF  }
0x424: {  	s21 =	smov.u32 s24  }
.LBB2_26:
0x425: {  	s20 =	sadd.s32 $0x20, s20  }
0x426: {  	p0 =	sne.s32 s20, $0xE0  }
.Ltmp24:
0x427: {  	_ = 	snop;
	(pc) =	sbr.rel @!p0 .LBB2_27-.Ltmp24, $2  }
0x428: {  	_ =	sdelay $0x2  }
0x429: {  	s21 =	sadd.s32 $0x1000, s21  }
.LBB2_24:
0x42a: {  	s22 =	sadd.s32 s20, s19  }
0x42b: {  	p0 =	sgt.u32 s22, $0xC3  }
.Ltmp25:
0x42c: {  	_ = 	snop;
	(pc) =	sbr.rel @p0 .LBB2_26-.Ltmp25, $1  }
0x42d: {  	_ =	sdelay $0x3  }
0x42e: {  	[tilespmem:s3], [sflag:$0x2] =	stream.linear.gather [hbm4b:s21+s3], $0x400, $0x38;
	[tilespmem:$0xDC40] =	vst v63  }
0x42f: {  	_ =	swait.ge [sflag:s28], $0x400  }
0x430: {  	[sflag:s28] =	ssyncset.done $0x0  }
0x431: {  	[sflag:s28] =	ssyncadd.s32 $0xFFFFFC00  }
0x432: {  	v2 =	vld [tilespmem:$0x0]  }
0x433: {  	v3 =	vld [tilespmem:$0x10]  }
0x434: {  	v4 =	vld [tilespmem:$0x20]  }
0x435: {  	v5 =	vld [tilespmem:$0x30]  }
0x436: {  	v6 =	vld [tilespmem:$0x40]  }
0x437: {  	v7 =	vld [tilespmem:$0x50];
	v2 =	vshll.u32 v2, $0x3  }
0x438: {  	[tilespmem:$0x400] =	vst v2;
	v2 =	vshll.u32 v3, $0x3;
	v3 =	vld [tilespmem:$0x60]  }
0x439: {  	v28 =	vld [tilespmem:$0x70];
	[tilespmem:$0x410] =	vst v2;
	v2 =	vshll.u32 v4, $0x3  }
0x43a: {  	[tilespmem:$0x420] =	vst v2;
	v2 =	vshll.u32 v5, $0x3  }
0x43b: {  	[tilespmem:$0x430] =	vst v2;
	v2 =	vshll.u32 v6, $0x3  }
0x43c: {  	[tilespmem:$0x440] =	vst v2;
	v2 =	vshll.u32 v7, $0x3  }
0x43d: {  	[tilespmem:$0x450] =	vst v2;
	v2 =	vshll.u32 v3, $0x3  }
0x43e: {  	[tilespmem:$0x460] =	vst v2;
	v2 =	vshll.u32 v28, $0x3  }
0x43f: {  	[tilespmem:$0x470] =	vst v2  }
0x440: {  	[spmem:s1] =	stream.indirect.scatter.add.f32 [tilespmem:s31], [sflag:$0x2], $0x1, s30, s29, $0xb8;
	[tilespmem:$0xDC40] =	vst v63  }
0x441: {  	_ =	swait.ge [sflag:s28], $0x80  }
0x442: {  	[sflag:s28] =	ssyncset.done $0x0  }
0x443: {  	[sflag:s28] =	ssyncadd.s32 $0xFFFFFF80  }
0x444: {  	v2 =	vld [tilespmem:$0x80]  }
0x445: {  	v3 =	vld [tilespmem:$0x90]  }
0x446: {  	v29 =	vld [tilespmem:$0xA0]  }
0x447: {  	v30 =	vld [tilespmem:$0xB0]  }
0x448: {  	v31 =	vld [tilespmem:$0xC0]  }
0x449: {  	v32 =	vld [tilespmem:$0xD0];
	v2 =	vshll.u32 v2, $0x3  }
0x44a: {  	[tilespmem:$0x480] =	vst v2;
	v2 =	vshll.u32 v3, $0x3;
	v3 =	vld [tilespmem:$0xE0]  }
0x44b: {  	v33 =	vld [tilespmem:$0xF0];
	[tilespmem:$0x490] =	vst v2;
	v2 =	vshll.u32 v29, $0x3  }
0x44c: {  	[tilespmem:$0x4A0] =	vst v2;
	v2 =	vshll.u32 v30, $0x3  }
0x44d: {  	[tilespmem:$0x4B0] =	vst v2;
	v2 =	vshll.u32 v31, $0x3  }
0x44e: {  	[tilespmem:$0x4C0] =	vst v2;
	v2 =	vshll.u32 v32, $0x3  }
0x44f: {  	[tilespmem:$0x4D0] =	vst v2;
	v2 =	vshll.u32 v3, $0x3  }
0x450: {  	[tilespmem:$0x4E0] =	vst v2;
	v2 =	vshll.u32 v33, $0x3  }
0x451: {  	[tilespmem:$0x4F0] =	vst v2  }
0x452: {  	[spmem:s1] =	stream.indirect.scatter.add.f32 [tilespmem:s31], [sflag:$0x2], $0x1, s0, s29, $0xb8;
	[tilespmem:$0xDC40] =	vst v63  }
0x453: {  	_ =	swait.ge [sflag:s28], $0x80  }
0x454: {  	[sflag:s28] =	ssyncset.done $0x0  }
0x455: {  	[sflag:s28] =	ssyncadd.s32 $0xFFFFFF80  }
0x456: {  	v2 =	vld [tilespmem:$0x100]  }
0x457: {  	v3 =	vld [tilespmem:$0x110]  }
0x458: {  	v34 =	vld [tilespmem:$0x120]  }
0x459: {  	v35 =	vld [tilespmem:$0x130]  }
0x45a: {  	v36 =	vld [tilespmem:$0x140]  }
0x45b: {  	v37 =	vld [tilespmem:$0x150];
	v2 =	vshll.u32 v2, $0x3  }
0x45c: {  	[tilespmem:$0x500] =	vst v2;
	v2 =	vshll.u32 v3, $0x3;
	v3 =	vld [tilespmem:$0x160]  }
0x45d: {  	v38 =	vld [tilespmem:$0x170];
	[tilespmem:$0x510] =	vst v2;
	v2 =	vshll.u32 v34, $0x3  }
0x45e: {  	[tilespmem:$0x520] =	vst v2;
	v2 =	vshll.u32 v35, $0x3  }
0x45f: {  	[tilespmem:$0x530] =	vst v2;
	v2 =	vshll.u32 v36, $0x3  }
0x460: {  	[tilespmem:$0x540] =	vst v2;
	v2 =	vshll.u32 v37, $0x3  }
0x461: {  	[tilespmem:$0x550] =	vst v2;
	v2 =	vshll.u32 v3, $0x3  }
0x462: {  	[tilespmem:$0x560] =	vst v2;
	v2 =	vshll.u32 v38, $0x3  }
0x463: {  	[tilespmem:$0x570] =	vst v2  }
0x464: {  	[spmem:s1] =	stream.indirect.scatter.add.f32 [tilespmem:s31], [sflag:$0x2], $0x1, s2, s29, $0xb8;
	[tilespmem:$0xDC40] =	vst v63  }
0x465: {  	_ =	swait.ge [sflag:s28], $0x80  }
0x466: {  	[sflag:s28] =	ssyncset.done $0x0  }
0x467: {  	[sflag:s28] =	ssyncadd.s32 $0xFFFFFF80  }
0x468: {  	v2 =	vld [tilespmem:$0x180]  }
0x469: {  	v3 =	vld [tilespmem:$0x190]  }
0x46a: {  	v39 =	vld [tilespmem:$0x1A0]  }
0x46b: {  	v40 =	vld [tilespmem:$0x1B0]  }
0x46c: {  	v41 =	vld [tilespmem:$0x1C0]  }
0x46d: {  	v42 =	vld [tilespmem:$0x1D0];
	v2 =	vshll.u32 v2, $0x3  }
0x46e: {  	[tilespmem:$0x580] =	vst v2;
	v2 =	vshll.u32 v3, $0x3;
	v3 =	vld [tilespmem:$0x1E0]  }
0x46f: {  	v43 =	vld [tilespmem:$0x1F0];
	[tilespmem:$0x590] =	vst v2;
	v2 =	vshll.u32 v39, $0x3  }
0x470: {  	[tilespmem:$0x5A0] =	vst v2;
	v2 =	vshll.u32 v40, $0x3  }
0x471: {  	[tilespmem:$0x5B0] =	vst v2;
	v2 =	vshll.u32 v41, $0x3  }
0x472: {  	[tilespmem:$0x5C0] =	vst v2;
	v2 =	vshll.u32 v42, $0x3  }
0x473: {  	[tilespmem:$0x5D0] =	vst v2;
	v2 =	vshll.u32 v3, $0x3  }
0x474: {  	[tilespmem:$0x5E0] =	vst v2;
	v2 =	vshll.u32 v43, $0x3  }
0x475: {  	[tilespmem:$0x5F0] =	vst v2  }
0x476: {  	[spmem:s1] =	stream.indirect.scatter.add.f32 [tilespmem:s31], [sflag:$0x2], $0x1, s12, s29, $0xb8;
	[tilespmem:$0xDC40] =	vst v63  }
0x477: {  	_ =	swait.ge [sflag:s28], $0x80  }
0x478: {  	[sflag:s28] =	ssyncset.done $0x0  }
0x479: {  	[sflag:s28] =	ssyncadd.s32 $0xFFFFFF80  }
0x47a: {  	v2 =	vld [tilespmem:$0x200]  }
0x47b: {  	v3 =	vld [tilespmem:$0x210]  }
0x47c: {  	v44 =	vld [tilespmem:$0x220]  }
0x47d: {  	v45 =	vld [tilespmem:$0x230]  }
0x47e: {  	v46 =	vld [tilespmem:$0x240]  }
0x47f: {  	v47 =	vld [tilespmem:$0x250];
	v2 =	vshll.u32 v2, $0x3  }
0x480: {  	[tilespmem:$0x600] =	vst v2;
	v2 =	vshll.u32 v3, $0x3;
	v3 =	vld [tilespmem:$0x260]  }
0x481: {  	v48 =	vld [tilespmem:$0x270];
	[tilespmem:$0x610] =	vst v2;
	v2 =	vshll.u32 v44, $0x3  }
0x482: {  	[tilespmem:$0x620] =	vst v2;
	v2 =	vshll.u32 v45, $0x3  }
0x483: {  	[tilespmem:$0x630] =	vst v2;
	v2 =	vshll.u32 v46, $0x3  }
0x484: {  	[tilespmem:$0x640] =	vst v2;
	v2 =	vshll.u32 v47, $0x3  }
0x485: {  	[tilespmem:$0x650] =	vst v2;
	v2 =	vshll.u32 v3, $0x3  }
0x486: {  	[tilespmem:$0x660] =	vst v2;
	v2 =	vshll.u32 v48, $0x3  }
0x487: {  	[tilespmem:$0x670] =	vst v2  }
0x488: {  	[spmem:s1] =	stream.indirect.scatter.add.f32 [tilespmem:s31], [sflag:$0x2], $0x1, s13, s29, $0xb8;
	[tilespmem:$0xDC40] =	vst v63  }
0x489: {  	_ =	swait.ge [sflag:s28], $0x80  }
0x48a: {  	[sflag:s28] =	ssyncset.done $0x0  }
0x48b: {  	[sflag:s28] =	ssyncadd.s32 $0xFFFFFF80  }
0x48c: {  	v2 =	vld [tilespmem:$0x280]  }
0x48d: {  	v3 =	vld [tilespmem:$0x290]  }
0x48e: {  	v49 =	vld [tilespmem:$0x2A0]  }
0x48f: {  	v50 =	vld [tilespmem:$0x2B0]  }
0x490: {  	v51 =	vld [tilespmem:$0x2C0]  }
0x491: {  	v52 =	vld [tilespmem:$0x2D0];
	v2 =	vshll.u32 v2, $0x3  }
0x492: {  	[tilespmem:$0x680] =	vst v2;
	v2 =	vshll.u32 v3, $0x3;
	v3 =	vld [tilespmem:$0x2E0]  }
0x493: {  	v53 =	vld [tilespmem:$0x2F0];
	[tilespmem:$0x690] =	vst v2;
	v2 =	vshll.u32 v49, $0x3  }
0x494: {  	[tilespmem:$0x6A0] =	vst v2;
	v2 =	vshll.u32 v50, $0x3  }
0x495: {  	[tilespmem:$0x6B0] =	vst v2;
	v2 =	vshll.u32 v51, $0x3  }
0x496: {  	[tilespmem:$0x6C0] =	vst v2;
	v2 =	vshll.u32 v52, $0x3  }
0x497: {  	[tilespmem:$0x6D0] =	vst v2;
	v2 =	vshll.u32 v3, $0x3  }
0x498: {  	[tilespmem:$0x6E0] =	vst v2;
	v2 =	vshll.u32 v53, $0x3  }
0x499: {  	[tilespmem:$0x6F0] =	vst v2  }
0x49a: {  	[spmem:s1] =	stream.indirect.scatter.add.f32 [tilespmem:s31], [sflag:$0x2], $0x1, s14, s29, $0xb8;
	[tilespmem:$0xDC40] =	vst v63  }
0x49b: {  	_ =	swait.ge [sflag:s28], $0x80  }
0x49c: {  	[sflag:s28] =	ssyncset.done $0x0  }
0x49d: {  	[sflag:s28] =	ssyncadd.s32 $0xFFFFFF80  }
0x49e: {  	v2 =	vld [tilespmem:$0x300]  }
0x49f: {  	v3 =	vld [tilespmem:$0x310]  }
0x4a0: {  	v54 =	vld [tilespmem:$0x320]  }
0x4a1: {  	v55 =	vld [tilespmem:$0x330]  }
0x4a2: {  	v56 =	vld [tilespmem:$0x340]  }
0x4a3: {  	v57 =	vld [tilespmem:$0x350];
	v2 =	vshll.u32 v2, $0x3  }
0x4a4: {  	[tilespmem:$0x700] =	vst v2;
	v2 =	vshll.u32 v3, $0x3;
	v3 =	vld [tilespmem:$0x360]  }
0x4a5: {  	v58 =	vld [tilespmem:$0x370];
	[tilespmem:$0x710] =	vst v2;
	v2 =	vshll.u32 v54, $0x3  }
0x4a6: {  	[tilespmem:$0x720] =	vst v2;
	v2 =	vshll.u32 v55, $0x3  }
0x4a7: {  	[tilespmem:$0x730] =	vst v2;
	v2 =	vshll.u32 v56, $0x3  }
0x4a8: {  	[tilespmem:$0x740] =	vst v2;
	v2 =	vshll.u32 v57, $0x3  }
0x4a9: {  	[tilespmem:$0x750] =	vst v2;
	v2 =	vshll.u32 v3, $0x3  }
0x4aa: {  	[tilespmem:$0x760] =	vst v2;
	v2 =	vshll.u32 v58, $0x3  }
0x4ab: {  	[tilespmem:$0x770] =	vst v2  }
0x4ac: {  	[spmem:s1] =	stream.indirect.scatter.add.f32 [tilespmem:s31], [sflag:$0x2], $0x1, s15, s29, $0xb8;
	[tilespmem:$0xDC40] =	vst v63  }
0x4ad: {  	_ =	swait.ge [sflag:s28], $0x80  }
0x4ae: {  	[sflag:s28] =	ssyncset.done $0x0  }
0x4af: {  	[sflag:s28] =	ssyncadd.s32 $0xFFFFFF80  }
0x4b0: {  	v2 =	vld [tilespmem:$0x380]  }
0x4b1: {  	v3 =	vld [tilespmem:$0x390]  }
0x4b2: {  	v59 =	vld [tilespmem:$0x3A0]  }
0x4b3: {  	v60 =	vld [tilespmem:$0x3B0]  }
0x4b4: {  	v61 =	vld [tilespmem:$0x3C0]  }
0x4b5: {  	v62 =	vld [tilespmem:$0x3D0];
	v2 =	vshll.u32 v2, $0x3  }
0x4b6: {  	[tilespmem:$0x780] =	vst v2;
	v2 =	vshll.u32 v3, $0x3;
	v3 =	vld [tilespmem:$0x3E0]  }
0x4b7: {  	v63 =	vld [tilespmem:$0x3F0];
	[tilespmem:$0x790] =	vst v2;
	v2 =	vshll.u32 v59, $0x3  }
0x4b8: {  	[tilespmem:$0x7A0] =	vst v2;
	v2 =	vshll.u32 v60, $0x3  }
0x4b9: {  	[tilespmem:$0x7B0] =	vst v2;
	v2 =	vshll.u32 v61, $0x3  }
0x4ba: {  	[tilespmem:$0x7C0] =	vst v2;
	v2 =	vshll.u32 v62, $0x3  }
0x4bb: {  	[tilespmem:$0x7D0] =	vst v2;
	v2 =	vshll.u32 v3, $0x3  }
0x4bc: {  	[tilespmem:$0x7E0] =	vst v2;
	v2 =	vshll.u32 v63, $0x3  }
.Ltmp26:
0x4bd: {  	[tilespmem:$0x7F0] =	vst v2;
	(pc) =	sbr.rel .LBB2_26-.Ltmp26, $4  }
0x4be: {  	[spmem:s1] =	stream.indirect.scatter.add.f32 [tilespmem:s31], [sflag:$0x1], $0x1, s16, s29, $0xb8;
	[tilespmem:$0xDC40] =	vst v63  }
0x4bf: {  	_ =	swait.ge [sflag:s26], $0x80  }
0x4c0: {  	[sflag:s26] =	ssyncset.done $0x0  }
0x4c1: {  	[sflag:s26] =	ssyncadd.s32 $0xFFFFFF80  }
.LBB2_28:
0x4c2: {  	_ =	sfence.sel $0x180000  }
0x4c3: {  	[bflag:$0x0] =	sbarrier.arrive $0xFFFF  }
0x4c4: {  	_ =	strace $0x90000047  }
0x4c5: {  	s0 =	stileid.u32;
	[bflag:$0x2] =	sbarrier.arrive $0xFFFF  }
0x4c6: {  	p0 =	sne.s32 s0, $0x0;
	s0 =	rddreg [dreg:$0x3]  }
0x4c7: {  	s0 =	sadd.s32 @!p0 $0x100000, s0  }
0x4c8: {  	[sflag:s0] =	ssyncadd.tile.s32 @!p0 $0x1;
	_ =	shalt  }
.Lfunc_end2:
_tile_overlayer_lowered:
.L_overlay_start_2:
0x4c9: {  	(tag) =	ssettag $0x2  }
0x4ca: {  	s0 =	rddreg [dreg:$0x0];
	s2 =	stileid.u32  }
0x4cb: {  	s1 =	rddreg [dreg:$0x1];
	p0 =	sne.s32 s2, $0x0  }
0x4cc: {  	s3 =	rddreg [dreg:$0x2];
	[bflag:$0x3] =	sbarrier.arrive $0xFFFF;
	s2 =	simm.s32 @!p0 $0x1C01  }
0x4cd: {  	[timem:s3], [sflag:s2] =	dma.local @!p0 [hbm:s0], s1  }
0x4ce: {  	s0 =	simm.s32 @!p0 $0x1  }
0x4cf: {  	_ =	swait.ge @!p0 [sflag:s0], s1  }
0x4d0: {  	s1 =	ssub.s32 @!p0 $0x0, s1;
	[sflag:s0] =	ssyncset.done @!p0 $0x0  }
0x4d1: {  	[sflag:s0] =	ssyncadd.s32 @!p0 s1  }
0x4d2: {  	[bflag:$0x3] =	sbarrier.arrive $0xFFFF  }
0x4d3: {  	_ =	shalt  }

// kernel: kernel.9.cloned.1.call-start
scs
__scs_entry_jumppad:
0x0: {  	(pc) =	sbr.rel $0x88, $3  }
0x1: {  	(tag) =	ssettag $0x0;
	lr =	simm.s32 $0x1  }
0x2: {  	[smem:$0x3F9A] =	sst lr;
	_ =	strace $0xD0000000  }
0x3: {  	_ = 	snop  }
0x4: {  	_ = 	snop  }
0x5: {  	_ = 	snop  }
0x6: {  	_ = 	snop  }
0x7: {  	_ = 	snop  }
__scs_overlays_trampoline_lowered:
0x8: {  	[smem:$0x3FA9] =	sst s0  }
0x9: {  	[smem:$0x3FAA] =	sst s1  }
0xa: {  	[smem:$0x3FAB] =	sst s2  }
0xb: {  	[smem:$0x3FAC] =	sst s3  }
0xc: {  	[smem:$0x3FAD] =	sst s4  }
0xd: {  	[smem:$0x3FAE] =	sst s5  }
0xe: {  	[smem:$0x3FAF] =	sst s6  }
0xf: {  	[smem:$0x3FB0] =	sst s7  }
0x10: {  	[smem:$0x3FB1] =	sst s8  }
0x11: {  	[smem:$0x3FB2] =	sst s9;
	s0 =	simm.s32 @!p0 $0x0  }
0x12: {  	s1 =	sld [smem:$0x3F98];
	s0 =	simm.s32 @p0 $0x1  }
0x13: {  	[smem:$0x3FB3] =	sst s0;
	s0 =	simm.s32 @!p1 $0x0  }
0x14: {  	s2 =	sld [smem:$0x3F97];
	s0 =	simm.s32 @p1 $0x1  }
0x15: {  	[smem:$0x3FB4] =	sst s0;
	s0 =	simm.s32 @!p2 $0x0  }
0x16: {  	s3 =	sld [smem:$0x3FDB];
	s0 =	simm.s32 @p2 $0x1  }
0x17: {  	s4 =	simm.s32 $0x1BF5;
	[smem:$0x3FB6] =	sst s0  }
0x18: {  	s0 =	sld [smem:$0x3F99];
	_ =	swait.ge [sflag:s4], $0x0  }
0x19: {  	s7 =	sld [smem:$0x3F9A]  }
0x1a: {  	s8 =	sadd.s32 $0xFFFFE003, lr  }
0x1b: {  	s9 =	sadd.s32 $0xFFFFFEF7, lr;
	s5 =	simm.s32 $0xFFFFFFFF;
	p2 =	slt.u32 s8, $0xFFFFF086  }
0x1c: {  	p1 =	slt.u32 s9, $0xF7A;
	s5 =	simm.s32 @!p2 $0x0  }
0x1d: {  	s5 =	simm.s32 @p1 $0x1;
	p0 =	seq.s32 s7, s2  }
0x1e: {  	s7 =	smul.u32 @!p0 $0xF7A, s2;
	p2 =	seq.s32 @!p0 s5, $0x0  }
0x1f: {  	s9 =	smul.u32 $0xF7A, s1;
	s8 =	simm.s32 @!p0 $0x1BF5;
	p2 =	por !p2, p0  }
0x20: {  	[sflag:s8] =	ssyncset.s32 @!p0 $0xFFFFF086;
	s6 =	sadd.s32 @!p0 s3, s7;
	s7 =	simm.s32 @!p0 $0x108  }
0x21: {  	s3 =	sadd.s32 s3, s9;
	s6 =	sadd.s32 @!p0 $0x88, s6;
	s7 =	simm.s32 @p2 $0x1082  }
0x22: {  	[simem:s7], [sflag:s8] =	dma.local @!p0 [hbm:s6], $0xF7A  }
0x23: {  	s9 =	sor.u32 $0xD0000000, s2;
	s6 =	simm.s32 $0x108;
	_ =	swait.ge @!p0 [sflag:s8], $0x0  }
0x24: {  	s3 =	sadd.s32 $0x88, s3;
	s6 =	simm.s32 @!p1 $0x1082;
	[sflag:s4] =	ssyncset.s32 $0xFFFFF086  }
0x25: {  	[simem:s6], [sflag:s4] =	dma.local [hbm:s3], $0xF7A  }
0x26: {  	[smem:$0x3F9A] =	sst s1;
	(tag) =	ssettag s2;
	_ =	strace s9  }
0x27: {  	s1 =	sld [smem:$0x3FAA]  }
0x28: {  	s2 =	sld [smem:$0x3FAB]  }
0x29: {  	s4 =	sld [smem:$0x3FAD]  }
0x2a: {  	p0 =	seq.s32 s5, $0x0;
	s5 =	sld [smem:$0x3FAE]  }
0x2b: {  	s6 =	sld [smem:$0x3FAF]  }
0x2c: {  	s7 =	sld [smem:$0x3FB0]  }
0x2d: {  	s3 =	simm.s32 $0x108;
	s8 =	sld [smem:$0x3FB1]  }
0x2e: {  	s3 =	simm.s32 @!p0 $0x1082;
	s9 =	sld [smem:$0x3FB2]  }
0x2f: {  	lr =	sadd.s32 s0, s3;
	s0 =	sld [smem:$0x3FA9]  }
0x30: {  	s3 =	sld [smem:$0x3FAC]  }
0x31: {  	[smem:$0x3FB5] =	sst s10  }
0x32: {  	s10 =	sld [smem:$0x3FB3];
	_ =	sdelay $0x3  }
0x33: {  	p0 =	seq.s32 s10, $0x1;
	s10 =	sld [smem:$0x3FB5];
	_ =	sdelay $0x3  }
0x34: {  	[smem:$0x3FB5] =	sst s10  }
0x35: {  	s10 =	sld [smem:$0x3FB4];
	_ =	sdelay $0x3  }
0x36: {  	p1 =	seq.s32 s10, $0x1;
	s10 =	sld [smem:$0x3FB5];
	_ =	sdelay $0x3  }
0x37: {  	[smem:$0x3FB5] =	sst s10  }
0x38: {  	s10 =	sld [smem:$0x3FB6]  }
0x39: {  	_ = 	snop;
	(pc) =	sbr.ind lr, $3  }
0x3a: {  	_ = 	snop  }
0x3b: {  	_ = 	snop  }
0x3c: {  	p2 =	seq.s32 s10, $0x1;
	s10 =	sld [smem:$0x3FB5]  }
0x3d: {  	_ =	shalt  }
0x3e: {  	_ =	shalt  }
0x3f: {  	_ =	shalt  }
0x40: {  	_ =	shalt  }
0x41: {  	_ =	shalt  }
0x42: {  	_ =	shalt  }
0x43: {  	_ =	shalt  }
0x44: {  	_ =	shalt  }
0x45: {  	_ =	shalt  }
0x46: {  	_ =	shalt  }
0x47: {  	_ =	shalt  }
0x48: {  	_ =	shalt  }
0x49: {  	_ =	shalt  }
0x4a: {  	_ =	shalt  }
0x4b: {  	_ =	shalt  }
0x4c: {  	_ =	shalt  }
0x4d: {  	_ =	shalt  }
0x4e: {  	_ =	shalt  }
0x4f: {  	_ =	shalt  }
0x50: {  	_ =	shalt  }
0x51: {  	_ =	shalt  }
0x52: {  	_ =	shalt  }
0x53: {  	_ =	shalt  }
0x54: {  	_ =	shalt  }
0x55: {  	_ =	shalt  }
0x56: {  	_ =	shalt  }
0x57: {  	_ =	shalt  }
0x58: {  	_ =	shalt  }
0x59: {  	_ =	shalt  }
0x5a: {  	_ =	shalt  }
0x5b: {  	_ =	shalt  }
0x5c: {  	_ =	shalt  }
0x5d: {  	_ =	shalt  }
0x5e: {  	_ =	shalt  }
0x5f: {  	_ =	shalt  }
0x60: {  	_ =	shalt  }
0x61: {  	_ =	shalt  }
0x62: {  	_ =	shalt  }
0x63: {  	_ =	shalt  }
0x64: {  	_ =	shalt  }
0x65: {  	_ =	shalt  }
0x66: {  	_ =	shalt  }
0x67: {  	_ =	shalt  }
0x68: {  	_ =	shalt  }
0x69: {  	_ =	shalt  }
0x6a: {  	_ =	shalt  }
0x6b: {  	_ =	shalt  }
0x6c: {  	_ =	shalt  }
0x6d: {  	_ =	shalt  }
0x6e: {  	_ =	shalt  }
0x6f: {  	_ =	shalt  }
0x70: {  	_ =	shalt  }
0x71: {  	_ =	shalt  }
0x72: {  	_ =	shalt  }
0x73: {  	_ =	shalt  }
0x74: {  	_ =	shalt  }
0x75: {  	_ =	shalt  }
0x76: {  	_ =	shalt  }
0x77: {  	_ =	shalt  }
0x78: {  	_ =	shalt  }
0x79: {  	_ =	shalt  }
0x7a: {  	_ =	shalt  }
0x7b: {  	_ =	shalt  }
0x7c: {  	_ =	shalt  }
0x7d: {  	_ =	shalt  }
0x7e: {  	_ =	shalt  }
0x7f: {  	_ =	shalt  }
0x80: {  	_ =	shalt  }
0x81: {  	_ =	shalt  }
0x82: {  	_ =	shalt  }
0x83: {  	_ =	shalt  }
0x84: {  	_ =	shalt  }
0x85: {  	_ =	shalt  }
0x86: {  	_ =	shalt  }
0x87: {  	_ =	shalt  }
.Lfunc_end0:
.L_simem_size_0:
called_computation.1_lowered:
.L_overlay_start_0:
0x88: {  	s2 =	sld [smem:$0x3FD9]  }
0x89: {  	s3 =	sld [smem:$0x3FFE];
	_ =	sdelay $0x1  }
0x8a: {  	s1 =	srdreg.scid  }
0x8b: {  	s0 =	sand.u32 $0x1, s1  }
0x8c: {  	s16 =	sshll.u32 s0, $0xA;
	s2 =	sadd.s32 s3, s2  }
0x8d: {  	s2 =	sadd.s32 s2, s16  }
0x8e: {  	[smem:$0x3FC1] =	sst s2  }
0x8f: {  	_ = 	snop  }
0x90: {  	(tm) =	ssettm $0x1  }
0x91: {  	s17 =	sld [smem:$0x3FFB];
	_ =	sdelay $0x3  }
0x92: {  	_ =	strace s17  }
0x93: {  	s2 =	sld [smem:$0x3FFC];
	_ =	sdelay $0x3  }
0x94: {  	_ =	strace s2  }
0x95: {  	s2 =	sld [smem:$0x3FFD];
	_ =	sdelay $0x3  }
0x96: {  	_ =	strace s2  }
0x97: {  	_ =	strace $0x8FFFFFFF  }
0x98: {  	s18 =	sld [smem:$0x3FDB];
	_ =	sdelay $0x1  }
0x99: {  	s19 =	simm.s32 $_scs_section_size  }
0x9a: {  	s4 =	simm.s32 $_size__tile_overlayer_lowered;
	s5 =	simm.s32 $_tile_overlayer_lowered  }
0x9b: {  	s22 =	simm.s32 $0x1BFF;
	s21 =	sshll.u32 s5, $0x1;
	s2 =	sadd.s32 s19, s18  }
0x9c: {  	s6 =	simm.s32 $0x0;
	s20 =	sshll.u32 s4, $0x1;
	s4 =	sadd.s32 s21, s2  }
0x9d: {  	[timem:s6], [sflag:s22] =	dma.local [hbm:s4], s20  }
0x9e: {  	_ =	swait.ge [sflag:s22], s20  }
0x9f: {  	s3 =	ssub.s32 $0x0, s20;
	[sflag:s22] =	ssyncset.done $0x0  }
0xa0: {  	[sflag:s22] =	ssyncadd.s32 s3;
	_ =	sdelay $0x1  }
0xa1: {  	s23 =	simm.s32 $0x1B8B  }
0xa2: {  	_ =	swait.ge [sflag:s23], $0x1  }
0xa3: {  	[sflag:s23] =	ssyncset.done $0x0  }
0xa4: {  	s25 =	simm.s32 $0x1B8E;
	s24 =	sld [smem:$0x3FFE];
	[sflag:s23] =	ssyncadd.s32 $0xFFFFFFFF  }
0xa5: {  	s26 =	simm.s32 $execute0_lowered;
	[smem:$0x3FD2] =	sst s25  }
0xa6: {  	s4 =	sshll.u32 s26, $0x1;
	_ =	strace $0x80000049;
	[dreg:$0x1] =	wrdreg $0xFFFFFFFF  }
0xa7: {  	s28 =	simm.s32 $_size_execute0_lowered;
	s2 =	sadd.s32 s2, s4;
	[dreg:$0x0] =	wrdreg $0x0  }
0xa8: {  	s4 =	sshll.u32 s28, $0x1;
	[dreg:$0x2] =	wrdreg s2  }
0xa9: {  	[dreg:$0x3] =	wrdreg s4  }
0xaa: {  	[dreg:$0x4] =	wrdreg $0xC0  }
0xab: {  	_ =	task [dreg:s6], $0x5FFFF  }
0xac: {  	[dreg:$0x1] =	wrdreg $0xFFFFFFFF  }
0xad: {  	[dreg:$0x0] =	wrdreg $0x60  }
0xae: {  	[dreg:$0x2] =	wrdreg s24  }
0xaf: {  	[dreg:$0x3] =	wrdreg $0x164000  }
0xb0: {  	[dreg:$0x4] =	wrdreg $0x9  }
0xb1: {  	_ =	task.clear_ibuf [dreg:s6], $0x5FFFF;
	_ =	strace $0x90000049  }
0xb2: {  	s29 =	simm.s32 $0x9;
	_ =	strace $0x8000004B  }
0xb3: {  	_ =	swait.ge [sflag:s29], $0x1  }
0xb4: {  	[sflag:s29] =	ssyncadd.s32 $0xFFFFFFFF  }
0xb5: {  	_ =	strace $0x9000004B  }
0xb6: {  	_ =	sfence  }
0xb7: {  	s30 =	sld [smem:$0x0];
	_ =	sdelay $0x2  }
0xb8: {  	s31 =	sshll.u32 s1, $0xD;
	s1 =	sshrl.u32 s1, $0x2  }
0xb9: {  	s3 =	sand.u32 $0x4000, s31;
	s1 =	sadd.s32 s1, s30  }
0xba: {  	s0 =	sor.u32 s3, s0;
	s1 =	sshll.u32 s1, $0x11  }
0xbb: {  	s0 =	sor.u32 s1, s0  }
0xbc: {  	s0 =	sadd.s32 $0x8F2B, s0  }
0xbd: {  	[sflag:s0] =	ssyncadd.remote.s32 $0x1  }
0xbe: {  	_ =	sfence.sel $0xFFFF  }
0xbf: {  	[dreg:$0x0] =	wrdreg $0xFFFFFFFF;
	(pc) =	sbr.abs _section_cstart, $3  }
0xc0: {  	[dreg:$0x1] =	wrdreg $0xFFFFFFFF  }
0xc1: {  	_ =	task.clear_ibuf [dreg:s6], $0x2FFFF;
	_ =	strace $0x9FFFFFFF  }
0xc2: {  	(tm) =	ssettm $0x7FFFFFFF  }
0xc3: {  	_ =	shalt  }
tec
execute0_lowered:
.L_overlay_start_1:
0x0: {  	(tag) =	ssettag $0x1  }
0x1: {  	s0 =	rddreg [dreg:$0x0]  }
0x2: {  	s2 =	rddreg [dreg:$0x1]  }
0x3: {  	s3 =	simm.s32 $0x0;
	s8 =	stileid.u32;
	s1 =	srdreg.scid  }
0x4: {  	s15 =	simm.s32 $0x3;
	s16 =	simm.s32 $0x4;
	s18 =	simm.s32 $0x80  }
0x5: {  	s28 =	simm.s32 $0xC80;
	s29 =	simm.s32 $0x980;
	s30 =	simm.s32 $0xD00  }
0x6: {  	s31 =	simm.s32 $0xA00;
	s11 =	simm.s32 $0xE00;
	s9 =	simm.s32 $0xF00  }
0x7: {  	s10 =	simm.s32 $0xF80;
	s12 =	simm.s32 $0x0;
	[smem:$0x7FF] =	sst s3  }
0x8: {  	s6 =	sand.u32 $0x1, s1;
	s20 =	smul.u32 $0x25000, s8;
	s5 =	sadd.s32 $0x110E00, s0  }
0x9: {  	s4 =	sshll.u32 s8, $0x7;
	s22 =	smul.u32 $0x128, s8;
	_ =	strace $0x8000004A  }
0xa: {  	[dreg:$0x3] =	wrdreg s6;
	s4 =	sadd.s32 s4, s0;
	s0 =	sadd.s32 $0x35AE00, s0  }
0xb: {  	s8 =	simm.s32 $0xB80;
	s6 =	ssub.s32 $0x2, s6;
	[dreg:$0x4] =	wrdreg s0  }
0xc: {  	s7 =	sshrl.u32 s6, $0x1;
	s1 =	sshrl.u32 s20, $0x2;
	[dreg:$0x6] =	wrdreg s22  }
0xd: {  	s25 =	sadd.s32 $0x3B200, s4;
	s26 =	sadd.s32 $0x28C00, s4;
	s20 =	simm.s32 $0x1000  }
0xe: {  	s4 =	simm.s32 $0xB00;
	s21 =	ssub.s32 s6, s7;
	[dreg:$0xa] =	wrdreg s25  }
0xf: {  	s17 =	sadd.s32 s1, s2;
	[dreg:$0xb] =	wrdreg s26;
	s25 =	simm.s32 $0x2  }
.Ltmp0:
0x10: {  	s23 =	sadd.s32 $0x4000, s17;
	[dreg:$0x5] =	wrdreg s17;
	(pc) =	sbr.rel .LBB2_1-.Ltmp0, $4  }
0x11: {  	s26 =	simm.s32 $0x900;
	s24 =	sadd.s32 $0x8000, s17;
	[dreg:$0x7] =	wrdreg s23  }
0x12: {  	s1 =	simm.s32 $0xA80;
	s0 =	smax.u32 s21, $0x1;
	[dreg:$0x8] =	wrdreg s24  }
0x13: {  	v1 =	vlaneseq.u32;
	s6 =	simm.s32 $0xE80;
	s21 =	simm.s32 $0x1;
	[dreg:$0x9] =	wrdreg s0  }
0x14: {  	v0 =	vimm.f32 $0.0e+00;
	v1 =	vor.u32 $0x1280, v1;
	s23 =	simm.s32 $0x5000;
	s24 =	simm.s32 $0xC00;
	s0 =	simm.s32 $0xD80  }
.LBB2_9:
0x15: {  	s12 =	rddreg [dreg:$0xc]  }
0x16: {  	s7 =	rddreg [dreg:$0x9];
	s12 =	sadd.s32 $0x1, s12  }
0x17: {  	p0 =	sne.s32 s12, s7  }
.Ltmp1:
0x18: {  	_ = 	snop;
	(pc) =	sbr.rel @!p0 .LBB2_10-.Ltmp1, $1  }
0x19: {  	_ =	sdelay $0x3  }
.LBB2_1:
0x1a: {  	s7 =	sand.u32 $0xFE00, s3  }
0x1b: {  	[dreg:$0xc] =	wrdreg s12;
	s22 =	sand.u32 $0x70, s3;
	s13 =	sshrl.u32 s7, $0x2  }
0x1c: {  	s12 =	simm.s32 $0x0;
	s7 =	simm.s32 $0x40;
	s14 =	sor.u32 s22, s13  }
.LBB2_2:
0x1d: {  	p0 =	sne.s32 s7, $0xFFC0  }
0x1e: {  	[tilespmem:s14+$0x9000] =	vst v0;
	s12 =	sadd.s32 $0x10, s12;
	s13 =	smov.u32 s7;
	s7 =	sadd.s32 $0x40, s7  }
.Ltmp2:
0x1f: {  	(pc) =	sbr.rel @p0 .LBB2_2-.Ltmp2, $4  }
0x20: {  	_ = 	snop  }
0x21: {  	s13 =	sand.u32 $0xFE00, s13  }
0x22: {  	s14 =	sand.u32 $0x70, s12;
	s13 =	sshrl.u32 s13, $0x2  }
0x23: {  	s14 =	sor.u32 s14, s13;
	s13 =	simm.s32 $0x0  }
.Ltmp3:
0x24: {  	(pc) =	sbr.rel .LBB2_4-.Ltmp3, $2  }
0x25: {  	_ =	sdelay $0x2  }
0x26: {  	[tilespmem:s14+$0x9000] =	vst v0  }
.LBB2_8:
0x27: {  	[bflag:$0x0] =	sbarrier.arrive $0xFFFF  }
0x28: {  	s17 =	rddreg [dreg:$0x5]  }
0x29: {  	s7 =	rddreg [dreg:$0xd]  }
0x2a: {  	s12 =	rddreg [dreg:$0x6]  }
0x2b: {  	s14 =	simm.s32 $0xD000;
	s19 =	rddreg [dreg:$0xe]  }
0x2c: {  	[tilespmem:s14], [sflag:$0x3] =	stream.linear.gather [spmem:s17], $0x9400, $0x38;
	[tilespmem:$0x1F880] =	vst v63  }
0x2d: {  	s7 =	smul.u32 $0x6F0000, s7;
	s12 =	sadd.s32 s12, s19  }
0x2e: {  	s12 =	sshll.u32 s12, $0x7  }
0x2f: {  	s13 =	sadd.s32 $0x1, s13;
	_ =	swait.ge [sflag:s15], $0x9400;
	s7 =	sadd.s32 s7, s12  }
0x30: {  	[sflag:s15] =	ssyncset.done $0x0;
	s22 =	rddreg [dreg:$0x4];
	s7 =	sshrl.u32 s7, $0x3  }
0x31: {  	p0 =	sne.s32 s13, $0x12;
	[sflag:s15] =	ssyncadd.s32 $0xFFFF6C00;
	s7 =	sadd.s32 s22, s7  }
0x32: {  	[hbm4b:s7+s3] =	stream.linear.scatter [tilespmem:s14], [sflag:$0x3], $0x9400, $0x38;
	[tilespmem:$0x1F880] =	vst v63  }
.Ltmp4:
0x33: {  	_ =	swait.ge [sflag:s15], $0x9400;
	(pc) =	sbr.rel @!p0 .LBB2_9-.Ltmp4, $3  }
0x34: {  	[sflag:s15] =	ssyncset.done $0x0  }
0x35: {  	[sflag:s15] =	ssyncadd.s32 $0xFFFF6C00  }
0x36: {  	[bflag:$0x0] =	sbarrier.arrive $0xFFFF;
	_ =	sdelay $0x1  }
.LBB2_4:
0x37: {  	s7 =	smul.u32 $0xAB, s13  }
0x38: {  	s19 =	simm.s32 $0x9000;
	s12 =	smulhi.u32 $0xAAAAAAAB, s13  }
0x39: {  	[spmem:s17] =	stream.linear.scatter [tilespmem:s19], [sflag:$0x3], $0x4000, $0x38;
	[tilespmem:$0x1F880] =	vst v63  }
0x3a: {  	s7 =	sshrl.u32 s7, $0xA;
	_ =	swait.ge [sflag:s15], $0x4000  }
0x3b: {  	s12 =	sshrl.u32 s12, $0x2;
	s22 =	sand.u32 $0x3F, s7;
	[sflag:s15] =	ssyncset.done $0x0  }
0x3c: {  	s14 =	rddreg [dreg:$0x7];
	s7 =	smul.u32 $0x6, s22;
	[sflag:s15] =	ssyncadd.s32 $0xFFFFC000  }
0x3d: {  	[spmem:s14] =	stream.linear.scatter [tilespmem:s19], [sflag:$0x3], $0x4000, $0x38;
	[tilespmem:$0x1F880] =	vst v63  }
0x3e: {  	s12 =	smul.u32 $0x6200, s12;
	s7 =	ssub.s32 s13, s7  }
0x3f: {  	s14 =	smul.u32 $0xC350, s22;
	_ =	swait.ge [sflag:s15], $0x4000;
	s7 =	sshll.u32 s7, $0x1  }
0x40: {  	[sflag:s15] =	ssyncset.done $0x0;
	s17 =	rddreg [dreg:$0x3];
	s7 =	sand.u32 $0xFE, s7  }
0x41: {  	[sflag:s15] =	ssyncadd.s32 $0xFFFFC000;
	s7 =	sor.u32 s7, s17;
	s17 =	rddreg [dreg:$0x8]  }
0x42: {  	[spmem:s17] =	stream.linear.scatter [tilespmem:s19], [sflag:$0x3], $0x1400, $0x38;
	[tilespmem:$0x1F880] =	vst v63  }
.Ltmp5:
0x43: {  	_ =	swait.ge [sflag:s15], $0x1400;
	[dreg:$0xd] =	wrdreg s22;
	(pc) =	sbr.rel .LBB2_5-.Ltmp5, $4  }
0x44: {  	s19 =	smul.u32 $0x1280, s7;
	s17 =	rddreg [dreg:$0xa];
	[sflag:s15] =	ssyncset.done $0x0  }
0x45: {  	s22 =	rddreg [dreg:$0xb];
	s7 =	sadd.s32 s12, s17;
	[sflag:s15] =	ssyncadd.s32 $0xFFFFEC00  }
0x46: {  	s12 =	sadd.s32 s12, s22;
	s22 =	sadd.s32 $0x1280, s19;
	[bflag:$0x0] =	sbarrier.arrive $0xFFFF  }
0x47: {  	v4 =	vmov s14;
	s14 =	stileid.u32;
	v2 =	vmov s19;
	s17 =	simm.s32 $0x0;
	v3 =	vmov s22;
	[dreg:$0xe] =	wrdreg s19  }
.LBB2_7:
0x48: {  	s17 =	sadd.s32 $0x800, s17  }
0x49: {  	p0 =	sne.s32 s17, $0x6800  }
.Ltmp6:
0x4a: {  	_ = 	snop;
	(pc) =	sbr.rel @!p0 .LBB2_8-.Ltmp6, $2  }
0x4b: {  	_ =	sdelay $0x2  }
0x4c: {  	s14 =	sadd.s32 $0x10, s14  }
.LBB2_5:
0x4d: {  	p0 =	sgt.u32 s14, $0xC3  }
.Ltmp7:
0x4e: {  	_ = 	snop;
	(pc) =	sbr.rel @p0 .LBB2_7-.Ltmp7, $1  }
0x4f: {  	_ =	sdelay $0x3  }
0x50: {  	s19 =	sadd.s32 s17, s12  }
0x51: {  	[tilespmem:s3], [sflag:$0x4] =	stream.linear.gather [hbm4b:s19+s3], $0x400, $0x38;
	[tilespmem:$0x1F880] =	vst v63  }
0x52: {  	_ =	swait.ge [sflag:s16], $0x400  }
0x53: {  	[sflag:s16] =	ssyncset.done $0x0  }
0x54: {  	s22 =	simm.s32 $0x400;
	s19 =	sadd.s32 s17, s7;
	[sflag:s16] =	ssyncadd.s32 $0xFFFFFC00  }
0x55: {  	[tilespmem:s22], [sflag:$0x4] =	stream.linear.gather [hbm4b:s19+s3], $0x400, $0x38;
	[tilespmem:$0x1F880] =	vst v63  }
0x56: {  	_ =	swait.ge [sflag:s16], $0x400  }
0x57: {  	[sflag:s16] =	ssyncset.done $0x0  }
0x58: {  	[sflag:s16] =	ssyncadd.s32 $0xFFFFFC00  }
0x59: {  	v5 =	vld [tilespmem:$0x400]  }
0x5a: {  	v6 =	vld [tilespmem:$0x0]  }
0x5b: {  	v7 =	vld [tilespmem:$0x410]  }
0x5c: {  	v8 =	vld [tilespmem:$0x10]  }
0x5d: {  	v9 =	vld [tilespmem:$0x420]  }
0x5e: {  	v10 =	vld [tilespmem:$0x430]  }
0x5f: {  	v12 =	vld [tilespmem:$0x20]  }
0x60: {  	v14 =	vld [tilespmem:$0x30]  }
0x61: {  	v15 =	vld [tilespmem:$0x440]  }
0x62: {  	v25 =	vld [tilespmem:$0x450]  }
0x63: {  	v17 =	vld [tilespmem:$0x460]  }
0x64: {  	v31 =	vld [tilespmem:$0x470]  }
0x65: {  	v37 =	vld [tilespmem:$0x480]  }
0x66: {  	v22 =	vld [tilespmem:$0x490];
	vm0 =	vge.s32 v5, v2;
	vm1 =	vlt.s32 v5, v3  }
0x67: {  	v44 =	vld [tilespmem:$0x4B0];
	v5 =	vsub.s32 v5, v2;
	vm6 =	vlt.s32 v6, $0xC34F;
	vm7 =	vge.s32 v7, v2  }
0x68: {  	v47 =	vld [tilespmem:$0x4D0];
	vm2 =	vlt.s32 v7, v3;
	v7 =	vsub.s32 v7, v2;
	vm9 =	vlt.s32 v8, $0xC34F  }
0x69: {  	v50 =	vld [tilespmem:$0x4E0];
	vm10 =	vge.s32 v9, v2;
	vm11 =	vlt.s32 v9, v3;
	vm12 =	vge.s32 v10, v2  }
0x6a: {  	v33 =	vld [tilespmem:$0x4F0];
	vm13 =	vlt.s32 v10, v3;
	vm14 =	vlt.s32 v12, $0xC34F;
	v24 =	vsub.s32 v10, v2  }
0x6b: {  	vm15 =	vlt.s32 v14, $0xC34F;
	vm4 =	vge.s32 v15, v2;
	vm5 =	vlt.s32 v15, v3  }
0x6c: {  	v16 =	vld [tilespmem:$0x40];
	v28 =	vsub.s32 v15, v2;
	v10 =	vsub.s32 v25, v2;
	v36 =	vsub.s32 v17, v2  }
0x6d: {  	v19 =	vld [tilespmem:$0x70];
	v38 =	vsub.s32 v31, v2;
	v42 =	vsub.s32 v37, v2;
	v43 =	vsub.s32 v22, v2  }
0x6e: {  	v48 =	vsub.s32 v44, v2;
	v51 =	vsub.s32 v47, v2;
	v54 =	vsub.s32 v50, v2  }
0x6f: {  	v55 =	vsub.s32 v33, v2;
	vm0 =	vmand vm0, vm1;
	v6 =	vnsel vm6, $0xC34F, v6  }
0x70: {  	vm8 =	vmand vm7, vm2;
	v26 =	vnsel vm14, $0xC34F, v12;
	v27 =	vnsel vm15, $0xC34F, v14  }
0x71: {  	v29 =	vld [tilespmem:$0x50];
	vm6 =	vlt.s32 v16, $0xC34F;
	vm7 =	vge.s32 v25, v2;
	vm14 =	vlt.s32 v31, v3  }
0x72: {  	v41 =	vld [tilespmem:$0x4A0];
	vm15 =	vlt.s32 v19, $0xC34F;
	v5 =	vsel vm0, v5, v1;
	v13 =	vadd.s32 v4, v6  }
0x73: {  	v6 =	vsel vm8, v7, v1;
	v7 =	vnsel vm9, $0xC34F, v8;
	vm0 =	vmand vm10, vm11  }
0x74: {  	v32 =	vadd.s32 v4, v26;
	v20 =	vadd.s32 v4, v27;
	v30 =	vnsel vm6, $0xC34F, v16  }
0x75: {  	v18 =	vld [tilespmem:$0x60];
	vm8 =	vlt.s32 v25, v3;
	vm9 =	vge.s32 v17, v2;
	vm10 =	vlt.s32 v17, v3  }
0x76: {  	vm11 =	vlt.s32 v29, $0xC34F;
	v40 =	vnsel vm15, $0xC34F, v19;
	vm6 =	vge.s32 v22, v2  }
0x77: {  	v19 =	vsub.s32 v41, v2;
	v11 =	vadd.s32 v4, v7;
	v7 =	vsub.s32 v9, v2  }
0x78: {  	v14 =	vadd.s32 v4, v30;
	v15 =	vnsel vm11, $0xC34F, v29;
	v21 =	vadd.s32 v4, v40  }
0x79: {  	v23 =	vld [tilespmem:$0x80];
	vm11 =	vlt.s32 v41, v3;
	v7 =	vsel vm0, v7, v1;
	vm0 =	vmand vm12, vm13  }
0x7a: {  	v39 =	vld [tilespmem:$0x90];
	vm12 =	vlt.s32 v18, $0xC34F;
	vm13 =	vge.s32 v31, v2;
	v34 =	vadd.s32 v4, v15  }
0x7b: {  	v25 =	vld [tilespmem:$0x4C0];
	v8 =	vsel vm0, v24, v1;
	vm0 =	vmand vm4, vm5;
	v18 =	vnsel vm12, $0xC34F, v18  }
0x7c: {  	vm4 =	vge.s32 v37, v2;
	vm5 =	vlt.s32 v37, v3;
	v9 =	vsel vm0, v28, v1  }
0x7d: {  	v30 =	vld [tilespmem:$0xD0];
	vm0 =	vmand vm7, vm8;
	v26 =	vadd.s32 v4, v18;
	vm7 =	vlt.s32 v22, v3  }
0x7e: {  	v40 =	vld [tilespmem:$0x510];
	vm8 =	vlt.s32 v23, $0xC34F;
	v12 =	vsel vm0, v10, v1;
	vm0 =	vmand vm9, vm10  }
0x7f: {  	v23 =	vnsel vm8, $0xC34F, v23;
	vm9 =	vlt.s32 v39, $0xC34F;
	vm10 =	vge.s32 v41, v2  }
0x80: {  	v45 =	vld [tilespmem:$0xB0];
	vm15 =	vge.s32 v25, v2;
	v49 =	vsub.s32 v25, v2;
	vm8 =	vlt.s32 v47, v3  }
0x81: {  	v24 =	vld [tilespmem:$0xA0];
	v10 =	vsel vm0, v36, v1;
	vm0 =	vmand vm13, vm14;
	v18 =	vnsel vm9, $0xC34F, v39  }
0x82: {  	v58 =	vld [tilespmem:$0x530];
	v35 =	vadd.s32 v4, v23;
	vm13 =	vge.s32 v44, v2;
	vm14 =	vlt.s32 v44, v3  }
0x83: {  	vm9 =	vlt.s32 v30, $0xC34F;
	v59 =	vsub.s32 v40, v2;
	v15 =	vsel vm0, v38, v1  }
0x84: {  	v28 =	vld [tilespmem:$0xC0];
	vm0 =	vmand vm4, vm5;
	v29 =	vadd.s32 v4, v18;
	vm4 =	vlt.s32 v25, v3  }
0x85: {  	v62 =	vld [tilespmem:$0x540];
	vm5 =	vlt.s32 v45, $0xC34F;
	v53 =	vnsel vm9, $0xC34F, v30;
	v16 =	vsel vm0, v42, v1  }
0x86: {  	vm0 =	vmand vm6, vm7;
	vm12 =	vlt.s32 v24, $0xC34F;
	v23 =	vnsel vm5, $0xC34F, v45  }
0x87: {  	v37 =	vld [tilespmem:$0xE0];
	vm7 =	vge.s32 v47, v2;
	v30 =	vadd.s32 v4, v53;
	v45 =	vsub.s32 v58, v2  }
0x88: {  	v41 =	vld [tilespmem:$0x520];
	v17 =	vsel vm0, v43, v1;
	vm0 =	vmand vm10, vm11;
	v46 =	vnsel vm12, $0xC34F, v24  }
0x89: {  	v52 =	vld [tilespmem:$0xF0];
	vm6 =	vlt.s32 v28, $0xC34F;
	v36 =	vadd.s32 v4, v23;
	vm10 =	vge.s32 v50, v2  }
0x8a: {  	v39 =	vld [tilespmem:$0x100];
	vm11 =	vlt.s32 v50, v3;
	vm12 =	vge.s32 v33, v2;
	v50 =	vsub.s32 v62, v2  }
0x8b: {  	v18 =	vsel vm0, v19, v1;
	v27 =	vadd.s32 v4, v46;
	vm0 =	vmand vm13, vm14  }
0x8c: {  	v38 =	vld [tilespmem:$0x500];
	v28 =	vnsel vm6, $0xC34F, v28;
	vm13 =	vlt.s32 v33, v3;
	vm14 =	vlt.s32 v37, $0xC34F  }
0x8d: {  	v60 =	vld [tilespmem:$0x130];
	vm9 =	vge.s32 v41, v2;
	v61 =	vsub.s32 v41, v2;
	v22 =	vsel vm0, v48, v1  }
0x8e: {  	v44 =	vld [tilespmem:$0x550];
	vm0 =	vmand vm15, vm4;
	v31 =	vadd.s32 v4, v28;
	v56 =	vnsel vm14, $0xC34F, v37  }
0x8f: {  	vm15 =	vlt.s32 v52, $0xC34F;
	vm6 =	vlt.s32 v39, $0xC34F;
	vm14 =	vlt.s32 v58, v3  }
0x90: {  	v19 =	vsel vm0, v49, v1;
	vm0 =	vmand vm7, vm8;
	v28 =	vnsel vm15, $0xC34F, v52  }
0x91: {  	v42 =	vld [tilespmem:$0x110];
	vm4 =	vge.s32 v38, v2;
	vm5 =	vlt.s32 v38, v3;
	v37 =	vadd.s32 v4, v56  }
0x92: {  	v57 =	vld [tilespmem:$0x120];
	[tilespmem:$0xC00] =	vst v5;
	v38 =	vsub.s32 v38, v2;
	v5 =	vnsel vm6, $0xC34F, v39;
	vm7 =	vge.s32 v40, v2  }
0x93: {  	vm8 =	vlt.s32 v40, v3;
	vm15 =	vlt.s32 v60, $0xC34F;
	vm6 =	vge.s32 v44, v2  }
0x94: {  	[tilespmem:$0x800] =	vst v13;
	v52 =	vsub.s32 v44, v2;
	v23 =	vsel vm0, v51, v1;
	vm0 =	vmand vm10, vm11  }
0x95: {  	[tilespmem:$0xC10] =	vst v6;
	v53 =	vld [tilespmem:$0x570];
	v33 =	vadd.s32 v4, v28;
	v5 =	vadd.s32 v4, v5;
	vm10 =	vlt.s32 v41, v3  }
0x96: {  	[tilespmem:$0x820] =	vst v32;
	vm11 =	vlt.s32 v42, $0xC34F;
	v48 =	vnsel vm15, $0xC34F, v60;
	v24 =	vsel vm0, v54, v1  }
0x97: {  	[tilespmem:$0x830] =	vst v20;
	v46 =	vld [tilespmem:$0x140];
	vm0 =	vmand vm12, vm13;
	v63 =	vnsel vm11, $0xC34F, v42;
	vm12 =	vlt.s32 v57, $0xC34F  }
0x98: {  	[tilespmem:$0x810] =	vst v11;
	v47 =	vld [tilespmem:$0x150];
	vm13 =	vge.s32 v58, v2;
	v13 =	vadd.s32 v4, v48;
	v25 =	vsel vm0, v55, v1  }
0x99: {  	[tilespmem:$0x840] =	vst v14;
	v49 =	vld [tilespmem:$0x560];
	vm0 =	vmand vm4, vm5;
	v43 =	vnsel vm12, $0xC34F, v57;
	v32 =	vadd.s32 v4, v63  }
0x9a: {  	[tilespmem:$0x870] =	vst v21;
	v56 =	vld [tilespmem:$0x580];
	vm4 =	vge.s32 v62, v2;
	vm5 =	vlt.s32 v62, v3;
	v62 =	vsub.s32 v53, v2  }
0x9b: {  	[tilespmem:$0xC20] =	vst v7;
	v28 =	vsel vm0, v38, v1;
	vm0 =	vmand vm7, vm8;
	v11 =	vadd.s32 v4, v43  }
0x9c: {  	[tilespmem:$0x850] =	vst v34;
	v51 =	vld [tilespmem:$0x160];
	vm7 =	vlt.s32 v44, v3;
	vm8 =	vlt.s32 v46, $0xC34F;
	v6 =	vsel vm0, v59, v1  }
0x9d: {  	[tilespmem:$0xC30] =	vst v8;
	v41 =	vld [tilespmem:$0x5A0];
	vm0 =	vmand vm9, vm10;
	v54 =	vnsel vm8, $0xC34F, v46;
	vm9 =	vlt.s32 v47, $0xC34F  }
0x9e: {  	[tilespmem:$0xC40] =	vst v9;
	v58 =	vld [tilespmem:$0x170];
	vm10 =	vge.s32 v49, v2;
	vm11 =	vlt.s32 v49, v3;
	v57 =	vsub.s32 v49, v2  }
0x9f: {  	[tilespmem:$0x860] =	vst v26;
	v48 =	vld [tilespmem:$0x5C0];
	vm15 =	vge.s32 v56, v2;
	v40 =	vsub.s32 v56, v2;
	v7 =	vsel vm0, v61, v1  }
0xa0: {  	[tilespmem:$0xC50] =	vst v12;
	vm0 =	vmand vm13, vm14;
	v55 =	vnsel vm9, $0xC34F, v47;
	v26 =	vadd.s32 v4, v54  }
0xa1: {  	[tilespmem:$0xC60] =	vst v10;
	v63 =	vld [tilespmem:$0x190];
	vm12 =	vlt.s32 v51, $0xC34F;
	vm13 =	vge.s32 v53, v2;
	vm14 =	vlt.s32 v53, v3  }
0xa2: {  	[tilespmem:$0x880] =	vst v35;
	v20 =	vsub.s32 v41, v2;
	v8 =	vsel vm0, v45, v1;
	vm0 =	vmand vm4, vm5  }
0xa3: {  	[tilespmem:$0xC70] =	vst v15;
	v43 =	vld [tilespmem:$0x5B0];
	v14 =	vadd.s32 v4, v55;
	v60 =	vnsel vm12, $0xC34F, v51;
	vm4 =	vlt.s32 v56, v3  }
0xa4: {  	[tilespmem:$0x890] =	vst v29;
	v39 =	vld [tilespmem:$0x620];
	vm5 =	vlt.s32 v58, $0xC34F;
	v54 =	vsub.s32 v48, v2;
	v9 =	vsel vm0, v50, v1  }
0xa5: {  	[tilespmem:$0xC80] =	vst v16;
	v59 =	vld [tilespmem:$0x180];
	vm0 =	vmand vm6, vm7;
	v16 =	vadd.s32 v4, v60;
	v42 =	vnsel vm5, $0xC34F, v58  }
0xa6: {  	[tilespmem:$0x8D0] =	vst v30;
	v46 =	vld [tilespmem:$0x1B0];
	vm9 =	vlt.s32 v63, $0xC34F;
	vm5 =	vlt.s32 v48, v3;
	v10 =	vsel vm0, v52, v1  }
0xa7: {  	[tilespmem:$0xCA0] =	vst v18;
	v61 =	vld [tilespmem:$0x590];
	vm0 =	vmand vm10, vm11;
	v18 =	vadd.s32 v4, v42;
	v47 =	vnsel vm9, $0xC34F, v63  }
0xa8: {  	[tilespmem:$0xC90] =	vst v17;
	v49 =	vld [tilespmem:$0x1C0];
	vm10 =	vge.s32 v41, v2;
	vm11 =	vlt.s32 v41, v3;
	vm12 =	vge.s32 v43, v2  }
0xa9: {  	[tilespmem:$0x8A0] =	vst v27;
	v53 =	vld [tilespmem:$0x5E0];
	v27 =	vsub.s32 v43, v2;
	v12 =	vsel vm0, v57, v1;
	vm0 =	vmand vm13, vm14  }
0xaa: {  	[tilespmem:$0xCC0] =	vst v19;
	vm6 =	vlt.s32 v59, $0xC34F;
	v19 =	vadd.s32 v4, v47;
	vm13 =	vlt.s32 v43, v3  }
0xab: {  	[tilespmem:$0x8B0] =	vst v36;
	v45 =	vld [tilespmem:$0x1A0];
	v47 =	vsub.s32 v39, v2;
	v15 =	vsel vm0, v62, v1;
	vm0 =	vmand vm15, vm4  }
0xac: {  	[tilespmem:$0xCB0] =	vst v22;
	v21 =	vnsel vm6, $0xC34F, v59;
	vm7 =	vge.s32 v61, v2;
	vm8 =	vlt.s32 v61, v3  }
0xad: {  	[tilespmem:$0x8C0] =	vst v31;
	v50 =	vld [tilespmem:$0x5D0];
	v44 =	vsub.s32 v61, v2;
	vm15 =	vlt.s32 v46, $0xC34F;
	vm4 =	vge.s32 v48, v2  }
0xae: {  	[tilespmem:$0x8E0] =	vst v37;
	vm6 =	vlt.s32 v49, $0xC34F;
	vm9 =	vge.s32 v53, v2;
	v60 =	vsub.s32 v53, v2  }
0xaf: {  	[tilespmem:$0xCD0] =	vst v23;
	v55 =	vld [tilespmem:$0x1D0];
	v17 =	vsel vm0, v40, v1;
	vm0 =	vmand vm7, vm8;
	v21 =	vadd.s32 v4, v21  }
0xb0: {  	[tilespmem:$0x8F0] =	vst v33;
	v56 =	vld [tilespmem:$0x1E0];
	vm14 =	vlt.s32 v45, $0xC34F;
	v52 =	vnsel vm15, $0xC34F, v46;
	v23 =	vnsel vm6, $0xC34F, v49  }
0xb1: {  	[tilespmem:$0x900] =	vst v5;
	v63 =	vld [tilespmem:$0x610];
	v22 =	vsel vm0, v44, v1;
	vm0 =	vmand vm10, vm11;
	v51 =	vnsel vm14, $0xC34F, v45  }
0xb2: {  	[tilespmem:$0xCE0] =	vst v24;
	v29 =	vadd.s32 v4, v52;
	vm7 =	vge.s32 v50, v2;
	vm8 =	vlt.s32 v50, v3  }
0xb3: {  	[tilespmem:$0x930] =	vst v13;
	v57 =	vld [tilespmem:$0x5F0];
	v5 =	vadd.s32 v4, v23;
	v58 =	vsub.s32 v50, v2;
	vm10 =	vlt.s32 v53, v3  }
0xb4: {  	[tilespmem:$0xCF0] =	vst v25;
	v42 =	vld [tilespmem:$0x220];
	vm11 =	vlt.s32 v55, $0xC34F;
	v20 =	vsel vm0, v20, v1;
	vm0 =	vmand vm12, vm13  }
0xb5: {  	[tilespmem:$0xD20] =	vst v7;
	v59 =	vld [tilespmem:$0x1F0];
	v24 =	vadd.s32 v4, v51;
	v7 =	vnsel vm11, $0xC34F, v55;
	vm12 =	vlt.s32 v56, $0xC34F  }
0xb6: {  	[tilespmem:$0x910] =	vst v32;
	v61 =	vld [tilespmem:$0x600];
	vm6 =	vge.s32 v63, v2;
	v43 =	vsub.s32 v63, v2;
	vm11 =	vlt.s32 v39, v3  }
0xb7: {  	v36 =	vld [tilespmem:$0x200];
	[tilespmem:$0xD00] =	vst v28;
	v27 =	vsel vm0, v27, v1;
	vm0 =	vmand vm4, vm5;
	v62 =	vnsel vm12, $0xC34F, v56  }
0xb8: {  	[tilespmem:$0x920] =	vst v11;
	vm13 =	vge.s32 v57, v2;
	vm14 =	vlt.s32 v57, v3;
	v7 =	vadd.s32 v4, v7  }
0xb9: {  	v37 =	vld [tilespmem:$0x210];
	[tilespmem:$0xD10] =	vst v6;
	v35 =	vsub.s32 v57, v2;
	vm12 =	vlt.s32 v42, $0xC34F;
	v25 =	vsel vm0, v54, v1  }
0xba: {  	[tilespmem:$0x940] =	vst v26;
	v46 =	vld [tilespmem:$0x640];
	vm0 =	vmand vm7, vm8;
	v11 =	vadd.s32 v4, v62;
	vm15 =	vlt.s32 v59, $0xC34F  }
0xbb: {  	[tilespmem:$0xD30] =	vst v8;
	vm4 =	vge.s32 v61, v2;
	vm5 =	vlt.s32 v61, v3;
	v40 =	vsub.s32 v61, v2  }
0xbc: {  	[tilespmem:$0x950] =	vst v14;
	v44 =	vld [tilespmem:$0x630];
	vm7 =	vlt.s32 v63, v3;
	vm8 =	vlt.s32 v36, $0xC34F;
	v50 =	vnsel vm12, $0xC34F, v42  }
0xbd: {  	[tilespmem:$0xD40] =	vst v9;
	v53 =	vld [tilespmem:$0x250];
	v6 =	vsel vm0, v58, v1;
	vm0 =	vmand vm9, vm10;
	v38 =	vnsel vm15, $0xC34F, v59  }
0xbe: {  	[tilespmem:$0x960] =	vst v16;
	v48 =	vld [tilespmem:$0x230];
	v45 =	vnsel vm8, $0xC34F, v36;
	vm9 =	vlt.s32 v37, $0xC34F;
	vm10 =	vge.s32 v39, v2  }
0xbf: {  	[tilespmem:$0xD80] =	vst v17;
	v51 =	vld [tilespmem:$0x650];
	v17 =	vadd.s32 v4, v50;
	vm15 =	vge.s32 v46, v2;
	v16 =	vsub.s32 v46, v2  }
0xc0: {  	[tilespmem:$0x9B0] =	vst v29;
	v29 =	vld [tilespmem:$0x6A0];
	v30 =	vsel vm0, v60, v1;
	vm0 =	vmand vm13, vm14;
	v9 =	vadd.s32 v4, v38  }
0xc1: {  	[tilespmem:$0xD60] =	vst v12;
	v13 =	vnsel vm9, $0xC34F, v37;
	v12 =	vadd.s32 v4, v45;
	vm13 =	vge.s32 v44, v2  }
0xc2: {  	[tilespmem:$0xD50] =	vst v10;
	v49 =	vld [tilespmem:$0x240];
	vm14 =	vlt.s32 v44, v3;
	v52 =	vsub.s32 v44, v2;
	vm9 =	vlt.s32 v53, $0xC34F  }
0xc3: {  	[tilespmem:$0x970] =	vst v18;
	v56 =	vld [tilespmem:$0x670];
	v8 =	vsel vm0, v35, v1;
	vm0 =	vmand vm4, vm5;
	v13 =	vadd.s32 v4, v13  }
0xc4: {  	[tilespmem:$0x990] =	vst v19;
	v54 =	vld [tilespmem:$0x660];
	vm4 =	vlt.s32 v46, v3;
	vm5 =	vlt.s32 v48, $0xC34F;
	vm8 =	vlt.s32 v51, v3  }
0xc5: {  	[tilespmem:$0xD90] =	vst v22;
	v61 =	vld [tilespmem:$0x280];
	v57 =	vsub.s32 v51, v2;
	v22 =	vnsel vm9, $0xC34F, v53;
	vm9 =	vge.s32 v29, v2  }
0xc6: {  	[tilespmem:$0xD70] =	vst v15;
	v62 =	vld [tilespmem:$0x690];
	v41 =	vsel vm0, v40, v1;
	vm0 =	vmand vm6, vm7;
	v55 =	vnsel vm5, $0xC34F, v48  }
0xc7: {  	[tilespmem:$0x9C0] =	vst v5;
	v58 =	vld [tilespmem:$0x260];
	vm6 =	vlt.s32 v49, $0xC34F;
	vm7 =	vge.s32 v51, v2;
	v5 =	vadd.s32 v4, v22  }
0xc8: {  	[tilespmem:$0x9D0] =	vst v7;
	v59 =	vld [tilespmem:$0x270];
	vm12 =	vge.s32 v56, v2;
	v7 =	vsub.s32 v56, v2;
	v40 =	vsub.s32 v29, v2  }
0xc9: {  	[tilespmem:$0x980] =	vst v21;
	v50 =	vld [tilespmem:$0x6F0];
	v14 =	vsel vm0, v43, v1;
	vm0 =	vmand vm10, vm11;
	v18 =	vnsel vm6, $0xC34F, v49  }
0xca: {  	[tilespmem:$0xDA0] =	vst v20;
	v60 =	vld [tilespmem:$0x680];
	v20 =	vadd.s32 v4, v55;
	vm10 =	vge.s32 v54, v2;
	vm11 =	vlt.s32 v54, v3  }
0xcb: {  	[tilespmem:$0x9A0] =	vst v24;
	v37 =	vld [tilespmem:$0x6B0];
	v19 =	vsub.s32 v54, v2;
	vm6 =	vlt.s32 v61, $0xC34F;
	v38 =	vsub.s32 v62, v2  }
0xcc: {  	[tilespmem:$0xDB0] =	vst v27;
	v44 =	vld [tilespmem:$0x6D0];
	v15 =	vsel vm0, v47, v1;
	vm0 =	vmand vm13, vm14;
	v18 =	vadd.s32 v4, v18  }
0xcd: {  	[tilespmem:$0xDC0] =	vst v25;
	vm13 =	vlt.s32 v56, v3;
	vm14 =	vlt.s32 v58, $0xC34F;
	v36 =	vnsel vm6, $0xC34F, v61  }
0xce: {  	[tilespmem:$0x9E0] =	vst v11;
	v21 =	vsel vm0, v52, v1;
	vm0 =	vmand vm15, vm4;
	v63 =	vnsel vm14, $0xC34F, v58  }
0xcf: {  	v39 =	vld [tilespmem:$0x2B0];
	[tilespmem:$0xDD0] =	vst v6;
	vm15 =	vlt.s32 v59, $0xC34F;
	vm4 =	vge.s32 v60, v2;
	vm5 =	vlt.s32 v60, v3  }
0xd0: {  	v32 =	vld [tilespmem:$0x290];
	[tilespmem:$0xA20] =	vst v17;
	v31 =	vsub.s32 v60, v2;
	v10 =	vadd.s32 v4, v36;
	vm14 =	vlt.s32 v37, v3  }
0xd1: {  	v25 =	vld [tilespmem:$0x740];
	[tilespmem:$0xA50] =	vst v5;
	vm6 =	vge.s32 v44, v2;
	v5 =	vsub.s32 v44, v2;
	v58 =	vsub.s32 v50, v2  }
0xd2: {  	[tilespmem:$0xDE0] =	vst v30;
	v35 =	vld [tilespmem:$0x2A0];
	v16 =	vsel vm0, v16, v1;
	vm0 =	vmand vm7, vm8;
	v28 =	vnsel vm15, $0xC34F, v59  }
0xd3: {  	[tilespmem:$0xE00] =	vst v41;
	v41 =	vld [tilespmem:$0x6C0];
	v30 =	vadd.s32 v4, v63;
	vm7 =	vge.s32 v62, v2;
	vm8 =	vlt.s32 v62, v3  }
0xd4: {  	[tilespmem:$0x9F0] =	vst v9;
	v49 =	vld [tilespmem:$0x2E0];
	vm15 =	vlt.s32 v39, $0xC34F;
	v24 =	vsel vm0, v57, v1;
	vm0 =	vmand vm10, vm11  }
0xd5: {  	[tilespmem:$0xA00] =	vst v12;
	v47 =	vld [tilespmem:$0x6E0];
	v33 =	vadd.s32 v4, v28;
	vm10 =	vlt.s32 v29, v3;
	vm11 =	vlt.s32 v32, $0xC34F  }
0xd6: {  	[tilespmem:$0xE10] =	vst v14;
	v56 =	vld [tilespmem:$0x710];
	v14 =	vnsel vm15, $0xC34F, v39;
	v6 =	vsel vm0, v19, v1;
	vm0 =	vmand vm12, vm13  }
0xd7: {  	[tilespmem:$0xDF0] =	vst v8;
	v61 =	vld [tilespmem:$0x720];
	v42 =	vnsel vm11, $0xC34F, v32;
	vm12 =	vlt.s32 v35, $0xC34F;
	vm13 =	vge.s32 v37, v2  }
0xd8: {  	[tilespmem:$0xA10] =	vst v13;
	v19 =	vsub.s32 v37, v2;
	v14 =	vadd.s32 v4, v14;
	v48 =	vsub.s32 v41, v2  }
0xd9: {  	v45 =	vld [tilespmem:$0x2C0];
	[tilespmem:$0xA30] =	vst v20;
	v32 =	vsub.s32 v25, v2;
	v7 =	vsel vm0, v7, v1;
	vm0 =	vmand vm4, vm5  }
0xda: {  	[tilespmem:$0xE20] =	vst v15;
	v52 =	vld [tilespmem:$0x700];
	v43 =	vnsel vm12, $0xC34F, v35;
	v15 =	vadd.s32 v4, v42;
	vm4 =	vge.s32 v41, v2  }
0xdb: {  	v46 =	vld [tilespmem:$0x2D0];
	[tilespmem:$0xA40] =	vst v18;
	vm5 =	vlt.s32 v41, v3;
	vm11 =	vlt.s32 v47, v3;
	vm12 =	vlt.s32 v49, $0xC34F  }
0xdc: {  	[tilespmem:$0xE30] =	vst v21;
	v21 =	vsub.s32 v56, v2;
	v26 =	vsub.s32 v61, v2;
	v34 =	vsel vm0, v31, v1  }
0xdd: {  	[tilespmem:$0xA80] =	vst v10;
	v63 =	vld [tilespmem:$0x730];
	vm0 =	vmand vm7, vm8;
	v17 =	vadd.s32 v4, v43;
	vm7 =	vlt.s32 v44, v3  }
0xde: {  	v59 =	vld [tilespmem:$0x310];
	vm8 =	vlt.s32 v45, $0xC34F;
	[tilespmem:$0xE70] =	vst v7;
	v7 =	vsub.s32 v47, v2;
	v55 =	vnsel vm12, $0xC34F, v49  }
0xdf: {  	[tilespmem:$0xE40] =	vst v16;
	v29 =	vld [tilespmem:$0x750];
	vm15 =	vge.s32 v52, v2;
	v60 =	vsub.s32 v52, v2;
	v12 =	vsel vm0, v38, v1  }
0xe0: {  	v39 =	vld [tilespmem:$0x780];
	[tilespmem:$0xE60] =	vst v6;
	vm0 =	vmand vm9, vm10;
	v6 =	vnsel vm8, $0xC34F, v45;
	vm9 =	vlt.s32 v46, $0xC34F  }
0xe1: {  	[tilespmem:$0xA60] =	vst v30;
	vm10 =	vge.s32 v47, v2;
	v57 =	vadd.s32 v4, v55;
	vm8 =	vlt.s32 v56, v3  }
0xe2: {  	v53 =	vld [tilespmem:$0x2F0];
	[tilespmem:$0xE50] =	vst v24;
	vm12 =	vge.s32 v63, v2;
	v28 =	vsub.s32 v63, v2;
	v13 =	vsel vm0, v40, v1  }
0xe3: {  	v54 =	vld [tilespmem:$0x300];
	[tilespmem:$0xA70] =	vst v33;
	vm0 =	vmand vm13, vm14;
	v51 =	vnsel vm9, $0xC34F, v46;
	v6 =	vadd.s32 v4, v6  }
0xe4: {  	[tilespmem:$0xAB0] =	vst v14;
	vm13 =	vge.s32 v50, v2;
	vm14 =	vlt.s32 v50, v3;
	vm9 =	vlt.s32 v59, $0xC34F  }
0xe5: {  	v35 =	vld [tilespmem:$0x770];
	[tilespmem:$0xA90] =	vst v15;
	v37 =	vsub.s32 v29, v2;
	v47 =	vsub.s32 v39, v2;
	v19 =	vsel vm0, v19, v1  }
0xe6: {  	v27 =	vld [tilespmem:$0x340];
	[tilespmem:$0xE80] =	vst v34;
	vm0 =	vmand vm4, vm5;
	v8 =	vadd.s32 v4, v51;
	vm4 =	vlt.s32 v52, v3  }
0xe7: {  	v31 =	vld [tilespmem:$0x760];
	[tilespmem:$0xE90] =	vst v12;
	vm5 =	vlt.s32 v53, $0xC34F;
	v12 =	vnsel vm9, $0xC34F, v59;
	v18 =	vsel vm0, v48, v1  }
0xe8: {  	v49 =	vld [tilespmem:$0x7B0];
	[tilespmem:$0xAA0] =	vst v17;
	vm0 =	vmand vm6, vm7;
	v62 =	vnsel vm5, $0xC34F, v53;
	vm6 =	vlt.s32 v54, $0xC34F  }
0xe9: {  	v22 =	vld [tilespmem:$0x320];
	[tilespmem:$0xAC0] =	vst v6;
	vm7 =	vge.s32 v56, v2;
	v6 =	vadd.s32 v4, v12;
	vm5 =	vlt.s32 v25, v3  }
0xea: {  	v45 =	vld [tilespmem:$0x7A0];
	[tilespmem:$0xAE0] =	vst v57;
	v41 =	vsub.s32 v35, v2;
	v5 =	vsel vm0, v5, v1;
	vm0 =	vmand vm10, vm11  }
0xeb: {  	v55 =	vld [tilespmem:$0x7D0];
	[tilespmem:$0xEA0] =	vst v13;
	v9 =	vnsel vm6, $0xC34F, v54;
	v13 =	vadd.s32 v4, v62;
	vm10 =	vge.s32 v61, v2  }
0xec: {  	v24 =	vld [tilespmem:$0x330];
	[tilespmem:$0xEB0] =	vst v19;
	vm11 =	vlt.s32 v61, v3;
	vm6 =	vlt.s32 v27, $0xC34F;
	vm9 =	vge.s32 v31, v2  }
0xed: {  	v40 =	vld [tilespmem:$0x790];
	[tilespmem:$0xB10] =	vst v6;
	v6 =	vsub.s32 v31, v2;
	v56 =	vsub.s32 v49, v2;
	v7 =	vsel vm0, v7, v1  }
0xee: {  	[tilespmem:$0xAD0] =	vst v8;
	vm0 =	vmand vm13, vm14;
	v9 =	vadd.s32 v4, v9;
	vm13 =	vlt.s32 v63, v3  }
0xef: {  	[tilespmem:$0xEC0] =	vst v18;
	vm14 =	vlt.s32 v22, $0xC34F;
	v12 =	vnsel vm6, $0xC34F, v27;
	v51 =	vsub.s32 v45, v2  }
0xf0: {  	v38 =	vld [tilespmem:$0x370];
	[tilespmem:$0xED0] =	vst v5;
	v61 =	vsub.s32 v55, v2;
	v11 =	vsel vm0, v58, v1;
	vm0 =	vmand vm15, vm4  }
0xf1: {  	v33 =	vld [tilespmem:$0x350];
	[tilespmem:$0xEE0] =	vst v7;
	v7 =	vnsel vm14, $0xC34F, v22;
	vm15 =	vlt.s32 v24, $0xC34F;
	vm4 =	vge.s32 v25, v2  }
0xf2: {  	v50 =	vld [tilespmem:$0x7C0];
	[tilespmem:$0xAF0] =	vst v13;
	v36 =	vadd.s32 v4, v12;
	vm14 =	vlt.s32 v35, v3;
	vm6 =	vge.s32 v40, v2  }
0xf3: {  	v34 =	vld [tilespmem:$0x360];
	[tilespmem:$0xB00] =	vst v9;
	v15 =	vsel vm0, v60, v1;
	vm0 =	vmand vm7, vm8;
	v30 =	vnsel vm15, $0xC34F, v24  }
0xf4: {  	[tilespmem:$0xEF0] =	vst v11;
	v7 =	vadd.s32 v4, v7;
	vm7 =	vge.s32 v29, v2;
	vm8 =	vlt.s32 v29, v3  }
0xf5: {  	vm15 =	vlt.s32 v38, $0xC34F;
	[tilespmem:$0xB40] =	vst v36;
	v23 =	vsel vm0, v21, v1;
	vm0 =	vmand vm10, vm11  }
0xf6: {  	v48 =	vld [tilespmem:$0x3A0];
	v10 =	vadd.s32 v4, v30;
	[tilespmem:$0xF00] =	vst v15;
	vm10 =	vlt.s32 v31, v3;
	vm11 =	vlt.s32 v33, $0xC34F  }
0xf7: {  	[tilespmem:$0xB20] =	vst v7;
	v44 =	vnsel vm15, $0xC34F, v38;
	vm15 =	vge.s32 v50, v2;
	v5 =	vsel vm0, v26, v1  }
0xf8: {  	v42 =	vld [tilespmem:$0x380];
	vm0 =	vmand vm12, vm13;
	[tilespmem:$0xF10] =	vst v23;
	vm12 =	vlt.s32 v34, $0xC34F;
	vm13 =	vge.s32 v35, v2  }
0xf9: {  	[tilespmem:$0xB30] =	vst v10;
	v46 =	vadd.s32 v4, v44;
	v8 =	vsel vm0, v28, v1;
	vm0 =	vmand vm4, vm5  }
0xfa: {  	v43 =	vld [tilespmem:$0x390];
	[tilespmem:$0xF20] =	vst v5;
	v5 =	vnsel vm11, $0xC34F, v33;
	v7 =	vnsel vm12, $0xC34F, v34;
	vm4 =	vge.s32 v39, v2  }
0xfb: {  	v60 =	vld [tilespmem:$0x3E0];
	vm5 =	vlt.s32 v39, v3;
	vm11 =	vlt.s32 v45, v3;
	[tilespmem:$0xB70] =	vst v46;
	vm12 =	vlt.s32 v48, $0xC34F  }
0xfc: {  	v11 =	vsel vm0, v32, v1;
	vm0 =	vmand vm7, vm8;
	[tilespmem:$0xF30] =	vst v8;
	v5 =	vadd.s32 v4, v5  }
0xfd: {  	v7 =	vadd.s32 v4, v7;
	vm7 =	vlt.s32 v40, v3;
	vm8 =	vlt.s32 v42, $0xC34F;
	[tilespmem:$0xF40] =	vst v11  }
0xfe: {  	v57 =	vld [tilespmem:$0x3D0];
	v54 =	vnsel vm12, $0xC34F, v48;
	v12 =	vsel vm0, v37, v1;
	vm0 =	vmand vm9, vm10;
	[tilespmem:$0xB50] =	vst v5  }
0xff: {  	v5 =	vsub.s32 v40, v2;
	vm9 =	vlt.s32 v43, $0xC34F;
	[tilespmem:$0xB60] =	vst v7;
	vm10 =	vge.s32 v45, v2  }
0x100: {  	v52 =	vld [tilespmem:$0x3B0];
	vm12 =	vlt.s32 v60, $0xC34F;
	v6 =	vsel vm0, v6, v1;
	vm0 =	vmand vm13, vm14;
	[tilespmem:$0xF50] =	vst v12  }
0x101: {  	v7 =	vnsel vm9, $0xC34F, v43;
	vm13 =	vge.s32 v49, v2;
	v8 =	vsel vm0, v41, v1;
	[tilespmem:$0xF60] =	vst v6  }
0x102: {  	vm14 =	vlt.s32 v49, v3;
	vm0 =	vmand vm4, vm5;
	v7 =	vadd.s32 v4, v7;
	[tilespmem:$0xF70] =	vst v8  }
0x103: {  	v53 =	vld [tilespmem:$0x3C0];
	vm9 =	vlt.s32 v57, $0xC34F;
	v6 =	vnsel vm8, $0xC34F, v42;
	v11 =	vsel vm0, v47, v1;
	[tilespmem:$0xB90] =	vst v7  }
0x104: {  	v58 =	vld [tilespmem:$0x7E0];
	vm4 =	vlt.s32 v50, v3;
	vm0 =	vmand vm6, vm7;
	v6 =	vadd.s32 v4, v6;
	[tilespmem:$0xF80] =	vst v11  }
0x105: {  	vm5 =	vlt.s32 v52, $0xC34F;
	vm8 =	vlt.s32 v55, v3;
	v5 =	vsel vm0, v5, v1;
	[tilespmem:$0xB80] =	vst v6  }
0x106: {  	v62 =	vld [tilespmem:$0x7F0];
	v7 =	vsub.s32 v50, v2;
	vm0 =	vmand vm10, vm11;
	v6 =	vadd.s32 v4, v54;
	[tilespmem:$0xF90] =	vst v5  }
0x107: {  	v59 =	vnsel vm5, $0xC34F, v52;
	v8 =	vsel vm0, v51, v1;
	vm0 =	vmand vm13, vm14;
	[tilespmem:$0xBA0] =	vst v6  }
0x108: {  	vm6 =	vlt.s32 v53, $0xC34F;
	vm7 =	vge.s32 v55, v2;
	v5 =	vsel vm0, v56, v1;
	[tilespmem:$0xFA0] =	vst v8  }
0x109: {  	v63 =	vld [tilespmem:$0x3F0];
	vm10 =	vge.s32 v58, v2;
	vm0 =	vmand vm15, vm4;
	[tilespmem:$0xFB0] =	vst v5;
	v5 =	vadd.s32 v4, v59  }
0x10a: {  	vm11 =	vlt.s32 v58, v3;
	v6 =	vnsel vm6, $0xC34F, v53;
	v7 =	vsel vm0, v7, v1;
	[tilespmem:$0xBB0] =	vst v5  }
0x10b: {  	vm13 =	vge.s32 v62, v2;
	vm0 =	vmand vm7, vm8;
	v5 =	vadd.s32 v4, v6;
	[tilespmem:$0xFC0] =	vst v7  }
0x10c: {  	vm14 =	vlt.s32 v62, v3;
	v6 =	vsel vm0, v61, v1;
	v7 =	vnsel vm9, $0xC34F, v57;
	[tilespmem:$0xBC0] =	vst v5  }
0x10d: {  	vm0 =	vmand vm10, vm11;
	v5 =	vsub.s32 v58, v2;
	[tilespmem:$0xFD0] =	vst v6;
	v6 =	vadd.s32 v4, v7  }
0x10e: {  	vm15 =	vlt.s32 v63, $0xC34F;
	v7 =	vnsel vm12, $0xC34F, v60;
	v5 =	vsel vm0, v5, v1;
	[tilespmem:$0xBD0] =	vst v6  }
0x10f: {  	v6 =	vadd.s32 v4, v7;
	vm0 =	vmand vm13, vm14;
	[tilespmem:$0xFE0] =	vst v5;
	v5 =	vsub.s32 v62, v2  }
0x110: {  	[tilespmem:$0xBE0] =	vst v6;
	v6 =	vnsel vm15, $0xC34F, v63;
	v5 =	vsel vm0, v5, v1  }
0x111: {  	[tilespmem:$0xFF0] =	vst v5;
	v5 =	vadd.s32 v4, v6  }
0x112: {  	s22 =	simm.s32 $0x800;
	[tilespmem:$0xBF0] =	vst v5  }
0x113: {  	[tilespmem:s20], [sflag:$0x1] =	stream.indirect.gather [hbm4b:s5+s18], $0x80, s22, s18, $0xb8;
	[tilespmem:$0x1F880] =	vst v63  }
0x114: {  	_ =	swait.ge [sflag:s21], $0x4000  }
0x115: {  	[sflag:s21] =	ssyncset.done $0x0  }
0x116: {  	s22 =	simm.s32 $0x880;
	[sflag:s21] =	ssyncadd.s32 $0xFFFFC000  }
0x117: {  	[tilespmem:s23], [sflag:$0x2] =	stream.indirect.gather [hbm4b:s5+s18], $0x80, s22, s18, $0xb8;
	[tilespmem:$0x1F880] =	vst v63  }
0x118: {  	_ = 	snop  }
0x119: {  	[spmem:s2] =	stream.indirect.scatter.add.f32 [tilespmem:s20], [sflag:$0x4], $0x80, s24, s18, $0xb8;
	[tilespmem:$0x1F880] =	vst v63  }
0x11a: {  	_ =	swait.ge [sflag:s16], $0x4000  }
0x11b: {  	[sflag:s16] =	ssyncset.done $0x0  }
0x11c: {  	[sflag:s16] =	ssyncadd.s32 $0xFFFFC000  }
0x11d: {  	_ =	swait.ge [sflag:s25], $0x4000  }
0x11e: {  	[sflag:s25] =	ssyncset.done $0x0  }
0x11f: {  	[sflag:s25] =	ssyncadd.s32 $0xFFFFC000  }
0x120: {  	[tilespmem:s20], [sflag:$0x1] =	stream.indirect.gather [hbm4b:s5+s18], $0x80, s26, s18, $0xb8;
	[tilespmem:$0x1F880] =	vst v63  }
0x121: {  	_ = 	snop  }
0x122: {  	[spmem:s2] =	stream.indirect.scatter.add.f32 [tilespmem:s23], [sflag:$0x4], $0x80, s28, s18, $0xb8;
	[tilespmem:$0x1F880] =	vst v63  }
0x123: {  	_ =	swait.ge [sflag:s16], $0x4000  }
0x124: {  	[sflag:s16] =	ssyncset.done $0x0  }
0x125: {  	[sflag:s16] =	ssyncadd.s32 $0xFFFFC000  }
0x126: {  	_ =	swait.ge [sflag:s21], $0x4000  }
0x127: {  	[sflag:s21] =	ssyncset.done $0x0  }
0x128: {  	[sflag:s21] =	ssyncadd.s32 $0xFFFFC000  }
0x129: {  	[tilespmem:s23], [sflag:$0x2] =	stream.indirect.gather [hbm4b:s5+s18], $0x80, s29, s18, $0xb8;
	[tilespmem:$0x1F880] =	vst v63  }
0x12a: {  	_ = 	snop  }
0x12b: {  	[spmem:s2] =	stream.indirect.scatter.add.f32 [tilespmem:s20], [sflag:$0x4], $0x80, s30, s18, $0xb8;
	[tilespmem:$0x1F880] =	vst v63  }
0x12c: {  	_ =	swait.ge [sflag:s16], $0x4000  }
0x12d: {  	[sflag:s16] =	ssyncset.done $0x0  }
0x12e: {  	[sflag:s16] =	ssyncadd.s32 $0xFFFFC000  }
0x12f: {  	_ =	swait.ge [sflag:s25], $0x4000  }
0x130: {  	[sflag:s25] =	ssyncset.done $0x0  }
0x131: {  	[sflag:s25] =	ssyncadd.s32 $0xFFFFC000  }
0x132: {  	[tilespmem:s20], [sflag:$0x1] =	stream.indirect.gather [hbm4b:s5+s18], $0x80, s31, s18, $0xb8;
	[tilespmem:$0x1F880] =	vst v63  }
0x133: {  	_ = 	snop  }
0x134: {  	[spmem:s2] =	stream.indirect.scatter.add.f32 [tilespmem:s23], [sflag:$0x4], $0x80, s0, s18, $0xb8;
	[tilespmem:$0x1F880] =	vst v63  }
0x135: {  	_ =	swait.ge [sflag:s16], $0x4000  }
0x136: {  	[sflag:s16] =	ssyncset.done $0x0  }
0x137: {  	[sflag:s16] =	ssyncadd.s32 $0xFFFFC000  }
0x138: {  	_ =	swait.ge [sflag:s21], $0x4000  }
0x139: {  	[sflag:s21] =	ssyncset.done $0x0  }
0x13a: {  	[sflag:s21] =	ssyncadd.s32 $0xFFFFC000  }
0x13b: {  	[tilespmem:s23], [sflag:$0x2] =	stream.indirect.gather [hbm4b:s5+s18], $0x80, s1, s18, $0xb8;
	[tilespmem:$0x1F880] =	vst v63  }
0x13c: {  	_ = 	snop  }
0x13d: {  	[spmem:s2] =	stream.indirect.scatter.add.f32 [tilespmem:s20], [sflag:$0x4], $0x80, s11, s18, $0xb8;
	[tilespmem:$0x1F880] =	vst v63  }
0x13e: {  	_ =	swait.ge [sflag:s16], $0x4000  }
0x13f: {  	[sflag:s16] =	ssyncset.done $0x0  }
0x140: {  	[sflag:s16] =	ssyncadd.s32 $0xFFFFC000  }
0x141: {  	_ =	swait.ge [sflag:s25], $0x4000  }
0x142: {  	[sflag:s25] =	ssyncset.done $0x0  }
0x143: {  	[sflag:s25] =	ssyncadd.s32 $0xFFFFC000  }
0x144: {  	[tilespmem:s20], [sflag:$0x1] =	stream.indirect.gather [hbm4b:s5+s18], $0x80, s4, s18, $0xb8;
	[tilespmem:$0x1F880] =	vst v63  }
0x145: {  	_ = 	snop  }
0x146: {  	[spmem:s2] =	stream.indirect.scatter.add.f32 [tilespmem:s23], [sflag:$0x4], $0x80, s6, s18, $0xb8;
	[tilespmem:$0x1F880] =	vst v63  }
0x147: {  	_ =	swait.ge [sflag:s16], $0x4000  }
0x148: {  	[sflag:s16] =	ssyncset.done $0x0  }
0x149: {  	[sflag:s16] =	ssyncadd.s32 $0xFFFFC000  }
0x14a: {  	_ =	swait.ge [sflag:s21], $0x4000  }
0x14b: {  	[sflag:s21] =	ssyncset.done $0x0  }
0x14c: {  	[sflag:s21] =	ssyncadd.s32 $0xFFFFC000  }
0x14d: {  	[tilespmem:s23], [sflag:$0x2] =	stream.indirect.gather [hbm4b:s5+s18], $0x80, s8, s18, $0xb8;
	[tilespmem:$0x1F880] =	vst v63  }
0x14e: {  	_ = 	snop  }
0x14f: {  	[spmem:s2] =	stream.indirect.scatter.add.f32 [tilespmem:s20], [sflag:$0x4], $0x80, s9, s18, $0xb8;
	[tilespmem:$0x1F880] =	vst v63  }
0x150: {  	_ =	swait.ge [sflag:s16], $0x4000  }
0x151: {  	[sflag:s16] =	ssyncset.done $0x0  }
0x152: {  	[sflag:s16] =	ssyncadd.s32 $0xFFFFC000  }
0x153: {  	_ =	swait.ge [sflag:s25], $0x4000  }
0x154: {  	[sflag:s25] =	ssyncset.done $0x0  }
.Ltmp8:
0x155: {  	[sflag:s25] =	ssyncadd.s32 $0xFFFFC000;
	(pc) =	sbr.rel .LBB2_7-.Ltmp8, $4  }
0x156: {  	[spmem:s2] =	stream.indirect.scatter.add.f32 [tilespmem:s23], [sflag:$0x3], $0x80, s10, s18, $0xb8;
	[tilespmem:$0x1F880] =	vst v63  }
0x157: {  	_ =	swait.ge [sflag:s15], $0x4000  }
0x158: {  	[sflag:s15] =	ssyncset.done $0x0  }
0x159: {  	[sflag:s15] =	ssyncadd.s32 $0xFFFFC000  }
.LBB2_10:
0x15a: {  	_ =	sfence.sel $0x180000  }
0x15b: {  	[bflag:$0x0] =	sbarrier.arrive $0xFFFF  }
0x15c: {  	_ =	strace $0x9000004A  }
0x15d: {  	s0 =	stileid.u32;
	[bflag:$0x2] =	sbarrier.arrive $0xFFFF  }
0x15e: {  	p0 =	sne.s32 s0, $0x0;
	s0 =	rddreg [dreg:$0x2]  }
0x15f: {  	s0 =	sadd.s32 @!p0 $0x100000, s0  }
0x160: {  	[sflag:s0] =	ssyncadd.tile.s32 @!p0 $0x1;
	_ =	shalt  }
.Lfunc_end2:
_tile_overlayer_lowered:
.L_overlay_start_2:
0x161: {  	(tag) =	ssettag $0x2  }
0x162: {  	s0 =	rddreg [dreg:$0x0];
	s2 =	stileid.u32  }
0x163: {  	s1 =	rddreg [dreg:$0x1];
	p0 =	sne.s32 s2, $0x0  }
0x164: {  	s3 =	rddreg [dreg:$0x2];
	[bflag:$0x3] =	sbarrier.arrive $0xFFFF;
	s2 =	simm.s32 @!p0 $0x1C03  }
0x165: {  	[timem:s3], [sflag:s2] =	dma.local @!p0 [hbm:s0], s1  }
0x166: {  	s0 =	simm.s32 @!p0 $0x3  }
0x167: {  	_ =	swait.ge @!p0 [sflag:s0], s1  }
0x168: {  	s1 =	ssub.s32 @!p0 $0x0, s1;
	[sflag:s0] =	ssyncset.done @!p0 $0x0  }
0x169: {  	[sflag:s0] =	ssyncadd.s32 @!p0 s1  }
0x16a: {  	[bflag:$0x3] =	sbarrier.arrive $0xFFFF  }
0x16b: {  	_ =	shalt  }

</sc_bundles>
